<compile_context>
chip_gen: v7x
topology: tpu7x:2x2x1
jax: 0.10.2.dev20260603
libtpu: 0.0.44.dev20260713+nightly
codegen_flags: <defaults>
</compile_context>

<pallas_src>
import functools

import jax
import jax.numpy as jnp
from jax import lax
from jax.experimental import pallas as pl
from jax.experimental.pallas import tpu as pltpu
from jax.experimental.pallas import tpu_sc as plsc

N_ROWS = 64
N_COLS = 32768
L = 16
CHUNKS = N_COLS // L
CCHUNKS = CHUNKS // L
NUM_CORES = 2
NUM_SUBCORES = 16
NW = NUM_CORES * NUM_SUBCORES
ROWS_PER_W = N_ROWS // NW
N_ITERS = 24

_mesh = plsc.VectorSubcoreMesh(
    core_axis_name="c", subcore_axis_name="s",
    num_cores=NUM_CORES, num_subcores=NUM_SUBCORES,
)


@functools.partial(
    pl.kernel,
    out_type=jax.ShapeDtypeStruct((N_ROWS, N_COLS), jnp.float32),
    mesh=_mesh,
    scratch_types=[
        pltpu.VMEM((ROWS_PER_W, N_COLS), jnp.float32),
        pltpu.VMEM((ROWS_PER_W, CHUNKS + L), jnp.float32),
        pltpu.VMEM((CHUNKS // 16 + L,), jnp.int32),
        pltpu.VMEM((N_COLS + L,), jnp.float32),
        pltpu.SemaphoreType.DMA,
        pltpu.SemaphoreType.DMA,
        pltpu.SemaphoreType.DMA,
    ],
    compiler_params=pltpu.CompilerParams(needs_layout_passes=False),
)
def _sparsemax_sc(x_hbm, out_hbm, buf, cnts, nzc, cand, sin0, sin1, sout):
    wid = lax.axis_index("c") * NUM_SUBCORES + lax.axis_index("s")
    base = wid * ROWS_PER_W
    cp_in = [
        pltpu.async_copy(x_hbm.at[pl.ds(base + r, 1)],
                         buf.at[pl.ds(r, 1)], sem)
        for r, sem in ((0, sin0), (1, sin1))
    ]

    lane0 = lax.broadcasted_iota(jnp.int32, (L,), 0) == 0

    U = 8

    GRP = 16
    NGRP = CHUNKS // GRP

    def _bulk():
        def max_body(i, accs):
            return tuple(
                jnp.maximum(accs[rr * U + j],
                            buf[rr, pl.ds((i * U + j) * L, L)])
                for rr in range(ROWS_PER_W) for j in range(U))

        accs = lax.fori_loop(
            0, CHUNKS // U, max_body,
            tuple(jnp.full((L,), -3e38, jnp.float32)
                  for _ in range(ROWS_PER_W * U)))
        los = []
        for rr in range(ROWS_PER_W):
            rm = accs[rr * U]
            for j in range(1, U):
                rm = jnp.maximum(rm, accs[rr * U + j])
            m = jnp.broadcast_to(jnp.max(rm), (L,))
            los.append((m - 1.0, m))

        def flags_body(g, carry):
            for rr in range(ROWS_PER_W):
                acc0 = jnp.zeros((L,), jnp.float32)
                acc1 = jnp.zeros((L,), jnp.float32)
                for j in range(0, GRP, 2):
                    v0 = buf[rr, pl.ds((g * GRP + j) * L, L)]
                    v1 = buf[rr, pl.ds((g * GRP + j + 1) * L, L)]
                    acc0 = jnp.where(v0 > los[rr][0], 1.0, acc0)
                    acc1 = jnp.where(v1 > los[rr][0], 1.0, acc1)
                cnts[rr, pl.ds(g * L, L)] = acc0 + acc1
            return carry

        lax.fori_loop(0, NGRP, flags_body, 0)
        return los

    def _process(r, lo0, m):
        NZB = 8

        def nz_body(b, off):
            fvs = [cnts[r, pl.ds((b * NZB + q) * L, L)] for q in range(NZB)]
            msks = [fv > 0.0 for fv in fvs]
            pcs = [plsc.all_reduce_population_count(mk) for mk in msks]
            for q in range(NZB):
                anyb = pcs[q] > 0
                gid = jnp.broadcast_to(b * NZB + q, (L,)).astype(jnp.int32)
                plsc.store_compressed(nzc.at[pl.ds(off, L)], gid,
                                      mask=anyb & lane0)
                off = off + jnp.minimum(pcs[q][0], 1)
            return off

        nnz = lax.fori_loop(0, NGRP // NZB, nz_body, jnp.int32(0))

        def gather_body(k, off):
            gid = nzc[pl.ds(k, L)][0]
            for h in range(2):
                vs = [buf[r, pl.ds((gid * GRP + h * 8 + j) * L, L)]
                      for j in range(8)]
                msks = [v > lo0 for v in vs]
                pcs = [plsc.all_reduce_population_count(mk) for mk in msks]
                for j in range(8):
                    plsc.store_compressed(cand.at[pl.ds(off, L)], vs[j],
                                          mask=msks[j])
                    off = off + pcs[j][0]
            return off

        off = lax.fori_loop(0, nnz, gather_body, jnp.int32(0))
        plsc.store_compressed(cand.at[pl.ds(off, L)], lo0,
                              mask=jnp.ones((L,), jnp.bool_))
        nch = off // L + 1

        def cs_pass(t):
            def body(j, carry):
                s_acc, c_acc = carry
                v = cand[pl.ds(j * L, L)]
                msk = v > t
                return (s_acc + jnp.where(msk, v, 0.0),
                        c_acc + jnp.where(msk, 1.0, 0.0))

            z = jnp.zeros((L,), jnp.float32)
            s_acc, c_acc = lax.fori_loop(0, nch, body, (z, z))
            return (jnp.broadcast_to(jnp.sum(s_acc), (L,)),
                    jnp.broadcast_to(jnp.sum(c_acc), (L,)))

        def bis_body(_, carry):
            lo, hi = carry
            t = 0.5 * (lo + hi)
            s, c = cs_pass(t)
            f = s - t * c - 1.0
            tnew = (s - 1.0) / jnp.maximum(c, 1.0)
            hi = jnp.where(f > 0.0, hi, t)
            lo = jnp.minimum(jnp.maximum(lo, tnew), hi)
            return lo, hi

        lo, hi = lax.fori_loop(0, N_ITERS, bis_body, (lo0, m))

        s, c = cs_pass(lo)
        tau = jnp.where(c > 0.0, (s - 1.0) / jnp.maximum(c, 1.0), lo)

        def out_body(i, carry):
            v = buf[r, pl.ds(i * L, L)]
            buf[r, pl.ds(i * L, L)] = jnp.maximum(v - carry, 0.0)
            return carry

        lax.fori_loop(0, CHUNKS, out_body, tau, unroll=16)

    cp_in[0].wait()
    cp_in[1].wait()
    los = _bulk()
    _process(0, *los[0])
    cp_out0 = pltpu.async_copy(buf.at[pl.ds(0, 1)],
                               out_hbm.at[pl.ds(base, 1)], sout)
    _process(1, *los[1])
    pltpu.sync_copy(buf.at[pl.ds(1, 1)], out_hbm.at[pl.ds(base + 1, 1)])
    cp_out0.wait()


def kernel(input):
    return _sparsemax_sc(input)

# --- scband reference (transcript-rebuilt; emitter-appended) ---
"""Pipeline reference for scband-sparsemax-65429531787845 (READ-ONLY COPY).

The authoritative reference and input builder live on the scoring server;
editing this copy changes nothing except your own understanding.
"""

import jax, jax.numpy as jnp
import numpy as np


def setup_inputs(seed: int = 0) -> dict:
    key = jax.random.key(seed)
    scores = jax.random.normal(key, (64, 32768), dtype=jnp.float32)
    return {"input": scores}


def reference(input):
    dim = 1
    x = jnp.swapaxes(input, 0, dim)
    original_size = x.shape
    x = x.reshape(x.shape[0], -1)
    x = x.T
    n = x.shape[1]
    sorted_input = -jnp.sort(-x, axis=1)
    cumulative_sum = jnp.cumsum(sorted_input, axis=1)
    k = jnp.arange(1, n + 1, dtype=x.dtype)
    sum_k = 1 + k * sorted_input
    mask = (sum_k > cumulative_sum).astype(x.dtype)
    k_max = jnp.max(mask * k, axis=1, keepdims=True)
    idx = (k_max - 1).astype(jnp.int32)
    tau = (jnp.take_along_axis(cumulative_sum, idx, axis=1) - 1.0) / k_max
    out = jnp.maximum(jnp.zeros_like(x), x - tau)
    out = out.T
    out = out.reshape(original_size)
    out = jnp.swapaxes(out, 0, dim)
    return out

if __name__ == "__main__":
    import jax
    _d = setup_inputs()
    print(jax.jit(kernel)(*tuple(_d.values())))

</pallas_src>

<mosaic_0001>
#map = affine_map<(d0, d1) -> (0, 0)>
module attributes {stable_mosaic.version = 14 : i64} {
  func.func @_sparsemax_sc(%arg0: i32, %arg1: i32, %arg2: memref<64x32768xf32, #tpu.memory_space<hbm>>, %arg3: memref<64x32768xf32, #tpu.memory_space<hbm>>, %arg4: memref<2x32768xf32, #tpu.memory_space<vmem>>, %arg5: memref<2x2064xf32, #tpu.memory_space<vmem>>, %arg6: memref<144xi32, #tpu.memory_space<vmem>>, %arg7: memref<32784xf32, #tpu.memory_space<vmem>>, %arg8: memref<!tpu.dma_semaphore, #tpu.memory_space<semaphore_mem>>, %arg9: memref<!tpu.dma_semaphore, #tpu.memory_space<semaphore_mem>>, %arg10: memref<!tpu.dma_semaphore, #tpu.memory_space<semaphore_mem>>) attributes {dimension_semantics = [#tpu.dimension_semantics<core_parallel>, #tpu.dimension_semantics<subcore_parallel>], iteration_bounds = array<i64: 2, 16>, scalar_prefetch = 0 : i64, scratch_operands = 7 : i64, tpu.core_type = #tpu.core_type<sc_vector_subcore>, window_params = [{transform_indices = #map}, {transform_indices = #map}]} {
    %mul3A = arith.constant 16 : i32
    %mul3A_0 = arith.muli %arg0, %mul3A : i32
    %add3A = arith.addi %mul3A_0, %arg1 : i32
    %mul3A_1 = arith.constant 2 : i32
    %mul3A_2 = arith.muli %add3A, %mul3A_1 : i32
    %add3A_3 = arith.constant 0 : i32
    %add3A_4 = arith.addi %mul3A_2, %add3A_3 : i32
    %dma_start3A = arith.constant 0 : i32
    %dma_start3A_5 = arith.constant 0 : i32
    %dma_start3A_6 = tpu.memref_slice %arg4[%dma_start3A, %dma_start3A_5] : memref<2x32768xf32, #tpu.memory_space<vmem>> -> memref<1x32768xf32, #tpu.memory_space<vmem>>
    %dma_start3A_7 = arith.constant 0 : i32
    %dma_start3A_8 = tpu.memref_slice %arg2[%add3A_4, %dma_start3A_7] : memref<64x32768xf32, #tpu.memory_space<hbm>> -> memref<1x32768xf32, #tpu.memory_space<hbm>>
    %dma_start3A_9 = arith.constant 0 : i32
    %dma_start3A_10 = arith.constant 0 : i32
    %dma_start3A_11 = tpu.memref_slice %arg4[%dma_start3A_9, %dma_start3A_10] : memref<2x32768xf32, #tpu.memory_space<vmem>> -> memref<1x32768xf32, #tpu.memory_space<vmem>>
    %dma_start3A_12 = arith.constant 0 : i32
    %dma_start3A_13 = tpu.memref_slice %arg2[%add3A_4, %dma_start3A_12] : memref<64x32768xf32, #tpu.memory_space<hbm>> -> memref<1x32768xf32, #tpu.memory_space<hbm>>
    tpu.enqueue_dma source(%dma_start3A_13 : memref<1x32768xf32, #tpu.memory_space<hbm>>) target(%dma_start3A_11 : memref<1x32768xf32, #tpu.memory_space<vmem>>) target_semaphore(%arg8 : memref<!tpu.dma_semaphore, #tpu.memory_space<semaphore_mem>>)
    %add3A_14 = arith.constant 1 : i32
    %add3A_15 = arith.addi %mul3A_2, %add3A_14 : i32
    %dma_start3A_16 = arith.constant 1 : i32
    %dma_start3A_17 = arith.constant 0 : i32
    %dma_start3A_18 = tpu.memref_slice %arg4[%dma_start3A_16, %dma_start3A_17] : memref<2x32768xf32, #tpu.memory_space<vmem>> -> memref<1x32768xf32, #tpu.memory_space<vmem>>
    %dma_start3A_19 = arith.constant 0 : i32
    %dma_start3A_20 = tpu.memref_slice %arg2[%add3A_15, %dma_start3A_19] : memref<64x32768xf32, #tpu.memory_space<hbm>> -> memref<1x32768xf32, #tpu.memory_space<hbm>>
    %dma_start3A_21 = arith.constant 1 : i32
    %dma_start3A_22 = arith.constant 0 : i32
    %dma_start3A_23 = tpu.memref_slice %arg4[%dma_start3A_21, %dma_start3A_22] : memref<2x32768xf32, #tpu.memory_space<vmem>> -> memref<1x32768xf32, #tpu.memory_space<vmem>>
    %dma_start3A_24 = arith.constant 0 : i32
    %dma_start3A_25 = tpu.memref_slice %arg2[%add3A_15, %dma_start3A_24] : memref<64x32768xf32, #tpu.memory_space<hbm>> -> memref<1x32768xf32, #tpu.memory_space<hbm>>
    tpu.enqueue_dma source(%dma_start3A_25 : memref<1x32768xf32, #tpu.memory_space<hbm>>) target(%dma_start3A_23 : memref<1x32768xf32, #tpu.memory_space<vmem>>) target_semaphore(%arg9 : memref<!tpu.dma_semaphore, #tpu.memory_space<semaphore_mem>>)
    %iota3A = tpu.iota {dimensions = array<i32: 0>} : vector<16xi32>
    %eq3A = arith.constant 0 : i32
    %eq3A_26 = vector.broadcast %eq3A : i32 to vector<16xi32>
    %eq3A_27 = arith.cmpi eq, %iota3A, %eq3A_26 : vector<16xi32>
    %dma_wait3A = arith.constant 0 : i32
    %dma_wait3A_28 = arith.constant 0 : i32
    %dma_wait3A_29 = tpu.memref_slice %arg4[%dma_wait3A, %dma_wait3A_28] : memref<2x32768xf32, #tpu.memory_space<vmem>> -> memref<1x32768xf32, #tpu.memory_space<vmem>>
    %dma_wait3A_30 = arith.constant 0 : i32
    %dma_wait3A_31 = tpu.memref_slice %arg2[%add3A_4, %dma_wait3A_30] : memref<64x32768xf32, #tpu.memory_space<hbm>> -> memref<1x32768xf32, #tpu.memory_space<hbm>>
    %dma_wait3A_32 = arith.constant 0 : i32
    %dma_wait3A_33 = arith.constant 0 : i32
    %dma_wait3A_34 = tpu.memref_slice %arg4[%dma_wait3A_32, %dma_wait3A_33] : memref<2x32768xf32, #tpu.memory_space<vmem>> -> memref<1x32768xf32, #tpu.memory_space<vmem>>
    %dma_wait3A_35 = arith.constant 0 : i32
    %dma_wait3A_36 = tpu.memref_slice %arg2[%add3A_4, %dma_wait3A_35] : memref<64x32768xf32, #tpu.memory_space<hbm>> -> memref<1x32768xf32, #tpu.memory_space<hbm>>
    tpu.wait_dma2 semaphore(%arg8 : memref<!tpu.dma_semaphore, #tpu.memory_space<semaphore_mem>>) src(%dma_wait3A_36 : memref<1x32768xf32, #tpu.memory_space<hbm>>) dst(%dma_wait3A_34 : memref<1x32768xf32, #tpu.memory_space<vmem>>)
    %dma_wait3A_37 = arith.constant 1 : i32
    %dma_wait3A_38 = arith.constant 0 : i32
    %dma_wait3A_39 = tpu.memref_slice %arg4[%dma_wait3A_37, %dma_wait3A_38] : memref<2x32768xf32, #tpu.memory_space<vmem>> -> memref<1x32768xf32, #tpu.memory_space<vmem>>
    %dma_wait3A_40 = arith.constant 0 : i32
    %dma_wait3A_41 = tpu.memref_slice %arg2[%add3A_15, %dma_wait3A_40] : memref<64x32768xf32, #tpu.memory_space<hbm>> -> memref<1x32768xf32, #tpu.memory_space<hbm>>
    %dma_wait3A_42 = arith.constant 1 : i32
    %dma_wait3A_43 = arith.constant 0 : i32
    %dma_wait3A_44 = tpu.memref_slice %arg4[%dma_wait3A_42, %dma_wait3A_43] : memref<2x32768xf32, #tpu.memory_space<vmem>> -> memref<1x32768xf32, #tpu.memory_space<vmem>>
    %dma_wait3A_45 = arith.constant 0 : i32
    %dma_wait3A_46 = tpu.memref_slice %arg2[%add3A_15, %dma_wait3A_45] : memref<64x32768xf32, #tpu.memory_space<hbm>> -> memref<1x32768xf32, #tpu.memory_space<hbm>>
    tpu.wait_dma2 semaphore(%arg9 : memref<!tpu.dma_semaphore, #tpu.memory_space<semaphore_mem>>) src(%dma_wait3A_46 : memref<1x32768xf32, #tpu.memory_space<hbm>>) dst(%dma_wait3A_44 : memref<1x32768xf32, #tpu.memory_space<vmem>>)
    %broadcast_in_dim3A = arith.constant -3.000000e+38 : f32
    %broadcast_in_dim3A_47 = vector.broadcast %broadcast_in_dim3A : f32 to vector<16xf32>
    %broadcast_in_dim3A_48 = arith.constant -3.000000e+38 : f32
    %broadcast_in_dim3A_49 = vector.broadcast %broadcast_in_dim3A_48 : f32 to vector<16xf32>
    %broadcast_in_dim3A_50 = arith.constant -3.000000e+38 : f32
    %broadcast_in_dim3A_51 = vector.broadcast %broadcast_in_dim3A_50 : f32 to vector<16xf32>
    %broadcast_in_dim3A_52 = arith.constant -3.000000e+38 : f32
    %broadcast_in_dim3A_53 = vector.broadcast %broadcast_in_dim3A_52 : f32 to vector<16xf32>
    %broadcast_in_dim3A_54 = arith.constant -3.000000e+38 : f32
    %broadcast_in_dim3A_55 = vector.broadcast %broadcast_in_dim3A_54 : f32 to vector<16xf32>
    %broadcast_in_dim3A_56 = arith.constant -3.000000e+38 : f32
    %broadcast_in_dim3A_57 = vector.broadcast %broadcast_in_dim3A_56 : f32 to vector<16xf32>
    %broadcast_in_dim3A_58 = arith.constant -3.000000e+38 : f32
    %broadcast_in_dim3A_59 = vector.broadcast %broadcast_in_dim3A_58 : f32 to vector<16xf32>
    %broadcast_in_dim3A_60 = arith.constant -3.000000e+38 : f32
    %broadcast_in_dim3A_61 = vector.broadcast %broadcast_in_dim3A_60 : f32 to vector<16xf32>
    %broadcast_in_dim3A_62 = arith.constant -3.000000e+38 : f32
    %broadcast_in_dim3A_63 = vector.broadcast %broadcast_in_dim3A_62 : f32 to vector<16xf32>
    %broadcast_in_dim3A_64 = arith.constant -3.000000e+38 : f32
    %broadcast_in_dim3A_65 = vector.broadcast %broadcast_in_dim3A_64 : f32 to vector<16xf32>
    %broadcast_in_dim3A_66 = arith.constant -3.000000e+38 : f32
    %broadcast_in_dim3A_67 = vector.broadcast %broadcast_in_dim3A_66 : f32 to vector<16xf32>
    %broadcast_in_dim3A_68 = arith.constant -3.000000e+38 : f32
    %broadcast_in_dim3A_69 = vector.broadcast %broadcast_in_dim3A_68 : f32 to vector<16xf32>
    %broadcast_in_dim3A_70 = arith.constant -3.000000e+38 : f32
    %broadcast_in_dim3A_71 = vector.broadcast %broadcast_in_dim3A_70 : f32 to vector<16xf32>
    %broadcast_in_dim3A_72 = arith.constant -3.000000e+38 : f32
    %broadcast_in_dim3A_73 = vector.broadcast %broadcast_in_dim3A_72 : f32 to vector<16xf32>
    %broadcast_in_dim3A_74 = arith.constant -3.000000e+38 : f32
    %broadcast_in_dim3A_75 = vector.broadcast %broadcast_in_dim3A_74 : f32 to vector<16xf32>
    %broadcast_in_dim3A_76 = arith.constant -3.000000e+38 : f32
    %broadcast_in_dim3A_77 = vector.broadcast %broadcast_in_dim3A_76 : f32 to vector<16xf32>
    %scan3A = arith.constant 0 : i32
    %scan3A_78 = arith.constant 256 : i32
    %scan3A_79 = arith.addi %scan3A, %scan3A_78 : i32
    %scan3A_80 = arith.constant 1 : i32
    %scan3A_81:16 = scf.for %scan3A_315 = %scan3A to %scan3A_79 step %scan3A_80 iter_args(%scan3A_316 = %broadcast_in_dim3A_47, %scan3A_317 = %broadcast_in_dim3A_49, %scan3A_318 = %broadcast_in_dim3A_51, %scan3A_319 = %broadcast_in_dim3A_53, %scan3A_320 = %broadcast_in_dim3A_55, %scan3A_321 = %broadcast_in_dim3A_57, %scan3A_322 = %broadcast_in_dim3A_59, %scan3A_323 = %broadcast_in_dim3A_61, %scan3A_324 = %broadcast_in_dim3A_63, %scan3A_325 = %broadcast_in_dim3A_65, %scan3A_326 = %broadcast_in_dim3A_67, %scan3A_327 = %broadcast_in_dim3A_69, %scan3A_328 = %broadcast_in_dim3A_71, %scan3A_329 = %broadcast_in_dim3A_73, %scan3A_330 = %broadcast_in_dim3A_75, %scan3A_331 = %broadcast_in_dim3A_77) -> (vector<16xf32>, vector<16xf32>, vector<16xf32>, vector<16xf32>, vector<16xf32>, vector<16xf32>, vector<16xf32>, vector<16xf32>, vector<16xf32>, vector<16xf32>, vector<16xf32>, vector<16xf32>, vector<16xf32>, vector<16xf32>, vector<16xf32>, vector<16xf32>)  : i32 {
      %mul3A_332 = arith.constant 8 : i32
      %mul3A_333 = arith.muli %scan3A_315, %mul3A_332 : i32
      %add3A_334 = arith.constant 0 : i32
      %add3A_335 = arith.addi %mul3A_333, %add3A_334 : i32
      %mul3A_336 = arith.constant 16 : i32
      %mul3A_337 = arith.muli %add3A_335, %mul3A_336 : i32
      %get3A = arith.constant 0 : i32
      %get3A_338 = arith.index_cast %get3A : i32 to index
      %get3A_339 = arith.index_cast %mul3A_337 : i32 to index
      %get3A_340 = tpu.vector_load %arg4[%get3A_338, %get3A_339] {strides = array<i32>} : memref<2x32768xf32, #tpu.memory_space<vmem>>, vector<16xf32>,
      %max3A_341 = arith.maximumf %scan3A_316, %get3A_340 : vector<16xf32>
      %mul3A_342 = arith.constant 8 : i32
      %mul3A_343 = arith.muli %scan3A_315, %mul3A_342 : i32
      %add3A_344 = arith.constant 1 : i32
      %add3A_345 = arith.addi %mul3A_343, %add3A_344 : i32
      %mul3A_346 = arith.constant 16 : i32
      %mul3A_347 = arith.muli %add3A_345, %mul3A_346 : i32
      %get3A_348 = arith.constant 0 : i32
      %get3A_349 = arith.index_cast %get3A_348 : i32 to index
      %get3A_350 = arith.index_cast %mul3A_347 : i32 to index
      %get3A_351 = tpu.vector_load %arg4[%get3A_349, %get3A_350] {strides = array<i32>} : memref<2x32768xf32, #tpu.memory_space<vmem>>, vector<16xf32>,
      %max3A_352 = arith.maximumf %scan3A_317, %get3A_351 : vector<16xf32>
      %mul3A_353 = arith.constant 8 : i32
      %mul3A_354 = arith.muli %scan3A_315, %mul3A_353 : i32
      %add3A_355 = arith.constant 2 : i32
      %add3A_356 = arith.addi %mul3A_354, %add3A_355 : i32
      %mul3A_357 = arith.constant 16 : i32
      %mul3A_358 = arith.muli %add3A_356, %mul3A_357 : i32
      %get3A_359 = arith.constant 0 : i32
      %get3A_360 = arith.index_cast %get3A_359 : i32 to index
      %get3A_361 = arith.index_cast %mul3A_358 : i32 to index
      %get3A_362 = tpu.vector_load %arg4[%get3A_360, %get3A_361] {strides = array<i32>} : memref<2x32768xf32, #tpu.memory_space<vmem>>, vector<16xf32>,
      %max3A_363 = arith.maximumf %scan3A_318, %get3A_362 : vector<16xf32>
      %mul3A_364 = arith.constant 8 : i32
      %mul3A_365 = arith.muli %scan3A_315, %mul3A_364 : i32
      %add3A_366 = arith.constant 3 : i32
      %add3A_367 = arith.addi %mul3A_365, %add3A_366 : i32
      %mul3A_368 = arith.constant 16 : i32
      %mul3A_369 = arith.muli %add3A_367, %mul3A_368 : i32
      %get3A_370 = arith.constant 0 : i32
      %get3A_371 = arith.index_cast %get3A_370 : i32 to index
      %get3A_372 = arith.index_cast %mul3A_369 : i32 to index
      %get3A_373 = tpu.vector_load %arg4[%get3A_371, %get3A_372] {strides = array<i32>} : memref<2x32768xf32, #tpu.memory_space<vmem>>, vector<16xf32>,
      %max3A_374 = arith.maximumf %scan3A_319, %get3A_373 : vector<16xf32>
      %mul3A_375 = arith.constant 8 : i32
      %mul3A_376 = arith.muli %scan3A_315, %mul3A_375 : i32
      %add3A_377 = arith.constant 4 : i32
      %add3A_378 = arith.addi %mul3A_376, %add3A_377 : i32
      %mul3A_379 = arith.constant 16 : i32
      %mul3A_380 = arith.muli %add3A_378, %mul3A_379 : i32
      %get3A_381 = arith.constant 0 : i32
      %get3A_382 = arith.index_cast %get3A_381 : i32 to index
      %get3A_383 = arith.index_cast %mul3A_380 : i32 to index
      %get3A_384 = tpu.vector_load %arg4[%get3A_382, %get3A_383] {strides = array<i32>} : memref<2x32768xf32, #tpu.memory_space<vmem>>, vector<16xf32>,
      %max3A_385 = arith.maximumf %scan3A_320, %get3A_384 : vector<16xf32>
      %mul3A_386 = arith.constant 8 : i32
      %mul3A_387 = arith.muli %scan3A_315, %mul3A_386 : i32
      %add3A_388 = arith.constant 5 : i32
      %add3A_389 = arith.addi %mul3A_387, %add3A_388 : i32
      %mul3A_390 = arith.constant 16 : i32
      %mul3A_391 = arith.muli %add3A_389, %mul3A_390 : i32
      %get3A_392 = arith.constant 0 : i32
      %get3A_393 = arith.index_cast %get3A_392 : i32 to index
      %get3A_394 = arith.index_cast %mul3A_391 : i32 to index
      %get3A_395 = tpu.vector_load %arg4[%get3A_393, %get3A_394] {strides = array<i32>} : memref<2x32768xf32, #tpu.memory_space<vmem>>, vector<16xf32>,
      %max3A_396 = arith.maximumf %scan3A_321, %get3A_395 : vector<16xf32>
      %mul3A_397 = arith.constant 8 : i32
      %mul3A_398 = arith.muli %scan3A_315, %mul3A_397 : i32
      %add3A_399 = arith.constant 6 : i32
      %add3A_400 = arith.addi %mul3A_398, %add3A_399 : i32
      %mul3A_401 = arith.constant 16 : i32
      %mul3A_402 = arith.muli %add3A_400, %mul3A_401 : i32
      %get3A_403 = arith.constant 0 : i32
      %get3A_404 = arith.index_cast %get3A_403 : i32 to index
      %get3A_405 = arith.index_cast %mul3A_402 : i32 to index
      %get3A_406 = tpu.vector_load %arg4[%get3A_404, %get3A_405] {strides = array<i32>} : memref<2x32768xf32, #tpu.memory_space<vmem>>, vector<16xf32>,
      %max3A_407 = arith.maximumf %scan3A_322, %get3A_406 : vector<16xf32>
      %mul3A_408 = arith.constant 8 : i32
      %mul3A_409 = arith.muli %scan3A_315, %mul3A_408 : i32
      %add3A_410 = arith.constant 7 : i32
      %add3A_411 = arith.addi %mul3A_409, %add3A_410 : i32
      %mul3A_412 = arith.constant 16 : i32
      %mul3A_413 = arith.muli %add3A_411, %mul3A_412 : i32
      %get3A_414 = arith.constant 0 : i32
      %get3A_415 = arith.index_cast %get3A_414 : i32 to index
      %get3A_416 = arith.index_cast %mul3A_413 : i32 to index
      %get3A_417 = tpu.vector_load %arg4[%get3A_415, %get3A_416] {strides = array<i32>} : memref<2x32768xf32, #tpu.memory_space<vmem>>, vector<16xf32>,
      %max3A_418 = arith.maximumf %scan3A_323, %get3A_417 : vector<16xf32>
      %mul3A_419 = arith.constant 8 : i32
      %mul3A_420 = arith.muli %scan3A_315, %mul3A_419 : i32
      %add3A_421 = arith.constant 0 : i32
      %add3A_422 = arith.addi %mul3A_420, %add3A_421 : i32
      %mul3A_423 = arith.constant 16 : i32
      %mul3A_424 = arith.muli %add3A_422, %mul3A_423 : i32
      %get3A_425 = arith.constant 1 : i32
      %get3A_426 = arith.index_cast %get3A_425 : i32 to index
      %get3A_427 = arith.index_cast %mul3A_424 : i32 to index
      %get3A_428 = tpu.vector_load %arg4[%get3A_426, %get3A_427] {strides = array<i32>} : memref<2x32768xf32, #tpu.memory_space<vmem>>, vector<16xf32>,
      %max3A_429 = arith.maximumf %scan3A_324, %get3A_428 : vector<16xf32>
      %mul3A_430 = arith.constant 8 : i32
      %mul3A_431 = arith.muli %scan3A_315, %mul3A_430 : i32
      %add3A_432 = arith.constant 1 : i32
      %add3A_433 = arith.addi %mul3A_431, %add3A_432 : i32
      %mul3A_434 = arith.constant 16 : i32
      %mul3A_435 = arith.muli %add3A_433, %mul3A_434 : i32
      %get3A_436 = arith.constant 1 : i32
      %get3A_437 = arith.index_cast %get3A_436 : i32 to index
      %get3A_438 = arith.index_cast %mul3A_435 : i32 to index
      %get3A_439 = tpu.vector_load %arg4[%get3A_437, %get3A_438] {strides = array<i32>} : memref<2x32768xf32, #tpu.memory_space<vmem>>, vector<16xf32>,
      %max3A_440 = arith.maximumf %scan3A_325, %get3A_439 : vector<16xf32>
      %mul3A_441 = arith.constant 8 : i32
      %mul3A_442 = arith.muli %scan3A_315, %mul3A_441 : i32
      %add3A_443 = arith.constant 2 : i32
      %add3A_444 = arith.addi %mul3A_442, %add3A_443 : i32
      %mul3A_445 = arith.constant 16 : i32
      %mul3A_446 = arith.muli %add3A_444, %mul3A_445 : i32
      %get3A_447 = arith.constant 1 : i32
      %get3A_448 = arith.index_cast %get3A_447 : i32 to index
      %get3A_449 = arith.index_cast %mul3A_446 : i32 to index
      %get3A_450 = tpu.vector_load %arg4[%get3A_448, %get3A_449] {strides = array<i32>} : memref<2x32768xf32, #tpu.memory_space<vmem>>, vector<16xf32>,
      %max3A_451 = arith.maximumf %scan3A_326, %get3A_450 : vector<16xf32>
      %mul3A_452 = arith.constant 8 : i32
      %mul3A_453 = arith.muli %scan3A_315, %mul3A_452 : i32
      %add3A_454 = arith.constant 3 : i32
      %add3A_455 = arith.addi %mul3A_453, %add3A_454 : i32
      %mul3A_456 = arith.constant 16 : i32
      %mul3A_457 = arith.muli %add3A_455, %mul3A_456 : i32
      %get3A_458 = arith.constant 1 : i32
      %get3A_459 = arith.index_cast %get3A_458 : i32 to index
      %get3A_460 = arith.index_cast %mul3A_457 : i32 to index
      %get3A_461 = tpu.vector_load %arg4[%get3A_459, %get3A_460] {strides = array<i32>} : memref<2x32768xf32, #tpu.memory_space<vmem>>, vector<16xf32>,
      %max3A_462 = arith.maximumf %scan3A_327, %get3A_461 : vector<16xf32>
      %mul3A_463 = arith.constant 8 : i32
      %mul3A_464 = arith.muli %scan3A_315, %mul3A_463 : i32
      %add3A_465 = arith.constant 4 : i32
      %add3A_466 = arith.addi %mul3A_464, %add3A_465 : i32
      %mul3A_467 = arith.constant 16 : i32
      %mul3A_468 = arith.muli %add3A_466, %mul3A_467 : i32
      %get3A_469 = arith.constant 1 : i32
      %get3A_470 = arith.index_cast %get3A_469 : i32 to index
      %get3A_471 = arith.index_cast %mul3A_468 : i32 to index
      %get3A_472 = tpu.vector_load %arg4[%get3A_470, %get3A_471] {strides = array<i32>} : memref<2x32768xf32, #tpu.memory_space<vmem>>, vector<16xf32>,
      %max3A_473 = arith.maximumf %scan3A_328, %get3A_472 : vector<16xf32>
      %mul3A_474 = arith.constant 8 : i32
      %mul3A_475 = arith.muli %scan3A_315, %mul3A_474 : i32
      %add3A_476 = arith.constant 5 : i32
      %add3A_477 = arith.addi %mul3A_475, %add3A_476 : i32
      %mul3A_478 = arith.constant 16 : i32
      %mul3A_479 = arith.muli %add3A_477, %mul3A_478 : i32
      %get3A_480 = arith.constant 1 : i32
      %get3A_481 = arith.index_cast %get3A_480 : i32 to index
      %get3A_482 = arith.index_cast %mul3A_479 : i32 to index
      %get3A_483 = tpu.vector_load %arg4[%get3A_481, %get3A_482] {strides = array<i32>} : memref<2x32768xf32, #tpu.memory_space<vmem>>, vector<16xf32>,
      %max3A_484 = arith.maximumf %scan3A_329, %get3A_483 : vector<16xf32>
      %mul3A_485 = arith.constant 8 : i32
      %mul3A_486 = arith.muli %scan3A_315, %mul3A_485 : i32
      %add3A_487 = arith.constant 6 : i32
      %add3A_488 = arith.addi %mul3A_486, %add3A_487 : i32
      %mul3A_489 = arith.constant 16 : i32
      %mul3A_490 = arith.muli %add3A_488, %mul3A_489 : i32
      %get3A_491 = arith.constant 1 : i32
      %get3A_492 = arith.index_cast %get3A_491 : i32 to index
      %get3A_493 = arith.index_cast %mul3A_490 : i32 to index
      %get3A_494 = tpu.vector_load %arg4[%get3A_492, %get3A_493] {strides = array<i32>} : memref<2x32768xf32, #tpu.memory_space<vmem>>, vector<16xf32>,
      %max3A_495 = arith.maximumf %scan3A_330, %get3A_494 : vector<16xf32>
      %mul3A_496 = arith.constant 8 : i32
      %mul3A_497 = arith.muli %scan3A_315, %mul3A_496 : i32
      %add3A_498 = arith.constant 7 : i32
      %add3A_499 = arith.addi %mul3A_497, %add3A_498 : i32
      %mul3A_500 = arith.constant 16 : i32
      %mul3A_501 = arith.muli %add3A_499, %mul3A_500 : i32
      %get3A_502 = arith.constant 1 : i32
      %get3A_503 = arith.index_cast %get3A_502 : i32 to index
      %get3A_504 = arith.index_cast %mul3A_501 : i32 to index
      %get3A_505 = tpu.vector_load %arg4[%get3A_503, %get3A_504] {strides = array<i32>} : memref<2x32768xf32, #tpu.memory_space<vmem>>, vector<16xf32>,
      %max3A_506 = arith.maximumf %scan3A_331, %get3A_505 : vector<16xf32>
      scf.yield %max3A_341, %max3A_352, %max3A_363, %max3A_374, %max3A_385, %max3A_396, %max3A_407, %max3A_418, %max3A_429, %max3A_440, %max3A_451, %max3A_462, %max3A_473, %max3A_484, %max3A_495, %max3A_506 : vector<16xf32>, vector<16xf32>, vector<16xf32>, vector<16xf32>, vector<16xf32>, vector<16xf32>, vector<16xf32>, vector<16xf32>, vector<16xf32>, vector<16xf32>, vector<16xf32>, vector<16xf32>, vector<16xf32>, vector<16xf32>, vector<16xf32>, vector<16xf32>
    }
    %scan3A_82 = arith.constant 256 : i32
    %max3A = arith.maximumf %scan3A_81#0, %scan3A_81#1 : vector<16xf32>
    %max3A_83 = arith.maximumf %max3A, %scan3A_81#2 : vector<16xf32>
    %max3A_84 = arith.maximumf %max3A_83, %scan3A_81#3 : vector<16xf32>
    %max3A_85 = arith.maximumf %max3A_84, %scan3A_81#4 : vector<16xf32>
    %max3A_86 = arith.maximumf %max3A_85, %scan3A_81#5 : vector<16xf32>
    %max3A_87 = arith.maximumf %max3A_86, %scan3A_81#6 : vector<16xf32>
    %max3A_88 = arith.maximumf %max3A_87, %scan3A_81#7 : vector<16xf32>
    %reduce_max3A = arith.constant true
    %reduce_max3A_89 = vector.broadcast %reduce_max3A : i1 to vector<16xi1>
    %reduce_max3A_90 = tpu.scan <max>, %max3A_88 masked %reduce_max3A_89 : vector<16xf32>, vector<16xi1> -> vector<16xf32>
    %reduce_max3A_91 = vector.extract %reduce_max3A_90[15] : f32 from vector<16xf32>
    %broadcast_in_dim3A_92 = vector.broadcast %reduce_max3A_91 : f32 to vector<16xf32>
    %sub3A = arith.constant 1.000000e+00 : f32
    %sub3A_93 = vector.broadcast %sub3A : f32 to vector<16xf32>
    %sub3A_94 = arith.subf %broadcast_in_dim3A_92, %sub3A_93 : vector<16xf32>
    %max3A_95 = arith.maximumf %scan3A_81#8, %scan3A_81#9 : vector<16xf32>
    %max3A_96 = arith.maximumf %max3A_95, %scan3A_81#10 : vector<16xf32>
    %max3A_97 = arith.maximumf %max3A_96, %scan3A_81#11 : vector<16xf32>
    %max3A_98 = arith.maximumf %max3A_97, %scan3A_81#12 : vector<16xf32>
    %max3A_99 = arith.maximumf %max3A_98, %scan3A_81#13 : vector<16xf32>
    %max3A_100 = arith.maximumf %max3A_99, %scan3A_81#14 : vector<16xf32>
    %max3A_101 = arith.maximumf %max3A_100, %scan3A_81#15 : vector<16xf32>
    %reduce_max3A_102 = arith.constant true
    %reduce_max3A_103 = vector.broadcast %reduce_max3A_102 : i1 to vector<16xi1>
    %reduce_max3A_104 = tpu.scan <max>, %max3A_101 masked %reduce_max3A_103 : vector<16xf32>, vector<16xi1> -> vector<16xf32>
    %reduce_max3A_105 = vector.extract %reduce_max3A_104[15] : f32 from vector<16xf32>
    %broadcast_in_dim3A_106 = vector.broadcast %reduce_max3A_105 : f32 to vector<16xf32>
    %sub3A_107 = arith.constant 1.000000e+00 : f32
    %sub3A_108 = vector.broadcast %sub3A_107 : f32 to vector<16xf32>
    %sub3A_109 = arith.subf %broadcast_in_dim3A_106, %sub3A_108 : vector<16xf32>
    %scan3A_110 = arith.constant 0 : i32
    %scan3A_111 = arith.constant 0 : i32
    %scan3A_112 = arith.constant 128 : i32
    %scan3A_113 = arith.addi %scan3A_111, %scan3A_112 : i32
    %scan3A_114 = arith.constant 1 : i32
    scf.for %scan3A_315 = %scan3A_111 to %scan3A_113 step %scan3A_114  : i32 {
      %broadcast_in_dim3A_316 = arith.constant 0.000000e+00 : f32
      %broadcast_in_dim3A_317 = vector.broadcast %broadcast_in_dim3A_316 : f32 to vector<16xf32>
      %broadcast_in_dim3A_318 = arith.constant 0.000000e+00 : f32
      %broadcast_in_dim3A_319 = vector.broadcast %broadcast_in_dim3A_318 : f32 to vector<16xf32>
      %mul3A_320 = arith.constant 16 : i32
      %mul3A_321 = arith.muli %scan3A_315, %mul3A_320 : i32
      %add3A_322 = arith.constant 0 : i32
      %add3A_323 = arith.addi %mul3A_321, %add3A_322 : i32
      %mul3A_324 = arith.constant 16 : i32
      %mul3A_325 = arith.muli %add3A_323, %mul3A_324 : i32
      %get3A = arith.constant 0 : i32
      %get3A_326 = arith.index_cast %get3A : i32 to index
      %get3A_327 = arith.index_cast %mul3A_325 : i32 to index
      %get3A_328 = tpu.vector_load %arg4[%get3A_326, %get3A_327] {strides = array<i32>} : memref<2x32768xf32, #tpu.memory_space<vmem>>, vector<16xf32>,
      %mul3A_329 = arith.constant 16 : i32
      %mul3A_330 = arith.muli %scan3A_315, %mul3A_329 : i32
      %add3A_331 = arith.constant 0 : i32
      %add3A_332 = arith.addi %mul3A_330, %add3A_331 : i32
      %add3A_333 = arith.constant 1 : i32
      %add3A_334 = arith.addi %add3A_332, %add3A_333 : i32
      %mul3A_335 = arith.constant 16 : i32
      %mul3A_336 = arith.muli %add3A_334, %mul3A_335 : i32
      %get3A_337 = arith.constant 0 : i32
      %get3A_338 = arith.index_cast %get3A_337 : i32 to index
      %get3A_339 = arith.index_cast %mul3A_336 : i32 to index
      %get3A_340 = tpu.vector_load %arg4[%get3A_338, %get3A_339] {strides = array<i32>} : memref<2x32768xf32, #tpu.memory_space<vmem>>, vector<16xf32>,
      %gt3A_341 = arith.cmpf ogt, %get3A_328, %sub3A_94 : vector<16xf32>
      %jit3A_342 = arith.constant 1.000000e+00 : f32
      %broadcast_in_dim3A_343 = vector.broadcast %jit3A_342 : f32 to vector<16xf32>
      %select_n3A_344 = arith.select %gt3A_341, %broadcast_in_dim3A_343, %broadcast_in_dim3A_317 : vector<16xi1>, vector<16xf32>
      %gt3A_345 = arith.cmpf ogt, %get3A_340, %sub3A_94 : vector<16xf32>
      %jit3A_346 = arith.constant 1.000000e+00 : f32
      %broadcast_in_dim3A_347 = vector.broadcast %jit3A_346 : f32 to vector<16xf32>
      %select_n3A_348 = arith.select %gt3A_345, %broadcast_in_dim3A_347, %broadcast_in_dim3A_319 : vector<16xi1>, vector<16xf32>
      %mul3A_349 = arith.constant 16 : i32
      %mul3A_350 = arith.muli %scan3A_315, %mul3A_349 : i32
      %add3A_351 = arith.constant 2 : i32
      %add3A_352 = arith.addi %mul3A_350, %add3A_351 : i32
      %mul3A_353 = arith.constant 16 : i32
      %mul3A_354 = arith.muli %add3A_352, %mul3A_353 : i32
      %get3A_355 = arith.constant 0 : i32
      %get3A_356 = arith.index_cast %get3A_355 : i32 to index
      %get3A_357 = arith.index_cast %mul3A_354 : i32 to index
      %get3A_358 = tpu.vector_load %arg4[%get3A_356, %get3A_357] {strides = array<i32>} : memref<2x32768xf32, #tpu.memory_space<vmem>>, vector<16xf32>,
      %mul3A_359 = arith.constant 16 : i32
      %mul3A_360 = arith.muli %scan3A_315, %mul3A_359 : i32
      %add3A_361 = arith.constant 2 : i32
      %add3A_362 = arith.addi %mul3A_360, %add3A_361 : i32
      %add3A_363 = arith.constant 1 : i32
      %add3A_364 = arith.addi %add3A_362, %add3A_363 : i32
      %mul3A_365 = arith.constant 16 : i32
      %mul3A_366 = arith.muli %add3A_364, %mul3A_365 : i32
      %get3A_367 = arith.constant 0 : i32
      %get3A_368 = arith.index_cast %get3A_367 : i32 to index
      %get3A_369 = arith.index_cast %mul3A_366 : i32 to index
      %get3A_370 = tpu.vector_load %arg4[%get3A_368, %get3A_369] {strides = array<i32>} : memref<2x32768xf32, #tpu.memory_space<vmem>>, vector<16xf32>,
      %gt3A_371 = arith.cmpf ogt, %get3A_358, %sub3A_94 : vector<16xf32>
      %jit3A_372 = arith.constant 1.000000e+00 : f32
      %broadcast_in_dim3A_373 = vector.broadcast %jit3A_372 : f32 to vector<16xf32>
      %select_n3A_374 = arith.select %gt3A_371, %broadcast_in_dim3A_373, %select_n3A_344 : vector<16xi1>, vector<16xf32>
      %gt3A_375 = arith.cmpf ogt, %get3A_370, %sub3A_94 : vector<16xf32>
      %jit3A_376 = arith.constant 1.000000e+00 : f32
      %broadcast_in_dim3A_377 = vector.broadcast %jit3A_376 : f32 to vector<16xf32>
      %select_n3A_378 = arith.select %gt3A_375, %broadcast_in_dim3A_377, %select_n3A_348 : vector<16xi1>, vector<16xf32>
      %mul3A_379 = arith.constant 16 : i32
      %mul3A_380 = arith.muli %scan3A_315, %mul3A_379 : i32
      %add3A_381 = arith.constant 4 : i32
      %add3A_382 = arith.addi %mul3A_380, %add3A_381 : i32
      %mul3A_383 = arith.constant 16 : i32
      %mul3A_384 = arith.muli %add3A_382, %mul3A_383 : i32
      %get3A_385 = arith.constant 0 : i32
      %get3A_386 = arith.index_cast %get3A_385 : i32 to index
      %get3A_387 = arith.index_cast %mul3A_384 : i32 to index
      %get3A_388 = tpu.vector_load %arg4[%get3A_386, %get3A_387] {strides = array<i32>} : memref<2x32768xf32, #tpu.memory_space<vmem>>, vector<16xf32>,
      %mul3A_389 = arith.constant 16 : i32
      %mul3A_390 = arith.muli %scan3A_315, %mul3A_389 : i32
      %add3A_391 = arith.constant 4 : i32
      %add3A_392 = arith.addi %mul3A_390, %add3A_391 : i32
      %add3A_393 = arith.constant 1 : i32
      %add3A_394 = arith.addi %add3A_392, %add3A_393 : i32
      %mul3A_395 = arith.constant 16 : i32
      %mul3A_396 = arith.muli %add3A_394, %mul3A_395 : i32
      %get3A_397 = arith.constant 0 : i32
      %get3A_398 = arith.index_cast %get3A_397 : i32 to index
      %get3A_399 = arith.index_cast %mul3A_396 : i32 to index
      %get3A_400 = tpu.vector_load %arg4[%get3A_398, %get3A_399] {strides = array<i32>} : memref<2x32768xf32, #tpu.memory_space<vmem>>, vector<16xf32>,
      %gt3A_401 = arith.cmpf ogt, %get3A_388, %sub3A_94 : vector<16xf32>
      %jit3A_402 = arith.constant 1.000000e+00 : f32
      %broadcast_in_dim3A_403 = vector.broadcast %jit3A_402 : f32 to vector<16xf32>
      %select_n3A_404 = arith.select %gt3A_401, %broadcast_in_dim3A_403, %select_n3A_374 : vector<16xi1>, vector<16xf32>
      %gt3A_405 = arith.cmpf ogt, %get3A_400, %sub3A_94 : vector<16xf32>
      %jit3A_406 = arith.constant 1.000000e+00 : f32
      %broadcast_in_dim3A_407 = vector.broadcast %jit3A_406 : f32 to vector<16xf32>
      %select_n3A_408 = arith.select %gt3A_405, %broadcast_in_dim3A_407, %select_n3A_378 : vector<16xi1>, vector<16xf32>
      %mul3A_409 = arith.constant 16 : i32
      %mul3A_410 = arith.muli %scan3A_315, %mul3A_409 : i32
      %add3A_411 = arith.constant 6 : i32
      %add3A_412 = arith.addi %mul3A_410, %add3A_411 : i32
      %mul3A_413 = arith.constant 16 : i32
      %mul3A_414 = arith.muli %add3A_412, %mul3A_413 : i32
      %get3A_415 = arith.constant 0 : i32
      %get3A_416 = arith.index_cast %get3A_415 : i32 to index
      %get3A_417 = arith.index_cast %mul3A_414 : i32 to index
      %get3A_418 = tpu.vector_load %arg4[%get3A_416, %get3A_417] {strides = array<i32>} : memref<2x32768xf32, #tpu.memory_space<vmem>>, vector<16xf32>,
      %mul3A_419 = arith.constant 16 : i32
      %mul3A_420 = arith.muli %scan3A_315, %mul3A_419 : i32
      %add3A_421 = arith.constant 6 : i32
      %add3A_422 = arith.addi %mul3A_420, %add3A_421 : i32
      %add3A_423 = arith.constant 1 : i32
      %add3A_424 = arith.addi %add3A_422, %add3A_423 : i32
      %mul3A_425 = arith.constant 16 : i32
      %mul3A_426 = arith.muli %add3A_424, %mul3A_425 : i32
      %get3A_427 = arith.constant 0 : i32
      %get3A_428 = arith.index_cast %get3A_427 : i32 to index
      %get3A_429 = arith.index_cast %mul3A_426 : i32 to index
      %get3A_430 = tpu.vector_load %arg4[%get3A_428, %get3A_429] {strides = array<i32>} : memref<2x32768xf32, #tpu.memory_space<vmem>>, vector<16xf32>,
      %gt3A_431 = arith.cmpf ogt, %get3A_418, %sub3A_94 : vector<16xf32>
      %jit3A_432 = arith.constant 1.000000e+00 : f32
      %broadcast_in_dim3A_433 = vector.broadcast %jit3A_432 : f32 to vector<16xf32>
      %select_n3A_434 = arith.select %gt3A_431, %broadcast_in_dim3A_433, %select_n3A_404 : vector<16xi1>, vector<16xf32>
      %gt3A_435 = arith.cmpf ogt, %get3A_430, %sub3A_94 : vector<16xf32>
      %jit3A_436 = arith.constant 1.000000e+00 : f32
      %broadcast_in_dim3A_437 = vector.broadcast %jit3A_436 : f32 to vector<16xf32>
      %select_n3A_438 = arith.select %gt3A_435, %broadcast_in_dim3A_437, %select_n3A_408 : vector<16xi1>, vector<16xf32>
      %mul3A_439 = arith.constant 16 : i32
      %mul3A_440 = arith.muli %scan3A_315, %mul3A_439 : i32
      %add3A_441 = arith.constant 8 : i32
      %add3A_442 = arith.addi %mul3A_440, %add3A_441 : i32
      %mul3A_443 = arith.constant 16 : i32
      %mul3A_444 = arith.muli %add3A_442, %mul3A_443 : i32
      %get3A_445 = arith.constant 0 : i32
      %get3A_446 = arith.index_cast %get3A_445 : i32 to index
      %get3A_447 = arith.index_cast %mul3A_444 : i32 to index
      %get3A_448 = tpu.vector_load %arg4[%get3A_446, %get3A_447] {strides = array<i32>} : memref<2x32768xf32, #tpu.memory_space<vmem>>, vector<16xf32>,
      %mul3A_449 = arith.constant 16 : i32
      %mul3A_450 = arith.muli %scan3A_315, %mul3A_449 : i32
      %add3A_451 = arith.constant 8 : i32
      %add3A_452 = arith.addi %mul3A_450, %add3A_451 : i32
      %add3A_453 = arith.constant 1 : i32
      %add3A_454 = arith.addi %add3A_452, %add3A_453 : i32
      %mul3A_455 = arith.constant 16 : i32
      %mul3A_456 = arith.muli %add3A_454, %mul3A_455 : i32
      %get3A_457 = arith.constant 0 : i32
      %get3A_458 = arith.index_cast %get3A_457 : i32 to index
      %get3A_459 = arith.index_cast %mul3A_456 : i32 to index
      %get3A_460 = tpu.vector_load %arg4[%get3A_458, %get3A_459] {strides = array<i32>} : memref<2x32768xf32, #tpu.memory_space<vmem>>, vector<16xf32>,
      %gt3A_461 = arith.cmpf ogt, %get3A_448, %sub3A_94 : vector<16xf32>
      %jit3A_462 = arith.constant 1.000000e+00 : f32
      %broadcast_in_dim3A_463 = vector.broadcast %jit3A_462 : f32 to vector<16xf32>
      %select_n3A_464 = arith.select %gt3A_461, %broadcast_in_dim3A_463, %select_n3A_434 : vector<16xi1>, vector<16xf32>
      %gt3A_465 = arith.cmpf ogt, %get3A_460, %sub3A_94 : vector<16xf32>
      %jit3A_466 = arith.constant 1.000000e+00 : f32
      %broadcast_in_dim3A_467 = vector.broadcast %jit3A_466 : f32 to vector<16xf32>
      %select_n3A_468 = arith.select %gt3A_465, %broadcast_in_dim3A_467, %select_n3A_438 : vector<16xi1>, vector<16xf32>
      %mul3A_469 = arith.constant 16 : i32
      %mul3A_470 = arith.muli %scan3A_315, %mul3A_469 : i32
      %add3A_471 = arith.constant 10 : i32
      %add3A_472 = arith.addi %mul3A_470, %add3A_471 : i32
      %mul3A_473 = arith.constant 16 : i32
      %mul3A_474 = arith.muli %add3A_472, %mul3A_473 : i32
      %get3A_475 = arith.constant 0 : i32
      %get3A_476 = arith.index_cast %get3A_475 : i32 to index
      %get3A_477 = arith.index_cast %mul3A_474 : i32 to index
      %get3A_478 = tpu.vector_load %arg4[%get3A_476, %get3A_477] {strides = array<i32>} : memref<2x32768xf32, #tpu.memory_space<vmem>>, vector<16xf32>,
      %mul3A_479 = arith.constant 16 : i32
      %mul3A_480 = arith.muli %scan3A_315, %mul3A_479 : i32
      %add3A_481 = arith.constant 10 : i32
      %add3A_482 = arith.addi %mul3A_480, %add3A_481 : i32
      %add3A_483 = arith.constant 1 : i32
      %add3A_484 = arith.addi %add3A_482, %add3A_483 : i32
      %mul3A_485 = arith.constant 16 : i32
      %mul3A_486 = arith.muli %add3A_484, %mul3A_485 : i32
      %get3A_487 = arith.constant 0 : i32
      %get3A_488 = arith.index_cast %get3A_487 : i32 to index
      %get3A_489 = arith.index_cast %mul3A_486 : i32 to index
      %get3A_490 = tpu.vector_load %arg4[%get3A_488, %get3A_489] {strides = array<i32>} : memref<2x32768xf32, #tpu.memory_space<vmem>>, vector<16xf32>,
      %gt3A_491 = arith.cmpf ogt, %get3A_478, %sub3A_94 : vector<16xf32>
      %jit3A_492 = arith.constant 1.000000e+00 : f32
      %broadcast_in_dim3A_493 = vector.broadcast %jit3A_492 : f32 to vector<16xf32>
      %select_n3A_494 = arith.select %gt3A_491, %broadcast_in_dim3A_493, %select_n3A_464 : vector<16xi1>, vector<16xf32>
      %gt3A_495 = arith.cmpf ogt, %get3A_490, %sub3A_94 : vector<16xf32>
      %jit3A_496 = arith.constant 1.000000e+00 : f32
      %broadcast_in_dim3A_497 = vector.broadcast %jit3A_496 : f32 to vector<16xf32>
      %select_n3A_498 = arith.select %gt3A_495, %broadcast_in_dim3A_497, %select_n3A_468 : vector<16xi1>, vector<16xf32>
      %mul3A_499 = arith.constant 16 : i32
      %mul3A_500 = arith.muli %scan3A_315, %mul3A_499 : i32
      %add3A_501 = arith.constant 12 : i32
      %add3A_502 = arith.addi %mul3A_500, %add3A_501 : i32
      %mul3A_503 = arith.constant 16 : i32
      %mul3A_504 = arith.muli %add3A_502, %mul3A_503 : i32
      %get3A_505 = arith.constant 0 : i32
      %get3A_506 = arith.index_cast %get3A_505 : i32 to index
      %get3A_507 = arith.index_cast %mul3A_504 : i32 to index
      %get3A_508 = tpu.vector_load %arg4[%get3A_506, %get3A_507] {strides = array<i32>} : memref<2x32768xf32, #tpu.memory_space<vmem>>, vector<16xf32>,
      %mul3A_509 = arith.constant 16 : i32
      %mul3A_510 = arith.muli %scan3A_315, %mul3A_509 : i32
      %add3A_511 = arith.constant 12 : i32
      %add3A_512 = arith.addi %mul3A_510, %add3A_511 : i32
      %add3A_513 = arith.constant 1 : i32
      %add3A_514 = arith.addi %add3A_512, %add3A_513 : i32
      %mul3A_515 = arith.constant 16 : i32
      %mul3A_516 = arith.muli %add3A_514, %mul3A_515 : i32
      %get3A_517 = arith.constant 0 : i32
      %get3A_518 = arith.index_cast %get3A_517 : i32 to index
      %get3A_519 = arith.index_cast %mul3A_516 : i32 to index
      %get3A_520 = tpu.vector_load %arg4[%get3A_518, %get3A_519] {strides = array<i32>} : memref<2x32768xf32, #tpu.memory_space<vmem>>, vector<16xf32>,
      %gt3A_521 = arith.cmpf ogt, %get3A_508, %sub3A_94 : vector<16xf32>
      %jit3A_522 = arith.constant 1.000000e+00 : f32
      %broadcast_in_dim3A_523 = vector.broadcast %jit3A_522 : f32 to vector<16xf32>
      %select_n3A_524 = arith.select %gt3A_521, %broadcast_in_dim3A_523, %select_n3A_494 : vector<16xi1>, vector<16xf32>
      %gt3A_525 = arith.cmpf ogt, %get3A_520, %sub3A_94 : vector<16xf32>
      %jit3A_526 = arith.constant 1.000000e+00 : f32
      %broadcast_in_dim3A_527 = vector.broadcast %jit3A_526 : f32 to vector<16xf32>
      %select_n3A_528 = arith.select %gt3A_525, %broadcast_in_dim3A_527, %select_n3A_498 : vector<16xi1>, vector<16xf32>
      %mul3A_529 = arith.constant 16 : i32
      %mul3A_530 = arith.muli %scan3A_315, %mul3A_529 : i32
      %add3A_531 = arith.constant 14 : i32
      %add3A_532 = arith.addi %mul3A_530, %add3A_531 : i32
      %mul3A_533 = arith.constant 16 : i32
      %mul3A_534 = arith.muli %add3A_532, %mul3A_533 : i32
      %get3A_535 = arith.constant 0 : i32
      %get3A_536 = arith.index_cast %get3A_535 : i32 to index
      %get3A_537 = arith.index_cast %mul3A_534 : i32 to index
      %get3A_538 = tpu.vector_load %arg4[%get3A_536, %get3A_537] {strides = array<i32>} : memref<2x32768xf32, #tpu.memory_space<vmem>>, vector<16xf32>,
      %mul3A_539 = arith.constant 16 : i32
      %mul3A_540 = arith.muli %scan3A_315, %mul3A_539 : i32
      %add3A_541 = arith.constant 14 : i32
      %add3A_542 = arith.addi %mul3A_540, %add3A_541 : i32
      %add3A_543 = arith.constant 1 : i32
      %add3A_544 = arith.addi %add3A_542, %add3A_543 : i32
      %mul3A_545 = arith.constant 16 : i32
      %mul3A_546 = arith.muli %add3A_544, %mul3A_545 : i32
      %get3A_547 = arith.constant 0 : i32
      %get3A_548 = arith.index_cast %get3A_547 : i32 to index
      %get3A_549 = arith.index_cast %mul3A_546 : i32 to index
      %get3A_550 = tpu.vector_load %arg4[%get3A_548, %get3A_549] {strides = array<i32>} : memref<2x32768xf32, #tpu.memory_space<vmem>>, vector<16xf32>,
      %gt3A_551 = arith.cmpf ogt, %get3A_538, %sub3A_94 : vector<16xf32>
      %jit3A_552 = arith.constant 1.000000e+00 : f32
      %broadcast_in_dim3A_553 = vector.broadcast %jit3A_552 : f32 to vector<16xf32>
      %select_n3A_554 = arith.select %gt3A_551, %broadcast_in_dim3A_553, %select_n3A_524 : vector<16xi1>, vector<16xf32>
      %gt3A_555 = arith.cmpf ogt, %get3A_550, %sub3A_94 : vector<16xf32>
      %jit3A_556 = arith.constant 1.000000e+00 : f32
      %broadcast_in_dim3A_557 = vector.broadcast %jit3A_556 : f32 to vector<16xf32>
      %select_n3A_558 = arith.select %gt3A_555, %broadcast_in_dim3A_557, %select_n3A_528 : vector<16xi1>, vector<16xf32>
      %add3A_559 = arith.addf %select_n3A_554, %select_n3A_558 : vector<16xf32>
      %mul3A_560 = arith.constant 16 : i32
      %mul3A_561 = arith.muli %scan3A_315, %mul3A_560 : i32
      %swap3A_562 = arith.constant 0 : i32
      %swap3A_563 = arith.index_cast %swap3A_562 : i32 to index
      %swap3A_564 = arith.index_cast %mul3A_561 : i32 to index
      %swap3A_565 = tpu.vector_load %arg5[%swap3A_563, %swap3A_564] {strides = array<i32>} : memref<2x2064xf32, #tpu.memory_space<vmem>>, vector<16xf32>,
      tpu.vector_store %arg5[%swap3A_563, %swap3A_564], %add3A_559 {strides = array<i32>} : memref<2x2064xf32, #tpu.memory_space<vmem>>, vector<16xf32>,
      %broadcast_in_dim3A_566 = arith.constant 0.000000e+00 : f32
      %broadcast_in_dim3A_567 = vector.broadcast %broadcast_in_dim3A_566 : f32 to vector<16xf32>
      %broadcast_in_dim3A_568 = arith.constant 0.000000e+00 : f32
      %broadcast_in_dim3A_569 = vector.broadcast %broadcast_in_dim3A_568 : f32 to vector<16xf32>
      %mul3A_570 = arith.constant 16 : i32
      %mul3A_571 = arith.muli %scan3A_315, %mul3A_570 : i32
      %add3A_572 = arith.constant 0 : i32
      %add3A_573 = arith.addi %mul3A_571, %add3A_572 : i32
      %mul3A_574 = arith.constant 16 : i32
      %mul3A_575 = arith.muli %add3A_573, %mul3A_574 : i32
      %get3A_576 = arith.constant 1 : i32
      %get3A_577 = arith.index_cast %get3A_576 : i32 to index
      %get3A_578 = arith.index_cast %mul3A_575 : i32 to index
      %get3A_579 = tpu.vector_load %arg4[%get3A_577, %get3A_578] {strides = array<i32>} : memref<2x32768xf32, #tpu.memory_space<vmem>>, vector<16xf32>,
      %mul3A_580 = arith.constant 16 : i32
      %mul3A_581 = arith.muli %scan3A_315, %mul3A_580 : i32
      %add3A_582 = arith.constant 0 : i32
      %add3A_583 = arith.addi %mul3A_581, %add3A_582 : i32
      %add3A_584 = arith.constant 1 : i32
      %add3A_585 = arith.addi %add3A_583, %add3A_584 : i32
      %mul3A_586 = arith.constant 16 : i32
      %mul3A_587 = arith.muli %add3A_585, %mul3A_586 : i32
      %get3A_588 = arith.constant 1 : i32
      %get3A_589 = arith.index_cast %get3A_588 : i32 to index
      %get3A_590 = arith.index_cast %mul3A_587 : i32 to index
      %get3A_591 = tpu.vector_load %arg4[%get3A_589, %get3A_590] {strides = array<i32>} : memref<2x32768xf32, #tpu.memory_space<vmem>>, vector<16xf32>,
      %gt3A_592 = arith.cmpf ogt, %get3A_579, %sub3A_109 : vector<16xf32>
      %jit3A_593 = arith.constant 1.000000e+00 : f32
      %broadcast_in_dim3A_594 = vector.broadcast %jit3A_593 : f32 to vector<16xf32>
      %select_n3A_595 = arith.select %gt3A_592, %broadcast_in_dim3A_594, %broadcast_in_dim3A_567 : vector<16xi1>, vector<16xf32>
      %gt3A_596 = arith.cmpf ogt, %get3A_591, %sub3A_109 : vector<16xf32>
      %jit3A_597 = arith.constant 1.000000e+00 : f32
      %broadcast_in_dim3A_598 = vector.broadcast %jit3A_597 : f32 to vector<16xf32>
      %select_n3A_599 = arith.select %gt3A_596, %broadcast_in_dim3A_598, %broadcast_in_dim3A_569 : vector<16xi1>, vector<16xf32>
      %mul3A_600 = arith.constant 16 : i32
      %mul3A_601 = arith.muli %scan3A_315, %mul3A_600 : i32
      %add3A_602 = arith.constant 2 : i32
      %add3A_603 = arith.addi %mul3A_601, %add3A_602 : i32
      %mul3A_604 = arith.constant 16 : i32
      %mul3A_605 = arith.muli %add3A_603, %mul3A_604 : i32
      %get3A_606 = arith.constant 1 : i32
      %get3A_607 = arith.index_cast %get3A_606 : i32 to index
      %get3A_608 = arith.index_cast %mul3A_605 : i32 to index
      %get3A_609 = tpu.vector_load %arg4[%get3A_607, %get3A_608] {strides = array<i32>} : memref<2x32768xf32, #tpu.memory_space<vmem>>, vector<16xf32>,
      %mul3A_610 = arith.constant 16 : i32
      %mul3A_611 = arith.muli %scan3A_315, %mul3A_610 : i32
      %add3A_612 = arith.constant 2 : i32
      %add3A_613 = arith.addi %mul3A_611, %add3A_612 : i32
      %add3A_614 = arith.constant 1 : i32
      %add3A_615 = arith.addi %add3A_613, %add3A_614 : i32
      %mul3A_616 = arith.constant 16 : i32
      %mul3A_617 = arith.muli %add3A_615, %mul3A_616 : i32
      %get3A_618 = arith.constant 1 : i32
      %get3A_619 = arith.index_cast %get3A_618 : i32 to index
      %get3A_620 = arith.index_cast %mul3A_617 : i32 to index
      %get3A_621 = tpu.vector_load %arg4[%get3A_619, %get3A_620] {strides = array<i32>} : memref<2x32768xf32, #tpu.memory_space<vmem>>, vector<16xf32>,
      %gt3A_622 = arith.cmpf ogt, %get3A_609, %sub3A_109 : vector<16xf32>
      %jit3A_623 = arith.constant 1.000000e+00 : f32
      %broadcast_in_dim3A_624 = vector.broadcast %jit3A_623 : f32 to vector<16xf32>
      %select_n3A_625 = arith.select %gt3A_622, %broadcast_in_dim3A_624, %select_n3A_595 : vector<16xi1>, vector<16xf32>
      %gt3A_626 = arith.cmpf ogt, %get3A_621, %sub3A_109 : vector<16xf32>
      %jit3A_627 = arith.constant 1.000000e+00 : f32
      %broadcast_in_dim3A_628 = vector.broadcast %jit3A_627 : f32 to vector<16xf32>
      %select_n3A_629 = arith.select %gt3A_626, %broadcast_in_dim3A_628, %select_n3A_599 : vector<16xi1>, vector<16xf32>
      %mul3A_630 = arith.constant 16 : i32
      %mul3A_631 = arith.muli %scan3A_315, %mul3A_630 : i32
      %add3A_632 = arith.constant 4 : i32
      %add3A_633 = arith.addi %mul3A_631, %add3A_632 : i32
      %mul3A_634 = arith.constant 16 : i32
      %mul3A_635 = arith.muli %add3A_633, %mul3A_634 : i32
      %get3A_636 = arith.constant 1 : i32
      %get3A_637 = arith.index_cast %get3A_636 : i32 to index
      %get3A_638 = arith.index_cast %mul3A_635 : i32 to index
      %get3A_639 = tpu.vector_load %arg4[%get3A_637, %get3A_638] {strides = array<i32>} : memref<2x32768xf32, #tpu.memory_space<vmem>>, vector<16xf32>,
      %mul3A_640 = arith.constant 16 : i32
      %mul3A_641 = arith.muli %scan3A_315, %mul3A_640 : i32
      %add3A_642 = arith.constant 4 : i32
      %add3A_643 = arith.addi %mul3A_641, %add3A_642 : i32
      %add3A_644 = arith.constant 1 : i32
      %add3A_645 = arith.addi %add3A_643, %add3A_644 : i32
      %mul3A_646 = arith.constant 16 : i32
      %mul3A_647 = arith.muli %add3A_645, %mul3A_646 : i32
      %get3A_648 = arith.constant 1 : i32
      %get3A_649 = arith.index_cast %get3A_648 : i32 to index
      %get3A_650 = arith.index_cast %mul3A_647 : i32 to index
      %get3A_651 = tpu.vector_load %arg4[%get3A_649, %get3A_650] {strides = array<i32>} : memref<2x32768xf32, #tpu.memory_space<vmem>>, vector<16xf32>,
      %gt3A_652 = arith.cmpf ogt, %get3A_639, %sub3A_109 : vector<16xf32>
      %jit3A_653 = arith.constant 1.000000e+00 : f32
      %broadcast_in_dim3A_654 = vector.broadcast %jit3A_653 : f32 to vector<16xf32>
      %select_n3A_655 = arith.select %gt3A_652, %broadcast_in_dim3A_654, %select_n3A_625 : vector<16xi1>, vector<16xf32>
      %gt3A_656 = arith.cmpf ogt, %get3A_651, %sub3A_109 : vector<16xf32>
      %jit3A_657 = arith.constant 1.000000e+00 : f32
      %broadcast_in_dim3A_658 = vector.broadcast %jit3A_657 : f32 to vector<16xf32>
      %select_n3A_659 = arith.select %gt3A_656, %broadcast_in_dim3A_658, %select_n3A_629 : vector<16xi1>, vector<16xf32>
      %mul3A_660 = arith.constant 16 : i32
      %mul3A_661 = arith.muli %scan3A_315, %mul3A_660 : i32
      %add3A_662 = arith.constant 6 : i32
      %add3A_663 = arith.addi %mul3A_661, %add3A_662 : i32
      %mul3A_664 = arith.constant 16 : i32
      %mul3A_665 = arith.muli %add3A_663, %mul3A_664 : i32
      %get3A_666 = arith.constant 1 : i32
      %get3A_667 = arith.index_cast %get3A_666 : i32 to index
      %get3A_668 = arith.index_cast %mul3A_665 : i32 to index
      %get3A_669 = tpu.vector_load %arg4[%get3A_667, %get3A_668] {strides = array<i32>} : memref<2x32768xf32, #tpu.memory_space<vmem>>, vector<16xf32>,
      %mul3A_670 = arith.constant 16 : i32
      %mul3A_671 = arith.muli %scan3A_315, %mul3A_670 : i32
      %add3A_672 = arith.constant 6 : i32
      %add3A_673 = arith.addi %mul3A_671, %add3A_672 : i32
      %add3A_674 = arith.constant 1 : i32
      %add3A_675 = arith.addi %add3A_673, %add3A_674 : i32
      %mul3A_676 = arith.constant 16 : i32
      %mul3A_677 = arith.muli %add3A_675, %mul3A_676 : i32
      %get3A_678 = arith.constant 1 : i32
      %get3A_679 = arith.index_cast %get3A_678 : i32 to index
      %get3A_680 = arith.index_cast %mul3A_677 : i32 to index
      %get3A_681 = tpu.vector_load %arg4[%get3A_679, %get3A_680] {strides = array<i32>} : memref<2x32768xf32, #tpu.memory_space<vmem>>, vector<16xf32>,
      %gt3A_682 = arith.cmpf ogt, %get3A_669, %sub3A_109 : vector<16xf32>
      %jit3A_683 = arith.constant 1.000000e+00 : f32
      %broadcast_in_dim3A_684 = vector.broadcast %jit3A_683 : f32 to vector<16xf32>
      %select_n3A_685 = arith.select %gt3A_682, %broadcast_in_dim3A_684, %select_n3A_655 : vector<16xi1>, vector<16xf32>
      %gt3A_686 = arith.cmpf ogt, %get3A_681, %sub3A_109 : vector<16xf32>
      %jit3A_687 = arith.constant 1.000000e+00 : f32
      %broadcast_in_dim3A_688 = vector.broadcast %jit3A_687 : f32 to vector<16xf32>
      %select_n3A_689 = arith.select %gt3A_686, %broadcast_in_dim3A_688, %select_n3A_659 : vector<16xi1>, vector<16xf32>
      %mul3A_690 = arith.constant 16 : i32
      %mul3A_691 = arith.muli %scan3A_315, %mul3A_690 : i32
      %add3A_692 = arith.constant 8 : i32
      %add3A_693 = arith.addi %mul3A_691, %add3A_692 : i32
      %mul3A_694 = arith.constant 16 : i32
      %mul3A_695 = arith.muli %add3A_693, %mul3A_694 : i32
      %get3A_696 = arith.constant 1 : i32
      %get3A_697 = arith.index_cast %get3A_696 : i32 to index
      %get3A_698 = arith.index_cast %mul3A_695 : i32 to index
      %get3A_699 = tpu.vector_load %arg4[%get3A_697, %get3A_698] {strides = array<i32>} : memref<2x32768xf32, #tpu.memory_space<vmem>>, vector<16xf32>,
      %mul3A_700 = arith.constant 16 : i32
      %mul3A_701 = arith.muli %scan3A_315, %mul3A_700 : i32
      %add3A_702 = arith.constant 8 : i32
      %add3A_703 = arith.addi %mul3A_701, %add3A_702 : i32
      %add3A_704 = arith.constant 1 : i32
      %add3A_705 = arith.addi %add3A_703, %add3A_704 : i32
      %mul3A_706 = arith.constant 16 : i32
      %mul3A_707 = arith.muli %add3A_705, %mul3A_706 : i32
      %get3A_708 = arith.constant 1 : i32
      %get3A_709 = arith.index_cast %get3A_708 : i32 to index
      %get3A_710 = arith.index_cast %mul3A_707 : i32 to index
      %get3A_711 = tpu.vector_load %arg4[%get3A_709, %get3A_710] {strides = array<i32>} : memref<2x32768xf32, #tpu.memory_space<vmem>>, vector<16xf32>,
      %gt3A_712 = arith.cmpf ogt, %get3A_699, %sub3A_109 : vector<16xf32>
      %jit3A_713 = arith.constant 1.000000e+00 : f32
      %broadcast_in_dim3A_714 = vector.broadcast %jit3A_713 : f32 to vector<16xf32>
      %select_n3A_715 = arith.select %gt3A_712, %broadcast_in_dim3A_714, %select_n3A_685 : vector<16xi1>, vector<16xf32>
      %gt3A_716 = arith.cmpf ogt, %get3A_711, %sub3A_109 : vector<16xf32>
      %jit3A_717 = arith.constant 1.000000e+00 : f32
      %broadcast_in_dim3A_718 = vector.broadcast %jit3A_717 : f32 to vector<16xf32>
      %select_n3A_719 = arith.select %gt3A_716, %broadcast_in_dim3A_718, %select_n3A_689 : vector<16xi1>, vector<16xf32>
      %mul3A_720 = arith.constant 16 : i32
      %mul3A_721 = arith.muli %scan3A_315, %mul3A_720 : i32
      %add3A_722 = arith.constant 10 : i32
      %add3A_723 = arith.addi %mul3A_721, %add3A_722 : i32
      %mul3A_724 = arith.constant 16 : i32
      %mul3A_725 = arith.muli %add3A_723, %mul3A_724 : i32
      %get3A_726 = arith.constant 1 : i32
      %get3A_727 = arith.index_cast %get3A_726 : i32 to index
      %get3A_728 = arith.index_cast %mul3A_725 : i32 to index
      %get3A_729 = tpu.vector_load %arg4[%get3A_727, %get3A_728] {strides = array<i32>} : memref<2x32768xf32, #tpu.memory_space<vmem>>, vector<16xf32>,
      %mul3A_730 = arith.constant 16 : i32
      %mul3A_731 = arith.muli %scan3A_315, %mul3A_730 : i32
      %add3A_732 = arith.constant 10 : i32
      %add3A_733 = arith.addi %mul3A_731, %add3A_732 : i32
      %add3A_734 = arith.constant 1 : i32
      %add3A_735 = arith.addi %add3A_733, %add3A_734 : i32
      %mul3A_736 = arith.constant 16 : i32
      %mul3A_737 = arith.muli %add3A_735, %mul3A_736 : i32
      %get3A_738 = arith.constant 1 : i32
      %get3A_739 = arith.index_cast %get3A_738 : i32 to index
      %get3A_740 = arith.index_cast %mul3A_737 : i32 to index
      %get3A_741 = tpu.vector_load %arg4[%get3A_739, %get3A_740] {strides = array<i32>} : memref<2x32768xf32, #tpu.memory_space<vmem>>, vector<16xf32>,
      %gt3A_742 = arith.cmpf ogt, %get3A_729, %sub3A_109 : vector<16xf32>
      %jit3A_743 = arith.constant 1.000000e+00 : f32
      %broadcast_in_dim3A_744 = vector.broadcast %jit3A_743 : f32 to vector<16xf32>
      %select_n3A_745 = arith.select %gt3A_742, %broadcast_in_dim3A_744, %select_n3A_715 : vector<16xi1>, vector<16xf32>
      %gt3A_746 = arith.cmpf ogt, %get3A_741, %sub3A_109 : vector<16xf32>
      %jit3A_747 = arith.constant 1.000000e+00 : f32
      %broadcast_in_dim3A_748 = vector.broadcast %jit3A_747 : f32 to vector<16xf32>
      %select_n3A_749 = arith.select %gt3A_746, %broadcast_in_dim3A_748, %select_n3A_719 : vector<16xi1>, vector<16xf32>
      %mul3A_750 = arith.constant 16 : i32
      %mul3A_751 = arith.muli %scan3A_315, %mul3A_750 : i32
      %add3A_752 = arith.constant 12 : i32
      %add3A_753 = arith.addi %mul3A_751, %add3A_752 : i32
      %mul3A_754 = arith.constant 16 : i32
      %mul3A_755 = arith.muli %add3A_753, %mul3A_754 : i32
      %get3A_756 = arith.constant 1 : i32
      %get3A_757 = arith.index_cast %get3A_756 : i32 to index
      %get3A_758 = arith.index_cast %mul3A_755 : i32 to index
      %get3A_759 = tpu.vector_load %arg4[%get3A_757, %get3A_758] {strides = array<i32>} : memref<2x32768xf32, #tpu.memory_space<vmem>>, vector<16xf32>,
      %mul3A_760 = arith.constant 16 : i32
      %mul3A_761 = arith.muli %scan3A_315, %mul3A_760 : i32
      %add3A_762 = arith.constant 12 : i32
      %add3A_763 = arith.addi %mul3A_761, %add3A_762 : i32
      %add3A_764 = arith.constant 1 : i32
      %add3A_765 = arith.addi %add3A_763, %add3A_764 : i32
      %mul3A_766 = arith.constant 16 : i32
      %mul3A_767 = arith.muli %add3A_765, %mul3A_766 : i32
      %get3A_768 = arith.constant 1 : i32
      %get3A_769 = arith.index_cast %get3A_768 : i32 to index
      %get3A_770 = arith.index_cast %mul3A_767 : i32 to index
      %get3A_771 = tpu.vector_load %arg4[%get3A_769, %get3A_770] {strides = array<i32>} : memref<2x32768xf32, #tpu.memory_space<vmem>>, vector<16xf32>,
      %gt3A_772 = arith.cmpf ogt, %get3A_759, %sub3A_109 : vector<16xf32>
      %jit3A_773 = arith.constant 1.000000e+00 : f32
      %broadcast_in_dim3A_774 = vector.broadcast %jit3A_773 : f32 to vector<16xf32>
      %select_n3A_775 = arith.select %gt3A_772, %broadcast_in_dim3A_774, %select_n3A_745 : vector<16xi1>, vector<16xf32>
      %gt3A_776 = arith.cmpf ogt, %get3A_771, %sub3A_109 : vector<16xf32>
      %jit3A_777 = arith.constant 1.000000e+00 : f32
      %broadcast_in_dim3A_778 = vector.broadcast %jit3A_777 : f32 to vector<16xf32>
      %select_n3A_779 = arith.select %gt3A_776, %broadcast_in_dim3A_778, %select_n3A_749 : vector<16xi1>, vector<16xf32>
      %mul3A_780 = arith.constant 16 : i32
      %mul3A_781 = arith.muli %scan3A_315, %mul3A_780 : i32
      %add3A_782 = arith.constant 14 : i32
      %add3A_783 = arith.addi %mul3A_781, %add3A_782 : i32
      %mul3A_784 = arith.constant 16 : i32
      %mul3A_785 = arith.muli %add3A_783, %mul3A_784 : i32
      %get3A_786 = arith.constant 1 : i32
      %get3A_787 = arith.index_cast %get3A_786 : i32 to index
      %get3A_788 = arith.index_cast %mul3A_785 : i32 to index
      %get3A_789 = tpu.vector_load %arg4[%get3A_787, %get3A_788] {strides = array<i32>} : memref<2x32768xf32, #tpu.memory_space<vmem>>, vector<16xf32>,
      %mul3A_790 = arith.constant 16 : i32
      %mul3A_791 = arith.muli %scan3A_315, %mul3A_790 : i32
      %add3A_792 = arith.constant 14 : i32
      %add3A_793 = arith.addi %mul3A_791, %add3A_792 : i32
      %add3A_794 = arith.constant 1 : i32
      %add3A_795 = arith.addi %add3A_793, %add3A_794 : i32
      %mul3A_796 = arith.constant 16 : i32
      %mul3A_797 = arith.muli %add3A_795, %mul3A_796 : i32
      %get3A_798 = arith.constant 1 : i32
      %get3A_799 = arith.index_cast %get3A_798 : i32 to index
      %get3A_800 = arith.index_cast %mul3A_797 : i32 to index
      %get3A_801 = tpu.vector_load %arg4[%get3A_799, %get3A_800] {strides = array<i32>} : memref<2x32768xf32, #tpu.memory_space<vmem>>, vector<16xf32>,
      %gt3A_802 = arith.cmpf ogt, %get3A_789, %sub3A_109 : vector<16xf32>
      %jit3A_803 = arith.constant 1.000000e+00 : f32
      %broadcast_in_dim3A_804 = vector.broadcast %jit3A_803 : f32 to vector<16xf32>
      %select_n3A_805 = arith.select %gt3A_802, %broadcast_in_dim3A_804, %select_n3A_775 : vector<16xi1>, vector<16xf32>
      %gt3A_806 = arith.cmpf ogt, %get3A_801, %sub3A_109 : vector<16xf32>
      %jit3A_807 = arith.constant 1.000000e+00 : f32
      %broadcast_in_dim3A_808 = vector.broadcast %jit3A_807 : f32 to vector<16xf32>
      %select_n3A_809 = arith.select %gt3A_806, %broadcast_in_dim3A_808, %select_n3A_779 : vector<16xi1>, vector<16xf32>
      %add3A_810 = arith.addf %select_n3A_805, %select_n3A_809 : vector<16xf32>
      %mul3A_811 = arith.constant 16 : i32
      %mul3A_812 = arith.muli %scan3A_315, %mul3A_811 : i32
      %swap3A_813 = arith.constant 1 : i32
      %swap3A_814 = arith.index_cast %swap3A_813 : i32 to index
      %swap3A_815 = arith.index_cast %mul3A_812 : i32 to index
      %swap3A_816 = tpu.vector_load %arg5[%swap3A_814, %swap3A_815] {strides = array<i32>} : memref<2x2064xf32, #tpu.memory_space<vmem>>, vector<16xf32>,
      tpu.vector_store %arg5[%swap3A_814, %swap3A_815], %add3A_810 {strides = array<i32>} : memref<2x2064xf32, #tpu.memory_space<vmem>>, vector<16xf32>,
    }
    %scan3A_115 = arith.constant 128 : i32
    %scan3A_116 = arith.constant 0 : i32
    %scan3A_117 = arith.constant 0 : i32
    %scan3A_118 = arith.constant 16 : i32
    %scan3A_119 = arith.addi %scan3A_117, %scan3A_118 : i32
    %scan3A_120 = arith.constant 1 : i32
    %scan3A_121 = scf.for %scan3A_315 = %scan3A_117 to %scan3A_119 step %scan3A_120 iter_args(%scan3A_316 = %scan3A_116) -> (i32)  : i32 {
      %mul3A_317 = arith.constant 8 : i32
      %mul3A_318 = arith.muli %scan3A_315, %mul3A_317 : i32
      %add3A_319 = arith.constant 0 : i32
      %add3A_320 = arith.addi %mul3A_318, %add3A_319 : i32
      %mul3A_321 = arith.constant 16 : i32
      %mul3A_322 = arith.muli %add3A_320, %mul3A_321 : i32
      %get3A = arith.constant 0 : i32
      %get3A_323 = arith.index_cast %get3A : i32 to index
      %get3A_324 = arith.index_cast %mul3A_322 : i32 to index
      %get3A_325 = tpu.vector_load %arg5[%get3A_323, %get3A_324] {strides = array<i32>} : memref<2x2064xf32, #tpu.memory_space<vmem>>, vector<16xf32>,
      %mul3A_326 = arith.constant 8 : i32
      %mul3A_327 = arith.muli %scan3A_315, %mul3A_326 : i32
      %add3A_328 = arith.constant 1 : i32
      %add3A_329 = arith.addi %mul3A_327, %add3A_328 : i32
      %mul3A_330 = arith.constant 16 : i32
      %mul3A_331 = arith.muli %add3A_329, %mul3A_330 : i32
      %get3A_332 = arith.constant 0 : i32
      %get3A_333 = arith.index_cast %get3A_332 : i32 to index
      %get3A_334 = arith.index_cast %mul3A_331 : i32 to index
      %get3A_335 = tpu.vector_load %arg5[%get3A_333, %get3A_334] {strides = array<i32>} : memref<2x2064xf32, #tpu.memory_space<vmem>>, vector<16xf32>,
      %mul3A_336 = arith.constant 8 : i32
      %mul3A_337 = arith.muli %scan3A_315, %mul3A_336 : i32
      %add3A_338 = arith.constant 2 : i32
      %add3A_339 = arith.addi %mul3A_337, %add3A_338 : i32
      %mul3A_340 = arith.constant 16 : i32
      %mul3A_341 = arith.muli %add3A_339, %mul3A_340 : i32
      %get3A_342 = arith.constant 0 : i32
      %get3A_343 = arith.index_cast %get3A_342 : i32 to index
      %get3A_344 = arith.index_cast %mul3A_341 : i32 to index
      %get3A_345 = tpu.vector_load %arg5[%get3A_343, %get3A_344] {strides = array<i32>} : memref<2x2064xf32, #tpu.memory_space<vmem>>, vector<16xf32>,
      %mul3A_346 = arith.constant 8 : i32
      %mul3A_347 = arith.muli %scan3A_315, %mul3A_346 : i32
      %add3A_348 = arith.constant 3 : i32
      %add3A_349 = arith.addi %mul3A_347, %add3A_348 : i32
      %mul3A_350 = arith.constant 16 : i32
      %mul3A_351 = arith.muli %add3A_349, %mul3A_350 : i32
      %get3A_352 = arith.constant 0 : i32
      %get3A_353 = arith.index_cast %get3A_352 : i32 to index
      %get3A_354 = arith.index_cast %mul3A_351 : i32 to index
      %get3A_355 = tpu.vector_load %arg5[%get3A_353, %get3A_354] {strides = array<i32>} : memref<2x2064xf32, #tpu.memory_space<vmem>>, vector<16xf32>,
      %mul3A_356 = arith.constant 8 : i32
      %mul3A_357 = arith.muli %scan3A_315, %mul3A_356 : i32
      %add3A_358 = arith.constant 4 : i32
      %add3A_359 = arith.addi %mul3A_357, %add3A_358 : i32
      %mul3A_360 = arith.constant 16 : i32
      %mul3A_361 = arith.muli %add3A_359, %mul3A_360 : i32
      %get3A_362 = arith.constant 0 : i32
      %get3A_363 = arith.index_cast %get3A_362 : i32 to index
      %get3A_364 = arith.index_cast %mul3A_361 : i32 to index
      %get3A_365 = tpu.vector_load %arg5[%get3A_363, %get3A_364] {strides = array<i32>} : memref<2x2064xf32, #tpu.memory_space<vmem>>, vector<16xf32>,
      %mul3A_366 = arith.constant 8 : i32
      %mul3A_367 = arith.muli %scan3A_315, %mul3A_366 : i32
      %add3A_368 = arith.constant 5 : i32
      %add3A_369 = arith.addi %mul3A_367, %add3A_368 : i32
      %mul3A_370 = arith.constant 16 : i32
      %mul3A_371 = arith.muli %add3A_369, %mul3A_370 : i32
      %get3A_372 = arith.constant 0 : i32
      %get3A_373 = arith.index_cast %get3A_372 : i32 to index
      %get3A_374 = arith.index_cast %mul3A_371 : i32 to index
      %get3A_375 = tpu.vector_load %arg5[%get3A_373, %get3A_374] {strides = array<i32>} : memref<2x2064xf32, #tpu.memory_space<vmem>>, vector<16xf32>,
      %mul3A_376 = arith.constant 8 : i32
      %mul3A_377 = arith.muli %scan3A_315, %mul3A_376 : i32
      %add3A_378 = arith.constant 6 : i32
      %add3A_379 = arith.addi %mul3A_377, %add3A_378 : i32
      %mul3A_380 = arith.constant 16 : i32
      %mul3A_381 = arith.muli %add3A_379, %mul3A_380 : i32
      %get3A_382 = arith.constant 0 : i32
      %get3A_383 = arith.index_cast %get3A_382 : i32 to index
      %get3A_384 = arith.index_cast %mul3A_381 : i32 to index
      %get3A_385 = tpu.vector_load %arg5[%get3A_383, %get3A_384] {strides = array<i32>} : memref<2x2064xf32, #tpu.memory_space<vmem>>, vector<16xf32>,
      %mul3A_386 = arith.constant 8 : i32
      %mul3A_387 = arith.muli %scan3A_315, %mul3A_386 : i32
      %add3A_388 = arith.constant 7 : i32
      %add3A_389 = arith.addi %mul3A_387, %add3A_388 : i32
      %mul3A_390 = arith.constant 16 : i32
      %mul3A_391 = arith.muli %add3A_389, %mul3A_390 : i32
      %get3A_392 = arith.constant 0 : i32
      %get3A_393 = arith.index_cast %get3A_392 : i32 to index
      %get3A_394 = arith.index_cast %mul3A_391 : i32 to index
      %get3A_395 = tpu.vector_load %arg5[%get3A_393, %get3A_394] {strides = array<i32>} : memref<2x2064xf32, #tpu.memory_space<vmem>>, vector<16xf32>,
      %gt3A_396 = arith.constant 0.000000e+00 : f32
      %gt3A_397 = vector.broadcast %gt3A_396 : f32 to vector<16xf32>
      %gt3A_398 = arith.cmpf ogt, %get3A_325, %gt3A_397 : vector<16xf32>
      %gt3A_399 = arith.constant 0.000000e+00 : f32
      %gt3A_400 = vector.broadcast %gt3A_399 : f32 to vector<16xf32>
      %gt3A_401 = arith.cmpf ogt, %get3A_335, %gt3A_400 : vector<16xf32>
      %gt3A_402 = arith.constant 0.000000e+00 : f32
      %gt3A_403 = vector.broadcast %gt3A_402 : f32 to vector<16xf32>
      %gt3A_404 = arith.cmpf ogt, %get3A_345, %gt3A_403 : vector<16xf32>
      %gt3A_405 = arith.constant 0.000000e+00 : f32
      %gt3A_406 = vector.broadcast %gt3A_405 : f32 to vector<16xf32>
      %gt3A_407 = arith.cmpf ogt, %get3A_355, %gt3A_406 : vector<16xf32>
      %gt3A_408 = arith.constant 0.000000e+00 : f32
      %gt3A_409 = vector.broadcast %gt3A_408 : f32 to vector<16xf32>
      %gt3A_410 = arith.cmpf ogt, %get3A_365, %gt3A_409 : vector<16xf32>
      %gt3A_411 = arith.constant 0.000000e+00 : f32
      %gt3A_412 = vector.broadcast %gt3A_411 : f32 to vector<16xf32>
      %gt3A_413 = arith.cmpf ogt, %get3A_375, %gt3A_412 : vector<16xf32>
      %gt3A_414 = arith.constant 0.000000e+00 : f32
      %gt3A_415 = vector.broadcast %gt3A_414 : f32 to vector<16xf32>
      %gt3A_416 = arith.cmpf ogt, %get3A_385, %gt3A_415 : vector<16xf32>
      %gt3A_417 = arith.constant 0.000000e+00 : f32
      %gt3A_418 = vector.broadcast %gt3A_417 : f32 to vector<16xf32>
      %gt3A_419 = arith.cmpf ogt, %get3A_395, %gt3A_418 : vector<16xf32>
      %all_reduce_population_count3A = tpu.all_reduce %gt3A_398 {dim = 0 : i64, kind = #tpu.reduction_kind<sum>} : vector<16xi1> -> vector<16xi32>
      %all_reduce_population_count3A_420 = tpu.all_reduce %gt3A_401 {dim = 0 : i64, kind = #tpu.reduction_kind<sum>} : vector<16xi1> -> vector<16xi32>
      %all_reduce_population_count3A_421 = tpu.all_reduce %gt3A_404 {dim = 0 : i64, kind = #tpu.reduction_kind<sum>} : vector<16xi1> -> vector<16xi32>
      %all_reduce_population_count3A_422 = tpu.all_reduce %gt3A_407 {dim = 0 : i64, kind = #tpu.reduction_kind<sum>} : vector<16xi1> -> vector<16xi32>
      %all_reduce_population_count3A_423 = tpu.all_reduce %gt3A_410 {dim = 0 : i64, kind = #tpu.reduction_kind<sum>} : vector<16xi1> -> vector<16xi32>
      %all_reduce_population_count3A_424 = tpu.all_reduce %gt3A_413 {dim = 0 : i64, kind = #tpu.reduction_kind<sum>} : vector<16xi1> -> vector<16xi32>
      %all_reduce_population_count3A_425 = tpu.all_reduce %gt3A_416 {dim = 0 : i64, kind = #tpu.reduction_kind<sum>} : vector<16xi1> -> vector<16xi32>
      %all_reduce_population_count3A_426 = tpu.all_reduce %gt3A_419 {dim = 0 : i64, kind = #tpu.reduction_kind<sum>} : vector<16xi1> -> vector<16xi32>
      %gt3A_427 = arith.constant 0 : i32
      %gt3A_428 = vector.broadcast %gt3A_427 : i32 to vector<16xi32>
      %gt3A_429 = arith.cmpi sgt, %all_reduce_population_count3A, %gt3A_428 : vector<16xi32>
      %mul3A_430 = arith.constant 8 : i32
      %mul3A_431 = arith.muli %scan3A_315, %mul3A_430 : i32
      %add3A_432 = arith.constant 0 : i32
      %add3A_433 = arith.addi %mul3A_431, %add3A_432 : i32
      %broadcast_in_dim3A_434 = vector.broadcast %add3A_433 : i32 to vector<16xi32>
      %and3A_435 = arith.andi %gt3A_429, %eq3A_27 : vector<16xi1>
      %swap3A_436 = arith.index_cast %scan3A_316 : i32 to index
      %swap3A_437 = tpu.vector_load %arg6[%swap3A_436] masked %and3A_435 {strides = array<i32>} : memref<144xi32, #tpu.memory_space<vmem>>, vector<16xi32>, vector<16xi1>
      tpu.vector_store %arg6[%swap3A_436], %broadcast_in_dim3A_434 masked %and3A_435 {strides = array<i32>} : memref<144xi32, #tpu.memory_space<vmem>>, vector<16xi32>, vector<16xi1>
      %slice3A = vector.extract_strided_slice %all_reduce_population_count3A {offsets = [0], sizes = [1], strides = [1]} : vector<16xi32> to vector<1xi32>
      %squeeze3A = vector.extract %slice3A[0] : i32 from vector<1xi32>
      %min3A = arith.constant 1 : i32
      %min3A_438 = arith.minsi %squeeze3A, %min3A : i32
      %add3A_439 = arith.addi %scan3A_316, %min3A_438 : i32
      %gt3A_440 = arith.constant 0 : i32
      %gt3A_441 = vector.broadcast %gt3A_440 : i32 to vector<16xi32>
      %gt3A_442 = arith.cmpi sgt, %all_reduce_population_count3A_420, %gt3A_441 : vector<16xi32>
      %mul3A_443 = arith.constant 8 : i32
      %mul3A_444 = arith.muli %scan3A_315, %mul3A_443 : i32
      %add3A_445 = arith.constant 1 : i32
      %add3A_446 = arith.addi %mul3A_444, %add3A_445 : i32
      %broadcast_in_dim3A_447 = vector.broadcast %add3A_446 : i32 to vector<16xi32>
      %and3A_448 = arith.andi %gt3A_442, %eq3A_27 : vector<16xi1>
      %swap3A_449 = arith.index_cast %add3A_439 : i32 to index
      %swap3A_450 = tpu.vector_load %arg6[%swap3A_449] masked %and3A_448 {strides = array<i32>} : memref<144xi32, #tpu.memory_space<vmem>>, vector<16xi32>, vector<16xi1>
      tpu.vector_store %arg6[%swap3A_449], %broadcast_in_dim3A_447 masked %and3A_448 {strides = array<i32>} : memref<144xi32, #tpu.memory_space<vmem>>, vector<16xi32>, vector<16xi1>
      %slice3A_451 = vector.extract_strided_slice %all_reduce_population_count3A_420 {offsets = [0], sizes = [1], strides = [1]} : vector<16xi32> to vector<1xi32>
      %squeeze3A_452 = vector.extract %slice3A_451[0] : i32 from vector<1xi32>
      %min3A_453 = arith.constant 1 : i32
      %min3A_454 = arith.minsi %squeeze3A_452, %min3A_453 : i32
      %add3A_455 = arith.addi %add3A_439, %min3A_454 : i32
      %gt3A_456 = arith.constant 0 : i32
      %gt3A_457 = vector.broadcast %gt3A_456 : i32 to vector<16xi32>
      %gt3A_458 = arith.cmpi sgt, %all_reduce_population_count3A_421, %gt3A_457 : vector<16xi32>
      %mul3A_459 = arith.constant 8 : i32
      %mul3A_460 = arith.muli %scan3A_315, %mul3A_459 : i32
      %add3A_461 = arith.constant 2 : i32
      %add3A_462 = arith.addi %mul3A_460, %add3A_461 : i32
      %broadcast_in_dim3A_463 = vector.broadcast %add3A_462 : i32 to vector<16xi32>
      %and3A_464 = arith.andi %gt3A_458, %eq3A_27 : vector<16xi1>
      %swap3A_465 = arith.index_cast %add3A_455 : i32 to index
      %swap3A_466 = tpu.vector_load %arg6[%swap3A_465] masked %and3A_464 {strides = array<i32>} : memref<144xi32, #tpu.memory_space<vmem>>, vector<16xi32>, vector<16xi1>
      tpu.vector_store %arg6[%swap3A_465], %broadcast_in_dim3A_463 masked %and3A_464 {strides = array<i32>} : memref<144xi32, #tpu.memory_space<vmem>>, vector<16xi32>, vector<16xi1>
      %slice3A_467 = vector.extract_strided_slice %all_reduce_population_count3A_421 {offsets = [0], sizes = [1], strides = [1]} : vector<16xi32> to vector<1xi32>
      %squeeze3A_468 = vector.extract %slice3A_467[0] : i32 from vector<1xi32>
      %min3A_469 = arith.constant 1 : i32
      %min3A_470 = arith.minsi %squeeze3A_468, %min3A_469 : i32
      %add3A_471 = arith.addi %add3A_455, %min3A_470 : i32
      %gt3A_472 = arith.constant 0 : i32
      %gt3A_473 = vector.broadcast %gt3A_472 : i32 to vector<16xi32>
      %gt3A_474 = arith.cmpi sgt, %all_reduce_population_count3A_422, %gt3A_473 : vector<16xi32>
      %mul3A_475 = arith.constant 8 : i32
      %mul3A_476 = arith.muli %scan3A_315, %mul3A_475 : i32
      %add3A_477 = arith.constant 3 : i32
      %add3A_478 = arith.addi %mul3A_476, %add3A_477 : i32
      %broadcast_in_dim3A_479 = vector.broadcast %add3A_478 : i32 to vector<16xi32>
      %and3A_480 = arith.andi %gt3A_474, %eq3A_27 : vector<16xi1>
      %swap3A_481 = arith.index_cast %add3A_471 : i32 to index
      %swap3A_482 = tpu.vector_load %arg6[%swap3A_481] masked %and3A_480 {strides = array<i32>} : memref<144xi32, #tpu.memory_space<vmem>>, vector<16xi32>, vector<16xi1>
      tpu.vector_store %arg6[%swap3A_481], %broadcast_in_dim3A_479 masked %and3A_480 {strides = array<i32>} : memref<144xi32, #tpu.memory_space<vmem>>, vector<16xi32>, vector<16xi1>
      %slice3A_483 = vector.extract_strided_slice %all_reduce_population_count3A_422 {offsets = [0], sizes = [1], strides = [1]} : vector<16xi32> to vector<1xi32>
      %squeeze3A_484 = vector.extract %slice3A_483[0] : i32 from vector<1xi32>
      %min3A_485 = arith.constant 1 : i32
      %min3A_486 = arith.minsi %squeeze3A_484, %min3A_485 : i32
      %add3A_487 = arith.addi %add3A_471, %min3A_486 : i32
      %gt3A_488 = arith.constant 0 : i32
      %gt3A_489 = vector.broadcast %gt3A_488 : i32 to vector<16xi32>
      %gt3A_490 = arith.cmpi sgt, %all_reduce_population_count3A_423, %gt3A_489 : vector<16xi32>
      %mul3A_491 = arith.constant 8 : i32
      %mul3A_492 = arith.muli %scan3A_315, %mul3A_491 : i32
      %add3A_493 = arith.constant 4 : i32
      %add3A_494 = arith.addi %mul3A_492, %add3A_493 : i32
      %broadcast_in_dim3A_495 = vector.broadcast %add3A_494 : i32 to vector<16xi32>
      %and3A_496 = arith.andi %gt3A_490, %eq3A_27 : vector<16xi1>
      %swap3A_497 = arith.index_cast %add3A_487 : i32 to index
      %swap3A_498 = tpu.vector_load %arg6[%swap3A_497] masked %and3A_496 {strides = array<i32>} : memref<144xi32, #tpu.memory_space<vmem>>, vector<16xi32>, vector<16xi1>
      tpu.vector_store %arg6[%swap3A_497], %broadcast_in_dim3A_495 masked %and3A_496 {strides = array<i32>} : memref<144xi32, #tpu.memory_space<vmem>>, vector<16xi32>, vector<16xi1>
      %slice3A_499 = vector.extract_strided_slice %all_reduce_population_count3A_423 {offsets = [0], sizes = [1], strides = [1]} : vector<16xi32> to vector<1xi32>
      %squeeze3A_500 = vector.extract %slice3A_499[0] : i32 from vector<1xi32>
      %min3A_501 = arith.constant 1 : i32
      %min3A_502 = arith.minsi %squeeze3A_500, %min3A_501 : i32
      %add3A_503 = arith.addi %add3A_487, %min3A_502 : i32
      %gt3A_504 = arith.constant 0 : i32
      %gt3A_505 = vector.broadcast %gt3A_504 : i32 to vector<16xi32>
      %gt3A_506 = arith.cmpi sgt, %all_reduce_population_count3A_424, %gt3A_505 : vector<16xi32>
      %mul3A_507 = arith.constant 8 : i32
      %mul3A_508 = arith.muli %scan3A_315, %mul3A_507 : i32
      %add3A_509 = arith.constant 5 : i32
      %add3A_510 = arith.addi %mul3A_508, %add3A_509 : i32
      %broadcast_in_dim3A_511 = vector.broadcast %add3A_510 : i32 to vector<16xi32>
      %and3A_512 = arith.andi %gt3A_506, %eq3A_27 : vector<16xi1>
      %swap3A_513 = arith.index_cast %add3A_503 : i32 to index
      %swap3A_514 = tpu.vector_load %arg6[%swap3A_513] masked %and3A_512 {strides = array<i32>} : memref<144xi32, #tpu.memory_space<vmem>>, vector<16xi32>, vector<16xi1>
      tpu.vector_store %arg6[%swap3A_513], %broadcast_in_dim3A_511 masked %and3A_512 {strides = array<i32>} : memref<144xi32, #tpu.memory_space<vmem>>, vector<16xi32>, vector<16xi1>
      %slice3A_515 = vector.extract_strided_slice %all_reduce_population_count3A_424 {offsets = [0], sizes = [1], strides = [1]} : vector<16xi32> to vector<1xi32>
      %squeeze3A_516 = vector.extract %slice3A_515[0] : i32 from vector<1xi32>
      %min3A_517 = arith.constant 1 : i32
      %min3A_518 = arith.minsi %squeeze3A_516, %min3A_517 : i32
      %add3A_519 = arith.addi %add3A_503, %min3A_518 : i32
      %gt3A_520 = arith.constant 0 : i32
      %gt3A_521 = vector.broadcast %gt3A_520 : i32 to vector<16xi32>
      %gt3A_522 = arith.cmpi sgt, %all_reduce_population_count3A_425, %gt3A_521 : vector<16xi32>
      %mul3A_523 = arith.constant 8 : i32
      %mul3A_524 = arith.muli %scan3A_315, %mul3A_523 : i32
      %add3A_525 = arith.constant 6 : i32
      %add3A_526 = arith.addi %mul3A_524, %add3A_525 : i32
      %broadcast_in_dim3A_527 = vector.broadcast %add3A_526 : i32 to vector<16xi32>
      %and3A_528 = arith.andi %gt3A_522, %eq3A_27 : vector<16xi1>
      %swap3A_529 = arith.index_cast %add3A_519 : i32 to index
      %swap3A_530 = tpu.vector_load %arg6[%swap3A_529] masked %and3A_528 {strides = array<i32>} : memref<144xi32, #tpu.memory_space<vmem>>, vector<16xi32>, vector<16xi1>
      tpu.vector_store %arg6[%swap3A_529], %broadcast_in_dim3A_527 masked %and3A_528 {strides = array<i32>} : memref<144xi32, #tpu.memory_space<vmem>>, vector<16xi32>, vector<16xi1>
      %slice3A_531 = vector.extract_strided_slice %all_reduce_population_count3A_425 {offsets = [0], sizes = [1], strides = [1]} : vector<16xi32> to vector<1xi32>
      %squeeze3A_532 = vector.extract %slice3A_531[0] : i32 from vector<1xi32>
      %min3A_533 = arith.constant 1 : i32
      %min3A_534 = arith.minsi %squeeze3A_532, %min3A_533 : i32
      %add3A_535 = arith.addi %add3A_519, %min3A_534 : i32
      %gt3A_536 = arith.constant 0 : i32
      %gt3A_537 = vector.broadcast %gt3A_536 : i32 to vector<16xi32>
      %gt3A_538 = arith.cmpi sgt, %all_reduce_population_count3A_426, %gt3A_537 : vector<16xi32>
      %mul3A_539 = arith.constant 8 : i32
      %mul3A_540 = arith.muli %scan3A_315, %mul3A_539 : i32
      %add3A_541 = arith.constant 7 : i32
      %add3A_542 = arith.addi %mul3A_540, %add3A_541 : i32
      %broadcast_in_dim3A_543 = vector.broadcast %add3A_542 : i32 to vector<16xi32>
      %and3A_544 = arith.andi %gt3A_538, %eq3A_27 : vector<16xi1>
      %swap3A_545 = arith.index_cast %add3A_535 : i32 to index
      %swap3A_546 = tpu.vector_load %arg6[%swap3A_545] masked %and3A_544 {strides = array<i32>} : memref<144xi32, #tpu.memory_space<vmem>>, vector<16xi32>, vector<16xi1>
      tpu.vector_store %arg6[%swap3A_545], %broadcast_in_dim3A_543 masked %and3A_544 {strides = array<i32>} : memref<144xi32, #tpu.memory_space<vmem>>, vector<16xi32>, vector<16xi1>
      %slice3A_547 = vector.extract_strided_slice %all_reduce_population_count3A_426 {offsets = [0], sizes = [1], strides = [1]} : vector<16xi32> to vector<1xi32>
      %squeeze3A_548 = vector.extract %slice3A_547[0] : i32 from vector<1xi32>
      %min3A_549 = arith.constant 1 : i32
      %min3A_550 = arith.minsi %squeeze3A_548, %min3A_549 : i32
      %add3A_551 = arith.addi %add3A_535, %min3A_550 : i32
      scf.yield %add3A_551 : i32
    }
    %scan3A_122 = arith.constant 16 : i32
    %while3A = arith.constant 0 : i32
    %while3A_123 = arith.constant 0 : i32
    %while3A_124 = arith.subi %scan3A_121, %while3A : i32
    %while3A_125 = arith.addi %while3A, %while3A_124 : i32
    %while3A_126 = arith.constant 1 : i32
    %while3A_127 = arith.divsi %while3A_124, %while3A_126 : i32
    %while3A_128 = arith.muli %while3A_127, %while3A_126 : i32
    %while3A_129 = arith.addi %while3A, %while3A_128 : i32
    %while3A_130 = arith.constant 1 : i32
    %while3A_131 = scf.for %while3A_315 = %while3A to %while3A_129 step %while3A_130 iter_args(%while3A_316 = %while3A_123) -> (i32)  : i32 {
      %get3A = arith.index_cast %while3A_315 : i32 to index
      %get3A_317 = tpu.vector_load %arg6[%get3A] {strides = array<i32>} : memref<144xi32, #tpu.memory_space<vmem>>, vector<16xi32>,
      %slice3A = vector.extract_strided_slice %get3A_317 {offsets = [0], sizes = [1], strides = [1]} : vector<16xi32> to vector<1xi32>
      %squeeze3A = vector.extract %slice3A[0] : i32 from vector<1xi32>
      %mul3A_318 = arith.constant 16 : i32
      %mul3A_319 = arith.muli %squeeze3A, %mul3A_318 : i32
      %add3A_320 = arith.constant 0 : i32
      %add3A_321 = arith.addi %mul3A_319, %add3A_320 : i32
      %add3A_322 = arith.constant 0 : i32
      %add3A_323 = arith.addi %add3A_321, %add3A_322 : i32
      %mul3A_324 = arith.constant 16 : i32
      %mul3A_325 = arith.muli %add3A_323, %mul3A_324 : i32
      %get3A_326 = arith.constant 0 : i32
      %get3A_327 = arith.index_cast %get3A_326 : i32 to index
      %get3A_328 = arith.index_cast %mul3A_325 : i32 to index
      %get3A_329 = tpu.vector_load %arg4[%get3A_327, %get3A_328] {strides = array<i32>} : memref<2x32768xf32, #tpu.memory_space<vmem>>, vector<16xf32>,
      %mul3A_330 = arith.constant 16 : i32
      %mul3A_331 = arith.muli %squeeze3A, %mul3A_330 : i32
      %add3A_332 = arith.constant 0 : i32
      %add3A_333 = arith.addi %mul3A_331, %add3A_332 : i32
      %add3A_334 = arith.constant 1 : i32
      %add3A_335 = arith.addi %add3A_333, %add3A_334 : i32
      %mul3A_336 = arith.constant 16 : i32
      %mul3A_337 = arith.muli %add3A_335, %mul3A_336 : i32
      %get3A_338 = arith.constant 0 : i32
      %get3A_339 = arith.index_cast %get3A_338 : i32 to index
      %get3A_340 = arith.index_cast %mul3A_337 : i32 to index
      %get3A_341 = tpu.vector_load %arg4[%get3A_339, %get3A_340] {strides = array<i32>} : memref<2x32768xf32, #tpu.memory_space<vmem>>, vector<16xf32>,
      %mul3A_342 = arith.constant 16 : i32
      %mul3A_343 = arith.muli %squeeze3A, %mul3A_342 : i32
      %add3A_344 = arith.constant 0 : i32
      %add3A_345 = arith.addi %mul3A_343, %add3A_344 : i32
      %add3A_346 = arith.constant 2 : i32
      %add3A_347 = arith.addi %add3A_345, %add3A_346 : i32
      %mul3A_348 = arith.constant 16 : i32
      %mul3A_349 = arith.muli %add3A_347, %mul3A_348 : i32
      %get3A_350 = arith.constant 0 : i32
      %get3A_351 = arith.index_cast %get3A_350 : i32 to index
      %get3A_352 = arith.index_cast %mul3A_349 : i32 to index
      %get3A_353 = tpu.vector_load %arg4[%get3A_351, %get3A_352] {strides = array<i32>} : memref<2x32768xf32, #tpu.memory_space<vmem>>, vector<16xf32>,
      %mul3A_354 = arith.constant 16 : i32
      %mul3A_355 = arith.muli %squeeze3A, %mul3A_354 : i32
      %add3A_356 = arith.constant 0 : i32
      %add3A_357 = arith.addi %mul3A_355, %add3A_356 : i32
      %add3A_358 = arith.constant 3 : i32
      %add3A_359 = arith.addi %add3A_357, %add3A_358 : i32
      %mul3A_360 = arith.constant 16 : i32
      %mul3A_361 = arith.muli %add3A_359, %mul3A_360 : i32
      %get3A_362 = arith.constant 0 : i32
      %get3A_363 = arith.index_cast %get3A_362 : i32 to index
      %get3A_364 = arith.index_cast %mul3A_361 : i32 to index
      %get3A_365 = tpu.vector_load %arg4[%get3A_363, %get3A_364] {strides = array<i32>} : memref<2x32768xf32, #tpu.memory_space<vmem>>, vector<16xf32>,
      %mul3A_366 = arith.constant 16 : i32
      %mul3A_367 = arith.muli %squeeze3A, %mul3A_366 : i32
      %add3A_368 = arith.constant 0 : i32
      %add3A_369 = arith.addi %mul3A_367, %add3A_368 : i32
      %add3A_370 = arith.constant 4 : i32
      %add3A_371 = arith.addi %add3A_369, %add3A_370 : i32
      %mul3A_372 = arith.constant 16 : i32
      %mul3A_373 = arith.muli %add3A_371, %mul3A_372 : i32
      %get3A_374 = arith.constant 0 : i32
      %get3A_375 = arith.index_cast %get3A_374 : i32 to index
      %get3A_376 = arith.index_cast %mul3A_373 : i32 to index
      %get3A_377 = tpu.vector_load %arg4[%get3A_375, %get3A_376] {strides = array<i32>} : memref<2x32768xf32, #tpu.memory_space<vmem>>, vector<16xf32>,
      %mul3A_378 = arith.constant 16 : i32
      %mul3A_379 = arith.muli %squeeze3A, %mul3A_378 : i32
      %add3A_380 = arith.constant 0 : i32
      %add3A_381 = arith.addi %mul3A_379, %add3A_380 : i32
      %add3A_382 = arith.constant 5 : i32
      %add3A_383 = arith.addi %add3A_381, %add3A_382 : i32
      %mul3A_384 = arith.constant 16 : i32
      %mul3A_385 = arith.muli %add3A_383, %mul3A_384 : i32
      %get3A_386 = arith.constant 0 : i32
      %get3A_387 = arith.index_cast %get3A_386 : i32 to index
      %get3A_388 = arith.index_cast %mul3A_385 : i32 to index
      %get3A_389 = tpu.vector_load %arg4[%get3A_387, %get3A_388] {strides = array<i32>} : memref<2x32768xf32, #tpu.memory_space<vmem>>, vector<16xf32>,
      %mul3A_390 = arith.constant 16 : i32
      %mul3A_391 = arith.muli %squeeze3A, %mul3A_390 : i32
      %add3A_392 = arith.constant 0 : i32
      %add3A_393 = arith.addi %mul3A_391, %add3A_392 : i32
      %add3A_394 = arith.constant 6 : i32
      %add3A_395 = arith.addi %add3A_393, %add3A_394 : i32
      %mul3A_396 = arith.constant 16 : i32
      %mul3A_397 = arith.muli %add3A_395, %mul3A_396 : i32
      %get3A_398 = arith.constant 0 : i32
      %get3A_399 = arith.index_cast %get3A_398 : i32 to index
      %get3A_400 = arith.index_cast %mul3A_397 : i32 to index
      %get3A_401 = tpu.vector_load %arg4[%get3A_399, %get3A_400] {strides = array<i32>} : memref<2x32768xf32, #tpu.memory_space<vmem>>, vector<16xf32>,
      %mul3A_402 = arith.constant 16 : i32
      %mul3A_403 = arith.muli %squeeze3A, %mul3A_402 : i32
      %add3A_404 = arith.constant 0 : i32
      %add3A_405 = arith.addi %mul3A_403, %add3A_404 : i32
      %add3A_406 = arith.constant 7 : i32
      %add3A_407 = arith.addi %add3A_405, %add3A_406 : i32
      %mul3A_408 = arith.constant 16 : i32
      %mul3A_409 = arith.muli %add3A_407, %mul3A_408 : i32
      %get3A_410 = arith.constant 0 : i32
      %get3A_411 = arith.index_cast %get3A_410 : i32 to index
      %get3A_412 = arith.index_cast %mul3A_409 : i32 to index
      %get3A_413 = tpu.vector_load %arg4[%get3A_411, %get3A_412] {strides = array<i32>} : memref<2x32768xf32, #tpu.memory_space<vmem>>, vector<16xf32>,
      %gt3A_414 = arith.cmpf ogt, %get3A_329, %sub3A_94 : vector<16xf32>
      %gt3A_415 = arith.cmpf ogt, %get3A_341, %sub3A_94 : vector<16xf32>
      %gt3A_416 = arith.cmpf ogt, %get3A_353, %sub3A_94 : vector<16xf32>
      %gt3A_417 = arith.cmpf ogt, %get3A_365, %sub3A_94 : vector<16xf32>
      %gt3A_418 = arith.cmpf ogt, %get3A_377, %sub3A_94 : vector<16xf32>
      %gt3A_419 = arith.cmpf ogt, %get3A_389, %sub3A_94 : vector<16xf32>
      %gt3A_420 = arith.cmpf ogt, %get3A_401, %sub3A_94 : vector<16xf32>
      %gt3A_421 = arith.cmpf ogt, %get3A_413, %sub3A_94 : vector<16xf32>
      %all_reduce_population_count3A = tpu.all_reduce %gt3A_414 {dim = 0 : i64, kind = #tpu.reduction_kind<sum>} : vector<16xi1> -> vector<16xi32>
      %all_reduce_population_count3A_422 = tpu.all_reduce %gt3A_415 {dim = 0 : i64, kind = #tpu.reduction_kind<sum>} : vector<16xi1> -> vector<16xi32>
      %all_reduce_population_count3A_423 = tpu.all_reduce %gt3A_416 {dim = 0 : i64, kind = #tpu.reduction_kind<sum>} : vector<16xi1> -> vector<16xi32>
      %all_reduce_population_count3A_424 = tpu.all_reduce %gt3A_417 {dim = 0 : i64, kind = #tpu.reduction_kind<sum>} : vector<16xi1> -> vector<16xi32>
      %all_reduce_population_count3A_425 = tpu.all_reduce %gt3A_418 {dim = 0 : i64, kind = #tpu.reduction_kind<sum>} : vector<16xi1> -> vector<16xi32>
      %all_reduce_population_count3A_426 = tpu.all_reduce %gt3A_419 {dim = 0 : i64, kind = #tpu.reduction_kind<sum>} : vector<16xi1> -> vector<16xi32>
      %all_reduce_population_count3A_427 = tpu.all_reduce %gt3A_420 {dim = 0 : i64, kind = #tpu.reduction_kind<sum>} : vector<16xi1> -> vector<16xi32>
      %all_reduce_population_count3A_428 = tpu.all_reduce %gt3A_421 {dim = 0 : i64, kind = #tpu.reduction_kind<sum>} : vector<16xi1> -> vector<16xi32>
      %swap3A_429 = arith.index_cast %while3A_316 : i32 to index
      %swap3A_430 = tpu.vector_load %arg7[%swap3A_429] masked %gt3A_414 {strides = array<i32>} : memref<32784xf32, #tpu.memory_space<vmem>>, vector<16xf32>, vector<16xi1>
      tpu.vector_store %arg7[%swap3A_429], %get3A_329 masked %gt3A_414 {strides = array<i32>} : memref<32784xf32, #tpu.memory_space<vmem>>, vector<16xf32>, vector<16xi1>
      %slice3A_431 = vector.extract_strided_slice %all_reduce_population_count3A {offsets = [0], sizes = [1], strides = [1]} : vector<16xi32> to vector<1xi32>
      %squeeze3A_432 = vector.extract %slice3A_431[0] : i32 from vector<1xi32>
      %add3A_433 = arith.addi %while3A_316, %squeeze3A_432 : i32
      %swap3A_434 = arith.index_cast %add3A_433 : i32 to index
      %swap3A_435 = tpu.vector_load %arg7[%swap3A_434] masked %gt3A_415 {strides = array<i32>} : memref<32784xf32, #tpu.memory_space<vmem>>, vector<16xf32>, vector<16xi1>
      tpu.vector_store %arg7[%swap3A_434], %get3A_341 masked %gt3A_415 {strides = array<i32>} : memref<32784xf32, #tpu.memory_space<vmem>>, vector<16xf32>, vector<16xi1>
      %slice3A_436 = vector.extract_strided_slice %all_reduce_population_count3A_422 {offsets = [0], sizes = [1], strides = [1]} : vector<16xi32> to vector<1xi32>
      %squeeze3A_437 = vector.extract %slice3A_436[0] : i32 from vector<1xi32>
      %add3A_438 = arith.addi %add3A_433, %squeeze3A_437 : i32
      %swap3A_439 = arith.index_cast %add3A_438 : i32 to index
      %swap3A_440 = tpu.vector_load %arg7[%swap3A_439] masked %gt3A_416 {strides = array<i32>} : memref<32784xf32, #tpu.memory_space<vmem>>, vector<16xf32>, vector<16xi1>
      tpu.vector_store %arg7[%swap3A_439], %get3A_353 masked %gt3A_416 {strides = array<i32>} : memref<32784xf32, #tpu.memory_space<vmem>>, vector<16xf32>, vector<16xi1>
      %slice3A_441 = vector.extract_strided_slice %all_reduce_population_count3A_423 {offsets = [0], sizes = [1], strides = [1]} : vector<16xi32> to vector<1xi32>
      %squeeze3A_442 = vector.extract %slice3A_441[0] : i32 from vector<1xi32>
      %add3A_443 = arith.addi %add3A_438, %squeeze3A_442 : i32
      %swap3A_444 = arith.index_cast %add3A_443 : i32 to index
      %swap3A_445 = tpu.vector_load %arg7[%swap3A_444] masked %gt3A_417 {strides = array<i32>} : memref<32784xf32, #tpu.memory_space<vmem>>, vector<16xf32>, vector<16xi1>
      tpu.vector_store %arg7[%swap3A_444], %get3A_365 masked %gt3A_417 {strides = array<i32>} : memref<32784xf32, #tpu.memory_space<vmem>>, vector<16xf32>, vector<16xi1>
      %slice3A_446 = vector.extract_strided_slice %all_reduce_population_count3A_424 {offsets = [0], sizes = [1], strides = [1]} : vector<16xi32> to vector<1xi32>
      %squeeze3A_447 = vector.extract %slice3A_446[0] : i32 from vector<1xi32>
      %add3A_448 = arith.addi %add3A_443, %squeeze3A_447 : i32
      %swap3A_449 = arith.index_cast %add3A_448 : i32 to index
      %swap3A_450 = tpu.vector_load %arg7[%swap3A_449] masked %gt3A_418 {strides = array<i32>} : memref<32784xf32, #tpu.memory_space<vmem>>, vector<16xf32>, vector<16xi1>
      tpu.vector_store %arg7[%swap3A_449], %get3A_377 masked %gt3A_418 {strides = array<i32>} : memref<32784xf32, #tpu.memory_space<vmem>>, vector<16xf32>, vector<16xi1>
      %slice3A_451 = vector.extract_strided_slice %all_reduce_population_count3A_425 {offsets = [0], sizes = [1], strides = [1]} : vector<16xi32> to vector<1xi32>
      %squeeze3A_452 = vector.extract %slice3A_451[0] : i32 from vector<1xi32>
      %add3A_453 = arith.addi %add3A_448, %squeeze3A_452 : i32
      %swap3A_454 = arith.index_cast %add3A_453 : i32 to index
      %swap3A_455 = tpu.vector_load %arg7[%swap3A_454] masked %gt3A_419 {strides = array<i32>} : memref<32784xf32, #tpu.memory_space<vmem>>, vector<16xf32>, vector<16xi1>
      tpu.vector_store %arg7[%swap3A_454], %get3A_389 masked %gt3A_419 {strides = array<i32>} : memref<32784xf32, #tpu.memory_space<vmem>>, vector<16xf32>, vector<16xi1>
      %slice3A_456 = vector.extract_strided_slice %all_reduce_population_count3A_426 {offsets = [0], sizes = [1], strides = [1]} : vector<16xi32> to vector<1xi32>
      %squeeze3A_457 = vector.extract %slice3A_456[0] : i32 from vector<1xi32>
      %add3A_458 = arith.addi %add3A_453, %squeeze3A_457 : i32
      %swap3A_459 = arith.index_cast %add3A_458 : i32 to index
      %swap3A_460 = tpu.vector_load %arg7[%swap3A_459] masked %gt3A_420 {strides = array<i32>} : memref<32784xf32, #tpu.memory_space<vmem>>, vector<16xf32>, vector<16xi1>
      tpu.vector_store %arg7[%swap3A_459], %get3A_401 masked %gt3A_420 {strides = array<i32>} : memref<32784xf32, #tpu.memory_space<vmem>>, vector<16xf32>, vector<16xi1>
      %slice3A_461 = vector.extract_strided_slice %all_reduce_population_count3A_427 {offsets = [0], sizes = [1], strides = [1]} : vector<16xi32> to vector<1xi32>
      %squeeze3A_462 = vector.extract %slice3A_461[0] : i32 from vector<1xi32>
      %add3A_463 = arith.addi %add3A_458, %squeeze3A_462 : i32
      %swap3A_464 = arith.index_cast %add3A_463 : i32 to index
      %swap3A_465 = tpu.vector_load %arg7[%swap3A_464] masked %gt3A_421 {strides = array<i32>} : memref<32784xf32, #tpu.memory_space<vmem>>, vector<16xf32>, vector<16xi1>
      tpu.vector_store %arg7[%swap3A_464], %get3A_413 masked %gt3A_421 {strides = array<i32>} : memref<32784xf32, #tpu.memory_space<vmem>>, vector<16xf32>, vector<16xi1>
      %slice3A_466 = vector.extract_strided_slice %all_reduce_population_count3A_428 {offsets = [0], sizes = [1], strides = [1]} : vector<16xi32> to vector<1xi32>
      %squeeze3A_467 = vector.extract %slice3A_466[0] : i32 from vector<1xi32>
      %add3A_468 = arith.addi %add3A_463, %squeeze3A_467 : i32
      %mul3A_469 = arith.constant 16 : i32
      %mul3A_470 = arith.muli %squeeze3A, %mul3A_469 : i32
      %add3A_471 = arith.constant 8 : i32
      %add3A_472 = arith.addi %mul3A_470, %add3A_471 : i32
      %add3A_473 = arith.constant 0 : i32
      %add3A_474 = arith.addi %add3A_472, %add3A_473 : i32
      %mul3A_475 = arith.constant 16 : i32
      %mul3A_476 = arith.muli %add3A_474, %mul3A_475 : i32
      %get3A_477 = arith.constant 0 : i32
      %get3A_478 = arith.index_cast %get3A_477 : i32 to index
      %get3A_479 = arith.index_cast %mul3A_476 : i32 to index
      %get3A_480 = tpu.vector_load %arg4[%get3A_478, %get3A_479] {strides = array<i32>} : memref<2x32768xf32, #tpu.memory_space<vmem>>, vector<16xf32>,
      %mul3A_481 = arith.constant 16 : i32
      %mul3A_482 = arith.muli %squeeze3A, %mul3A_481 : i32
      %add3A_483 = arith.constant 8 : i32
      %add3A_484 = arith.addi %mul3A_482, %add3A_483 : i32
      %add3A_485 = arith.constant 1 : i32
      %add3A_486 = arith.addi %add3A_484, %add3A_485 : i32
      %mul3A_487 = arith.constant 16 : i32
      %mul3A_488 = arith.muli %add3A_486, %mul3A_487 : i32
      %get3A_489 = arith.constant 0 : i32
      %get3A_490 = arith.index_cast %get3A_489 : i32 to index
      %get3A_491 = arith.index_cast %mul3A_488 : i32 to index
      %get3A_492 = tpu.vector_load %arg4[%get3A_490, %get3A_491] {strides = array<i32>} : memref<2x32768xf32, #tpu.memory_space<vmem>>, vector<16xf32>,
      %mul3A_493 = arith.constant 16 : i32
      %mul3A_494 = arith.muli %squeeze3A, %mul3A_493 : i32
      %add3A_495 = arith.constant 8 : i32
      %add3A_496 = arith.addi %mul3A_494, %add3A_495 : i32
      %add3A_497 = arith.constant 2 : i32
      %add3A_498 = arith.addi %add3A_496, %add3A_497 : i32
      %mul3A_499 = arith.constant 16 : i32
      %mul3A_500 = arith.muli %add3A_498, %mul3A_499 : i32
      %get3A_501 = arith.constant 0 : i32
      %get3A_502 = arith.index_cast %get3A_501 : i32 to index
      %get3A_503 = arith.index_cast %mul3A_500 : i32 to index
      %get3A_504 = tpu.vector_load %arg4[%get3A_502, %get3A_503] {strides = array<i32>} : memref<2x32768xf32, #tpu.memory_space<vmem>>, vector<16xf32>,
      %mul3A_505 = arith.constant 16 : i32
      %mul3A_506 = arith.muli %squeeze3A, %mul3A_505 : i32
      %add3A_507 = arith.constant 8 : i32
      %add3A_508 = arith.addi %mul3A_506, %add3A_507 : i32
      %add3A_509 = arith.constant 3 : i32
      %add3A_510 = arith.addi %add3A_508, %add3A_509 : i32
      %mul3A_511 = arith.constant 16 : i32
      %mul3A_512 = arith.muli %add3A_510, %mul3A_511 : i32
      %get3A_513 = arith.constant 0 : i32
      %get3A_514 = arith.index_cast %get3A_513 : i32 to index
      %get3A_515 = arith.index_cast %mul3A_512 : i32 to index
      %get3A_516 = tpu.vector_load %arg4[%get3A_514, %get3A_515] {strides = array<i32>} : memref<2x32768xf32, #tpu.memory_space<vmem>>, vector<16xf32>,
      %mul3A_517 = arith.constant 16 : i32
      %mul3A_518 = arith.muli %squeeze3A, %mul3A_517 : i32
      %add3A_519 = arith.constant 8 : i32
      %add3A_520 = arith.addi %mul3A_518, %add3A_519 : i32
      %add3A_521 = arith.constant 4 : i32
      %add3A_522 = arith.addi %add3A_520, %add3A_521 : i32
      %mul3A_523 = arith.constant 16 : i32
      %mul3A_524 = arith.muli %add3A_522, %mul3A_523 : i32
      %get3A_525 = arith.constant 0 : i32
      %get3A_526 = arith.index_cast %get3A_525 : i32 to index
      %get3A_527 = arith.index_cast %mul3A_524 : i32 to index
      %get3A_528 = tpu.vector_load %arg4[%get3A_526, %get3A_527] {strides = array<i32>} : memref<2x32768xf32, #tpu.memory_space<vmem>>, vector<16xf32>,
      %mul3A_529 = arith.constant 16 : i32
      %mul3A_530 = arith.muli %squeeze3A, %mul3A_529 : i32
      %add3A_531 = arith.constant 8 : i32
      %add3A_532 = arith.addi %mul3A_530, %add3A_531 : i32
      %add3A_533 = arith.constant 5 : i32
      %add3A_534 = arith.addi %add3A_532, %add3A_533 : i32
      %mul3A_535 = arith.constant 16 : i32
      %mul3A_536 = arith.muli %add3A_534, %mul3A_535 : i32
      %get3A_537 = arith.constant 0 : i32
      %get3A_538 = arith.index_cast %get3A_537 : i32 to index
      %get3A_539 = arith.index_cast %mul3A_536 : i32 to index
      %get3A_540 = tpu.vector_load %arg4[%get3A_538, %get3A_539] {strides = array<i32>} : memref<2x32768xf32, #tpu.memory_space<vmem>>, vector<16xf32>,
      %mul3A_541 = arith.constant 16 : i32
      %mul3A_542 = arith.muli %squeeze3A, %mul3A_541 : i32
      %add3A_543 = arith.constant 8 : i32
      %add3A_544 = arith.addi %mul3A_542, %add3A_543 : i32
      %add3A_545 = arith.constant 6 : i32
      %add3A_546 = arith.addi %add3A_544, %add3A_545 : i32
      %mul3A_547 = arith.constant 16 : i32
      %mul3A_548 = arith.muli %add3A_546, %mul3A_547 : i32
      %get3A_549 = arith.constant 0 : i32
      %get3A_550 = arith.index_cast %get3A_549 : i32 to index
      %get3A_551 = arith.index_cast %mul3A_548 : i32 to index
      %get3A_552 = tpu.vector_load %arg4[%get3A_550, %get3A_551] {strides = array<i32>} : memref<2x32768xf32, #tpu.memory_space<vmem>>, vector<16xf32>,
      %mul3A_553 = arith.constant 16 : i32
      %mul3A_554 = arith.muli %squeeze3A, %mul3A_553 : i32
      %add3A_555 = arith.constant 8 : i32
      %add3A_556 = arith.addi %mul3A_554, %add3A_555 : i32
      %add3A_557 = arith.constant 7 : i32
      %add3A_558 = arith.addi %add3A_556, %add3A_557 : i32
      %mul3A_559 = arith.constant 16 : i32
      %mul3A_560 = arith.muli %add3A_558, %mul3A_559 : i32
      %get3A_561 = arith.constant 0 : i32
      %get3A_562 = arith.index_cast %get3A_561 : i32 to index
      %get3A_563 = arith.index_cast %mul3A_560 : i32 to index
      %get3A_564 = tpu.vector_load %arg4[%get3A_562, %get3A_563] {strides = array<i32>} : memref<2x32768xf32, #tpu.memory_space<vmem>>, vector<16xf32>,
      %gt3A_565 = arith.cmpf ogt, %get3A_480, %sub3A_94 : vector<16xf32>
      %gt3A_566 = arith.cmpf ogt, %get3A_492, %sub3A_94 : vector<16xf32>
      %gt3A_567 = arith.cmpf ogt, %get3A_504, %sub3A_94 : vector<16xf32>
      %gt3A_568 = arith.cmpf ogt, %get3A_516, %sub3A_94 : vector<16xf32>
      %gt3A_569 = arith.cmpf ogt, %get3A_528, %sub3A_94 : vector<16xf32>
      %gt3A_570 = arith.cmpf ogt, %get3A_540, %sub3A_94 : vector<16xf32>
      %gt3A_571 = arith.cmpf ogt, %get3A_552, %sub3A_94 : vector<16xf32>
      %gt3A_572 = arith.cmpf ogt, %get3A_564, %sub3A_94 : vector<16xf32>
      %all_reduce_population_count3A_573 = tpu.all_reduce %gt3A_565 {dim = 0 : i64, kind = #tpu.reduction_kind<sum>} : vector<16xi1> -> vector<16xi32>
      %all_reduce_population_count3A_574 = tpu.all_reduce %gt3A_566 {dim = 0 : i64, kind = #tpu.reduction_kind<sum>} : vector<16xi1> -> vector<16xi32>
      %all_reduce_population_count3A_575 = tpu.all_reduce %gt3A_567 {dim = 0 : i64, kind = #tpu.reduction_kind<sum>} : vector<16xi1> -> vector<16xi32>
      %all_reduce_population_count3A_576 = tpu.all_reduce %gt3A_568 {dim = 0 : i64, kind = #tpu.reduction_kind<sum>} : vector<16xi1> -> vector<16xi32>
      %all_reduce_population_count3A_577 = tpu.all_reduce %gt3A_569 {dim = 0 : i64, kind = #tpu.reduction_kind<sum>} : vector<16xi1> -> vector<16xi32>
      %all_reduce_population_count3A_578 = tpu.all_reduce %gt3A_570 {dim = 0 : i64, kind = #tpu.reduction_kind<sum>} : vector<16xi1> -> vector<16xi32>
      %all_reduce_population_count3A_579 = tpu.all_reduce %gt3A_571 {dim = 0 : i64, kind = #tpu.reduction_kind<sum>} : vector<16xi1> -> vector<16xi32>
      %all_reduce_population_count3A_580 = tpu.all_reduce %gt3A_572 {dim = 0 : i64, kind = #tpu.reduction_kind<sum>} : vector<16xi1> -> vector<16xi32>
      %swap3A_581 = arith.index_cast %add3A_468 : i32 to index
      %swap3A_582 = tpu.vector_load %arg7[%swap3A_581] masked %gt3A_565 {strides = array<i32>} : memref<32784xf32, #tpu.memory_space<vmem>>, vector<16xf32>, vector<16xi1>
      tpu.vector_store %arg7[%swap3A_581], %get3A_480 masked %gt3A_565 {strides = array<i32>} : memref<32784xf32, #tpu.memory_space<vmem>>, vector<16xf32>, vector<16xi1>
      %slice3A_583 = vector.extract_strided_slice %all_reduce_population_count3A_573 {offsets = [0], sizes = [1], strides = [1]} : vector<16xi32> to vector<1xi32>
      %squeeze3A_584 = vector.extract %slice3A_583[0] : i32 from vector<1xi32>
      %add3A_585 = arith.addi %add3A_468, %squeeze3A_584 : i32
      %swap3A_586 = arith.index_cast %add3A_585 : i32 to index
      %swap3A_587 = tpu.vector_load %arg7[%swap3A_586] masked %gt3A_566 {strides = array<i32>} : memref<32784xf32, #tpu.memory_space<vmem>>, vector<16xf32>, vector<16xi1>
      tpu.vector_store %arg7[%swap3A_586], %get3A_492 masked %gt3A_566 {strides = array<i32>} : memref<32784xf32, #tpu.memory_space<vmem>>, vector<16xf32>, vector<16xi1>
      %slice3A_588 = vector.extract_strided_slice %all_reduce_population_count3A_574 {offsets = [0], sizes = [1], strides = [1]} : vector<16xi32> to vector<1xi32>
      %squeeze3A_589 = vector.extract %slice3A_588[0] : i32 from vector<1xi32>
      %add3A_590 = arith.addi %add3A_585, %squeeze3A_589 : i32
      %swap3A_591 = arith.index_cast %add3A_590 : i32 to index
      %swap3A_592 = tpu.vector_load %arg7[%swap3A_591] masked %gt3A_567 {strides = array<i32>} : memref<32784xf32, #tpu.memory_space<vmem>>, vector<16xf32>, vector<16xi1>
      tpu.vector_store %arg7[%swap3A_591], %get3A_504 masked %gt3A_567 {strides = array<i32>} : memref<32784xf32, #tpu.memory_space<vmem>>, vector<16xf32>, vector<16xi1>
      %slice3A_593 = vector.extract_strided_slice %all_reduce_population_count3A_575 {offsets = [0], sizes = [1], strides = [1]} : vector<16xi32> to vector<1xi32>
      %squeeze3A_594 = vector.extract %slice3A_593[0] : i32 from vector<1xi32>
      %add3A_595 = arith.addi %add3A_590, %squeeze3A_594 : i32
      %swap3A_596 = arith.index_cast %add3A_595 : i32 to index
      %swap3A_597 = tpu.vector_load %arg7[%swap3A_596] masked %gt3A_568 {strides = array<i32>} : memref<32784xf32, #tpu.memory_space<vmem>>, vector<16xf32>, vector<16xi1>
      tpu.vector_store %arg7[%swap3A_596], %get3A_516 masked %gt3A_568 {strides = array<i32>} : memref<32784xf32, #tpu.memory_space<vmem>>, vector<16xf32>, vector<16xi1>
      %slice3A_598 = vector.extract_strided_slice %all_reduce_population_count3A_576 {offsets = [0], sizes = [1], strides = [1]} : vector<16xi32> to vector<1xi32>
      %squeeze3A_599 = vector.extract %slice3A_598[0] : i32 from vector<1xi32>
      %add3A_600 = arith.addi %add3A_595, %squeeze3A_599 : i32
      %swap3A_601 = arith.index_cast %add3A_600 : i32 to index
      %swap3A_602 = tpu.vector_load %arg7[%swap3A_601] masked %gt3A_569 {strides = array<i32>} : memref<32784xf32, #tpu.memory_space<vmem>>, vector<16xf32>, vector<16xi1>
      tpu.vector_store %arg7[%swap3A_601], %get3A_528 masked %gt3A_569 {strides = array<i32>} : memref<32784xf32, #tpu.memory_space<vmem>>, vector<16xf32>, vector<16xi1>
      %slice3A_603 = vector.extract_strided_slice %all_reduce_population_count3A_577 {offsets = [0], sizes = [1], strides = [1]} : vector<16xi32> to vector<1xi32>
      %squeeze3A_604 = vector.extract %slice3A_603[0] : i32 from vector<1xi32>
      %add3A_605 = arith.addi %add3A_600, %squeeze3A_604 : i32
      %swap3A_606 = arith.index_cast %add3A_605 : i32 to index
      %swap3A_607 = tpu.vector_load %arg7[%swap3A_606] masked %gt3A_570 {strides = array<i32>} : memref<32784xf32, #tpu.memory_space<vmem>>, vector<16xf32>, vector<16xi1>
      tpu.vector_store %arg7[%swap3A_606], %get3A_540 masked %gt3A_570 {strides = array<i32>} : memref<32784xf32, #tpu.memory_space<vmem>>, vector<16xf32>, vector<16xi1>
      %slice3A_608 = vector.extract_strided_slice %all_reduce_population_count3A_578 {offsets = [0], sizes = [1], strides = [1]} : vector<16xi32> to vector<1xi32>
      %squeeze3A_609 = vector.extract %slice3A_608[0] : i32 from vector<1xi32>
      %add3A_610 = arith.addi %add3A_605, %squeeze3A_609 : i32
      %swap3A_611 = arith.index_cast %add3A_610 : i32 to index
      %swap3A_612 = tpu.vector_load %arg7[%swap3A_611] masked %gt3A_571 {strides = array<i32>} : memref<32784xf32, #tpu.memory_space<vmem>>, vector<16xf32>, vector<16xi1>
      tpu.vector_store %arg7[%swap3A_611], %get3A_552 masked %gt3A_571 {strides = array<i32>} : memref<32784xf32, #tpu.memory_space<vmem>>, vector<16xf32>, vector<16xi1>
      %slice3A_613 = vector.extract_strided_slice %all_reduce_population_count3A_579 {offsets = [0], sizes = [1], strides = [1]} : vector<16xi32> to vector<1xi32>
      %squeeze3A_614 = vector.extract %slice3A_613[0] : i32 from vector<1xi32>
      %add3A_615 = arith.addi %add3A_610, %squeeze3A_614 : i32
      %swap3A_616 = arith.index_cast %add3A_615 : i32 to index
      %swap3A_617 = tpu.vector_load %arg7[%swap3A_616] masked %gt3A_572 {strides = array<i32>} : memref<32784xf32, #tpu.memory_space<vmem>>, vector<16xf32>, vector<16xi1>
      tpu.vector_store %arg7[%swap3A_616], %get3A_564 masked %gt3A_572 {strides = array<i32>} : memref<32784xf32, #tpu.memory_space<vmem>>, vector<16xf32>, vector<16xi1>
      %slice3A_618 = vector.extract_strided_slice %all_reduce_population_count3A_580 {offsets = [0], sizes = [1], strides = [1]} : vector<16xi32> to vector<1xi32>
      %squeeze3A_619 = vector.extract %slice3A_618[0] : i32 from vector<1xi32>
      %add3A_620 = arith.addi %add3A_615, %squeeze3A_619 : i32
      scf.yield %add3A_620 : i32
    }
    %while3A_132 = arith.constant 1 : i32
    %while3A_133 = scf.for %while3A_315 = %while3A_129 to %while3A_125 step %while3A_132 iter_args(%while3A_316 = %while3A_131) -> (i32)  : i32 {
      %get3A = arith.index_cast %while3A_315 : i32 to index
      %get3A_317 = tpu.vector_load %arg6[%get3A] {strides = array<i32>} : memref<144xi32, #tpu.memory_space<vmem>>, vector<16xi32>,
      %slice3A = vector.extract_strided_slice %get3A_317 {offsets = [0], sizes = [1], strides = [1]} : vector<16xi32> to vector<1xi32>
      %squeeze3A = vector.extract %slice3A[0] : i32 from vector<1xi32>
      %mul3A_318 = arith.constant 16 : i32
      %mul3A_319 = arith.muli %squeeze3A, %mul3A_318 : i32
      %add3A_320 = arith.constant 0 : i32
      %add3A_321 = arith.addi %mul3A_319, %add3A_320 : i32
      %add3A_322 = arith.constant 0 : i32
      %add3A_323 = arith.addi %add3A_321, %add3A_322 : i32
      %mul3A_324 = arith.constant 16 : i32
      %mul3A_325 = arith.muli %add3A_323, %mul3A_324 : i32
      %get3A_326 = arith.constant 0 : i32
      %get3A_327 = arith.index_cast %get3A_326 : i32 to index
      %get3A_328 = arith.index_cast %mul3A_325 : i32 to index
      %get3A_329 = tpu.vector_load %arg4[%get3A_327, %get3A_328] {strides = array<i32>} : memref<2x32768xf32, #tpu.memory_space<vmem>>, vector<16xf32>,
      %mul3A_330 = arith.constant 16 : i32
      %mul3A_331 = arith.muli %squeeze3A, %mul3A_330 : i32
      %add3A_332 = arith.constant 0 : i32
      %add3A_333 = arith.addi %mul3A_331, %add3A_332 : i32
      %add3A_334 = arith.constant 1 : i32
      %add3A_335 = arith.addi %add3A_333, %add3A_334 : i32
      %mul3A_336 = arith.constant 16 : i32
      %mul3A_337 = arith.muli %add3A_335, %mul3A_336 : i32
      %get3A_338 = arith.constant 0 : i32
      %get3A_339 = arith.index_cast %get3A_338 : i32 to index
      %get3A_340 = arith.index_cast %mul3A_337 : i32 to index
      %get3A_341 = tpu.vector_load %arg4[%get3A_339, %get3A_340] {strides = array<i32>} : memref<2x32768xf32, #tpu.memory_space<vmem>>, vector<16xf32>,
      %mul3A_342 = arith.constant 16 : i32
      %mul3A_343 = arith.muli %squeeze3A, %mul3A_342 : i32
      %add3A_344 = arith.constant 0 : i32
      %add3A_345 = arith.addi %mul3A_343, %add3A_344 : i32
      %add3A_346 = arith.constant 2 : i32
      %add3A_347 = arith.addi %add3A_345, %add3A_346 : i32
      %mul3A_348 = arith.constant 16 : i32
      %mul3A_349 = arith.muli %add3A_347, %mul3A_348 : i32
      %get3A_350 = arith.constant 0 : i32
      %get3A_351 = arith.index_cast %get3A_350 : i32 to index
      %get3A_352 = arith.index_cast %mul3A_349 : i32 to index
      %get3A_353 = tpu.vector_load %arg4[%get3A_351, %get3A_352] {strides = array<i32>} : memref<2x32768xf32, #tpu.memory_space<vmem>>, vector<16xf32>,
      %mul3A_354 = arith.constant 16 : i32
      %mul3A_355 = arith.muli %squeeze3A, %mul3A_354 : i32
      %add3A_356 = arith.constant 0 : i32
      %add3A_357 = arith.addi %mul3A_355, %add3A_356 : i32
      %add3A_358 = arith.constant 3 : i32
      %add3A_359 = arith.addi %add3A_357, %add3A_358 : i32
      %mul3A_360 = arith.constant 16 : i32
      %mul3A_361 = arith.muli %add3A_359, %mul3A_360 : i32
      %get3A_362 = arith.constant 0 : i32
      %get3A_363 = arith.index_cast %get3A_362 : i32 to index
      %get3A_364 = arith.index_cast %mul3A_361 : i32 to index
      %get3A_365 = tpu.vector_load %arg4[%get3A_363, %get3A_364] {strides = array<i32>} : memref<2x32768xf32, #tpu.memory_space<vmem>>, vector<16xf32>,
      %mul3A_366 = arith.constant 16 : i32
      %mul3A_367 = arith.muli %squeeze3A, %mul3A_366 : i32
      %add3A_368 = arith.constant 0 : i32
      %add3A_369 = arith.addi %mul3A_367, %add3A_368 : i32
      %add3A_370 = arith.constant 4 : i32
      %add3A_371 = arith.addi %add3A_369, %add3A_370 : i32
      %mul3A_372 = arith.constant 16 : i32
      %mul3A_373 = arith.muli %add3A_371, %mul3A_372 : i32
      %get3A_374 = arith.constant 0 : i32
      %get3A_375 = arith.index_cast %get3A_374 : i32 to index
      %get3A_376 = arith.index_cast %mul3A_373 : i32 to index
      %get3A_377 = tpu.vector_load %arg4[%get3A_375, %get3A_376] {strides = array<i32>} : memref<2x32768xf32, #tpu.memory_space<vmem>>, vector<16xf32>,
      %mul3A_378 = arith.constant 16 : i32
      %mul3A_379 = arith.muli %squeeze3A, %mul3A_378 : i32
      %add3A_380 = arith.constant 0 : i32
      %add3A_381 = arith.addi %mul3A_379, %add3A_380 : i32
      %add3A_382 = arith.constant 5 : i32
      %add3A_383 = arith.addi %add3A_381, %add3A_382 : i32
      %mul3A_384 = arith.constant 16 : i32
      %mul3A_385 = arith.muli %add3A_383, %mul3A_384 : i32
      %get3A_386 = arith.constant 0 : i32
      %get3A_387 = arith.index_cast %get3A_386 : i32 to index
      %get3A_388 = arith.index_cast %mul3A_385 : i32 to index
      %get3A_389 = tpu.vector_load %arg4[%get3A_387, %get3A_388] {strides = array<i32>} : memref<2x32768xf32, #tpu.memory_space<vmem>>, vector<16xf32>,
      %mul3A_390 = arith.constant 16 : i32
      %mul3A_391 = arith.muli %squeeze3A, %mul3A_390 : i32
      %add3A_392 = arith.constant 0 : i32
      %add3A_393 = arith.addi %mul3A_391, %add3A_392 : i32
      %add3A_394 = arith.constant 6 : i32
      %add3A_395 = arith.addi %add3A_393, %add3A_394 : i32
      %mul3A_396 = arith.constant 16 : i32
      %mul3A_397 = arith.muli %add3A_395, %mul3A_396 : i32
      %get3A_398 = arith.constant 0 : i32
      %get3A_399 = arith.index_cast %get3A_398 : i32 to index
      %get3A_400 = arith.index_cast %mul3A_397 : i32 to index
      %get3A_401 = tpu.vector_load %arg4[%get3A_399, %get3A_400] {strides = array<i32>} : memref<2x32768xf32, #tpu.memory_space<vmem>>, vector<16xf32>,
      %mul3A_402 = arith.constant 16 : i32
      %mul3A_403 = arith.muli %squeeze3A, %mul3A_402 : i32
      %add3A_404 = arith.constant 0 : i32
      %add3A_405 = arith.addi %mul3A_403, %add3A_404 : i32
      %add3A_406 = arith.constant 7 : i32
      %add3A_407 = arith.addi %add3A_405, %add3A_406 : i32
      %mul3A_408 = arith.constant 16 : i32
      %mul3A_409 = arith.muli %add3A_407, %mul3A_408 : i32
      %get3A_410 = arith.constant 0 : i32
      %get3A_411 = arith.index_cast %get3A_410 : i32 to index
      %get3A_412 = arith.index_cast %mul3A_409 : i32 to index
      %get3A_413 = tpu.vector_load %arg4[%get3A_411, %get3A_412] {strides = array<i32>} : memref<2x32768xf32, #tpu.memory_space<vmem>>, vector<16xf32>,
      %gt3A_414 = arith.cmpf ogt, %get3A_329, %sub3A_94 : vector<16xf32>
      %gt3A_415 = arith.cmpf ogt, %get3A_341, %sub3A_94 : vector<16xf32>
      %gt3A_416 = arith.cmpf ogt, %get3A_353, %sub3A_94 : vector<16xf32>
      %gt3A_417 = arith.cmpf ogt, %get3A_365, %sub3A_94 : vector<16xf32>
      %gt3A_418 = arith.cmpf ogt, %get3A_377, %sub3A_94 : vector<16xf32>
      %gt3A_419 = arith.cmpf ogt, %get3A_389, %sub3A_94 : vector<16xf32>
      %gt3A_420 = arith.cmpf ogt, %get3A_401, %sub3A_94 : vector<16xf32>
      %gt3A_421 = arith.cmpf ogt, %get3A_413, %sub3A_94 : vector<16xf32>
      %all_reduce_population_count3A = tpu.all_reduce %gt3A_414 {dim = 0 : i64, kind = #tpu.reduction_kind<sum>} : vector<16xi1> -> vector<16xi32>
      %all_reduce_population_count3A_422 = tpu.all_reduce %gt3A_415 {dim = 0 : i64, kind = #tpu.reduction_kind<sum>} : vector<16xi1> -> vector<16xi32>
      %all_reduce_population_count3A_423 = tpu.all_reduce %gt3A_416 {dim = 0 : i64, kind = #tpu.reduction_kind<sum>} : vector<16xi1> -> vector<16xi32>
      %all_reduce_population_count3A_424 = tpu.all_reduce %gt3A_417 {dim = 0 : i64, kind = #tpu.reduction_kind<sum>} : vector<16xi1> -> vector<16xi32>
      %all_reduce_population_count3A_425 = tpu.all_reduce %gt3A_418 {dim = 0 : i64, kind = #tpu.reduction_kind<sum>} : vector<16xi1> -> vector<16xi32>
      %all_reduce_population_count3A_426 = tpu.all_reduce %gt3A_419 {dim = 0 : i64, kind = #tpu.reduction_kind<sum>} : vector<16xi1> -> vector<16xi32>
      %all_reduce_population_count3A_427 = tpu.all_reduce %gt3A_420 {dim = 0 : i64, kind = #tpu.reduction_kind<sum>} : vector<16xi1> -> vector<16xi32>
      %all_reduce_population_count3A_428 = tpu.all_reduce %gt3A_421 {dim = 0 : i64, kind = #tpu.reduction_kind<sum>} : vector<16xi1> -> vector<16xi32>
      %swap3A_429 = arith.index_cast %while3A_316 : i32 to index
      %swap3A_430 = tpu.vector_load %arg7[%swap3A_429] masked %gt3A_414 {strides = array<i32>} : memref<32784xf32, #tpu.memory_space<vmem>>, vector<16xf32>, vector<16xi1>
      tpu.vector_store %arg7[%swap3A_429], %get3A_329 masked %gt3A_414 {strides = array<i32>} : memref<32784xf32, #tpu.memory_space<vmem>>, vector<16xf32>, vector<16xi1>
      %slice3A_431 = vector.extract_strided_slice %all_reduce_population_count3A {offsets = [0], sizes = [1], strides = [1]} : vector<16xi32> to vector<1xi32>
      %squeeze3A_432 = vector.extract %slice3A_431[0] : i32 from vector<1xi32>
      %add3A_433 = arith.addi %while3A_316, %squeeze3A_432 : i32
      %swap3A_434 = arith.index_cast %add3A_433 : i32 to index
      %swap3A_435 = tpu.vector_load %arg7[%swap3A_434] masked %gt3A_415 {strides = array<i32>} : memref<32784xf32, #tpu.memory_space<vmem>>, vector<16xf32>, vector<16xi1>
      tpu.vector_store %arg7[%swap3A_434], %get3A_341 masked %gt3A_415 {strides = array<i32>} : memref<32784xf32, #tpu.memory_space<vmem>>, vector<16xf32>, vector<16xi1>
      %slice3A_436 = vector.extract_strided_slice %all_reduce_population_count3A_422 {offsets = [0], sizes = [1], strides = [1]} : vector<16xi32> to vector<1xi32>
      %squeeze3A_437 = vector.extract %slice3A_436[0] : i32 from vector<1xi32>
      %add3A_438 = arith.addi %add3A_433, %squeeze3A_437 : i32
      %swap3A_439 = arith.index_cast %add3A_438 : i32 to index
      %swap3A_440 = tpu.vector_load %arg7[%swap3A_439] masked %gt3A_416 {strides = array<i32>} : memref<32784xf32, #tpu.memory_space<vmem>>, vector<16xf32>, vector<16xi1>
      tpu.vector_store %arg7[%swap3A_439], %get3A_353 masked %gt3A_416 {strides = array<i32>} : memref<32784xf32, #tpu.memory_space<vmem>>, vector<16xf32>, vector<16xi1>
      %slice3A_441 = vector.extract_strided_slice %all_reduce_population_count3A_423 {offsets = [0], sizes = [1], strides = [1]} : vector<16xi32> to vector<1xi32>
      %squeeze3A_442 = vector.extract %slice3A_441[0] : i32 from vector<1xi32>
      %add3A_443 = arith.addi %add3A_438, %squeeze3A_442 : i32
      %swap3A_444 = arith.index_cast %add3A_443 : i32 to index
      %swap3A_445 = tpu.vector_load %arg7[%swap3A_444] masked %gt3A_417 {strides = array<i32>} : memref<32784xf32, #tpu.memory_space<vmem>>, vector<16xf32>, vector<16xi1>
      tpu.vector_store %arg7[%swap3A_444], %get3A_365 masked %gt3A_417 {strides = array<i32>} : memref<32784xf32, #tpu.memory_space<vmem>>, vector<16xf32>, vector<16xi1>
      %slice3A_446 = vector.extract_strided_slice %all_reduce_population_count3A_424 {offsets = [0], sizes = [1], strides = [1]} : vector<16xi32> to vector<1xi32>
      %squeeze3A_447 = vector.extract %slice3A_446[0] : i32 from vector<1xi32>
      %add3A_448 = arith.addi %add3A_443, %squeeze3A_447 : i32
      %swap3A_449 = arith.index_cast %add3A_448 : i32 to index
      %swap3A_450 = tpu.vector_load %arg7[%swap3A_449] masked %gt3A_418 {strides = array<i32>} : memref<32784xf32, #tpu.memory_space<vmem>>, vector<16xf32>, vector<16xi1>
      tpu.vector_store %arg7[%swap3A_449], %get3A_377 masked %gt3A_418 {strides = array<i32>} : memref<32784xf32, #tpu.memory_space<vmem>>, vector<16xf32>, vector<16xi1>
      %slice3A_451 = vector.extract_strided_slice %all_reduce_population_count3A_425 {offsets = [0], sizes = [1], strides = [1]} : vector<16xi32> to vector<1xi32>
      %squeeze3A_452 = vector.extract %slice3A_451[0] : i32 from vector<1xi32>
      %add3A_453 = arith.addi %add3A_448, %squeeze3A_452 : i32
      %swap3A_454 = arith.index_cast %add3A_453 : i32 to index
      %swap3A_455 = tpu.vector_load %arg7[%swap3A_454] masked %gt3A_419 {strides = array<i32>} : memref<32784xf32, #tpu.memory_space<vmem>>, vector<16xf32>, vector<16xi1>
      tpu.vector_store %arg7[%swap3A_454], %get3A_389 masked %gt3A_419 {strides = array<i32>} : memref<32784xf32, #tpu.memory_space<vmem>>, vector<16xf32>, vector<16xi1>
      %slice3A_456 = vector.extract_strided_slice %all_reduce_population_count3A_426 {offsets = [0], sizes = [1], strides = [1]} : vector<16xi32> to vector<1xi32>
      %squeeze3A_457 = vector.extract %slice3A_456[0] : i32 from vector<1xi32>
      %add3A_458 = arith.addi %add3A_453, %squeeze3A_457 : i32
      %swap3A_459 = arith.index_cast %add3A_458 : i32 to index
      %swap3A_460 = tpu.vector_load %arg7[%swap3A_459] masked %gt3A_420 {strides = array<i32>} : memref<32784xf32, #tpu.memory_space<vmem>>, vector<16xf32>, vector<16xi1>
      tpu.vector_store %arg7[%swap3A_459], %get3A_401 masked %gt3A_420 {strides = array<i32>} : memref<32784xf32, #tpu.memory_space<vmem>>, vector<16xf32>, vector<16xi1>
      %slice3A_461 = vector.extract_strided_slice %all_reduce_population_count3A_427 {offsets = [0], sizes = [1], strides = [1]} : vector<16xi32> to vector<1xi32>
      %squeeze3A_462 = vector.extract %slice3A_461[0] : i32 from vector<1xi32>
      %add3A_463 = arith.addi %add3A_458, %squeeze3A_462 : i32
      %swap3A_464 = arith.index_cast %add3A_463 : i32 to index
      %swap3A_465 = tpu.vector_load %arg7[%swap3A_464] masked %gt3A_421 {strides = array<i32>} : memref<32784xf32, #tpu.memory_space<vmem>>, vector<16xf32>, vector<16xi1>
      tpu.vector_store %arg7[%swap3A_464], %get3A_413 masked %gt3A_421 {strides = array<i32>} : memref<32784xf32, #tpu.memory_space<vmem>>, vector<16xf32>, vector<16xi1>
      %slice3A_466 = vector.extract_strided_slice %all_reduce_population_count3A_428 {offsets = [0], sizes = [1], strides = [1]} : vector<16xi32> to vector<1xi32>
      %squeeze3A_467 = vector.extract %slice3A_466[0] : i32 from vector<1xi32>
      %add3A_468 = arith.addi %add3A_463, %squeeze3A_467 : i32
      %mul3A_469 = arith.constant 16 : i32
      %mul3A_470 = arith.muli %squeeze3A, %mul3A_469 : i32
      %add3A_471 = arith.constant 8 : i32
      %add3A_472 = arith.addi %mul3A_470, %add3A_471 : i32
      %add3A_473 = arith.constant 0 : i32
      %add3A_474 = arith.addi %add3A_472, %add3A_473 : i32
      %mul3A_475 = arith.constant 16 : i32
      %mul3A_476 = arith.muli %add3A_474, %mul3A_475 : i32
      %get3A_477 = arith.constant 0 : i32
      %get3A_478 = arith.index_cast %get3A_477 : i32 to index
      %get3A_479 = arith.index_cast %mul3A_476 : i32 to index
      %get3A_480 = tpu.vector_load %arg4[%get3A_478, %get3A_479] {strides = array<i32>} : memref<2x32768xf32, #tpu.memory_space<vmem>>, vector<16xf32>,
      %mul3A_481 = arith.constant 16 : i32
      %mul3A_482 = arith.muli %squeeze3A, %mul3A_481 : i32
      %add3A_483 = arith.constant 8 : i32
      %add3A_484 = arith.addi %mul3A_482, %add3A_483 : i32
      %add3A_485 = arith.constant 1 : i32
      %add3A_486 = arith.addi %add3A_484, %add3A_485 : i32
      %mul3A_487 = arith.constant 16 : i32
      %mul3A_488 = arith.muli %add3A_486, %mul3A_487 : i32
      %get3A_489 = arith.constant 0 : i32
      %get3A_490 = arith.index_cast %get3A_489 : i32 to index
      %get3A_491 = arith.index_cast %mul3A_488 : i32 to index
      %get3A_492 = tpu.vector_load %arg4[%get3A_490, %get3A_491] {strides = array<i32>} : memref<2x32768xf32, #tpu.memory_space<vmem>>, vector<16xf32>,
      %mul3A_493 = arith.constant 16 : i32
      %mul3A_494 = arith.muli %squeeze3A, %mul3A_493 : i32
      %add3A_495 = arith.constant 8 : i32
      %add3A_496 = arith.addi %mul3A_494, %add3A_495 : i32
      %add3A_497 = arith.constant 2 : i32
      %add3A_498 = arith.addi %add3A_496, %add3A_497 : i32
      %mul3A_499 = arith.constant 16 : i32
      %mul3A_500 = arith.muli %add3A_498, %mul3A_499 : i32
      %get3A_501 = arith.constant 0 : i32
      %get3A_502 = arith.index_cast %get3A_501 : i32 to index
      %get3A_503 = arith.index_cast %mul3A_500 : i32 to index
      %get3A_504 = tpu.vector_load %arg4[%get3A_502, %get3A_503] {strides = array<i32>} : memref<2x32768xf32, #tpu.memory_space<vmem>>, vector<16xf32>,
      %mul3A_505 = arith.constant 16 : i32
      %mul3A_506 = arith.muli %squeeze3A, %mul3A_505 : i32
      %add3A_507 = arith.constant 8 : i32
      %add3A_508 = arith.addi %mul3A_506, %add3A_507 : i32
      %add3A_509 = arith.constant 3 : i32
      %add3A_510 = arith.addi %add3A_508, %add3A_509 : i32
      %mul3A_511 = arith.constant 16 : i32
      %mul3A_512 = arith.muli %add3A_510, %mul3A_511 : i32
      %get3A_513 = arith.constant 0 : i32
      %get3A_514 = arith.index_cast %get3A_513 : i32 to index
      %get3A_515 = arith.index_cast %mul3A_512 : i32 to index
      %get3A_516 = tpu.vector_load %arg4[%get3A_514, %get3A_515] {strides = array<i32>} : memref<2x32768xf32, #tpu.memory_space<vmem>>, vector<16xf32>,
      %mul3A_517 = arith.constant 16 : i32
      %mul3A_518 = arith.muli %squeeze3A, %mul3A_517 : i32
      %add3A_519 = arith.constant 8 : i32
      %add3A_520 = arith.addi %mul3A_518, %add3A_519 : i32
      %add3A_521 = arith.constant 4 : i32
      %add3A_522 = arith.addi %add3A_520, %add3A_521 : i32
      %mul3A_523 = arith.constant 16 : i32
      %mul3A_524 = arith.muli %add3A_522, %mul3A_523 : i32
      %get3A_525 = arith.constant 0 : i32
      %get3A_526 = arith.index_cast %get3A_525 : i32 to index
      %get3A_527 = arith.index_cast %mul3A_524 : i32 to index
      %get3A_528 = tpu.vector_load %arg4[%get3A_526, %get3A_527] {strides = array<i32>} : memref<2x32768xf32, #tpu.memory_space<vmem>>, vector<16xf32>,
      %mul3A_529 = arith.constant 16 : i32
      %mul3A_530 = arith.muli %squeeze3A, %mul3A_529 : i32
      %add3A_531 = arith.constant 8 : i32
      %add3A_532 = arith.addi %mul3A_530, %add3A_531 : i32
      %add3A_533 = arith.constant 5 : i32
      %add3A_534 = arith.addi %add3A_532, %add3A_533 : i32
      %mul3A_535 = arith.constant 16 : i32
      %mul3A_536 = arith.muli %add3A_534, %mul3A_535 : i32
      %get3A_537 = arith.constant 0 : i32
      %get3A_538 = arith.index_cast %get3A_537 : i32 to index
      %get3A_539 = arith.index_cast %mul3A_536 : i32 to index
      %get3A_540 = tpu.vector_load %arg4[%get3A_538, %get3A_539] {strides = array<i32>} : memref<2x32768xf32, #tpu.memory_space<vmem>>, vector<16xf32>,
      %mul3A_541 = arith.constant 16 : i32
      %mul3A_542 = arith.muli %squeeze3A, %mul3A_541 : i32
      %add3A_543 = arith.constant 8 : i32
      %add3A_544 = arith.addi %mul3A_542, %add3A_543 : i32
      %add3A_545 = arith.constant 6 : i32
      %add3A_546 = arith.addi %add3A_544, %add3A_545 : i32
      %mul3A_547 = arith.constant 16 : i32
      %mul3A_548 = arith.muli %add3A_546, %mul3A_547 : i32
      %get3A_549 = arith.constant 0 : i32
      %get3A_550 = arith.index_cast %get3A_549 : i32 to index
      %get3A_551 = arith.index_cast %mul3A_548 : i32 to index
      %get3A_552 = tpu.vector_load %arg4[%get3A_550, %get3A_551] {strides = array<i32>} : memref<2x32768xf32, #tpu.memory_space<vmem>>, vector<16xf32>,
      %mul3A_553 = arith.constant 16 : i32
      %mul3A_554 = arith.muli %squeeze3A, %mul3A_553 : i32
      %add3A_555 = arith.constant 8 : i32
      %add3A_556 = arith.addi %mul3A_554, %add3A_555 : i32
      %add3A_557 = arith.constant 7 : i32
      %add3A_558 = arith.addi %add3A_556, %add3A_557 : i32
      %mul3A_559 = arith.constant 16 : i32
      %mul3A_560 = arith.muli %add3A_558, %mul3A_559 : i32
      %get3A_561 = arith.constant 0 : i32
      %get3A_562 = arith.index_cast %get3A_561 : i32 to index
      %get3A_563 = arith.index_cast %mul3A_560 : i32 to index
      %get3A_564 = tpu.vector_load %arg4[%get3A_562, %get3A_563] {strides = array<i32>} : memref<2x32768xf32, #tpu.memory_space<vmem>>, vector<16xf32>,
      %gt3A_565 = arith.cmpf ogt, %get3A_480, %sub3A_94 : vector<16xf32>
      %gt3A_566 = arith.cmpf ogt, %get3A_492, %sub3A_94 : vector<16xf32>
      %gt3A_567 = arith.cmpf ogt, %get3A_504, %sub3A_94 : vector<16xf32>
      %gt3A_568 = arith.cmpf ogt, %get3A_516, %sub3A_94 : vector<16xf32>
      %gt3A_569 = arith.cmpf ogt, %get3A_528, %sub3A_94 : vector<16xf32>
      %gt3A_570 = arith.cmpf ogt, %get3A_540, %sub3A_94 : vector<16xf32>
      %gt3A_571 = arith.cmpf ogt, %get3A_552, %sub3A_94 : vector<16xf32>
      %gt3A_572 = arith.cmpf ogt, %get3A_564, %sub3A_94 : vector<16xf32>
      %all_reduce_population_count3A_573 = tpu.all_reduce %gt3A_565 {dim = 0 : i64, kind = #tpu.reduction_kind<sum>} : vector<16xi1> -> vector<16xi32>
      %all_reduce_population_count3A_574 = tpu.all_reduce %gt3A_566 {dim = 0 : i64, kind = #tpu.reduction_kind<sum>} : vector<16xi1> -> vector<16xi32>
      %all_reduce_population_count3A_575 = tpu.all_reduce %gt3A_567 {dim = 0 : i64, kind = #tpu.reduction_kind<sum>} : vector<16xi1> -> vector<16xi32>
      %all_reduce_population_count3A_576 = tpu.all_reduce %gt3A_568 {dim = 0 : i64, kind = #tpu.reduction_kind<sum>} : vector<16xi1> -> vector<16xi32>
      %all_reduce_population_count3A_577 = tpu.all_reduce %gt3A_569 {dim = 0 : i64, kind = #tpu.reduction_kind<sum>} : vector<16xi1> -> vector<16xi32>
      %all_reduce_population_count3A_578 = tpu.all_reduce %gt3A_570 {dim = 0 : i64, kind = #tpu.reduction_kind<sum>} : vector<16xi1> -> vector<16xi32>
      %all_reduce_population_count3A_579 = tpu.all_reduce %gt3A_571 {dim = 0 : i64, kind = #tpu.reduction_kind<sum>} : vector<16xi1> -> vector<16xi32>
      %all_reduce_population_count3A_580 = tpu.all_reduce %gt3A_572 {dim = 0 : i64, kind = #tpu.reduction_kind<sum>} : vector<16xi1> -> vector<16xi32>
      %swap3A_581 = arith.index_cast %add3A_468 : i32 to index
      %swap3A_582 = tpu.vector_load %arg7[%swap3A_581] masked %gt3A_565 {strides = array<i32>} : memref<32784xf32, #tpu.memory_space<vmem>>, vector<16xf32>, vector<16xi1>
      tpu.vector_store %arg7[%swap3A_581], %get3A_480 masked %gt3A_565 {strides = array<i32>} : memref<32784xf32, #tpu.memory_space<vmem>>, vector<16xf32>, vector<16xi1>
      %slice3A_583 = vector.extract_strided_slice %all_reduce_population_count3A_573 {offsets = [0], sizes = [1], strides = [1]} : vector<16xi32> to vector<1xi32>
      %squeeze3A_584 = vector.extract %slice3A_583[0] : i32 from vector<1xi32>
      %add3A_585 = arith.addi %add3A_468, %squeeze3A_584 : i32
      %swap3A_586 = arith.index_cast %add3A_585 : i32 to index
      %swap3A_587 = tpu.vector_load %arg7[%swap3A_586] masked %gt3A_566 {strides = array<i32>} : memref<32784xf32, #tpu.memory_space<vmem>>, vector<16xf32>, vector<16xi1>
      tpu.vector_store %arg7[%swap3A_586], %get3A_492 masked %gt3A_566 {strides = array<i32>} : memref<32784xf32, #tpu.memory_space<vmem>>, vector<16xf32>, vector<16xi1>
      %slice3A_588 = vector.extract_strided_slice %all_reduce_population_count3A_574 {offsets = [0], sizes = [1], strides = [1]} : vector<16xi32> to vector<1xi32>
      %squeeze3A_589 = vector.extract %slice3A_588[0] : i32 from vector<1xi32>
      %add3A_590 = arith.addi %add3A_585, %squeeze3A_589 : i32
      %swap3A_591 = arith.index_cast %add3A_590 : i32 to index
      %swap3A_592 = tpu.vector_load %arg7[%swap3A_591] masked %gt3A_567 {strides = array<i32>} : memref<32784xf32, #tpu.memory_space<vmem>>, vector<16xf32>, vector<16xi1>
      tpu.vector_store %arg7[%swap3A_591], %get3A_504 masked %gt3A_567 {strides = array<i32>} : memref<32784xf32, #tpu.memory_space<vmem>>, vector<16xf32>, vector<16xi1>
      %slice3A_593 = vector.extract_strided_slice %all_reduce_population_count3A_575 {offsets = [0], sizes = [1], strides = [1]} : vector<16xi32> to vector<1xi32>
      %squeeze3A_594 = vector.extract %slice3A_593[0] : i32 from vector<1xi32>
      %add3A_595 = arith.addi %add3A_590, %squeeze3A_594 : i32
      %swap3A_596 = arith.index_cast %add3A_595 : i32 to index
      %swap3A_597 = tpu.vector_load %arg7[%swap3A_596] masked %gt3A_568 {strides = array<i32>} : memref<32784xf32, #tpu.memory_space<vmem>>, vector<16xf32>, vector<16xi1>
      tpu.vector_store %arg7[%swap3A_596], %get3A_516 masked %gt3A_568 {strides = array<i32>} : memref<32784xf32, #tpu.memory_space<vmem>>, vector<16xf32>, vector<16xi1>
      %slice3A_598 = vector.extract_strided_slice %all_reduce_population_count3A_576 {offsets = [0], sizes = [1], strides = [1]} : vector<16xi32> to vector<1xi32>
      %squeeze3A_599 = vector.extract %slice3A_598[0] : i32 from vector<1xi32>
      %add3A_600 = arith.addi %add3A_595, %squeeze3A_599 : i32
      %swap3A_601 = arith.index_cast %add3A_600 : i32 to index
      %swap3A_602 = tpu.vector_load %arg7[%swap3A_601] masked %gt3A_569 {strides = array<i32>} : memref<32784xf32, #tpu.memory_space<vmem>>, vector<16xf32>, vector<16xi1>
      tpu.vector_store %arg7[%swap3A_601], %get3A_528 masked %gt3A_569 {strides = array<i32>} : memref<32784xf32, #tpu.memory_space<vmem>>, vector<16xf32>, vector<16xi1>
      %slice3A_603 = vector.extract_strided_slice %all_reduce_population_count3A_577 {offsets = [0], sizes = [1], strides = [1]} : vector<16xi32> to vector<1xi32>
      %squeeze3A_604 = vector.extract %slice3A_603[0] : i32 from vector<1xi32>
      %add3A_605 = arith.addi %add3A_600, %squeeze3A_604 : i32
      %swap3A_606 = arith.index_cast %add3A_605 : i32 to index
      %swap3A_607 = tpu.vector_load %arg7[%swap3A_606] masked %gt3A_570 {strides = array<i32>} : memref<32784xf32, #tpu.memory_space<vmem>>, vector<16xf32>, vector<16xi1>
      tpu.vector_store %arg7[%swap3A_606], %get3A_540 masked %gt3A_570 {strides = array<i32>} : memref<32784xf32, #tpu.memory_space<vmem>>, vector<16xf32>, vector<16xi1>
      %slice3A_608 = vector.extract_strided_slice %all_reduce_population_count3A_578 {offsets = [0], sizes = [1], strides = [1]} : vector<16xi32> to vector<1xi32>
      %squeeze3A_609 = vector.extract %slice3A_608[0] : i32 from vector<1xi32>
      %add3A_610 = arith.addi %add3A_605, %squeeze3A_609 : i32
      %swap3A_611 = arith.index_cast %add3A_610 : i32 to index
      %swap3A_612 = tpu.vector_load %arg7[%swap3A_611] masked %gt3A_571 {strides = array<i32>} : memref<32784xf32, #tpu.memory_space<vmem>>, vector<16xf32>, vector<16xi1>
      tpu.vector_store %arg7[%swap3A_611], %get3A_552 masked %gt3A_571 {strides = array<i32>} : memref<32784xf32, #tpu.memory_space<vmem>>, vector<16xf32>, vector<16xi1>
      %slice3A_613 = vector.extract_strided_slice %all_reduce_population_count3A_579 {offsets = [0], sizes = [1], strides = [1]} : vector<16xi32> to vector<1xi32>
      %squeeze3A_614 = vector.extract %slice3A_613[0] : i32 from vector<1xi32>
      %add3A_615 = arith.addi %add3A_610, %squeeze3A_614 : i32
      %swap3A_616 = arith.index_cast %add3A_615 : i32 to index
      %swap3A_617 = tpu.vector_load %arg7[%swap3A_616] masked %gt3A_572 {strides = array<i32>} : memref<32784xf32, #tpu.memory_space<vmem>>, vector<16xf32>, vector<16xi1>
      tpu.vector_store %arg7[%swap3A_616], %get3A_564 masked %gt3A_572 {strides = array<i32>} : memref<32784xf32, #tpu.memory_space<vmem>>, vector<16xf32>, vector<16xi1>
      %slice3A_618 = vector.extract_strided_slice %all_reduce_population_count3A_580 {offsets = [0], sizes = [1], strides = [1]} : vector<16xi32> to vector<1xi32>
      %squeeze3A_619 = vector.extract %slice3A_618[0] : i32 from vector<1xi32>
      %add3A_620 = arith.addi %add3A_615, %squeeze3A_619 : i32
      scf.yield %add3A_620 : i32
    }
    %broadcast_in_dim3A_134 = arith.constant true
    %broadcast_in_dim3A_135 = vector.broadcast %broadcast_in_dim3A_134 : i1 to vector<16xi1>
    %swap3A = arith.index_cast %while3A_133 : i32 to index
    %swap3A_136 = tpu.vector_load %arg7[%swap3A] masked %broadcast_in_dim3A_135 {strides = array<i32>} : memref<32784xf32, #tpu.memory_space<vmem>>, vector<16xf32>, vector<16xi1>
    tpu.vector_store %arg7[%swap3A], %sub3A_94 masked %broadcast_in_dim3A_135 {strides = array<i32>} : memref<32784xf32, #tpu.memory_space<vmem>>, vector<16xf32>, vector<16xi1>
    %jit3A = arith.constant 16 : i32
    %div3A = arith.divsi %while3A_133, %jit3A : i32
    %sign3A = arith.constant 0 : i32
    %sign3A_137 = arith.cmpi sgt, %while3A_133, %sign3A : i32
    %sign3A_138 = arith.extui %sign3A_137 : i1 to i32
    %sign3A_139 = arith.constant 0 : i32
    %sign3A_140 = arith.cmpi slt, %while3A_133, %sign3A_139 : i32
    %sign3A_141 = arith.extui %sign3A_140 : i1 to i32
    %sign3A_142 = arith.subi %sign3A_138, %sign3A_141 : i32
    %sign3A_143 = arith.constant 0 : i32
    %sign3A_144 = arith.cmpi sgt, %jit3A, %sign3A_143 : i32
    %sign3A_145 = arith.extui %sign3A_144 : i1 to i32
    %sign3A_146 = arith.constant 0 : i32
    %sign3A_147 = arith.cmpi slt, %jit3A, %sign3A_146 : i32
    %sign3A_148 = arith.extui %sign3A_147 : i1 to i32
    %sign3A_149 = arith.subi %sign3A_145, %sign3A_148 : i32
    %ne3A = arith.cmpi ne, %sign3A_142, %sign3A_149 : i32
    %rem3A = arith.remsi %while3A_133, %jit3A : i32
    %ne3A_150 = arith.constant 0 : i32
    %ne3A_151 = arith.cmpi ne, %rem3A, %ne3A_150 : i32
    %and3A = arith.andi %ne3A, %ne3A_151 : i1
    %sub3A_152 = arith.constant 1 : i32
    %sub3A_153 = arith.subi %div3A, %sub3A_152 : i32
    %select_n3A = arith.select %and3A, %sub3A_153, %div3A : i32
    %add3A_154 = arith.constant 1 : i32
    %add3A_155 = arith.addi %select_n3A, %add3A_154 : i32
    %scan3A_156 = arith.constant 0 : i32
    %scan3A_157 = arith.constant 24 : i32
    %scan3A_158 = arith.addi %scan3A_156, %scan3A_157 : i32
    %scan3A_159 = arith.constant 1 : i32
    %scan3A_160:2 = scf.for %scan3A_315 = %scan3A_156 to %scan3A_158 step %scan3A_159 iter_args(%scan3A_316 = %sub3A_94, %scan3A_317 = %broadcast_in_dim3A_92) -> (vector<16xf32>, vector<16xf32>)  : i32 {
      %add3A_318 = arith.addf %scan3A_316, %scan3A_317 : vector<16xf32>
      %mul3A_319 = arith.constant 5.000000e-01 : f32
      %mul3A_320 = vector.broadcast %mul3A_319 : f32 to vector<16xf32>
      %mul3A_321 = arith.mulf %mul3A_320, %add3A_318 : vector<16xf32>
      %broadcast_in_dim3A_322 = arith.constant 0.000000e+00 : f32
      %broadcast_in_dim3A_323 = vector.broadcast %broadcast_in_dim3A_322 : f32 to vector<16xf32>
      %while3A_324 = arith.constant 0 : i32
      %while3A_325 = arith.subi %add3A_155, %while3A_324 : i32
      %while3A_326 = arith.addi %while3A_324, %while3A_325 : i32
      %while3A_327 = arith.constant 1 : i32
      %while3A_328 = arith.divsi %while3A_325, %while3A_327 : i32
      %while3A_329 = arith.muli %while3A_328, %while3A_327 : i32
      %while3A_330 = arith.addi %while3A_324, %while3A_329 : i32
      %while3A_331 = arith.constant 1 : i32
      %while3A_332:2 = scf.for %while3A_362 = %while3A_324 to %while3A_330 step %while3A_331 iter_args(%while3A_363 = %broadcast_in_dim3A_323, %while3A_364 = %broadcast_in_dim3A_323) -> (vector<16xf32>, vector<16xf32>)  : i32 {
        %mul3A_365 = arith.constant 16 : i32
        %mul3A_366 = arith.muli %while3A_362, %mul3A_365 : i32
        %get3A = arith.index_cast %mul3A_366 : i32 to index
        %get3A_367 = tpu.vector_load %arg7[%get3A] {strides = array<i32>} : memref<32784xf32, #tpu.memory_space<vmem>>, vector<16xf32>,
        %gt3A_368 = arith.cmpf ogt, %get3A_367, %mul3A_321 : vector<16xf32>
        %jit3A_369 = arith.constant 0.000000e+00 : f32
        %broadcast_in_dim3A_370 = vector.broadcast %jit3A_369 : f32 to vector<16xf32>
        %select_n3A_371 = arith.select %gt3A_368, %get3A_367, %broadcast_in_dim3A_370 : vector<16xi1>, vector<16xf32>
        %add3A_372 = arith.addf %while3A_363, %select_n3A_371 : vector<16xf32>
        %jit3A_373 = arith.constant 1.000000e+00 : f32
        %jit3A_374 = arith.constant 0.000000e+00 : f32
        %broadcast_in_dim3A_375 = vector.broadcast %jit3A_373 : f32 to vector<16xf32>
        %broadcast_in_dim3A_376 = vector.broadcast %jit3A_374 : f32 to vector<16xf32>
        %select_n3A_377 = arith.select %gt3A_368, %broadcast_in_dim3A_375, %broadcast_in_dim3A_376 : vector<16xi1>, vector<16xf32>
        %add3A_378 = arith.addf %while3A_364, %select_n3A_377 : vector<16xf32>
        scf.yield %add3A_372, %add3A_378 : vector<16xf32>, vector<16xf32>
      }
      %while3A_333 = arith.constant 1 : i32
      %while3A_334:2 = scf.for %while3A_362 = %while3A_330 to %while3A_326 step %while3A_333 iter_args(%while3A_363 = %while3A_332#0, %while3A_364 = %while3A_332#1) -> (vector<16xf32>, vector<16xf32>)  : i32 {
        %mul3A_365 = arith.constant 16 : i32
        %mul3A_366 = arith.muli %while3A_362, %mul3A_365 : i32
        %get3A = arith.index_cast %mul3A_366 : i32 to index
        %get3A_367 = tpu.vector_load %arg7[%get3A] {strides = array<i32>} : memref<32784xf32, #tpu.memory_space<vmem>>, vector<16xf32>,
        %gt3A_368 = arith.cmpf ogt, %get3A_367, %mul3A_321 : vector<16xf32>
        %jit3A_369 = arith.constant 0.000000e+00 : f32
        %broadcast_in_dim3A_370 = vector.broadcast %jit3A_369 : f32 to vector<16xf32>
        %select_n3A_371 = arith.select %gt3A_368, %get3A_367, %broadcast_in_dim3A_370 : vector<16xi1>, vector<16xf32>
        %add3A_372 = arith.addf %while3A_363, %select_n3A_371 : vector<16xf32>
        %jit3A_373 = arith.constant 1.000000e+00 : f32
        %jit3A_374 = arith.constant 0.000000e+00 : f32
        %broadcast_in_dim3A_375 = vector.broadcast %jit3A_373 : f32 to vector<16xf32>
        %broadcast_in_dim3A_376 = vector.broadcast %jit3A_374 : f32 to vector<16xf32>
        %select_n3A_377 = arith.select %gt3A_368, %broadcast_in_dim3A_375, %broadcast_in_dim3A_376 : vector<16xi1>, vector<16xf32>
        %add3A_378 = arith.addf %while3A_364, %select_n3A_377 : vector<16xf32>
        scf.yield %add3A_372, %add3A_378 : vector<16xf32>, vector<16xf32>
      }
      %reduce_sum3A_335 = arith.constant true
      %reduce_sum3A_336 = vector.broadcast %reduce_sum3A_335 : i1 to vector<16xi1>
      %reduce_sum3A_337 = tpu.scan <sum>, %while3A_334#0 masked %reduce_sum3A_336 : vector<16xf32>, vector<16xi1> -> vector<16xf32>
      %reduce_sum3A_338 = vector.extract %reduce_sum3A_337[15] : f32 from vector<16xf32>
      %broadcast_in_dim3A_339 = vector.broadcast %reduce_sum3A_338 : f32 to vector<16xf32>
      %reduce_sum3A_340 = arith.constant true
      %reduce_sum3A_341 = vector.broadcast %reduce_sum3A_340 : i1 to vector<16xi1>
      %reduce_sum3A_342 = tpu.scan <sum>, %while3A_334#1 masked %reduce_sum3A_341 : vector<16xf32>, vector<16xi1> -> vector<16xf32>
      %reduce_sum3A_343 = vector.extract %reduce_sum3A_342[15] : f32 from vector<16xf32>
      %broadcast_in_dim3A_344 = vector.broadcast %reduce_sum3A_343 : f32 to vector<16xf32>
      %mul3A_345 = arith.mulf %mul3A_321, %broadcast_in_dim3A_344 : vector<16xf32>
      %sub3A_346 = arith.subf %broadcast_in_dim3A_339, %mul3A_345 : vector<16xf32>
      %sub3A_347 = arith.constant 1.000000e+00 : f32
      %sub3A_348 = vector.broadcast %sub3A_347 : f32 to vector<16xf32>
      %sub3A_349 = arith.subf %sub3A_346, %sub3A_348 : vector<16xf32>
      %sub3A_350 = arith.constant 1.000000e+00 : f32
      %sub3A_351 = vector.broadcast %sub3A_350 : f32 to vector<16xf32>
      %sub3A_352 = arith.subf %broadcast_in_dim3A_339, %sub3A_351 : vector<16xf32>
      %max3A_353 = arith.constant 1.000000e+00 : f32
      %max3A_354 = vector.broadcast %max3A_353 : f32 to vector<16xf32>
      %max3A_355 = arith.maximumf %broadcast_in_dim3A_344, %max3A_354 : vector<16xf32>
      %div3A_356 = arith.divf %sub3A_352, %max3A_355 : vector<16xf32>
      %gt3A_357 = arith.constant 0.000000e+00 : f32
      %gt3A_358 = vector.broadcast %gt3A_357 : f32 to vector<16xf32>
      %gt3A_359 = arith.cmpf ogt, %sub3A_349, %gt3A_358 : vector<16xf32>
      %select_n3A_360 = arith.select %gt3A_359, %scan3A_317, %mul3A_321 : vector<16xi1>, vector<16xf32>
      %max3A_361 = arith.maximumf %scan3A_316, %div3A_356 : vector<16xf32>
      %min3A = arith.minimumf %max3A_361, %select_n3A_360 : vector<16xf32>
      scf.yield %min3A, %select_n3A_360 : vector<16xf32>, vector<16xf32>
    }
    %scan3A_161 = arith.constant 24 : i32
    %broadcast_in_dim3A_162 = arith.constant 0.000000e+00 : f32
    %broadcast_in_dim3A_163 = vector.broadcast %broadcast_in_dim3A_162 : f32 to vector<16xf32>
    %while3A_164 = arith.constant 0 : i32
    %while3A_165 = arith.subi %add3A_155, %while3A_164 : i32
    %while3A_166 = arith.addi %while3A_164, %while3A_165 : i32
    %while3A_167 = arith.constant 1 : i32
    %while3A_168 = arith.divsi %while3A_165, %while3A_167 : i32
    %while3A_169 = arith.muli %while3A_168, %while3A_167 : i32
    %while3A_170 = arith.addi %while3A_164, %while3A_169 : i32
    %while3A_171 = arith.constant 1 : i32
    %while3A_172:2 = scf.for %while3A_315 = %while3A_164 to %while3A_170 step %while3A_171 iter_args(%while3A_316 = %broadcast_in_dim3A_163, %while3A_317 = %broadcast_in_dim3A_163) -> (vector<16xf32>, vector<16xf32>)  : i32 {
      %mul3A_318 = arith.constant 16 : i32
      %mul3A_319 = arith.muli %while3A_315, %mul3A_318 : i32
      %get3A = arith.index_cast %mul3A_319 : i32 to index
      %get3A_320 = tpu.vector_load %arg7[%get3A] {strides = array<i32>} : memref<32784xf32, #tpu.memory_space<vmem>>, vector<16xf32>,
      %gt3A_321 = arith.cmpf ogt, %get3A_320, %scan3A_160#0 : vector<16xf32>
      %jit3A_322 = arith.constant 0.000000e+00 : f32
      %broadcast_in_dim3A_323 = vector.broadcast %jit3A_322 : f32 to vector<16xf32>
      %select_n3A_324 = arith.select %gt3A_321, %get3A_320, %broadcast_in_dim3A_323 : vector<16xi1>, vector<16xf32>
      %add3A_325 = arith.addf %while3A_316, %select_n3A_324 : vector<16xf32>
      %jit3A_326 = arith.constant 1.000000e+00 : f32
      %jit3A_327 = arith.constant 0.000000e+00 : f32
      %broadcast_in_dim3A_328 = vector.broadcast %jit3A_326 : f32 to vector<16xf32>
      %broadcast_in_dim3A_329 = vector.broadcast %jit3A_327 : f32 to vector<16xf32>
      %select_n3A_330 = arith.select %gt3A_321, %broadcast_in_dim3A_328, %broadcast_in_dim3A_329 : vector<16xi1>, vector<16xf32>
      %add3A_331 = arith.addf %while3A_317, %select_n3A_330 : vector<16xf32>
      scf.yield %add3A_325, %add3A_331 : vector<16xf32>, vector<16xf32>
    }
    %while3A_173 = arith.constant 1 : i32
    %while3A_174:2 = scf.for %while3A_315 = %while3A_170 to %while3A_166 step %while3A_173 iter_args(%while3A_316 = %while3A_172#0, %while3A_317 = %while3A_172#1) -> (vector<16xf32>, vector<16xf32>)  : i32 {
      %mul3A_318 = arith.constant 16 : i32
      %mul3A_319 = arith.muli %while3A_315, %mul3A_318 : i32
      %get3A = arith.index_cast %mul3A_319 : i32 to index
      %get3A_320 = tpu.vector_load %arg7[%get3A] {strides = array<i32>} : memref<32784xf32, #tpu.memory_space<vmem>>, vector<16xf32>,
      %gt3A_321 = arith.cmpf ogt, %get3A_320, %scan3A_160#0 : vector<16xf32>
      %jit3A_322 = arith.constant 0.000000e+00 : f32
      %broadcast_in_dim3A_323 = vector.broadcast %jit3A_322 : f32 to vector<16xf32>
      %select_n3A_324 = arith.select %gt3A_321, %get3A_320, %broadcast_in_dim3A_323 : vector<16xi1>, vector<16xf32>
      %add3A_325 = arith.addf %while3A_316, %select_n3A_324 : vector<16xf32>
      %jit3A_326 = arith.constant 1.000000e+00 : f32
      %jit3A_327 = arith.constant 0.000000e+00 : f32
      %broadcast_in_dim3A_328 = vector.broadcast %jit3A_326 : f32 to vector<16xf32>
      %broadcast_in_dim3A_329 = vector.broadcast %jit3A_327 : f32 to vector<16xf32>
      %select_n3A_330 = arith.select %gt3A_321, %broadcast_in_dim3A_328, %broadcast_in_dim3A_329 : vector<16xi1>, vector<16xf32>
      %add3A_331 = arith.addf %while3A_317, %select_n3A_330 : vector<16xf32>
      scf.yield %add3A_325, %add3A_331 : vector<16xf32>, vector<16xf32>
    }
    %reduce_sum3A = arith.constant true
    %reduce_sum3A_175 = vector.broadcast %reduce_sum3A : i1 to vector<16xi1>
    %reduce_sum3A_176 = tpu.scan <sum>, %while3A_174#0 masked %reduce_sum3A_175 : vector<16xf32>, vector<16xi1> -> vector<16xf32>
    %reduce_sum3A_177 = vector.extract %reduce_sum3A_176[15] : f32 from vector<16xf32>
    %broadcast_in_dim3A_178 = vector.broadcast %reduce_sum3A_177 : f32 to vector<16xf32>
    %reduce_sum3A_179 = arith.constant true
    %reduce_sum3A_180 = vector.broadcast %reduce_sum3A_179 : i1 to vector<16xi1>
    %reduce_sum3A_181 = tpu.scan <sum>, %while3A_174#1 masked %reduce_sum3A_180 : vector<16xf32>, vector<16xi1> -> vector<16xf32>
    %reduce_sum3A_182 = vector.extract %reduce_sum3A_181[15] : f32 from vector<16xf32>
    %broadcast_in_dim3A_183 = vector.broadcast %reduce_sum3A_182 : f32 to vector<16xf32>
    %gt3A = arith.constant 0.000000e+00 : f32
    %gt3A_184 = vector.broadcast %gt3A : f32 to vector<16xf32>
    %gt3A_185 = arith.cmpf ogt, %broadcast_in_dim3A_183, %gt3A_184 : vector<16xf32>
    %sub3A_186 = arith.constant 1.000000e+00 : f32
    %sub3A_187 = vector.broadcast %sub3A_186 : f32 to vector<16xf32>
    %sub3A_188 = arith.subf %broadcast_in_dim3A_178, %sub3A_187 : vector<16xf32>
    %max3A_189 = arith.constant 1.000000e+00 : f32
    %max3A_190 = vector.broadcast %max3A_189 : f32 to vector<16xf32>
    %max3A_191 = arith.maximumf %broadcast_in_dim3A_183, %max3A_190 : vector<16xf32>
    %div3A_192 = arith.divf %sub3A_188, %max3A_191 : vector<16xf32>
    %select_n3A_193 = arith.select %gt3A_185, %div3A_192, %scan3A_160#0 : vector<16xi1>, vector<16xf32>
    %scan3A_194 = arith.constant 0 : i32
    %scan3A_195 = arith.constant 2048 : i32
    %scan3A_196 = arith.addi %scan3A_194, %scan3A_195 : i32
    %scan3A_197 = arith.constant 16 : i32
    scf.for %scan3A_315 = %scan3A_194 to %scan3A_196 step %scan3A_197  : i32 {
      %mul3A_316 = arith.constant 16 : i32
      %mul3A_317 = arith.muli %scan3A_315, %mul3A_316 : i32
      %get3A = arith.constant 0 : i32
      %get3A_318 = arith.index_cast %get3A : i32 to index
      %get3A_319 = arith.index_cast %mul3A_317 : i32 to index
      %get3A_320 = tpu.vector_load %arg4[%get3A_318, %get3A_319] {strides = array<i32>} : memref<2x32768xf32, #tpu.memory_space<vmem>>, vector<16xf32>,
      %sub3A_321 = arith.subf %get3A_320, %select_n3A_193 : vector<16xf32>
      %max3A_322 = arith.constant 0.000000e+00 : f32
      %max3A_323 = vector.broadcast %max3A_322 : f32 to vector<16xf32>
      %max3A_324 = arith.maximumf %sub3A_321, %max3A_323 : vector<16xf32>
      %mul3A_325 = arith.constant 16 : i32
      %mul3A_326 = arith.muli %scan3A_315, %mul3A_325 : i32
      %swap3A_327 = arith.constant 0 : i32
      %swap3A_328 = arith.index_cast %swap3A_327 : i32 to index
      %swap3A_329 = arith.index_cast %mul3A_326 : i32 to index
      %swap3A_330 = tpu.vector_load %arg4[%swap3A_328, %swap3A_329] {strides = array<i32>} : memref<2x32768xf32, #tpu.memory_space<vmem>>, vector<16xf32>,
      tpu.vector_store %arg4[%swap3A_328, %swap3A_329], %max3A_324 {strides = array<i32>} : memref<2x32768xf32, #tpu.memory_space<vmem>>, vector<16xf32>,
      %scan3A_331 = arith.constant 1 : i32
      %scan3A_332 = arith.addi %scan3A_315, %scan3A_331 : i32
      %mul3A_333 = arith.constant 16 : i32
      %mul3A_334 = arith.muli %scan3A_332, %mul3A_333 : i32
      %get3A_335 = arith.constant 0 : i32
      %get3A_336 = arith.index_cast %get3A_335 : i32 to index
      %get3A_337 = arith.index_cast %mul3A_334 : i32 to index
      %get3A_338 = tpu.vector_load %arg4[%get3A_336, %get3A_337] {strides = array<i32>} : memref<2x32768xf32, #tpu.memory_space<vmem>>, vector<16xf32>,
      %sub3A_339 = arith.subf %get3A_338, %select_n3A_193 : vector<16xf32>
      %max3A_340 = arith.constant 0.000000e+00 : f32
      %max3A_341 = vector.broadcast %max3A_340 : f32 to vector<16xf32>
      %max3A_342 = arith.maximumf %sub3A_339, %max3A_341 : vector<16xf32>
      %mul3A_343 = arith.constant 16 : i32
      %mul3A_344 = arith.muli %scan3A_332, %mul3A_343 : i32
      %swap3A_345 = arith.constant 0 : i32
      %swap3A_346 = arith.index_cast %swap3A_345 : i32 to index
      %swap3A_347 = arith.index_cast %mul3A_344 : i32 to index
      %swap3A_348 = tpu.vector_load %arg4[%swap3A_346, %swap3A_347] {strides = array<i32>} : memref<2x32768xf32, #tpu.memory_space<vmem>>, vector<16xf32>,
      tpu.vector_store %arg4[%swap3A_346, %swap3A_347], %max3A_342 {strides = array<i32>} : memref<2x32768xf32, #tpu.memory_space<vmem>>, vector<16xf32>,
      %scan3A_349 = arith.constant 2 : i32
      %scan3A_350 = arith.addi %scan3A_315, %scan3A_349 : i32
      %mul3A_351 = arith.constant 16 : i32
      %mul3A_352 = arith.muli %scan3A_350, %mul3A_351 : i32
      %get3A_353 = arith.constant 0 : i32
      %get3A_354 = arith.index_cast %get3A_353 : i32 to index
      %get3A_355 = arith.index_cast %mul3A_352 : i32 to index
      %get3A_356 = tpu.vector_load %arg4[%get3A_354, %get3A_355] {strides = array<i32>} : memref<2x32768xf32, #tpu.memory_space<vmem>>, vector<16xf32>,
      %sub3A_357 = arith.subf %get3A_356, %select_n3A_193 : vector<16xf32>
      %max3A_358 = arith.constant 0.000000e+00 : f32
      %max3A_359 = vector.broadcast %max3A_358 : f32 to vector<16xf32>
      %max3A_360 = arith.maximumf %sub3A_357, %max3A_359 : vector<16xf32>
      %mul3A_361 = arith.constant 16 : i32
      %mul3A_362 = arith.muli %scan3A_350, %mul3A_361 : i32
      %swap3A_363 = arith.constant 0 : i32
      %swap3A_364 = arith.index_cast %swap3A_363 : i32 to index
      %swap3A_365 = arith.index_cast %mul3A_362 : i32 to index
      %swap3A_366 = tpu.vector_load %arg4[%swap3A_364, %swap3A_365] {strides = array<i32>} : memref<2x32768xf32, #tpu.memory_space<vmem>>, vector<16xf32>,
      tpu.vector_store %arg4[%swap3A_364, %swap3A_365], %max3A_360 {strides = array<i32>} : memref<2x32768xf32, #tpu.memory_space<vmem>>, vector<16xf32>,
      %scan3A_367 = arith.constant 3 : i32
      %scan3A_368 = arith.addi %scan3A_315, %scan3A_367 : i32
      %mul3A_369 = arith.constant 16 : i32
      %mul3A_370 = arith.muli %scan3A_368, %mul3A_369 : i32
      %get3A_371 = arith.constant 0 : i32
      %get3A_372 = arith.index_cast %get3A_371 : i32 to index
      %get3A_373 = arith.index_cast %mul3A_370 : i32 to index
      %get3A_374 = tpu.vector_load %arg4[%get3A_372, %get3A_373] {strides = array<i32>} : memref<2x32768xf32, #tpu.memory_space<vmem>>, vector<16xf32>,
      %sub3A_375 = arith.subf %get3A_374, %select_n3A_193 : vector<16xf32>
      %max3A_376 = arith.constant 0.000000e+00 : f32
      %max3A_377 = vector.broadcast %max3A_376 : f32 to vector<16xf32>
      %max3A_378 = arith.maximumf %sub3A_375, %max3A_377 : vector<16xf32>
      %mul3A_379 = arith.constant 16 : i32
      %mul3A_380 = arith.muli %scan3A_368, %mul3A_379 : i32
      %swap3A_381 = arith.constant 0 : i32
      %swap3A_382 = arith.index_cast %swap3A_381 : i32 to index
      %swap3A_383 = arith.index_cast %mul3A_380 : i32 to index
      %swap3A_384 = tpu.vector_load %arg4[%swap3A_382, %swap3A_383] {strides = array<i32>} : memref<2x32768xf32, #tpu.memory_space<vmem>>, vector<16xf32>,
      tpu.vector_store %arg4[%swap3A_382, %swap3A_383], %max3A_378 {strides = array<i32>} : memref<2x32768xf32, #tpu.memory_space<vmem>>, vector<16xf32>,
      %scan3A_385 = arith.constant 4 : i32
      %scan3A_386 = arith.addi %scan3A_315, %scan3A_385 : i32
      %mul3A_387 = arith.constant 16 : i32
      %mul3A_388 = arith.muli %scan3A_386, %mul3A_387 : i32
      %get3A_389 = arith.constant 0 : i32
      %get3A_390 = arith.index_cast %get3A_389 : i32 to index
      %get3A_391 = arith.index_cast %mul3A_388 : i32 to index
      %get3A_392 = tpu.vector_load %arg4[%get3A_390, %get3A_391] {strides = array<i32>} : memref<2x32768xf32, #tpu.memory_space<vmem>>, vector<16xf32>,
      %sub3A_393 = arith.subf %get3A_392, %select_n3A_193 : vector<16xf32>
      %max3A_394 = arith.constant 0.000000e+00 : f32
      %max3A_395 = vector.broadcast %max3A_394 : f32 to vector<16xf32>
      %max3A_396 = arith.maximumf %sub3A_393, %max3A_395 : vector<16xf32>
      %mul3A_397 = arith.constant 16 : i32
      %mul3A_398 = arith.muli %scan3A_386, %mul3A_397 : i32
      %swap3A_399 = arith.constant 0 : i32
      %swap3A_400 = arith.index_cast %swap3A_399 : i32 to index
      %swap3A_401 = arith.index_cast %mul3A_398 : i32 to index
      %swap3A_402 = tpu.vector_load %arg4[%swap3A_400, %swap3A_401] {strides = array<i32>} : memref<2x32768xf32, #tpu.memory_space<vmem>>, vector<16xf32>,
      tpu.vector_store %arg4[%swap3A_400, %swap3A_401], %max3A_396 {strides = array<i32>} : memref<2x32768xf32, #tpu.memory_space<vmem>>, vector<16xf32>,
      %scan3A_403 = arith.constant 5 : i32
      %scan3A_404 = arith.addi %scan3A_315, %scan3A_403 : i32
      %mul3A_405 = arith.constant 16 : i32
      %mul3A_406 = arith.muli %scan3A_404, %mul3A_405 : i32
      %get3A_407 = arith.constant 0 : i32
      %get3A_408 = arith.index_cast %get3A_407 : i32 to index
      %get3A_409 = arith.index_cast %mul3A_406 : i32 to index
      %get3A_410 = tpu.vector_load %arg4[%get3A_408, %get3A_409] {strides = array<i32>} : memref<2x32768xf32, #tpu.memory_space<vmem>>, vector<16xf32>,
      %sub3A_411 = arith.subf %get3A_410, %select_n3A_193 : vector<16xf32>
      %max3A_412 = arith.constant 0.000000e+00 : f32
      %max3A_413 = vector.broadcast %max3A_412 : f32 to vector<16xf32>
      %max3A_414 = arith.maximumf %sub3A_411, %max3A_413 : vector<16xf32>
      %mul3A_415 = arith.constant 16 : i32
      %mul3A_416 = arith.muli %scan3A_404, %mul3A_415 : i32
      %swap3A_417 = arith.constant 0 : i32
      %swap3A_418 = arith.index_cast %swap3A_417 : i32 to index
      %swap3A_419 = arith.index_cast %mul3A_416 : i32 to index
      %swap3A_420 = tpu.vector_load %arg4[%swap3A_418, %swap3A_419] {strides = array<i32>} : memref<2x32768xf32, #tpu.memory_space<vmem>>, vector<16xf32>,
      tpu.vector_store %arg4[%swap3A_418, %swap3A_419], %max3A_414 {strides = array<i32>} : memref<2x32768xf32, #tpu.memory_space<vmem>>, vector<16xf32>,
      %scan3A_421 = arith.constant 6 : i32
      %scan3A_422 = arith.addi %scan3A_315, %scan3A_421 : i32
      %mul3A_423 = arith.constant 16 : i32
      %mul3A_424 = arith.muli %scan3A_422, %mul3A_423 : i32
      %get3A_425 = arith.constant 0 : i32
      %get3A_426 = arith.index_cast %get3A_425 : i32 to index
      %get3A_427 = arith.index_cast %mul3A_424 : i32 to index
      %get3A_428 = tpu.vector_load %arg4[%get3A_426, %get3A_427] {strides = array<i32>} : memref<2x32768xf32, #tpu.memory_space<vmem>>, vector<16xf32>,
      %sub3A_429 = arith.subf %get3A_428, %select_n3A_193 : vector<16xf32>
      %max3A_430 = arith.constant 0.000000e+00 : f32
      %max3A_431 = vector.broadcast %max3A_430 : f32 to vector<16xf32>
      %max3A_432 = arith.maximumf %sub3A_429, %max3A_431 : vector<16xf32>
      %mul3A_433 = arith.constant 16 : i32
      %mul3A_434 = arith.muli %scan3A_422, %mul3A_433 : i32
      %swap3A_435 = arith.constant 0 : i32
      %swap3A_436 = arith.index_cast %swap3A_435 : i32 to index
      %swap3A_437 = arith.index_cast %mul3A_434 : i32 to index
      %swap3A_438 = tpu.vector_load %arg4[%swap3A_436, %swap3A_437] {strides = array<i32>} : memref<2x32768xf32, #tpu.memory_space<vmem>>, vector<16xf32>,
      tpu.vector_store %arg4[%swap3A_436, %swap3A_437], %max3A_432 {strides = array<i32>} : memref<2x32768xf32, #tpu.memory_space<vmem>>, vector<16xf32>,
      %scan3A_439 = arith.constant 7 : i32
      %scan3A_440 = arith.addi %scan3A_315, %scan3A_439 : i32
      %mul3A_441 = arith.constant 16 : i32
      %mul3A_442 = arith.muli %scan3A_440, %mul3A_441 : i32
      %get3A_443 = arith.constant 0 : i32
      %get3A_444 = arith.index_cast %get3A_443 : i32 to index
      %get3A_445 = arith.index_cast %mul3A_442 : i32 to index
      %get3A_446 = tpu.vector_load %arg4[%get3A_444, %get3A_445] {strides = array<i32>} : memref<2x32768xf32, #tpu.memory_space<vmem>>, vector<16xf32>,
      %sub3A_447 = arith.subf %get3A_446, %select_n3A_193 : vector<16xf32>
      %max3A_448 = arith.constant 0.000000e+00 : f32
      %max3A_449 = vector.broadcast %max3A_448 : f32 to vector<16xf32>
      %max3A_450 = arith.maximumf %sub3A_447, %max3A_449 : vector<16xf32>
      %mul3A_451 = arith.constant 16 : i32
      %mul3A_452 = arith.muli %scan3A_440, %mul3A_451 : i32
      %swap3A_453 = arith.constant 0 : i32
      %swap3A_454 = arith.index_cast %swap3A_453 : i32 to index
      %swap3A_455 = arith.index_cast %mul3A_452 : i32 to index
      %swap3A_456 = tpu.vector_load %arg4[%swap3A_454, %swap3A_455] {strides = array<i32>} : memref<2x32768xf32, #tpu.memory_space<vmem>>, vector<16xf32>,
      tpu.vector_store %arg4[%swap3A_454, %swap3A_455], %max3A_450 {strides = array<i32>} : memref<2x32768xf32, #tpu.memory_space<vmem>>, vector<16xf32>,
      %scan3A_457 = arith.constant 8 : i32
      %scan3A_458 = arith.addi %scan3A_315, %scan3A_457 : i32
      %mul3A_459 = arith.constant 16 : i32
      %mul3A_460 = arith.muli %scan3A_458, %mul3A_459 : i32
      %get3A_461 = arith.constant 0 : i32
      %get3A_462 = arith.index_cast %get3A_461 : i32 to index
      %get3A_463 = arith.index_cast %mul3A_460 : i32 to index
      %get3A_464 = tpu.vector_load %arg4[%get3A_462, %get3A_463] {strides = array<i32>} : memref<2x32768xf32, #tpu.memory_space<vmem>>, vector<16xf32>,
      %sub3A_465 = arith.subf %get3A_464, %select_n3A_193 : vector<16xf32>
      %max3A_466 = arith.constant 0.000000e+00 : f32
      %max3A_467 = vector.broadcast %max3A_466 : f32 to vector<16xf32>
      %max3A_468 = arith.maximumf %sub3A_465, %max3A_467 : vector<16xf32>
      %mul3A_469 = arith.constant 16 : i32
      %mul3A_470 = arith.muli %scan3A_458, %mul3A_469 : i32
      %swap3A_471 = arith.constant 0 : i32
      %swap3A_472 = arith.index_cast %swap3A_471 : i32 to index
      %swap3A_473 = arith.index_cast %mul3A_470 : i32 to index
      %swap3A_474 = tpu.vector_load %arg4[%swap3A_472, %swap3A_473] {strides = array<i32>} : memref<2x32768xf32, #tpu.memory_space<vmem>>, vector<16xf32>,
      tpu.vector_store %arg4[%swap3A_472, %swap3A_473], %max3A_468 {strides = array<i32>} : memref<2x32768xf32, #tpu.memory_space<vmem>>, vector<16xf32>,
      %scan3A_475 = arith.constant 9 : i32
      %scan3A_476 = arith.addi %scan3A_315, %scan3A_475 : i32
      %mul3A_477 = arith.constant 16 : i32
      %mul3A_478 = arith.muli %scan3A_476, %mul3A_477 : i32
      %get3A_479 = arith.constant 0 : i32
      %get3A_480 = arith.index_cast %get3A_479 : i32 to index
      %get3A_481 = arith.index_cast %mul3A_478 : i32 to index
      %get3A_482 = tpu.vector_load %arg4[%get3A_480, %get3A_481] {strides = array<i32>} : memref<2x32768xf32, #tpu.memory_space<vmem>>, vector<16xf32>,
      %sub3A_483 = arith.subf %get3A_482, %select_n3A_193 : vector<16xf32>
      %max3A_484 = arith.constant 0.000000e+00 : f32
      %max3A_485 = vector.broadcast %max3A_484 : f32 to vector<16xf32>
      %max3A_486 = arith.maximumf %sub3A_483, %max3A_485 : vector<16xf32>
      %mul3A_487 = arith.constant 16 : i32
      %mul3A_488 = arith.muli %scan3A_476, %mul3A_487 : i32
      %swap3A_489 = arith.constant 0 : i32
      %swap3A_490 = arith.index_cast %swap3A_489 : i32 to index
      %swap3A_491 = arith.index_cast %mul3A_488 : i32 to index
      %swap3A_492 = tpu.vector_load %arg4[%swap3A_490, %swap3A_491] {strides = array<i32>} : memref<2x32768xf32, #tpu.memory_space<vmem>>, vector<16xf32>,
      tpu.vector_store %arg4[%swap3A_490, %swap3A_491], %max3A_486 {strides = array<i32>} : memref<2x32768xf32, #tpu.memory_space<vmem>>, vector<16xf32>,
      %scan3A_493 = arith.constant 10 : i32
      %scan3A_494 = arith.addi %scan3A_315, %scan3A_493 : i32
      %mul3A_495 = arith.constant 16 : i32
      %mul3A_496 = arith.muli %scan3A_494, %mul3A_495 : i32
      %get3A_497 = arith.constant 0 : i32
      %get3A_498 = arith.index_cast %get3A_497 : i32 to index
      %get3A_499 = arith.index_cast %mul3A_496 : i32 to index
      %get3A_500 = tpu.vector_load %arg4[%get3A_498, %get3A_499] {strides = array<i32>} : memref<2x32768xf32, #tpu.memory_space<vmem>>, vector<16xf32>,
      %sub3A_501 = arith.subf %get3A_500, %select_n3A_193 : vector<16xf32>
      %max3A_502 = arith.constant 0.000000e+00 : f32
      %max3A_503 = vector.broadcast %max3A_502 : f32 to vector<16xf32>
      %max3A_504 = arith.maximumf %sub3A_501, %max3A_503 : vector<16xf32>
      %mul3A_505 = arith.constant 16 : i32
      %mul3A_506 = arith.muli %scan3A_494, %mul3A_505 : i32
      %swap3A_507 = arith.constant 0 : i32
      %swap3A_508 = arith.index_cast %swap3A_507 : i32 to index
      %swap3A_509 = arith.index_cast %mul3A_506 : i32 to index
      %swap3A_510 = tpu.vector_load %arg4[%swap3A_508, %swap3A_509] {strides = array<i32>} : memref<2x32768xf32, #tpu.memory_space<vmem>>, vector<16xf32>,
      tpu.vector_store %arg4[%swap3A_508, %swap3A_509], %max3A_504 {strides = array<i32>} : memref<2x32768xf32, #tpu.memory_space<vmem>>, vector<16xf32>,
      %scan3A_511 = arith.constant 11 : i32
      %scan3A_512 = arith.addi %scan3A_315, %scan3A_511 : i32
      %mul3A_513 = arith.constant 16 : i32
      %mul3A_514 = arith.muli %scan3A_512, %mul3A_513 : i32
      %get3A_515 = arith.constant 0 : i32
      %get3A_516 = arith.index_cast %get3A_515 : i32 to index
      %get3A_517 = arith.index_cast %mul3A_514 : i32 to index
      %get3A_518 = tpu.vector_load %arg4[%get3A_516, %get3A_517] {strides = array<i32>} : memref<2x32768xf32, #tpu.memory_space<vmem>>, vector<16xf32>,
      %sub3A_519 = arith.subf %get3A_518, %select_n3A_193 : vector<16xf32>
      %max3A_520 = arith.constant 0.000000e+00 : f32
      %max3A_521 = vector.broadcast %max3A_520 : f32 to vector<16xf32>
      %max3A_522 = arith.maximumf %sub3A_519, %max3A_521 : vector<16xf32>
      %mul3A_523 = arith.constant 16 : i32
      %mul3A_524 = arith.muli %scan3A_512, %mul3A_523 : i32
      %swap3A_525 = arith.constant 0 : i32
      %swap3A_526 = arith.index_cast %swap3A_525 : i32 to index
      %swap3A_527 = arith.index_cast %mul3A_524 : i32 to index
      %swap3A_528 = tpu.vector_load %arg4[%swap3A_526, %swap3A_527] {strides = array<i32>} : memref<2x32768xf32, #tpu.memory_space<vmem>>, vector<16xf32>,
      tpu.vector_store %arg4[%swap3A_526, %swap3A_527], %max3A_522 {strides = array<i32>} : memref<2x32768xf32, #tpu.memory_space<vmem>>, vector<16xf32>,
      %scan3A_529 = arith.constant 12 : i32
      %scan3A_530 = arith.addi %scan3A_315, %scan3A_529 : i32
      %mul3A_531 = arith.constant 16 : i32
      %mul3A_532 = arith.muli %scan3A_530, %mul3A_531 : i32
      %get3A_533 = arith.constant 0 : i32
      %get3A_534 = arith.index_cast %get3A_533 : i32 to index
      %get3A_535 = arith.index_cast %mul3A_532 : i32 to index
      %get3A_536 = tpu.vector_load %arg4[%get3A_534, %get3A_535] {strides = array<i32>} : memref<2x32768xf32, #tpu.memory_space<vmem>>, vector<16xf32>,
      %sub3A_537 = arith.subf %get3A_536, %select_n3A_193 : vector<16xf32>
      %max3A_538 = arith.constant 0.000000e+00 : f32
      %max3A_539 = vector.broadcast %max3A_538 : f32 to vector<16xf32>
      %max3A_540 = arith.maximumf %sub3A_537, %max3A_539 : vector<16xf32>
      %mul3A_541 = arith.constant 16 : i32
      %mul3A_542 = arith.muli %scan3A_530, %mul3A_541 : i32
      %swap3A_543 = arith.constant 0 : i32
      %swap3A_544 = arith.index_cast %swap3A_543 : i32 to index
      %swap3A_545 = arith.index_cast %mul3A_542 : i32 to index
      %swap3A_546 = tpu.vector_load %arg4[%swap3A_544, %swap3A_545] {strides = array<i32>} : memref<2x32768xf32, #tpu.memory_space<vmem>>, vector<16xf32>,
      tpu.vector_store %arg4[%swap3A_544, %swap3A_545], %max3A_540 {strides = array<i32>} : memref<2x32768xf32, #tpu.memory_space<vmem>>, vector<16xf32>,
      %scan3A_547 = arith.constant 13 : i32
      %scan3A_548 = arith.addi %scan3A_315, %scan3A_547 : i32
      %mul3A_549 = arith.constant 16 : i32
      %mul3A_550 = arith.muli %scan3A_548, %mul3A_549 : i32
      %get3A_551 = arith.constant 0 : i32
      %get3A_552 = arith.index_cast %get3A_551 : i32 to index
      %get3A_553 = arith.index_cast %mul3A_550 : i32 to index
      %get3A_554 = tpu.vector_load %arg4[%get3A_552, %get3A_553] {strides = array<i32>} : memref<2x32768xf32, #tpu.memory_space<vmem>>, vector<16xf32>,
      %sub3A_555 = arith.subf %get3A_554, %select_n3A_193 : vector<16xf32>
      %max3A_556 = arith.constant 0.000000e+00 : f32
      %max3A_557 = vector.broadcast %max3A_556 : f32 to vector<16xf32>
      %max3A_558 = arith.maximumf %sub3A_555, %max3A_557 : vector<16xf32>
      %mul3A_559 = arith.constant 16 : i32
      %mul3A_560 = arith.muli %scan3A_548, %mul3A_559 : i32
      %swap3A_561 = arith.constant 0 : i32
      %swap3A_562 = arith.index_cast %swap3A_561 : i32 to index
      %swap3A_563 = arith.index_cast %mul3A_560 : i32 to index
      %swap3A_564 = tpu.vector_load %arg4[%swap3A_562, %swap3A_563] {strides = array<i32>} : memref<2x32768xf32, #tpu.memory_space<vmem>>, vector<16xf32>,
      tpu.vector_store %arg4[%swap3A_562, %swap3A_563], %max3A_558 {strides = array<i32>} : memref<2x32768xf32, #tpu.memory_space<vmem>>, vector<16xf32>,
      %scan3A_565 = arith.constant 14 : i32
      %scan3A_566 = arith.addi %scan3A_315, %scan3A_565 : i32
      %mul3A_567 = arith.constant 16 : i32
      %mul3A_568 = arith.muli %scan3A_566, %mul3A_567 : i32
      %get3A_569 = arith.constant 0 : i32
      %get3A_570 = arith.index_cast %get3A_569 : i32 to index
      %get3A_571 = arith.index_cast %mul3A_568 : i32 to index
      %get3A_572 = tpu.vector_load %arg4[%get3A_570, %get3A_571] {strides = array<i32>} : memref<2x32768xf32, #tpu.memory_space<vmem>>, vector<16xf32>,
      %sub3A_573 = arith.subf %get3A_572, %select_n3A_193 : vector<16xf32>
      %max3A_574 = arith.constant 0.000000e+00 : f32
      %max3A_575 = vector.broadcast %max3A_574 : f32 to vector<16xf32>
      %max3A_576 = arith.maximumf %sub3A_573, %max3A_575 : vector<16xf32>
      %mul3A_577 = arith.constant 16 : i32
      %mul3A_578 = arith.muli %scan3A_566, %mul3A_577 : i32
      %swap3A_579 = arith.constant 0 : i32
      %swap3A_580 = arith.index_cast %swap3A_579 : i32 to index
      %swap3A_581 = arith.index_cast %mul3A_578 : i32 to index
      %swap3A_582 = tpu.vector_load %arg4[%swap3A_580, %swap3A_581] {strides = array<i32>} : memref<2x32768xf32, #tpu.memory_space<vmem>>, vector<16xf32>,
      tpu.vector_store %arg4[%swap3A_580, %swap3A_581], %max3A_576 {strides = array<i32>} : memref<2x32768xf32, #tpu.memory_space<vmem>>, vector<16xf32>,
      %scan3A_583 = arith.constant 15 : i32
      %scan3A_584 = arith.addi %scan3A_315, %scan3A_583 : i32
      %mul3A_585 = arith.constant 16 : i32
      %mul3A_586 = arith.muli %scan3A_584, %mul3A_585 : i32
      %get3A_587 = arith.constant 0 : i32
      %get3A_588 = arith.index_cast %get3A_587 : i32 to index
      %get3A_589 = arith.index_cast %mul3A_586 : i32 to index
      %get3A_590 = tpu.vector_load %arg4[%get3A_588, %get3A_589] {strides = array<i32>} : memref<2x32768xf32, #tpu.memory_space<vmem>>, vector<16xf32>,
      %sub3A_591 = arith.subf %get3A_590, %select_n3A_193 : vector<16xf32>
      %max3A_592 = arith.constant 0.000000e+00 : f32
      %max3A_593 = vector.broadcast %max3A_592 : f32 to vector<16xf32>
      %max3A_594 = arith.maximumf %sub3A_591, %max3A_593 : vector<16xf32>
      %mul3A_595 = arith.constant 16 : i32
      %mul3A_596 = arith.muli %scan3A_584, %mul3A_595 : i32
      %swap3A_597 = arith.constant 0 : i32
      %swap3A_598 = arith.index_cast %swap3A_597 : i32 to index
      %swap3A_599 = arith.index_cast %mul3A_596 : i32 to index
      %swap3A_600 = tpu.vector_load %arg4[%swap3A_598, %swap3A_599] {strides = array<i32>} : memref<2x32768xf32, #tpu.memory_space<vmem>>, vector<16xf32>,
      tpu.vector_store %arg4[%swap3A_598, %swap3A_599], %max3A_594 {strides = array<i32>} : memref<2x32768xf32, #tpu.memory_space<vmem>>, vector<16xf32>,
    }
    %scan3A_198 = arith.constant 2048 : i32
    %dma_start3A_199 = arith.constant 0 : i32
    %dma_start3A_200 = arith.constant 0 : i32
    %dma_start3A_201 = tpu.memref_slice %arg4[%dma_start3A_199, %dma_start3A_200] : memref<2x32768xf32, #tpu.memory_space<vmem>> -> memref<1x32768xf32, #tpu.memory_space<vmem>>
    %dma_start3A_202 = arith.constant 0 : i32
    %dma_start3A_203 = tpu.memref_slice %arg3[%mul3A_2, %dma_start3A_202] : memref<64x32768xf32, #tpu.memory_space<hbm>> -> memref<1x32768xf32, #tpu.memory_space<hbm>>
    %dma_start3A_204 = arith.constant 0 : i32
    %dma_start3A_205 = tpu.memref_slice %arg3[%mul3A_2, %dma_start3A_204] : memref<64x32768xf32, #tpu.memory_space<hbm>> -> memref<1x32768xf32, #tpu.memory_space<hbm>>
    %dma_start3A_206 = arith.constant 0 : i32
    %dma_start3A_207 = arith.constant 0 : i32
    %dma_start3A_208 = tpu.memref_slice %arg4[%dma_start3A_206, %dma_start3A_207] : memref<2x32768xf32, #tpu.memory_space<vmem>> -> memref<1x32768xf32, #tpu.memory_space<vmem>>
    tpu.enqueue_dma source(%dma_start3A_208 : memref<1x32768xf32, #tpu.memory_space<vmem>>) target(%dma_start3A_205 : memref<1x32768xf32, #tpu.memory_space<hbm>>) target_semaphore(%arg10 : memref<!tpu.dma_semaphore, #tpu.memory_space<semaphore_mem>>)
    %scan3A_209 = arith.constant 0 : i32
    %scan3A_210 = arith.constant 0 : i32
    %scan3A_211 = arith.constant 16 : i32
    %scan3A_212 = arith.addi %scan3A_210, %scan3A_211 : i32
    %scan3A_213 = arith.constant 1 : i32
    %scan3A_214 = scf.for %scan3A_315 = %scan3A_210 to %scan3A_212 step %scan3A_213 iter_args(%scan3A_316 = %scan3A_209) -> (i32)  : i32 {
      %mul3A_317 = arith.constant 8 : i32
      %mul3A_318 = arith.muli %scan3A_315, %mul3A_317 : i32
      %add3A_319 = arith.constant 0 : i32
      %add3A_320 = arith.addi %mul3A_318, %add3A_319 : i32
      %mul3A_321 = arith.constant 16 : i32
      %mul3A_322 = arith.muli %add3A_320, %mul3A_321 : i32
      %get3A = arith.constant 1 : i32
      %get3A_323 = arith.index_cast %get3A : i32 to index
      %get3A_324 = arith.index_cast %mul3A_322 : i32 to index
      %get3A_325 = tpu.vector_load %arg5[%get3A_323, %get3A_324] {strides = array<i32>} : memref<2x2064xf32, #tpu.memory_space<vmem>>, vector<16xf32>,
      %mul3A_326 = arith.constant 8 : i32
      %mul3A_327 = arith.muli %scan3A_315, %mul3A_326 : i32
      %add3A_328 = arith.constant 1 : i32
      %add3A_329 = arith.addi %mul3A_327, %add3A_328 : i32
      %mul3A_330 = arith.constant 16 : i32
      %mul3A_331 = arith.muli %add3A_329, %mul3A_330 : i32
      %get3A_332 = arith.constant 1 : i32
      %get3A_333 = arith.index_cast %get3A_332 : i32 to index
      %get3A_334 = arith.index_cast %mul3A_331 : i32 to index
      %get3A_335 = tpu.vector_load %arg5[%get3A_333, %get3A_334] {strides = array<i32>} : memref<2x2064xf32, #tpu.memory_space<vmem>>, vector<16xf32>,
      %mul3A_336 = arith.constant 8 : i32
      %mul3A_337 = arith.muli %scan3A_315, %mul3A_336 : i32
      %add3A_338 = arith.constant 2 : i32
      %add3A_339 = arith.addi %mul3A_337, %add3A_338 : i32
      %mul3A_340 = arith.constant 16 : i32
      %mul3A_341 = arith.muli %add3A_339, %mul3A_340 : i32
      %get3A_342 = arith.constant 1 : i32
      %get3A_343 = arith.index_cast %get3A_342 : i32 to index
      %get3A_344 = arith.index_cast %mul3A_341 : i32 to index
      %get3A_345 = tpu.vector_load %arg5[%get3A_343, %get3A_344] {strides = array<i32>} : memref<2x2064xf32, #tpu.memory_space<vmem>>, vector<16xf32>,
      %mul3A_346 = arith.constant 8 : i32
      %mul3A_347 = arith.muli %scan3A_315, %mul3A_346 : i32
      %add3A_348 = arith.constant 3 : i32
      %add3A_349 = arith.addi %mul3A_347, %add3A_348 : i32
      %mul3A_350 = arith.constant 16 : i32
      %mul3A_351 = arith.muli %add3A_349, %mul3A_350 : i32
      %get3A_352 = arith.constant 1 : i32
      %get3A_353 = arith.index_cast %get3A_352 : i32 to index
      %get3A_354 = arith.index_cast %mul3A_351 : i32 to index
      %get3A_355 = tpu.vector_load %arg5[%get3A_353, %get3A_354] {strides = array<i32>} : memref<2x2064xf32, #tpu.memory_space<vmem>>, vector<16xf32>,
      %mul3A_356 = arith.constant 8 : i32
      %mul3A_357 = arith.muli %scan3A_315, %mul3A_356 : i32
      %add3A_358 = arith.constant 4 : i32
      %add3A_359 = arith.addi %mul3A_357, %add3A_358 : i32
      %mul3A_360 = arith.constant 16 : i32
      %mul3A_361 = arith.muli %add3A_359, %mul3A_360 : i32
      %get3A_362 = arith.constant 1 : i32
      %get3A_363 = arith.index_cast %get3A_362 : i32 to index
      %get3A_364 = arith.index_cast %mul3A_361 : i32 to index
      %get3A_365 = tpu.vector_load %arg5[%get3A_363, %get3A_364] {strides = array<i32>} : memref<2x2064xf32, #tpu.memory_space<vmem>>, vector<16xf32>,
      %mul3A_366 = arith.constant 8 : i32
      %mul3A_367 = arith.muli %scan3A_315, %mul3A_366 : i32
      %add3A_368 = arith.constant 5 : i32
      %add3A_369 = arith.addi %mul3A_367, %add3A_368 : i32
      %mul3A_370 = arith.constant 16 : i32
      %mul3A_371 = arith.muli %add3A_369, %mul3A_370 : i32
      %get3A_372 = arith.constant 1 : i32
      %get3A_373 = arith.index_cast %get3A_372 : i32 to index
      %get3A_374 = arith.index_cast %mul3A_371 : i32 to index
      %get3A_375 = tpu.vector_load %arg5[%get3A_373, %get3A_374] {strides = array<i32>} : memref<2x2064xf32, #tpu.memory_space<vmem>>, vector<16xf32>,
      %mul3A_376 = arith.constant 8 : i32
      %mul3A_377 = arith.muli %scan3A_315, %mul3A_376 : i32
      %add3A_378 = arith.constant 6 : i32
      %add3A_379 = arith.addi %mul3A_377, %add3A_378 : i32
      %mul3A_380 = arith.constant 16 : i32
      %mul3A_381 = arith.muli %add3A_379, %mul3A_380 : i32
      %get3A_382 = arith.constant 1 : i32
      %get3A_383 = arith.index_cast %get3A_382 : i32 to index
      %get3A_384 = arith.index_cast %mul3A_381 : i32 to index
      %get3A_385 = tpu.vector_load %arg5[%get3A_383, %get3A_384] {strides = array<i32>} : memref<2x2064xf32, #tpu.memory_space<vmem>>, vector<16xf32>,
      %mul3A_386 = arith.constant 8 : i32
      %mul3A_387 = arith.muli %scan3A_315, %mul3A_386 : i32
      %add3A_388 = arith.constant 7 : i32
      %add3A_389 = arith.addi %mul3A_387, %add3A_388 : i32
      %mul3A_390 = arith.constant 16 : i32
      %mul3A_391 = arith.muli %add3A_389, %mul3A_390 : i32
      %get3A_392 = arith.constant 1 : i32
      %get3A_393 = arith.index_cast %get3A_392 : i32 to index
      %get3A_394 = arith.index_cast %mul3A_391 : i32 to index
      %get3A_395 = tpu.vector_load %arg5[%get3A_393, %get3A_394] {strides = array<i32>} : memref<2x2064xf32, #tpu.memory_space<vmem>>, vector<16xf32>,
      %gt3A_396 = arith.constant 0.000000e+00 : f32
      %gt3A_397 = vector.broadcast %gt3A_396 : f32 to vector<16xf32>
      %gt3A_398 = arith.cmpf ogt, %get3A_325, %gt3A_397 : vector<16xf32>
      %gt3A_399 = arith.constant 0.000000e+00 : f32
      %gt3A_400 = vector.broadcast %gt3A_399 : f32 to vector<16xf32>
      %gt3A_401 = arith.cmpf ogt, %get3A_335, %gt3A_400 : vector<16xf32>
      %gt3A_402 = arith.constant 0.000000e+00 : f32
      %gt3A_403 = vector.broadcast %gt3A_402 : f32 to vector<16xf32>
      %gt3A_404 = arith.cmpf ogt, %get3A_345, %gt3A_403 : vector<16xf32>
      %gt3A_405 = arith.constant 0.000000e+00 : f32
      %gt3A_406 = vector.broadcast %gt3A_405 : f32 to vector<16xf32>
      %gt3A_407 = arith.cmpf ogt, %get3A_355, %gt3A_406 : vector<16xf32>
      %gt3A_408 = arith.constant 0.000000e+00 : f32
      %gt3A_409 = vector.broadcast %gt3A_408 : f32 to vector<16xf32>
      %gt3A_410 = arith.cmpf ogt, %get3A_365, %gt3A_409 : vector<16xf32>
      %gt3A_411 = arith.constant 0.000000e+00 : f32
      %gt3A_412 = vector.broadcast %gt3A_411 : f32 to vector<16xf32>
      %gt3A_413 = arith.cmpf ogt, %get3A_375, %gt3A_412 : vector<16xf32>
      %gt3A_414 = arith.constant 0.000000e+00 : f32
      %gt3A_415 = vector.broadcast %gt3A_414 : f32 to vector<16xf32>
      %gt3A_416 = arith.cmpf ogt, %get3A_385, %gt3A_415 : vector<16xf32>
      %gt3A_417 = arith.constant 0.000000e+00 : f32
      %gt3A_418 = vector.broadcast %gt3A_417 : f32 to vector<16xf32>
      %gt3A_419 = arith.cmpf ogt, %get3A_395, %gt3A_418 : vector<16xf32>
      %all_reduce_population_count3A = tpu.all_reduce %gt3A_398 {dim = 0 : i64, kind = #tpu.reduction_kind<sum>} : vector<16xi1> -> vector<16xi32>
      %all_reduce_population_count3A_420 = tpu.all_reduce %gt3A_401 {dim = 0 : i64, kind = #tpu.reduction_kind<sum>} : vector<16xi1> -> vector<16xi32>
      %all_reduce_population_count3A_421 = tpu.all_reduce %gt3A_404 {dim = 0 : i64, kind = #tpu.reduction_kind<sum>} : vector<16xi1> -> vector<16xi32>
      %all_reduce_population_count3A_422 = tpu.all_reduce %gt3A_407 {dim = 0 : i64, kind = #tpu.reduction_kind<sum>} : vector<16xi1> -> vector<16xi32>
      %all_reduce_population_count3A_423 = tpu.all_reduce %gt3A_410 {dim = 0 : i64, kind = #tpu.reduction_kind<sum>} : vector<16xi1> -> vector<16xi32>
      %all_reduce_population_count3A_424 = tpu.all_reduce %gt3A_413 {dim = 0 : i64, kind = #tpu.reduction_kind<sum>} : vector<16xi1> -> vector<16xi32>
      %all_reduce_population_count3A_425 = tpu.all_reduce %gt3A_416 {dim = 0 : i64, kind = #tpu.reduction_kind<sum>} : vector<16xi1> -> vector<16xi32>
      %all_reduce_population_count3A_426 = tpu.all_reduce %gt3A_419 {dim = 0 : i64, kind = #tpu.reduction_kind<sum>} : vector<16xi1> -> vector<16xi32>
      %gt3A_427 = arith.constant 0 : i32
      %gt3A_428 = vector.broadcast %gt3A_427 : i32 to vector<16xi32>
      %gt3A_429 = arith.cmpi sgt, %all_reduce_population_count3A, %gt3A_428 : vector<16xi32>
      %mul3A_430 = arith.constant 8 : i32
      %mul3A_431 = arith.muli %scan3A_315, %mul3A_430 : i32
      %add3A_432 = arith.constant 0 : i32
      %add3A_433 = arith.addi %mul3A_431, %add3A_432 : i32
      %broadcast_in_dim3A_434 = vector.broadcast %add3A_433 : i32 to vector<16xi32>
      %and3A_435 = arith.andi %gt3A_429, %eq3A_27 : vector<16xi1>
      %swap3A_436 = arith.index_cast %scan3A_316 : i32 to index
      %swap3A_437 = tpu.vector_load %arg6[%swap3A_436] masked %and3A_435 {strides = array<i32>} : memref<144xi32, #tpu.memory_space<vmem>>, vector<16xi32>, vector<16xi1>
      tpu.vector_store %arg6[%swap3A_436], %broadcast_in_dim3A_434 masked %and3A_435 {strides = array<i32>} : memref<144xi32, #tpu.memory_space<vmem>>, vector<16xi32>, vector<16xi1>
      %slice3A = vector.extract_strided_slice %all_reduce_population_count3A {offsets = [0], sizes = [1], strides = [1]} : vector<16xi32> to vector<1xi32>
      %squeeze3A = vector.extract %slice3A[0] : i32 from vector<1xi32>
      %min3A = arith.constant 1 : i32
      %min3A_438 = arith.minsi %squeeze3A, %min3A : i32
      %add3A_439 = arith.addi %scan3A_316, %min3A_438 : i32
      %gt3A_440 = arith.constant 0 : i32
      %gt3A_441 = vector.broadcast %gt3A_440 : i32 to vector<16xi32>
      %gt3A_442 = arith.cmpi sgt, %all_reduce_population_count3A_420, %gt3A_441 : vector<16xi32>
      %mul3A_443 = arith.constant 8 : i32
      %mul3A_444 = arith.muli %scan3A_315, %mul3A_443 : i32
      %add3A_445 = arith.constant 1 : i32
      %add3A_446 = arith.addi %mul3A_444, %add3A_445 : i32
      %broadcast_in_dim3A_447 = vector.broadcast %add3A_446 : i32 to vector<16xi32>
      %and3A_448 = arith.andi %gt3A_442, %eq3A_27 : vector<16xi1>
      %swap3A_449 = arith.index_cast %add3A_439 : i32 to index
      %swap3A_450 = tpu.vector_load %arg6[%swap3A_449] masked %and3A_448 {strides = array<i32>} : memref<144xi32, #tpu.memory_space<vmem>>, vector<16xi32>, vector<16xi1>
      tpu.vector_store %arg6[%swap3A_449], %broadcast_in_dim3A_447 masked %and3A_448 {strides = array<i32>} : memref<144xi32, #tpu.memory_space<vmem>>, vector<16xi32>, vector<16xi1>
      %slice3A_451 = vector.extract_strided_slice %all_reduce_population_count3A_420 {offsets = [0], sizes = [1], strides = [1]} : vector<16xi32> to vector<1xi32>
      %squeeze3A_452 = vector.extract %slice3A_451[0] : i32 from vector<1xi32>
      %min3A_453 = arith.constant 1 : i32
      %min3A_454 = arith.minsi %squeeze3A_452, %min3A_453 : i32
      %add3A_455 = arith.addi %add3A_439, %min3A_454 : i32
      %gt3A_456 = arith.constant 0 : i32
      %gt3A_457 = vector.broadcast %gt3A_456 : i32 to vector<16xi32>
      %gt3A_458 = arith.cmpi sgt, %all_reduce_population_count3A_421, %gt3A_457 : vector<16xi32>
      %mul3A_459 = arith.constant 8 : i32
      %mul3A_460 = arith.muli %scan3A_315, %mul3A_459 : i32
      %add3A_461 = arith.constant 2 : i32
      %add3A_462 = arith.addi %mul3A_460, %add3A_461 : i32
      %broadcast_in_dim3A_463 = vector.broadcast %add3A_462 : i32 to vector<16xi32>
      %and3A_464 = arith.andi %gt3A_458, %eq3A_27 : vector<16xi1>
      %swap3A_465 = arith.index_cast %add3A_455 : i32 to index
      %swap3A_466 = tpu.vector_load %arg6[%swap3A_465] masked %and3A_464 {strides = array<i32>} : memref<144xi32, #tpu.memory_space<vmem>>, vector<16xi32>, vector<16xi1>
      tpu.vector_store %arg6[%swap3A_465], %broadcast_in_dim3A_463 masked %and3A_464 {strides = array<i32>} : memref<144xi32, #tpu.memory_space<vmem>>, vector<16xi32>, vector<16xi1>
      %slice3A_467 = vector.extract_strided_slice %all_reduce_population_count3A_421 {offsets = [0], sizes = [1], strides = [1]} : vector<16xi32> to vector<1xi32>
      %squeeze3A_468 = vector.extract %slice3A_467[0] : i32 from vector<1xi32>
      %min3A_469 = arith.constant 1 : i32
      %min3A_470 = arith.minsi %squeeze3A_468, %min3A_469 : i32
      %add3A_471 = arith.addi %add3A_455, %min3A_470 : i32
      %gt3A_472 = arith.constant 0 : i32
      %gt3A_473 = vector.broadcast %gt3A_472 : i32 to vector<16xi32>
      %gt3A_474 = arith.cmpi sgt, %all_reduce_population_count3A_422, %gt3A_473 : vector<16xi32>
      %mul3A_475 = arith.constant 8 : i32
      %mul3A_476 = arith.muli %scan3A_315, %mul3A_475 : i32
      %add3A_477 = arith.constant 3 : i32
      %add3A_478 = arith.addi %mul3A_476, %add3A_477 : i32
      %broadcast_in_dim3A_479 = vector.broadcast %add3A_478 : i32 to vector<16xi32>
      %and3A_480 = arith.andi %gt3A_474, %eq3A_27 : vector<16xi1>
      %swap3A_481 = arith.index_cast %add3A_471 : i32 to index
      %swap3A_482 = tpu.vector_load %arg6[%swap3A_481] masked %and3A_480 {strides = array<i32>} : memref<144xi32, #tpu.memory_space<vmem>>, vector<16xi32>, vector<16xi1>
      tpu.vector_store %arg6[%swap3A_481], %broadcast_in_dim3A_479 masked %and3A_480 {strides = array<i32>} : memref<144xi32, #tpu.memory_space<vmem>>, vector<16xi32>, vector<16xi1>
      %slice3A_483 = vector.extract_strided_slice %all_reduce_population_count3A_422 {offsets = [0], sizes = [1], strides = [1]} : vector<16xi32> to vector<1xi32>
      %squeeze3A_484 = vector.extract %slice3A_483[0] : i32 from vector<1xi32>
      %min3A_485 = arith.constant 1 : i32
      %min3A_486 = arith.minsi %squeeze3A_484, %min3A_485 : i32
      %add3A_487 = arith.addi %add3A_471, %min3A_486 : i32
      %gt3A_488 = arith.constant 0 : i32
      %gt3A_489 = vector.broadcast %gt3A_488 : i32 to vector<16xi32>
      %gt3A_490 = arith.cmpi sgt, %all_reduce_population_count3A_423, %gt3A_489 : vector<16xi32>
      %mul3A_491 = arith.constant 8 : i32
      %mul3A_492 = arith.muli %scan3A_315, %mul3A_491 : i32
      %add3A_493 = arith.constant 4 : i32
      %add3A_494 = arith.addi %mul3A_492, %add3A_493 : i32
      %broadcast_in_dim3A_495 = vector.broadcast %add3A_494 : i32 to vector<16xi32>
      %and3A_496 = arith.andi %gt3A_490, %eq3A_27 : vector<16xi1>
      %swap3A_497 = arith.index_cast %add3A_487 : i32 to index
      %swap3A_498 = tpu.vector_load %arg6[%swap3A_497] masked %and3A_496 {strides = array<i32>} : memref<144xi32, #tpu.memory_space<vmem>>, vector<16xi32>, vector<16xi1>
      tpu.vector_store %arg6[%swap3A_497], %broadcast_in_dim3A_495 masked %and3A_496 {strides = array<i32>} : memref<144xi32, #tpu.memory_space<vmem>>, vector<16xi32>, vector<16xi1>
      %slice3A_499 = vector.extract_strided_slice %all_reduce_population_count3A_423 {offsets = [0], sizes = [1], strides = [1]} : vector<16xi32> to vector<1xi32>
      %squeeze3A_500 = vector.extract %slice3A_499[0] : i32 from vector<1xi32>
      %min3A_501 = arith.constant 1 : i32
      %min3A_502 = arith.minsi %squeeze3A_500, %min3A_501 : i32
      %add3A_503 = arith.addi %add3A_487, %min3A_502 : i32
      %gt3A_504 = arith.constant 0 : i32
      %gt3A_505 = vector.broadcast %gt3A_504 : i32 to vector<16xi32>
      %gt3A_506 = arith.cmpi sgt, %all_reduce_population_count3A_424, %gt3A_505 : vector<16xi32>
      %mul3A_507 = arith.constant 8 : i32
      %mul3A_508 = arith.muli %scan3A_315, %mul3A_507 : i32
      %add3A_509 = arith.constant 5 : i32
      %add3A_510 = arith.addi %mul3A_508, %add3A_509 : i32
      %broadcast_in_dim3A_511 = vector.broadcast %add3A_510 : i32 to vector<16xi32>
      %and3A_512 = arith.andi %gt3A_506, %eq3A_27 : vector<16xi1>
      %swap3A_513 = arith.index_cast %add3A_503 : i32 to index
      %swap3A_514 = tpu.vector_load %arg6[%swap3A_513] masked %and3A_512 {strides = array<i32>} : memref<144xi32, #tpu.memory_space<vmem>>, vector<16xi32>, vector<16xi1>
      tpu.vector_store %arg6[%swap3A_513], %broadcast_in_dim3A_511 masked %and3A_512 {strides = array<i32>} : memref<144xi32, #tpu.memory_space<vmem>>, vector<16xi32>, vector<16xi1>
      %slice3A_515 = vector.extract_strided_slice %all_reduce_population_count3A_424 {offsets = [0], sizes = [1], strides = [1]} : vector<16xi32> to vector<1xi32>
      %squeeze3A_516 = vector.extract %slice3A_515[0] : i32 from vector<1xi32>
      %min3A_517 = arith.constant 1 : i32
      %min3A_518 = arith.minsi %squeeze3A_516, %min3A_517 : i32
      %add3A_519 = arith.addi %add3A_503, %min3A_518 : i32
      %gt3A_520 = arith.constant 0 : i32
      %gt3A_521 = vector.broadcast %gt3A_520 : i32 to vector<16xi32>
      %gt3A_522 = arith.cmpi sgt, %all_reduce_population_count3A_425, %gt3A_521 : vector<16xi32>
      %mul3A_523 = arith.constant 8 : i32
      %mul3A_524 = arith.muli %scan3A_315, %mul3A_523 : i32
      %add3A_525 = arith.constant 6 : i32
      %add3A_526 = arith.addi %mul3A_524, %add3A_525 : i32
      %broadcast_in_dim3A_527 = vector.broadcast %add3A_526 : i32 to vector<16xi32>
      %and3A_528 = arith.andi %gt3A_522, %eq3A_27 : vector<16xi1>
      %swap3A_529 = arith.index_cast %add3A_519 : i32 to index
      %swap3A_530 = tpu.vector_load %arg6[%swap3A_529] masked %and3A_528 {strides = array<i32>} : memref<144xi32, #tpu.memory_space<vmem>>, vector<16xi32>, vector<16xi1>
      tpu.vector_store %arg6[%swap3A_529], %broadcast_in_dim3A_527 masked %and3A_528 {strides = array<i32>} : memref<144xi32, #tpu.memory_space<vmem>>, vector<16xi32>, vector<16xi1>
      %slice3A_531 = vector.extract_strided_slice %all_reduce_population_count3A_425 {offsets = [0], sizes = [1], strides = [1]} : vector<16xi32> to vector<1xi32>
      %squeeze3A_532 = vector.extract %slice3A_531[0] : i32 from vector<1xi32>
      %min3A_533 = arith.constant 1 : i32
      %min3A_534 = arith.minsi %squeeze3A_532, %min3A_533 : i32
      %add3A_535 = arith.addi %add3A_519, %min3A_534 : i32
      %gt3A_536 = arith.constant 0 : i32
      %gt3A_537 = vector.broadcast %gt3A_536 : i32 to vector<16xi32>
      %gt3A_538 = arith.cmpi sgt, %all_reduce_population_count3A_426, %gt3A_537 : vector<16xi32>
      %mul3A_539 = arith.constant 8 : i32
      %mul3A_540 = arith.muli %scan3A_315, %mul3A_539 : i32
      %add3A_541 = arith.constant 7 : i32
      %add3A_542 = arith.addi %mul3A_540, %add3A_541 : i32
      %broadcast_in_dim3A_543 = vector.broadcast %add3A_542 : i32 to vector<16xi32>
      %and3A_544 = arith.andi %gt3A_538, %eq3A_27 : vector<16xi1>
      %swap3A_545 = arith.index_cast %add3A_535 : i32 to index
      %swap3A_546 = tpu.vector_load %arg6[%swap3A_545] masked %and3A_544 {strides = array<i32>} : memref<144xi32, #tpu.memory_space<vmem>>, vector<16xi32>, vector<16xi1>
      tpu.vector_store %arg6[%swap3A_545], %broadcast_in_dim3A_543 masked %and3A_544 {strides = array<i32>} : memref<144xi32, #tpu.memory_space<vmem>>, vector<16xi32>, vector<16xi1>
      %slice3A_547 = vector.extract_strided_slice %all_reduce_population_count3A_426 {offsets = [0], sizes = [1], strides = [1]} : vector<16xi32> to vector<1xi32>
      %squeeze3A_548 = vector.extract %slice3A_547[0] : i32 from vector<1xi32>
      %min3A_549 = arith.constant 1 : i32
      %min3A_550 = arith.minsi %squeeze3A_548, %min3A_549 : i32
      %add3A_551 = arith.addi %add3A_535, %min3A_550 : i32
      scf.yield %add3A_551 : i32
    }
    %scan3A_215 = arith.constant 16 : i32
    %while3A_216 = arith.constant 0 : i32
    %while3A_217 = arith.constant 0 : i32
    %while3A_218 = arith.subi %scan3A_214, %while3A_216 : i32
    %while3A_219 = arith.addi %while3A_216, %while3A_218 : i32
    %while3A_220 = arith.constant 1 : i32
    %while3A_221 = arith.divsi %while3A_218, %while3A_220 : i32
    %while3A_222 = arith.muli %while3A_221, %while3A_220 : i32
    %while3A_223 = arith.addi %while3A_216, %while3A_222 : i32
    %while3A_224 = arith.constant 1 : i32
    %while3A_225 = scf.for %while3A_315 = %while3A_216 to %while3A_223 step %while3A_224 iter_args(%while3A_316 = %while3A_217) -> (i32)  : i32 {
      %get3A = arith.index_cast %while3A_315 : i32 to index
      %get3A_317 = tpu.vector_load %arg6[%get3A] {strides = array<i32>} : memref<144xi32, #tpu.memory_space<vmem>>, vector<16xi32>,
      %slice3A = vector.extract_strided_slice %get3A_317 {offsets = [0], sizes = [1], strides = [1]} : vector<16xi32> to vector<1xi32>
      %squeeze3A = vector.extract %slice3A[0] : i32 from vector<1xi32>
      %mul3A_318 = arith.constant 16 : i32
      %mul3A_319 = arith.muli %squeeze3A, %mul3A_318 : i32
      %add3A_320 = arith.constant 0 : i32
      %add3A_321 = arith.addi %mul3A_319, %add3A_320 : i32
      %add3A_322 = arith.constant 0 : i32
      %add3A_323 = arith.addi %add3A_321, %add3A_322 : i32
      %mul3A_324 = arith.constant 16 : i32
      %mul3A_325 = arith.muli %add3A_323, %mul3A_324 : i32
      %get3A_326 = arith.constant 1 : i32
      %get3A_327 = arith.index_cast %get3A_326 : i32 to index
      %get3A_328 = arith.index_cast %mul3A_325 : i32 to index
      %get3A_329 = tpu.vector_load %arg4[%get3A_327, %get3A_328] {strides = array<i32>} : memref<2x32768xf32, #tpu.memory_space<vmem>>, vector<16xf32>,
      %mul3A_330 = arith.constant 16 : i32
      %mul3A_331 = arith.muli %squeeze3A, %mul3A_330 : i32
      %add3A_332 = arith.constant 0 : i32
      %add3A_333 = arith.addi %mul3A_331, %add3A_332 : i32
      %add3A_334 = arith.constant 1 : i32
      %add3A_335 = arith.addi %add3A_333, %add3A_334 : i32
      %mul3A_336 = arith.constant 16 : i32
      %mul3A_337 = arith.muli %add3A_335, %mul3A_336 : i32
      %get3A_338 = arith.constant 1 : i32
      %get3A_339 = arith.index_cast %get3A_338 : i32 to index
      %get3A_340 = arith.index_cast %mul3A_337 : i32 to index
      %get3A_341 = tpu.vector_load %arg4[%get3A_339, %get3A_340] {strides = array<i32>} : memref<2x32768xf32, #tpu.memory_space<vmem>>, vector<16xf32>,
      %mul3A_342 = arith.constant 16 : i32
      %mul3A_343 = arith.muli %squeeze3A, %mul3A_342 : i32
      %add3A_344 = arith.constant 0 : i32
      %add3A_345 = arith.addi %mul3A_343, %add3A_344 : i32
      %add3A_346 = arith.constant 2 : i32
      %add3A_347 = arith.addi %add3A_345, %add3A_346 : i32
      %mul3A_348 = arith.constant 16 : i32
      %mul3A_349 = arith.muli %add3A_347, %mul3A_348 : i32
      %get3A_350 = arith.constant 1 : i32
      %get3A_351 = arith.index_cast %get3A_350 : i32 to index
      %get3A_352 = arith.index_cast %mul3A_349 : i32 to index
      %get3A_353 = tpu.vector_load %arg4[%get3A_351, %get3A_352] {strides = array<i32>} : memref<2x32768xf32, #tpu.memory_space<vmem>>, vector<16xf32>,
      %mul3A_354 = arith.constant 16 : i32
      %mul3A_355 = arith.muli %squeeze3A, %mul3A_354 : i32
      %add3A_356 = arith.constant 0 : i32
      %add3A_357 = arith.addi %mul3A_355, %add3A_356 : i32
      %add3A_358 = arith.constant 3 : i32
      %add3A_359 = arith.addi %add3A_357, %add3A_358 : i32
      %mul3A_360 = arith.constant 16 : i32
      %mul3A_361 = arith.muli %add3A_359, %mul3A_360 : i32
      %get3A_362 = arith.constant 1 : i32
      %get3A_363 = arith.index_cast %get3A_362 : i32 to index
      %get3A_364 = arith.index_cast %mul3A_361 : i32 to index
      %get3A_365 = tpu.vector_load %arg4[%get3A_363, %get3A_364] {strides = array<i32>} : memref<2x32768xf32, #tpu.memory_space<vmem>>, vector<16xf32>,
      %mul3A_366 = arith.constant 16 : i32
      %mul3A_367 = arith.muli %squeeze3A, %mul3A_366 : i32
      %add3A_368 = arith.constant 0 : i32
      %add3A_369 = arith.addi %mul3A_367, %add3A_368 : i32
      %add3A_370 = arith.constant 4 : i32
      %add3A_371 = arith.addi %add3A_369, %add3A_370 : i32
      %mul3A_372 = arith.constant 16 : i32
      %mul3A_373 = arith.muli %add3A_371, %mul3A_372 : i32
      %get3A_374 = arith.constant 1 : i32
      %get3A_375 = arith.index_cast %get3A_374 : i32 to index
      %get3A_376 = arith.index_cast %mul3A_373 : i32 to index
      %get3A_377 = tpu.vector_load %arg4[%get3A_375, %get3A_376] {strides = array<i32>} : memref<2x32768xf32, #tpu.memory_space<vmem>>, vector<16xf32>,
      %mul3A_378 = arith.constant 16 : i32
      %mul3A_379 = arith.muli %squeeze3A, %mul3A_378 : i32
      %add3A_380 = arith.constant 0 : i32
      %add3A_381 = arith.addi %mul3A_379, %add3A_380 : i32
      %add3A_382 = arith.constant 5 : i32
      %add3A_383 = arith.addi %add3A_381, %add3A_382 : i32
      %mul3A_384 = arith.constant 16 : i32
      %mul3A_385 = arith.muli %add3A_383, %mul3A_384 : i32
      %get3A_386 = arith.constant 1 : i32
      %get3A_387 = arith.index_cast %get3A_386 : i32 to index
      %get3A_388 = arith.index_cast %mul3A_385 : i32 to index
      %get3A_389 = tpu.vector_load %arg4[%get3A_387, %get3A_388] {strides = array<i32>} : memref<2x32768xf32, #tpu.memory_space<vmem>>, vector<16xf32>,
      %mul3A_390 = arith.constant 16 : i32
      %mul3A_391 = arith.muli %squeeze3A, %mul3A_390 : i32
      %add3A_392 = arith.constant 0 : i32
      %add3A_393 = arith.addi %mul3A_391, %add3A_392 : i32
      %add3A_394 = arith.constant 6 : i32
      %add3A_395 = arith.addi %add3A_393, %add3A_394 : i32
      %mul3A_396 = arith.constant 16 : i32
      %mul3A_397 = arith.muli %add3A_395, %mul3A_396 : i32
      %get3A_398 = arith.constant 1 : i32
      %get3A_399 = arith.index_cast %get3A_398 : i32 to index
      %get3A_400 = arith.index_cast %mul3A_397 : i32 to index
      %get3A_401 = tpu.vector_load %arg4[%get3A_399, %get3A_400] {strides = array<i32>} : memref<2x32768xf32, #tpu.memory_space<vmem>>, vector<16xf32>,
      %mul3A_402 = arith.constant 16 : i32
      %mul3A_403 = arith.muli %squeeze3A, %mul3A_402 : i32
      %add3A_404 = arith.constant 0 : i32
      %add3A_405 = arith.addi %mul3A_403, %add3A_404 : i32
      %add3A_406 = arith.constant 7 : i32
      %add3A_407 = arith.addi %add3A_405, %add3A_406 : i32
      %mul3A_408 = arith.constant 16 : i32
      %mul3A_409 = arith.muli %add3A_407, %mul3A_408 : i32
      %get3A_410 = arith.constant 1 : i32
      %get3A_411 = arith.index_cast %get3A_410 : i32 to index
      %get3A_412 = arith.index_cast %mul3A_409 : i32 to index
      %get3A_413 = tpu.vector_load %arg4[%get3A_411, %get3A_412] {strides = array<i32>} : memref<2x32768xf32, #tpu.memory_space<vmem>>, vector<16xf32>,
      %gt3A_414 = arith.cmpf ogt, %get3A_329, %sub3A_109 : vector<16xf32>
      %gt3A_415 = arith.cmpf ogt, %get3A_341, %sub3A_109 : vector<16xf32>
      %gt3A_416 = arith.cmpf ogt, %get3A_353, %sub3A_109 : vector<16xf32>
      %gt3A_417 = arith.cmpf ogt, %get3A_365, %sub3A_109 : vector<16xf32>
      %gt3A_418 = arith.cmpf ogt, %get3A_377, %sub3A_109 : vector<16xf32>
      %gt3A_419 = arith.cmpf ogt, %get3A_389, %sub3A_109 : vector<16xf32>
      %gt3A_420 = arith.cmpf ogt, %get3A_401, %sub3A_109 : vector<16xf32>
      %gt3A_421 = arith.cmpf ogt, %get3A_413, %sub3A_109 : vector<16xf32>
      %all_reduce_population_count3A = tpu.all_reduce %gt3A_414 {dim = 0 : i64, kind = #tpu.reduction_kind<sum>} : vector<16xi1> -> vector<16xi32>
      %all_reduce_population_count3A_422 = tpu.all_reduce %gt3A_415 {dim = 0 : i64, kind = #tpu.reduction_kind<sum>} : vector<16xi1> -> vector<16xi32>
      %all_reduce_population_count3A_423 = tpu.all_reduce %gt3A_416 {dim = 0 : i64, kind = #tpu.reduction_kind<sum>} : vector<16xi1> -> vector<16xi32>
      %all_reduce_population_count3A_424 = tpu.all_reduce %gt3A_417 {dim = 0 : i64, kind = #tpu.reduction_kind<sum>} : vector<16xi1> -> vector<16xi32>
      %all_reduce_population_count3A_425 = tpu.all_reduce %gt3A_418 {dim = 0 : i64, kind = #tpu.reduction_kind<sum>} : vector<16xi1> -> vector<16xi32>
      %all_reduce_population_count3A_426 = tpu.all_reduce %gt3A_419 {dim = 0 : i64, kind = #tpu.reduction_kind<sum>} : vector<16xi1> -> vector<16xi32>
      %all_reduce_population_count3A_427 = tpu.all_reduce %gt3A_420 {dim = 0 : i64, kind = #tpu.reduction_kind<sum>} : vector<16xi1> -> vector<16xi32>
      %all_reduce_population_count3A_428 = tpu.all_reduce %gt3A_421 {dim = 0 : i64, kind = #tpu.reduction_kind<sum>} : vector<16xi1> -> vector<16xi32>
      %swap3A_429 = arith.index_cast %while3A_316 : i32 to index
      %swap3A_430 = tpu.vector_load %arg7[%swap3A_429] masked %gt3A_414 {strides = array<i32>} : memref<32784xf32, #tpu.memory_space<vmem>>, vector<16xf32>, vector<16xi1>
      tpu.vector_store %arg7[%swap3A_429], %get3A_329 masked %gt3A_414 {strides = array<i32>} : memref<32784xf32, #tpu.memory_space<vmem>>, vector<16xf32>, vector<16xi1>
      %slice3A_431 = vector.extract_strided_slice %all_reduce_population_count3A {offsets = [0], sizes = [1], strides = [1]} : vector<16xi32> to vector<1xi32>
      %squeeze3A_432 = vector.extract %slice3A_431[0] : i32 from vector<1xi32>
      %add3A_433 = arith.addi %while3A_316, %squeeze3A_432 : i32
      %swap3A_434 = arith.index_cast %add3A_433 : i32 to index
      %swap3A_435 = tpu.vector_load %arg7[%swap3A_434] masked %gt3A_415 {strides = array<i32>} : memref<32784xf32, #tpu.memory_space<vmem>>, vector<16xf32>, vector<16xi1>
      tpu.vector_store %arg7[%swap3A_434], %get3A_341 masked %gt3A_415 {strides = array<i32>} : memref<32784xf32, #tpu.memory_space<vmem>>, vector<16xf32>, vector<16xi1>
      %slice3A_436 = vector.extract_strided_slice %all_reduce_population_count3A_422 {offsets = [0], sizes = [1], strides = [1]} : vector<16xi32> to vector<1xi32>
      %squeeze3A_437 = vector.extract %slice3A_436[0] : i32 from vector<1xi32>
      %add3A_438 = arith.addi %add3A_433, %squeeze3A_437 : i32
      %swap3A_439 = arith.index_cast %add3A_438 : i32 to index
      %swap3A_440 = tpu.vector_load %arg7[%swap3A_439] masked %gt3A_416 {strides = array<i32>} : memref<32784xf32, #tpu.memory_space<vmem>>, vector<16xf32>, vector<16xi1>
      tpu.vector_store %arg7[%swap3A_439], %get3A_353 masked %gt3A_416 {strides = array<i32>} : memref<32784xf32, #tpu.memory_space<vmem>>, vector<16xf32>, vector<16xi1>
      %slice3A_441 = vector.extract_strided_slice %all_reduce_population_count3A_423 {offsets = [0], sizes = [1], strides = [1]} : vector<16xi32> to vector<1xi32>
      %squeeze3A_442 = vector.extract %slice3A_441[0] : i32 from vector<1xi32>
      %add3A_443 = arith.addi %add3A_438, %squeeze3A_442 : i32
      %swap3A_444 = arith.index_cast %add3A_443 : i32 to index
      %swap3A_445 = tpu.vector_load %arg7[%swap3A_444] masked %gt3A_417 {strides = array<i32>} : memref<32784xf32, #tpu.memory_space<vmem>>, vector<16xf32>, vector<16xi1>
      tpu.vector_store %arg7[%swap3A_444], %get3A_365 masked %gt3A_417 {strides = array<i32>} : memref<32784xf32, #tpu.memory_space<vmem>>, vector<16xf32>, vector<16xi1>
      %slice3A_446 = vector.extract_strided_slice %all_reduce_population_count3A_424 {offsets = [0], sizes = [1], strides = [1]} : vector<16xi32> to vector<1xi32>
      %squeeze3A_447 = vector.extract %slice3A_446[0] : i32 from vector<1xi32>
      %add3A_448 = arith.addi %add3A_443, %squeeze3A_447 : i32
      %swap3A_449 = arith.index_cast %add3A_448 : i32 to index
      %swap3A_450 = tpu.vector_load %arg7[%swap3A_449] masked %gt3A_418 {strides = array<i32>} : memref<32784xf32, #tpu.memory_space<vmem>>, vector<16xf32>, vector<16xi1>
      tpu.vector_store %arg7[%swap3A_449], %get3A_377 masked %gt3A_418 {strides = array<i32>} : memref<32784xf32, #tpu.memory_space<vmem>>, vector<16xf32>, vector<16xi1>
      %slice3A_451 = vector.extract_strided_slice %all_reduce_population_count3A_425 {offsets = [0], sizes = [1], strides = [1]} : vector<16xi32> to vector<1xi32>
      %squeeze3A_452 = vector.extract %slice3A_451[0] : i32 from vector<1xi32>
      %add3A_453 = arith.addi %add3A_448, %squeeze3A_452 : i32
      %swap3A_454 = arith.index_cast %add3A_453 : i32 to index
      %swap3A_455 = tpu.vector_load %arg7[%swap3A_454] masked %gt3A_419 {strides = array<i32>} : memref<32784xf32, #tpu.memory_space<vmem>>, vector<16xf32>, vector<16xi1>
      tpu.vector_store %arg7[%swap3A_454], %get3A_389 masked %gt3A_419 {strides = array<i32>} : memref<32784xf32, #tpu.memory_space<vmem>>, vector<16xf32>, vector<16xi1>
      %slice3A_456 = vector.extract_strided_slice %all_reduce_population_count3A_426 {offsets = [0], sizes = [1], strides = [1]} : vector<16xi32> to vector<1xi32>
      %squeeze3A_457 = vector.extract %slice3A_456[0] : i32 from vector<1xi32>
      %add3A_458 = arith.addi %add3A_453, %squeeze3A_457 : i32
      %swap3A_459 = arith.index_cast %add3A_458 : i32 to index
      %swap3A_460 = tpu.vector_load %arg7[%swap3A_459] masked %gt3A_420 {strides = array<i32>} : memref<32784xf32, #tpu.memory_space<vmem>>, vector<16xf32>, vector<16xi1>
      tpu.vector_store %arg7[%swap3A_459], %get3A_401 masked %gt3A_420 {strides = array<i32>} : memref<32784xf32, #tpu.memory_space<vmem>>, vector<16xf32>, vector<16xi1>
      %slice3A_461 = vector.extract_strided_slice %all_reduce_population_count3A_427 {offsets = [0], sizes = [1], strides = [1]} : vector<16xi32> to vector<1xi32>
      %squeeze3A_462 = vector.extract %slice3A_461[0] : i32 from vector<1xi32>
      %add3A_463 = arith.addi %add3A_458, %squeeze3A_462 : i32
      %swap3A_464 = arith.index_cast %add3A_463 : i32 to index
      %swap3A_465 = tpu.vector_load %arg7[%swap3A_464] masked %gt3A_421 {strides = array<i32>} : memref<32784xf32, #tpu.memory_space<vmem>>, vector<16xf32>, vector<16xi1>
      tpu.vector_store %arg7[%swap3A_464], %get3A_413 masked %gt3A_421 {strides = array<i32>} : memref<32784xf32, #tpu.memory_space<vmem>>, vector<16xf32>, vector<16xi1>
      %slice3A_466 = vector.extract_strided_slice %all_reduce_population_count3A_428 {offsets = [0], sizes = [1], strides = [1]} : vector<16xi32> to vector<1xi32>
      %squeeze3A_467 = vector.extract %slice3A_466[0] : i32 from vector<1xi32>
      %add3A_468 = arith.addi %add3A_463, %squeeze3A_467 : i32
      %mul3A_469 = arith.constant 16 : i32
      %mul3A_470 = arith.muli %squeeze3A, %mul3A_469 : i32
      %add3A_471 = arith.constant 8 : i32
      %add3A_472 = arith.addi %mul3A_470, %add3A_471 : i32
      %add3A_473 = arith.constant 0 : i32
      %add3A_474 = arith.addi %add3A_472, %add3A_473 : i32
      %mul3A_475 = arith.constant 16 : i32
      %mul3A_476 = arith.muli %add3A_474, %mul3A_475 : i32
      %get3A_477 = arith.constant 1 : i32
      %get3A_478 = arith.index_cast %get3A_477 : i32 to index
      %get3A_479 = arith.index_cast %mul3A_476 : i32 to index
      %get3A_480 = tpu.vector_load %arg4[%get3A_478, %get3A_479] {strides = array<i32>} : memref<2x32768xf32, #tpu.memory_space<vmem>>, vector<16xf32>,
      %mul3A_481 = arith.constant 16 : i32
      %mul3A_482 = arith.muli %squeeze3A, %mul3A_481 : i32
      %add3A_483 = arith.constant 8 : i32
      %add3A_484 = arith.addi %mul3A_482, %add3A_483 : i32
      %add3A_485 = arith.constant 1 : i32
      %add3A_486 = arith.addi %add3A_484, %add3A_485 : i32
      %mul3A_487 = arith.constant 16 : i32
      %mul3A_488 = arith.muli %add3A_486, %mul3A_487 : i32
      %get3A_489 = arith.constant 1 : i32
      %get3A_490 = arith.index_cast %get3A_489 : i32 to index
      %get3A_491 = arith.index_cast %mul3A_488 : i32 to index
      %get3A_492 = tpu.vector_load %arg4[%get3A_490, %get3A_491] {strides = array<i32>} : memref<2x32768xf32, #tpu.memory_space<vmem>>, vector<16xf32>,
      %mul3A_493 = arith.constant 16 : i32
      %mul3A_494 = arith.muli %squeeze3A, %mul3A_493 : i32
      %add3A_495 = arith.constant 8 : i32
      %add3A_496 = arith.addi %mul3A_494, %add3A_495 : i32
      %add3A_497 = arith.constant 2 : i32
      %add3A_498 = arith.addi %add3A_496, %add3A_497 : i32
      %mul3A_499 = arith.constant 16 : i32
      %mul3A_500 = arith.muli %add3A_498, %mul3A_499 : i32
      %get3A_501 = arith.constant 1 : i32
      %get3A_502 = arith.index_cast %get3A_501 : i32 to index
      %get3A_503 = arith.index_cast %mul3A_500 : i32 to index
      %get3A_504 = tpu.vector_load %arg4[%get3A_502, %get3A_503] {strides = array<i32>} : memref<2x32768xf32, #tpu.memory_space<vmem>>, vector<16xf32>,
      %mul3A_505 = arith.constant 16 : i32
      %mul3A_506 = arith.muli %squeeze3A, %mul3A_505 : i32
      %add3A_507 = arith.constant 8 : i32
      %add3A_508 = arith.addi %mul3A_506, %add3A_507 : i32
      %add3A_509 = arith.constant 3 : i32
      %add3A_510 = arith.addi %add3A_508, %add3A_509 : i32
      %mul3A_511 = arith.constant 16 : i32
      %mul3A_512 = arith.muli %add3A_510, %mul3A_511 : i32
      %get3A_513 = arith.constant 1 : i32
      %get3A_514 = arith.index_cast %get3A_513 : i32 to index
      %get3A_515 = arith.index_cast %mul3A_512 : i32 to index
      %get3A_516 = tpu.vector_load %arg4[%get3A_514, %get3A_515] {strides = array<i32>} : memref<2x32768xf32, #tpu.memory_space<vmem>>, vector<16xf32>,
      %mul3A_517 = arith.constant 16 : i32
      %mul3A_518 = arith.muli %squeeze3A, %mul3A_517 : i32
      %add3A_519 = arith.constant 8 : i32
      %add3A_520 = arith.addi %mul3A_518, %add3A_519 : i32
      %add3A_521 = arith.constant 4 : i32
      %add3A_522 = arith.addi %add3A_520, %add3A_521 : i32
      %mul3A_523 = arith.constant 16 : i32
      %mul3A_524 = arith.muli %add3A_522, %mul3A_523 : i32
      %get3A_525 = arith.constant 1 : i32
      %get3A_526 = arith.index_cast %get3A_525 : i32 to index
      %get3A_527 = arith.index_cast %mul3A_524 : i32 to index
      %get3A_528 = tpu.vector_load %arg4[%get3A_526, %get3A_527] {strides = array<i32>} : memref<2x32768xf32, #tpu.memory_space<vmem>>, vector<16xf32>,
      %mul3A_529 = arith.constant 16 : i32
      %mul3A_530 = arith.muli %squeeze3A, %mul3A_529 : i32
      %add3A_531 = arith.constant 8 : i32
      %add3A_532 = arith.addi %mul3A_530, %add3A_531 : i32
      %add3A_533 = arith.constant 5 : i32
      %add3A_534 = arith.addi %add3A_532, %add3A_533 : i32
      %mul3A_535 = arith.constant 16 : i32
      %mul3A_536 = arith.muli %add3A_534, %mul3A_535 : i32
      %get3A_537 = arith.constant 1 : i32
      %get3A_538 = arith.index_cast %get3A_537 : i32 to index
      %get3A_539 = arith.index_cast %mul3A_536 : i32 to index
      %get3A_540 = tpu.vector_load %arg4[%get3A_538, %get3A_539] {strides = array<i32>} : memref<2x32768xf32, #tpu.memory_space<vmem>>, vector<16xf32>,
      %mul3A_541 = arith.constant 16 : i32
      %mul3A_542 = arith.muli %squeeze3A, %mul3A_541 : i32
      %add3A_543 = arith.constant 8 : i32
      %add3A_544 = arith.addi %mul3A_542, %add3A_543 : i32
      %add3A_545 = arith.constant 6 : i32
      %add3A_546 = arith.addi %add3A_544, %add3A_545 : i32
      %mul3A_547 = arith.constant 16 : i32
      %mul3A_548 = arith.muli %add3A_546, %mul3A_547 : i32
      %get3A_549 = arith.constant 1 : i32
      %get3A_550 = arith.index_cast %get3A_549 : i32 to index
      %get3A_551 = arith.index_cast %mul3A_548 : i32 to index
      %get3A_552 = tpu.vector_load %arg4[%get3A_550, %get3A_551] {strides = array<i32>} : memref<2x32768xf32, #tpu.memory_space<vmem>>, vector<16xf32>,
      %mul3A_553 = arith.constant 16 : i32
      %mul3A_554 = arith.muli %squeeze3A, %mul3A_553 : i32
      %add3A_555 = arith.constant 8 : i32
      %add3A_556 = arith.addi %mul3A_554, %add3A_555 : i32
      %add3A_557 = arith.constant 7 : i32
      %add3A_558 = arith.addi %add3A_556, %add3A_557 : i32
      %mul3A_559 = arith.constant 16 : i32
      %mul3A_560 = arith.muli %add3A_558, %mul3A_559 : i32
      %get3A_561 = arith.constant 1 : i32
      %get3A_562 = arith.index_cast %get3A_561 : i32 to index
      %get3A_563 = arith.index_cast %mul3A_560 : i32 to index
      %get3A_564 = tpu.vector_load %arg4[%get3A_562, %get3A_563] {strides = array<i32>} : memref<2x32768xf32, #tpu.memory_space<vmem>>, vector<16xf32>,
      %gt3A_565 = arith.cmpf ogt, %get3A_480, %sub3A_109 : vector<16xf32>
      %gt3A_566 = arith.cmpf ogt, %get3A_492, %sub3A_109 : vector<16xf32>
      %gt3A_567 = arith.cmpf ogt, %get3A_504, %sub3A_109 : vector<16xf32>
      %gt3A_568 = arith.cmpf ogt, %get3A_516, %sub3A_109 : vector<16xf32>
      %gt3A_569 = arith.cmpf ogt, %get3A_528, %sub3A_109 : vector<16xf32>
      %gt3A_570 = arith.cmpf ogt, %get3A_540, %sub3A_109 : vector<16xf32>
      %gt3A_571 = arith.cmpf ogt, %get3A_552, %sub3A_109 : vector<16xf32>
      %gt3A_572 = arith.cmpf ogt, %get3A_564, %sub3A_109 : vector<16xf32>
      %all_reduce_population_count3A_573 = tpu.all_reduce %gt3A_565 {dim = 0 : i64, kind = #tpu.reduction_kind<sum>} : vector<16xi1> -> vector<16xi32>
      %all_reduce_population_count3A_574 = tpu.all_reduce %gt3A_566 {dim = 0 : i64, kind = #tpu.reduction_kind<sum>} : vector<16xi1> -> vector<16xi32>
      %all_reduce_population_count3A_575 = tpu.all_reduce %gt3A_567 {dim = 0 : i64, kind = #tpu.reduction_kind<sum>} : vector<16xi1> -> vector<16xi32>
      %all_reduce_population_count3A_576 = tpu.all_reduce %gt3A_568 {dim = 0 : i64, kind = #tpu.reduction_kind<sum>} : vector<16xi1> -> vector<16xi32>
      %all_reduce_population_count3A_577 = tpu.all_reduce %gt3A_569 {dim = 0 : i64, kind = #tpu.reduction_kind<sum>} : vector<16xi1> -> vector<16xi32>
      %all_reduce_population_count3A_578 = tpu.all_reduce %gt3A_570 {dim = 0 : i64, kind = #tpu.reduction_kind<sum>} : vector<16xi1> -> vector<16xi32>
      %all_reduce_population_count3A_579 = tpu.all_reduce %gt3A_571 {dim = 0 : i64, kind = #tpu.reduction_kind<sum>} : vector<16xi1> -> vector<16xi32>
      %all_reduce_population_count3A_580 = tpu.all_reduce %gt3A_572 {dim = 0 : i64, kind = #tpu.reduction_kind<sum>} : vector<16xi1> -> vector<16xi32>
      %swap3A_581 = arith.index_cast %add3A_468 : i32 to index
      %swap3A_582 = tpu.vector_load %arg7[%swap3A_581] masked %gt3A_565 {strides = array<i32>} : memref<32784xf32, #tpu.memory_space<vmem>>, vector<16xf32>, vector<16xi1>
      tpu.vector_store %arg7[%swap3A_581], %get3A_480 masked %gt3A_565 {strides = array<i32>} : memref<32784xf32, #tpu.memory_space<vmem>>, vector<16xf32>, vector<16xi1>
      %slice3A_583 = vector.extract_strided_slice %all_reduce_population_count3A_573 {offsets = [0], sizes = [1], strides = [1]} : vector<16xi32> to vector<1xi32>
      %squeeze3A_584 = vector.extract %slice3A_583[0] : i32 from vector<1xi32>
      %add3A_585 = arith.addi %add3A_468, %squeeze3A_584 : i32
      %swap3A_586 = arith.index_cast %add3A_585 : i32 to index
      %swap3A_587 = tpu.vector_load %arg7[%swap3A_586] masked %gt3A_566 {strides = array<i32>} : memref<32784xf32, #tpu.memory_space<vmem>>, vector<16xf32>, vector<16xi1>
      tpu.vector_store %arg7[%swap3A_586], %get3A_492 masked %gt3A_566 {strides = array<i32>} : memref<32784xf32, #tpu.memory_space<vmem>>, vector<16xf32>, vector<16xi1>
      %slice3A_588 = vector.extract_strided_slice %all_reduce_population_count3A_574 {offsets = [0], sizes = [1], strides = [1]} : vector<16xi32> to vector<1xi32>
      %squeeze3A_589 = vector.extract %slice3A_588[0] : i32 from vector<1xi32>
      %add3A_590 = arith.addi %add3A_585, %squeeze3A_589 : i32
      %swap3A_591 = arith.index_cast %add3A_590 : i32 to index
      %swap3A_592 = tpu.vector_load %arg7[%swap3A_591] masked %gt3A_567 {strides = array<i32>} : memref<32784xf32, #tpu.memory_space<vmem>>, vector<16xf32>, vector<16xi1>
      tpu.vector_store %arg7[%swap3A_591], %get3A_504 masked %gt3A_567 {strides = array<i32>} : memref<32784xf32, #tpu.memory_space<vmem>>, vector<16xf32>, vector<16xi1>
      %slice3A_593 = vector.extract_strided_slice %all_reduce_population_count3A_575 {offsets = [0], sizes = [1], strides = [1]} : vector<16xi32> to vector<1xi32>
      %squeeze3A_594 = vector.extract %slice3A_593[0] : i32 from vector<1xi32>
      %add3A_595 = arith.addi %add3A_590, %squeeze3A_594 : i32
      %swap3A_596 = arith.index_cast %add3A_595 : i32 to index
      %swap3A_597 = tpu.vector_load %arg7[%swap3A_596] masked %gt3A_568 {strides = array<i32>} : memref<32784xf32, #tpu.memory_space<vmem>>, vector<16xf32>, vector<16xi1>
      tpu.vector_store %arg7[%swap3A_596], %get3A_516 masked %gt3A_568 {strides = array<i32>} : memref<32784xf32, #tpu.memory_space<vmem>>, vector<16xf32>, vector<16xi1>
      %slice3A_598 = vector.extract_strided_slice %all_reduce_population_count3A_576 {offsets = [0], sizes = [1], strides = [1]} : vector<16xi32> to vector<1xi32>
      %squeeze3A_599 = vector.extract %slice3A_598[0] : i32 from vector<1xi32>
      %add3A_600 = arith.addi %add3A_595, %squeeze3A_599 : i32
      %swap3A_601 = arith.index_cast %add3A_600 : i32 to index
      %swap3A_602 = tpu.vector_load %arg7[%swap3A_601] masked %gt3A_569 {strides = array<i32>} : memref<32784xf32, #tpu.memory_space<vmem>>, vector<16xf32>, vector<16xi1>
      tpu.vector_store %arg7[%swap3A_601], %get3A_528 masked %gt3A_569 {strides = array<i32>} : memref<32784xf32, #tpu.memory_space<vmem>>, vector<16xf32>, vector<16xi1>
      %slice3A_603 = vector.extract_strided_slice %all_reduce_population_count3A_577 {offsets = [0], sizes = [1], strides = [1]} : vector<16xi32> to vector<1xi32>
      %squeeze3A_604 = vector.extract %slice3A_603[0] : i32 from vector<1xi32>
      %add3A_605 = arith.addi %add3A_600, %squeeze3A_604 : i32
      %swap3A_606 = arith.index_cast %add3A_605 : i32 to index
      %swap3A_607 = tpu.vector_load %arg7[%swap3A_606] masked %gt3A_570 {strides = array<i32>} : memref<32784xf32, #tpu.memory_space<vmem>>, vector<16xf32>, vector<16xi1>
      tpu.vector_store %arg7[%swap3A_606], %get3A_540 masked %gt3A_570 {strides = array<i32>} : memref<32784xf32, #tpu.memory_space<vmem>>, vector<16xf32>, vector<16xi1>
      %slice3A_608 = vector.extract_strided_slice %all_reduce_population_count3A_578 {offsets = [0], sizes = [1], strides = [1]} : vector<16xi32> to vector<1xi32>
      %squeeze3A_609 = vector.extract %slice3A_608[0] : i32 from vector<1xi32>
      %add3A_610 = arith.addi %add3A_605, %squeeze3A_609 : i32
      %swap3A_611 = arith.index_cast %add3A_610 : i32 to index
      %swap3A_612 = tpu.vector_load %arg7[%swap3A_611] masked %gt3A_571 {strides = array<i32>} : memref<32784xf32, #tpu.memory_space<vmem>>, vector<16xf32>, vector<16xi1>
      tpu.vector_store %arg7[%swap3A_611], %get3A_552 masked %gt3A_571 {strides = array<i32>} : memref<32784xf32, #tpu.memory_space<vmem>>, vector<16xf32>, vector<16xi1>
      %slice3A_613 = vector.extract_strided_slice %all_reduce_population_count3A_579 {offsets = [0], sizes = [1], strides = [1]} : vector<16xi32> to vector<1xi32>
      %squeeze3A_614 = vector.extract %slice3A_613[0] : i32 from vector<1xi32>
      %add3A_615 = arith.addi %add3A_610, %squeeze3A_614 : i32
      %swap3A_616 = arith.index_cast %add3A_615 : i32 to index
      %swap3A_617 = tpu.vector_load %arg7[%swap3A_616] masked %gt3A_572 {strides = array<i32>} : memref<32784xf32, #tpu.memory_space<vmem>>, vector<16xf32>, vector<16xi1>
      tpu.vector_store %arg7[%swap3A_616], %get3A_564 masked %gt3A_572 {strides = array<i32>} : memref<32784xf32, #tpu.memory_space<vmem>>, vector<16xf32>, vector<16xi1>
      %slice3A_618 = vector.extract_strided_slice %all_reduce_population_count3A_580 {offsets = [0], sizes = [1], strides = [1]} : vector<16xi32> to vector<1xi32>
      %squeeze3A_619 = vector.extract %slice3A_618[0] : i32 from vector<1xi32>
      %add3A_620 = arith.addi %add3A_615, %squeeze3A_619 : i32
      scf.yield %add3A_620 : i32
    }
    %while3A_226 = arith.constant 1 : i32
    %while3A_227 = scf.for %while3A_315 = %while3A_223 to %while3A_219 step %while3A_226 iter_args(%while3A_316 = %while3A_225) -> (i32)  : i32 {
      %get3A = arith.index_cast %while3A_315 : i32 to index
      %get3A_317 = tpu.vector_load %arg6[%get3A] {strides = array<i32>} : memref<144xi32, #tpu.memory_space<vmem>>, vector<16xi32>,
      %slice3A = vector.extract_strided_slice %get3A_317 {offsets = [0], sizes = [1], strides = [1]} : vector<16xi32> to vector<1xi32>
      %squeeze3A = vector.extract %slice3A[0] : i32 from vector<1xi32>
      %mul3A_318 = arith.constant 16 : i32
      %mul3A_319 = arith.muli %squeeze3A, %mul3A_318 : i32
      %add3A_320 = arith.constant 0 : i32
      %add3A_321 = arith.addi %mul3A_319, %add3A_320 : i32
      %add3A_322 = arith.constant 0 : i32
      %add3A_323 = arith.addi %add3A_321, %add3A_322 : i32
      %mul3A_324 = arith.constant 16 : i32
      %mul3A_325 = arith.muli %add3A_323, %mul3A_324 : i32
      %get3A_326 = arith.constant 1 : i32
      %get3A_327 = arith.index_cast %get3A_326 : i32 to index
      %get3A_328 = arith.index_cast %mul3A_325 : i32 to index
      %get3A_329 = tpu.vector_load %arg4[%get3A_327, %get3A_328] {strides = array<i32>} : memref<2x32768xf32, #tpu.memory_space<vmem>>, vector<16xf32>,
      %mul3A_330 = arith.constant 16 : i32
      %mul3A_331 = arith.muli %squeeze3A, %mul3A_330 : i32
      %add3A_332 = arith.constant 0 : i32
      %add3A_333 = arith.addi %mul3A_331, %add3A_332 : i32
      %add3A_334 = arith.constant 1 : i32
      %add3A_335 = arith.addi %add3A_333, %add3A_334 : i32
      %mul3A_336 = arith.constant 16 : i32
      %mul3A_337 = arith.muli %add3A_335, %mul3A_336 : i32
      %get3A_338 = arith.constant 1 : i32
      %get3A_339 = arith.index_cast %get3A_338 : i32 to index
      %get3A_340 = arith.index_cast %mul3A_337 : i32 to index
      %get3A_341 = tpu.vector_load %arg4[%get3A_339, %get3A_340] {strides = array<i32>} : memref<2x32768xf32, #tpu.memory_space<vmem>>, vector<16xf32>,
      %mul3A_342 = arith.constant 16 : i32
      %mul3A_343 = arith.muli %squeeze3A, %mul3A_342 : i32
      %add3A_344 = arith.constant 0 : i32
      %add3A_345 = arith.addi %mul3A_343, %add3A_344 : i32
      %add3A_346 = arith.constant 2 : i32
      %add3A_347 = arith.addi %add3A_345, %add3A_346 : i32
      %mul3A_348 = arith.constant 16 : i32
      %mul3A_349 = arith.muli %add3A_347, %mul3A_348 : i32
      %get3A_350 = arith.constant 1 : i32
      %get3A_351 = arith.index_cast %get3A_350 : i32 to index
      %get3A_352 = arith.index_cast %mul3A_349 : i32 to index
      %get3A_353 = tpu.vector_load %arg4[%get3A_351, %get3A_352] {strides = array<i32>} : memref<2x32768xf32, #tpu.memory_space<vmem>>, vector<16xf32>,
      %mul3A_354 = arith.constant 16 : i32
      %mul3A_355 = arith.muli %squeeze3A, %mul3A_354 : i32
      %add3A_356 = arith.constant 0 : i32
      %add3A_357 = arith.addi %mul3A_355, %add3A_356 : i32
      %add3A_358 = arith.constant 3 : i32
      %add3A_359 = arith.addi %add3A_357, %add3A_358 : i32
      %mul3A_360 = arith.constant 16 : i32
      %mul3A_361 = arith.muli %add3A_359, %mul3A_360 : i32
      %get3A_362 = arith.constant 1 : i32
      %get3A_363 = arith.index_cast %get3A_362 : i32 to index
      %get3A_364 = arith.index_cast %mul3A_361 : i32 to index
      %get3A_365 = tpu.vector_load %arg4[%get3A_363, %get3A_364] {strides = array<i32>} : memref<2x32768xf32, #tpu.memory_space<vmem>>, vector<16xf32>,
      %mul3A_366 = arith.constant 16 : i32
      %mul3A_367 = arith.muli %squeeze3A, %mul3A_366 : i32
      %add3A_368 = arith.constant 0 : i32
      %add3A_369 = arith.addi %mul3A_367, %add3A_368 : i32
      %add3A_370 = arith.constant 4 : i32
      %add3A_371 = arith.addi %add3A_369, %add3A_370 : i32
      %mul3A_372 = arith.constant 16 : i32
      %mul3A_373 = arith.muli %add3A_371, %mul3A_372 : i32
      %get3A_374 = arith.constant 1 : i32
      %get3A_375 = arith.index_cast %get3A_374 : i32 to index
      %get3A_376 = arith.index_cast %mul3A_373 : i32 to index
      %get3A_377 = tpu.vector_load %arg4[%get3A_375, %get3A_376] {strides = array<i32>} : memref<2x32768xf32, #tpu.memory_space<vmem>>, vector<16xf32>,
      %mul3A_378 = arith.constant 16 : i32
      %mul3A_379 = arith.muli %squeeze3A, %mul3A_378 : i32
      %add3A_380 = arith.constant 0 : i32
      %add3A_381 = arith.addi %mul3A_379, %add3A_380 : i32
      %add3A_382 = arith.constant 5 : i32
      %add3A_383 = arith.addi %add3A_381, %add3A_382 : i32
      %mul3A_384 = arith.constant 16 : i32
      %mul3A_385 = arith.muli %add3A_383, %mul3A_384 : i32
      %get3A_386 = arith.constant 1 : i32
      %get3A_387 = arith.index_cast %get3A_386 : i32 to index
      %get3A_388 = arith.index_cast %mul3A_385 : i32 to index
      %get3A_389 = tpu.vector_load %arg4[%get3A_387, %get3A_388] {strides = array<i32>} : memref<2x32768xf32, #tpu.memory_space<vmem>>, vector<16xf32>,
      %mul3A_390 = arith.constant 16 : i32
      %mul3A_391 = arith.muli %squeeze3A, %mul3A_390 : i32
      %add3A_392 = arith.constant 0 : i32
      %add3A_393 = arith.addi %mul3A_391, %add3A_392 : i32
      %add3A_394 = arith.constant 6 : i32
      %add3A_395 = arith.addi %add3A_393, %add3A_394 : i32
      %mul3A_396 = arith.constant 16 : i32
      %mul3A_397 = arith.muli %add3A_395, %mul3A_396 : i32
      %get3A_398 = arith.constant 1 : i32
      %get3A_399 = arith.index_cast %get3A_398 : i32 to index
      %get3A_400 = arith.index_cast %mul3A_397 : i32 to index
      %get3A_401 = tpu.vector_load %arg4[%get3A_399, %get3A_400] {strides = array<i32>} : memref<2x32768xf32, #tpu.memory_space<vmem>>, vector<16xf32>,
      %mul3A_402 = arith.constant 16 : i32
      %mul3A_403 = arith.muli %squeeze3A, %mul3A_402 : i32
      %add3A_404 = arith.constant 0 : i32
      %add3A_405 = arith.addi %mul3A_403, %add3A_404 : i32
      %add3A_406 = arith.constant 7 : i32
      %add3A_407 = arith.addi %add3A_405, %add3A_406 : i32
      %mul3A_408 = arith.constant 16 : i32
      %mul3A_409 = arith.muli %add3A_407, %mul3A_408 : i32
      %get3A_410 = arith.constant 1 : i32
      %get3A_411 = arith.index_cast %get3A_410 : i32 to index
      %get3A_412 = arith.index_cast %mul3A_409 : i32 to index
      %get3A_413 = tpu.vector_load %arg4[%get3A_411, %get3A_412] {strides = array<i32>} : memref<2x32768xf32, #tpu.memory_space<vmem>>, vector<16xf32>,
      %gt3A_414 = arith.cmpf ogt, %get3A_329, %sub3A_109 : vector<16xf32>
      %gt3A_415 = arith.cmpf ogt, %get3A_341, %sub3A_109 : vector<16xf32>
      %gt3A_416 = arith.cmpf ogt, %get3A_353, %sub3A_109 : vector<16xf32>
      %gt3A_417 = arith.cmpf ogt, %get3A_365, %sub3A_109 : vector<16xf32>
      %gt3A_418 = arith.cmpf ogt, %get3A_377, %sub3A_109 : vector<16xf32>
      %gt3A_419 = arith.cmpf ogt, %get3A_389, %sub3A_109 : vector<16xf32>
      %gt3A_420 = arith.cmpf ogt, %get3A_401, %sub3A_109 : vector<16xf32>
      %gt3A_421 = arith.cmpf ogt, %get3A_413, %sub3A_109 : vector<16xf32>
      %all_reduce_population_count3A = tpu.all_reduce %gt3A_414 {dim = 0 : i64, kind = #tpu.reduction_kind<sum>} : vector<16xi1> -> vector<16xi32>
      %all_reduce_population_count3A_422 = tpu.all_reduce %gt3A_415 {dim = 0 : i64, kind = #tpu.reduction_kind<sum>} : vector<16xi1> -> vector<16xi32>
      %all_reduce_population_count3A_423 = tpu.all_reduce %gt3A_416 {dim = 0 : i64, kind = #tpu.reduction_kind<sum>} : vector<16xi1> -> vector<16xi32>
      %all_reduce_population_count3A_424 = tpu.all_reduce %gt3A_417 {dim = 0 : i64, kind = #tpu.reduction_kind<sum>} : vector<16xi1> -> vector<16xi32>
      %all_reduce_population_count3A_425 = tpu.all_reduce %gt3A_418 {dim = 0 : i64, kind = #tpu.reduction_kind<sum>} : vector<16xi1> -> vector<16xi32>
      %all_reduce_population_count3A_426 = tpu.all_reduce %gt3A_419 {dim = 0 : i64, kind = #tpu.reduction_kind<sum>} : vector<16xi1> -> vector<16xi32>
      %all_reduce_population_count3A_427 = tpu.all_reduce %gt3A_420 {dim = 0 : i64, kind = #tpu.reduction_kind<sum>} : vector<16xi1> -> vector<16xi32>
      %all_reduce_population_count3A_428 = tpu.all_reduce %gt3A_421 {dim = 0 : i64, kind = #tpu.reduction_kind<sum>} : vector<16xi1> -> vector<16xi32>
      %swap3A_429 = arith.index_cast %while3A_316 : i32 to index
      %swap3A_430 = tpu.vector_load %arg7[%swap3A_429] masked %gt3A_414 {strides = array<i32>} : memref<32784xf32, #tpu.memory_space<vmem>>, vector<16xf32>, vector<16xi1>
      tpu.vector_store %arg7[%swap3A_429], %get3A_329 masked %gt3A_414 {strides = array<i32>} : memref<32784xf32, #tpu.memory_space<vmem>>, vector<16xf32>, vector<16xi1>
      %slice3A_431 = vector.extract_strided_slice %all_reduce_population_count3A {offsets = [0], sizes = [1], strides = [1]} : vector<16xi32> to vector<1xi32>
      %squeeze3A_432 = vector.extract %slice3A_431[0] : i32 from vector<1xi32>
      %add3A_433 = arith.addi %while3A_316, %squeeze3A_432 : i32
      %swap3A_434 = arith.index_cast %add3A_433 : i32 to index
      %swap3A_435 = tpu.vector_load %arg7[%swap3A_434] masked %gt3A_415 {strides = array<i32>} : memref<32784xf32, #tpu.memory_space<vmem>>, vector<16xf32>, vector<16xi1>
      tpu.vector_store %arg7[%swap3A_434], %get3A_341 masked %gt3A_415 {strides = array<i32>} : memref<32784xf32, #tpu.memory_space<vmem>>, vector<16xf32>, vector<16xi1>
      %slice3A_436 = vector.extract_strided_slice %all_reduce_population_count3A_422 {offsets = [0], sizes = [1], strides = [1]} : vector<16xi32> to vector<1xi32>
      %squeeze3A_437 = vector.extract %slice3A_436[0] : i32 from vector<1xi32>
      %add3A_438 = arith.addi %add3A_433, %squeeze3A_437 : i32
      %swap3A_439 = arith.index_cast %add3A_438 : i32 to index
      %swap3A_440 = tpu.vector_load %arg7[%swap3A_439] masked %gt3A_416 {strides = array<i32>} : memref<32784xf32, #tpu.memory_space<vmem>>, vector<16xf32>, vector<16xi1>
      tpu.vector_store %arg7[%swap3A_439], %get3A_353 masked %gt3A_416 {strides = array<i32>} : memref<32784xf32, #tpu.memory_space<vmem>>, vector<16xf32>, vector<16xi1>
      %slice3A_441 = vector.extract_strided_slice %all_reduce_population_count3A_423 {offsets = [0], sizes = [1], strides = [1]} : vector<16xi32> to vector<1xi32>
      %squeeze3A_442 = vector.extract %slice3A_441[0] : i32 from vector<1xi32>
      %add3A_443 = arith.addi %add3A_438, %squeeze3A_442 : i32
      %swap3A_444 = arith.index_cast %add3A_443 : i32 to index
      %swap3A_445 = tpu.vector_load %arg7[%swap3A_444] masked %gt3A_417 {strides = array<i32>} : memref<32784xf32, #tpu.memory_space<vmem>>, vector<16xf32>, vector<16xi1>
      tpu.vector_store %arg7[%swap3A_444], %get3A_365 masked %gt3A_417 {strides = array<i32>} : memref<32784xf32, #tpu.memory_space<vmem>>, vector<16xf32>, vector<16xi1>
      %slice3A_446 = vector.extract_strided_slice %all_reduce_population_count3A_424 {offsets = [0], sizes = [1], strides = [1]} : vector<16xi32> to vector<1xi32>
      %squeeze3A_447 = vector.extract %slice3A_446[0] : i32 from vector<1xi32>
      %add3A_448 = arith.addi %add3A_443, %squeeze3A_447 : i32
      %swap3A_449 = arith.index_cast %add3A_448 : i32 to index
      %swap3A_450 = tpu.vector_load %arg7[%swap3A_449] masked %gt3A_418 {strides = array<i32>} : memref<32784xf32, #tpu.memory_space<vmem>>, vector<16xf32>, vector<16xi1>
      tpu.vector_store %arg7[%swap3A_449], %get3A_377 masked %gt3A_418 {strides = array<i32>} : memref<32784xf32, #tpu.memory_space<vmem>>, vector<16xf32>, vector<16xi1>
      %slice3A_451 = vector.extract_strided_slice %all_reduce_population_count3A_425 {offsets = [0], sizes = [1], strides = [1]} : vector<16xi32> to vector<1xi32>
      %squeeze3A_452 = vector.extract %slice3A_451[0] : i32 from vector<1xi32>
      %add3A_453 = arith.addi %add3A_448, %squeeze3A_452 : i32
      %swap3A_454 = arith.index_cast %add3A_453 : i32 to index
      %swap3A_455 = tpu.vector_load %arg7[%swap3A_454] masked %gt3A_419 {strides = array<i32>} : memref<32784xf32, #tpu.memory_space<vmem>>, vector<16xf32>, vector<16xi1>
      tpu.vector_store %arg7[%swap3A_454], %get3A_389 masked %gt3A_419 {strides = array<i32>} : memref<32784xf32, #tpu.memory_space<vmem>>, vector<16xf32>, vector<16xi1>
      %slice3A_456 = vector.extract_strided_slice %all_reduce_population_count3A_426 {offsets = [0], sizes = [1], strides = [1]} : vector<16xi32> to vector<1xi32>
      %squeeze3A_457 = vector.extract %slice3A_456[0] : i32 from vector<1xi32>
      %add3A_458 = arith.addi %add3A_453, %squeeze3A_457 : i32
      %swap3A_459 = arith.index_cast %add3A_458 : i32 to index
      %swap3A_460 = tpu.vector_load %arg7[%swap3A_459] masked %gt3A_420 {strides = array<i32>} : memref<32784xf32, #tpu.memory_space<vmem>>, vector<16xf32>, vector<16xi1>
      tpu.vector_store %arg7[%swap3A_459], %get3A_401 masked %gt3A_420 {strides = array<i32>} : memref<32784xf32, #tpu.memory_space<vmem>>, vector<16xf32>, vector<16xi1>
      %slice3A_461 = vector.extract_strided_slice %all_reduce_population_count3A_427 {offsets = [0], sizes = [1], strides = [1]} : vector<16xi32> to vector<1xi32>
      %squeeze3A_462 = vector.extract %slice3A_461[0] : i32 from vector<1xi32>
      %add3A_463 = arith.addi %add3A_458, %squeeze3A_462 : i32
      %swap3A_464 = arith.index_cast %add3A_463 : i32 to index
      %swap3A_465 = tpu.vector_load %arg7[%swap3A_464] masked %gt3A_421 {strides = array<i32>} : memref<32784xf32, #tpu.memory_space<vmem>>, vector<16xf32>, vector<16xi1>
      tpu.vector_store %arg7[%swap3A_464], %get3A_413 masked %gt3A_421 {strides = array<i32>} : memref<32784xf32, #tpu.memory_space<vmem>>, vector<16xf32>, vector<16xi1>
      %slice3A_466 = vector.extract_strided_slice %all_reduce_population_count3A_428 {offsets = [0], sizes = [1], strides = [1]} : vector<16xi32> to vector<1xi32>
      %squeeze3A_467 = vector.extract %slice3A_466[0] : i32 from vector<1xi32>
      %add3A_468 = arith.addi %add3A_463, %squeeze3A_467 : i32
      %mul3A_469 = arith.constant 16 : i32
      %mul3A_470 = arith.muli %squeeze3A, %mul3A_469 : i32
      %add3A_471 = arith.constant 8 : i32
      %add3A_472 = arith.addi %mul3A_470, %add3A_471 : i32
      %add3A_473 = arith.constant 0 : i32
      %add3A_474 = arith.addi %add3A_472, %add3A_473 : i32
      %mul3A_475 = arith.constant 16 : i32
      %mul3A_476 = arith.muli %add3A_474, %mul3A_475 : i32
      %get3A_477 = arith.constant 1 : i32
      %get3A_478 = arith.index_cast %get3A_477 : i32 to index
      %get3A_479 = arith.index_cast %mul3A_476 : i32 to index
      %get3A_480 = tpu.vector_load %arg4[%get3A_478, %get3A_479] {strides = array<i32>} : memref<2x32768xf32, #tpu.memory_space<vmem>>, vector<16xf32>,
      %mul3A_481 = arith.constant 16 : i32
      %mul3A_482 = arith.muli %squeeze3A, %mul3A_481 : i32
      %add3A_483 = arith.constant 8 : i32
      %add3A_484 = arith.addi %mul3A_482, %add3A_483 : i32
      %add3A_485 = arith.constant 1 : i32
      %add3A_486 = arith.addi %add3A_484, %add3A_485 : i32
      %mul3A_487 = arith.constant 16 : i32
      %mul3A_488 = arith.muli %add3A_486, %mul3A_487 : i32
      %get3A_489 = arith.constant 1 : i32
      %get3A_490 = arith.index_cast %get3A_489 : i32 to index
      %get3A_491 = arith.index_cast %mul3A_488 : i32 to index
      %get3A_492 = tpu.vector_load %arg4[%get3A_490, %get3A_491] {strides = array<i32>} : memref<2x32768xf32, #tpu.memory_space<vmem>>, vector<16xf32>,
      %mul3A_493 = arith.constant 16 : i32
      %mul3A_494 = arith.muli %squeeze3A, %mul3A_493 : i32
      %add3A_495 = arith.constant 8 : i32
      %add3A_496 = arith.addi %mul3A_494, %add3A_495 : i32
      %add3A_497 = arith.constant 2 : i32
      %add3A_498 = arith.addi %add3A_496, %add3A_497 : i32
      %mul3A_499 = arith.constant 16 : i32
      %mul3A_500 = arith.muli %add3A_498, %mul3A_499 : i32
      %get3A_501 = arith.constant 1 : i32
      %get3A_502 = arith.index_cast %get3A_501 : i32 to index
      %get3A_503 = arith.index_cast %mul3A_500 : i32 to index
      %get3A_504 = tpu.vector_load %arg4[%get3A_502, %get3A_503] {strides = array<i32>} : memref<2x32768xf32, #tpu.memory_space<vmem>>, vector<16xf32>,
      %mul3A_505 = arith.constant 16 : i32
      %mul3A_506 = arith.muli %squeeze3A, %mul3A_505 : i32
      %add3A_507 = arith.constant 8 : i32
      %add3A_508 = arith.addi %mul3A_506, %add3A_507 : i32
      %add3A_509 = arith.constant 3 : i32
      %add3A_510 = arith.addi %add3A_508, %add3A_509 : i32
      %mul3A_511 = arith.constant 16 : i32
      %mul3A_512 = arith.muli %add3A_510, %mul3A_511 : i32
      %get3A_513 = arith.constant 1 : i32
      %get3A_514 = arith.index_cast %get3A_513 : i32 to index
      %get3A_515 = arith.index_cast %mul3A_512 : i32 to index
      %get3A_516 = tpu.vector_load %arg4[%get3A_514, %get3A_515] {strides = array<i32>} : memref<2x32768xf32, #tpu.memory_space<vmem>>, vector<16xf32>,
      %mul3A_517 = arith.constant 16 : i32
      %mul3A_518 = arith.muli %squeeze3A, %mul3A_517 : i32
      %add3A_519 = arith.constant 8 : i32
      %add3A_520 = arith.addi %mul3A_518, %add3A_519 : i32
      %add3A_521 = arith.constant 4 : i32
      %add3A_522 = arith.addi %add3A_520, %add3A_521 : i32
      %mul3A_523 = arith.constant 16 : i32
      %mul3A_524 = arith.muli %add3A_522, %mul3A_523 : i32
      %get3A_525 = arith.constant 1 : i32
      %get3A_526 = arith.index_cast %get3A_525 : i32 to index
      %get3A_527 = arith.index_cast %mul3A_524 : i32 to index
      %get3A_528 = tpu.vector_load %arg4[%get3A_526, %get3A_527] {strides = array<i32>} : memref<2x32768xf32, #tpu.memory_space<vmem>>, vector<16xf32>,
      %mul3A_529 = arith.constant 16 : i32
      %mul3A_530 = arith.muli %squeeze3A, %mul3A_529 : i32
      %add3A_531 = arith.constant 8 : i32
      %add3A_532 = arith.addi %mul3A_530, %add3A_531 : i32
      %add3A_533 = arith.constant 5 : i32
      %add3A_534 = arith.addi %add3A_532, %add3A_533 : i32
      %mul3A_535 = arith.constant 16 : i32
      %mul3A_536 = arith.muli %add3A_534, %mul3A_535 : i32
      %get3A_537 = arith.constant 1 : i32
      %get3A_538 = arith.index_cast %get3A_537 : i32 to index
      %get3A_539 = arith.index_cast %mul3A_536 : i32 to index
      %get3A_540 = tpu.vector_load %arg4[%get3A_538, %get3A_539] {strides = array<i32>} : memref<2x32768xf32, #tpu.memory_space<vmem>>, vector<16xf32>,
      %mul3A_541 = arith.constant 16 : i32
      %mul3A_542 = arith.muli %squeeze3A, %mul3A_541 : i32
      %add3A_543 = arith.constant 8 : i32
      %add3A_544 = arith.addi %mul3A_542, %add3A_543 : i32
      %add3A_545 = arith.constant 6 : i32
      %add3A_546 = arith.addi %add3A_544, %add3A_545 : i32
      %mul3A_547 = arith.constant 16 : i32
      %mul3A_548 = arith.muli %add3A_546, %mul3A_547 : i32
      %get3A_549 = arith.constant 1 : i32
      %get3A_550 = arith.index_cast %get3A_549 : i32 to index
      %get3A_551 = arith.index_cast %mul3A_548 : i32 to index
      %get3A_552 = tpu.vector_load %arg4[%get3A_550, %get3A_551] {strides = array<i32>} : memref<2x32768xf32, #tpu.memory_space<vmem>>, vector<16xf32>,
      %mul3A_553 = arith.constant 16 : i32
      %mul3A_554 = arith.muli %squeeze3A, %mul3A_553 : i32
      %add3A_555 = arith.constant 8 : i32
      %add3A_556 = arith.addi %mul3A_554, %add3A_555 : i32
      %add3A_557 = arith.constant 7 : i32
      %add3A_558 = arith.addi %add3A_556, %add3A_557 : i32
      %mul3A_559 = arith.constant 16 : i32
      %mul3A_560 = arith.muli %add3A_558, %mul3A_559 : i32
      %get3A_561 = arith.constant 1 : i32
      %get3A_562 = arith.index_cast %get3A_561 : i32 to index
      %get3A_563 = arith.index_cast %mul3A_560 : i32 to index
      %get3A_564 = tpu.vector_load %arg4[%get3A_562, %get3A_563] {strides = array<i32>} : memref<2x32768xf32, #tpu.memory_space<vmem>>, vector<16xf32>,
      %gt3A_565 = arith.cmpf ogt, %get3A_480, %sub3A_109 : vector<16xf32>
      %gt3A_566 = arith.cmpf ogt, %get3A_492, %sub3A_109 : vector<16xf32>
      %gt3A_567 = arith.cmpf ogt, %get3A_504, %sub3A_109 : vector<16xf32>
      %gt3A_568 = arith.cmpf ogt, %get3A_516, %sub3A_109 : vector<16xf32>
      %gt3A_569 = arith.cmpf ogt, %get3A_528, %sub3A_109 : vector<16xf32>
      %gt3A_570 = arith.cmpf ogt, %get3A_540, %sub3A_109 : vector<16xf32>
      %gt3A_571 = arith.cmpf ogt, %get3A_552, %sub3A_109 : vector<16xf32>
      %gt3A_572 = arith.cmpf ogt, %get3A_564, %sub3A_109 : vector<16xf32>
      %all_reduce_population_count3A_573 = tpu.all_reduce %gt3A_565 {dim = 0 : i64, kind = #tpu.reduction_kind<sum>} : vector<16xi1> -> vector<16xi32>
      %all_reduce_population_count3A_574 = tpu.all_reduce %gt3A_566 {dim = 0 : i64, kind = #tpu.reduction_kind<sum>} : vector<16xi1> -> vector<16xi32>
      %all_reduce_population_count3A_575 = tpu.all_reduce %gt3A_567 {dim = 0 : i64, kind = #tpu.reduction_kind<sum>} : vector<16xi1> -> vector<16xi32>
      %all_reduce_population_count3A_576 = tpu.all_reduce %gt3A_568 {dim = 0 : i64, kind = #tpu.reduction_kind<sum>} : vector<16xi1> -> vector<16xi32>
      %all_reduce_population_count3A_577 = tpu.all_reduce %gt3A_569 {dim = 0 : i64, kind = #tpu.reduction_kind<sum>} : vector<16xi1> -> vector<16xi32>
      %all_reduce_population_count3A_578 = tpu.all_reduce %gt3A_570 {dim = 0 : i64, kind = #tpu.reduction_kind<sum>} : vector<16xi1> -> vector<16xi32>
      %all_reduce_population_count3A_579 = tpu.all_reduce %gt3A_571 {dim = 0 : i64, kind = #tpu.reduction_kind<sum>} : vector<16xi1> -> vector<16xi32>
      %all_reduce_population_count3A_580 = tpu.all_reduce %gt3A_572 {dim = 0 : i64, kind = #tpu.reduction_kind<sum>} : vector<16xi1> -> vector<16xi32>
      %swap3A_581 = arith.index_cast %add3A_468 : i32 to index
      %swap3A_582 = tpu.vector_load %arg7[%swap3A_581] masked %gt3A_565 {strides = array<i32>} : memref<32784xf32, #tpu.memory_space<vmem>>, vector<16xf32>, vector<16xi1>
      tpu.vector_store %arg7[%swap3A_581], %get3A_480 masked %gt3A_565 {strides = array<i32>} : memref<32784xf32, #tpu.memory_space<vmem>>, vector<16xf32>, vector<16xi1>
      %slice3A_583 = vector.extract_strided_slice %all_reduce_population_count3A_573 {offsets = [0], sizes = [1], strides = [1]} : vector<16xi32> to vector<1xi32>
      %squeeze3A_584 = vector.extract %slice3A_583[0] : i32 from vector<1xi32>
      %add3A_585 = arith.addi %add3A_468, %squeeze3A_584 : i32
      %swap3A_586 = arith.index_cast %add3A_585 : i32 to index
      %swap3A_587 = tpu.vector_load %arg7[%swap3A_586] masked %gt3A_566 {strides = array<i32>} : memref<32784xf32, #tpu.memory_space<vmem>>, vector<16xf32>, vector<16xi1>
      tpu.vector_store %arg7[%swap3A_586], %get3A_492 masked %gt3A_566 {strides = array<i32>} : memref<32784xf32, #tpu.memory_space<vmem>>, vector<16xf32>, vector<16xi1>
      %slice3A_588 = vector.extract_strided_slice %all_reduce_population_count3A_574 {offsets = [0], sizes = [1], strides = [1]} : vector<16xi32> to vector<1xi32>
      %squeeze3A_589 = vector.extract %slice3A_588[0] : i32 from vector<1xi32>
      %add3A_590 = arith.addi %add3A_585, %squeeze3A_589 : i32
      %swap3A_591 = arith.index_cast %add3A_590 : i32 to index
      %swap3A_592 = tpu.vector_load %arg7[%swap3A_591] masked %gt3A_567 {strides = array<i32>} : memref<32784xf32, #tpu.memory_space<vmem>>, vector<16xf32>, vector<16xi1>
      tpu.vector_store %arg7[%swap3A_591], %get3A_504 masked %gt3A_567 {strides = array<i32>} : memref<32784xf32, #tpu.memory_space<vmem>>, vector<16xf32>, vector<16xi1>
      %slice3A_593 = vector.extract_strided_slice %all_reduce_population_count3A_575 {offsets = [0], sizes = [1], strides = [1]} : vector<16xi32> to vector<1xi32>
      %squeeze3A_594 = vector.extract %slice3A_593[0] : i32 from vector<1xi32>
      %add3A_595 = arith.addi %add3A_590, %squeeze3A_594 : i32
      %swap3A_596 = arith.index_cast %add3A_595 : i32 to index
      %swap3A_597 = tpu.vector_load %arg7[%swap3A_596] masked %gt3A_568 {strides = array<i32>} : memref<32784xf32, #tpu.memory_space<vmem>>, vector<16xf32>, vector<16xi1>
      tpu.vector_store %arg7[%swap3A_596], %get3A_516 masked %gt3A_568 {strides = array<i32>} : memref<32784xf32, #tpu.memory_space<vmem>>, vector<16xf32>, vector<16xi1>
      %slice3A_598 = vector.extract_strided_slice %all_reduce_population_count3A_576 {offsets = [0], sizes = [1], strides = [1]} : vector<16xi32> to vector<1xi32>
      %squeeze3A_599 = vector.extract %slice3A_598[0] : i32 from vector<1xi32>
      %add3A_600 = arith.addi %add3A_595, %squeeze3A_599 : i32
      %swap3A_601 = arith.index_cast %add3A_600 : i32 to index
      %swap3A_602 = tpu.vector_load %arg7[%swap3A_601] masked %gt3A_569 {strides = array<i32>} : memref<32784xf32, #tpu.memory_space<vmem>>, vector<16xf32>, vector<16xi1>
      tpu.vector_store %arg7[%swap3A_601], %get3A_528 masked %gt3A_569 {strides = array<i32>} : memref<32784xf32, #tpu.memory_space<vmem>>, vector<16xf32>, vector<16xi1>
      %slice3A_603 = vector.extract_strided_slice %all_reduce_population_count3A_577 {offsets = [0], sizes = [1], strides = [1]} : vector<16xi32> to vector<1xi32>
      %squeeze3A_604 = vector.extract %slice3A_603[0] : i32 from vector<1xi32>
      %add3A_605 = arith.addi %add3A_600, %squeeze3A_604 : i32
      %swap3A_606 = arith.index_cast %add3A_605 : i32 to index
      %swap3A_607 = tpu.vector_load %arg7[%swap3A_606] masked %gt3A_570 {strides = array<i32>} : memref<32784xf32, #tpu.memory_space<vmem>>, vector<16xf32>, vector<16xi1>
      tpu.vector_store %arg7[%swap3A_606], %get3A_540 masked %gt3A_570 {strides = array<i32>} : memref<32784xf32, #tpu.memory_space<vmem>>, vector<16xf32>, vector<16xi1>
      %slice3A_608 = vector.extract_strided_slice %all_reduce_population_count3A_578 {offsets = [0], sizes = [1], strides = [1]} : vector<16xi32> to vector<1xi32>
      %squeeze3A_609 = vector.extract %slice3A_608[0] : i32 from vector<1xi32>
      %add3A_610 = arith.addi %add3A_605, %squeeze3A_609 : i32
      %swap3A_611 = arith.index_cast %add3A_610 : i32 to index
      %swap3A_612 = tpu.vector_load %arg7[%swap3A_611] masked %gt3A_571 {strides = array<i32>} : memref<32784xf32, #tpu.memory_space<vmem>>, vector<16xf32>, vector<16xi1>
      tpu.vector_store %arg7[%swap3A_611], %get3A_552 masked %gt3A_571 {strides = array<i32>} : memref<32784xf32, #tpu.memory_space<vmem>>, vector<16xf32>, vector<16xi1>
      %slice3A_613 = vector.extract_strided_slice %all_reduce_population_count3A_579 {offsets = [0], sizes = [1], strides = [1]} : vector<16xi32> to vector<1xi32>
      %squeeze3A_614 = vector.extract %slice3A_613[0] : i32 from vector<1xi32>
      %add3A_615 = arith.addi %add3A_610, %squeeze3A_614 : i32
      %swap3A_616 = arith.index_cast %add3A_615 : i32 to index
      %swap3A_617 = tpu.vector_load %arg7[%swap3A_616] masked %gt3A_572 {strides = array<i32>} : memref<32784xf32, #tpu.memory_space<vmem>>, vector<16xf32>, vector<16xi1>
      tpu.vector_store %arg7[%swap3A_616], %get3A_564 masked %gt3A_572 {strides = array<i32>} : memref<32784xf32, #tpu.memory_space<vmem>>, vector<16xf32>, vector<16xi1>
      %slice3A_618 = vector.extract_strided_slice %all_reduce_population_count3A_580 {offsets = [0], sizes = [1], strides = [1]} : vector<16xi32> to vector<1xi32>
      %squeeze3A_619 = vector.extract %slice3A_618[0] : i32 from vector<1xi32>
      %add3A_620 = arith.addi %add3A_615, %squeeze3A_619 : i32
      scf.yield %add3A_620 : i32
    }
    %broadcast_in_dim3A_228 = arith.constant true
    %broadcast_in_dim3A_229 = vector.broadcast %broadcast_in_dim3A_228 : i1 to vector<16xi1>
    %swap3A_230 = arith.index_cast %while3A_227 : i32 to index
    %swap3A_231 = tpu.vector_load %arg7[%swap3A_230] masked %broadcast_in_dim3A_229 {strides = array<i32>} : memref<32784xf32, #tpu.memory_space<vmem>>, vector<16xf32>, vector<16xi1>
    tpu.vector_store %arg7[%swap3A_230], %sub3A_109 masked %broadcast_in_dim3A_229 {strides = array<i32>} : memref<32784xf32, #tpu.memory_space<vmem>>, vector<16xf32>, vector<16xi1>
    %jit3A_232 = arith.constant 16 : i32
    %div3A_233 = arith.divsi %while3A_227, %jit3A_232 : i32
    %sign3A_234 = arith.constant 0 : i32
    %sign3A_235 = arith.cmpi sgt, %while3A_227, %sign3A_234 : i32
    %sign3A_236 = arith.extui %sign3A_235 : i1 to i32
    %sign3A_237 = arith.constant 0 : i32
    %sign3A_238 = arith.cmpi slt, %while3A_227, %sign3A_237 : i32
    %sign3A_239 = arith.extui %sign3A_238 : i1 to i32
    %sign3A_240 = arith.subi %sign3A_236, %sign3A_239 : i32
    %sign3A_241 = arith.constant 0 : i32
    %sign3A_242 = arith.cmpi sgt, %jit3A_232, %sign3A_241 : i32
    %sign3A_243 = arith.extui %sign3A_242 : i1 to i32
    %sign3A_244 = arith.constant 0 : i32
    %sign3A_245 = arith.cmpi slt, %jit3A_232, %sign3A_244 : i32
    %sign3A_246 = arith.extui %sign3A_245 : i1 to i32
    %sign3A_247 = arith.subi %sign3A_243, %sign3A_246 : i32
    %ne3A_248 = arith.cmpi ne, %sign3A_240, %sign3A_247 : i32
    %rem3A_249 = arith.remsi %while3A_227, %jit3A_232 : i32
    %ne3A_250 = arith.constant 0 : i32
    %ne3A_251 = arith.cmpi ne, %rem3A_249, %ne3A_250 : i32
    %and3A_252 = arith.andi %ne3A_248, %ne3A_251 : i1
    %sub3A_253 = arith.constant 1 : i32
    %sub3A_254 = arith.subi %div3A_233, %sub3A_253 : i32
    %select_n3A_255 = arith.select %and3A_252, %sub3A_254, %div3A_233 : i32
    %add3A_256 = arith.constant 1 : i32
    %add3A_257 = arith.addi %select_n3A_255, %add3A_256 : i32
    %scan3A_258 = arith.constant 0 : i32
    %scan3A_259 = arith.constant 24 : i32
    %scan3A_260 = arith.addi %scan3A_258, %scan3A_259 : i32
    %scan3A_261 = arith.constant 1 : i32
    %scan3A_262:2 = scf.for %scan3A_315 = %scan3A_258 to %scan3A_260 step %scan3A_261 iter_args(%scan3A_316 = %sub3A_109, %scan3A_317 = %broadcast_in_dim3A_106) -> (vector<16xf32>, vector<16xf32>)  : i32 {
      %add3A_318 = arith.addf %scan3A_316, %scan3A_317 : vector<16xf32>
      %mul3A_319 = arith.constant 5.000000e-01 : f32
      %mul3A_320 = vector.broadcast %mul3A_319 : f32 to vector<16xf32>
      %mul3A_321 = arith.mulf %mul3A_320, %add3A_318 : vector<16xf32>
      %broadcast_in_dim3A_322 = arith.constant 0.000000e+00 : f32
      %broadcast_in_dim3A_323 = vector.broadcast %broadcast_in_dim3A_322 : f32 to vector<16xf32>
      %while3A_324 = arith.constant 0 : i32
      %while3A_325 = arith.subi %add3A_257, %while3A_324 : i32
      %while3A_326 = arith.addi %while3A_324, %while3A_325 : i32
      %while3A_327 = arith.constant 1 : i32
      %while3A_328 = arith.divsi %while3A_325, %while3A_327 : i32
      %while3A_329 = arith.muli %while3A_328, %while3A_327 : i32
      %while3A_330 = arith.addi %while3A_324, %while3A_329 : i32
      %while3A_331 = arith.constant 1 : i32
      %while3A_332:2 = scf.for %while3A_362 = %while3A_324 to %while3A_330 step %while3A_331 iter_args(%while3A_363 = %broadcast_in_dim3A_323, %while3A_364 = %broadcast_in_dim3A_323) -> (vector<16xf32>, vector<16xf32>)  : i32 {
        %mul3A_365 = arith.constant 16 : i32
        %mul3A_366 = arith.muli %while3A_362, %mul3A_365 : i32
        %get3A = arith.index_cast %mul3A_366 : i32 to index
        %get3A_367 = tpu.vector_load %arg7[%get3A] {strides = array<i32>} : memref<32784xf32, #tpu.memory_space<vmem>>, vector<16xf32>,
        %gt3A_368 = arith.cmpf ogt, %get3A_367, %mul3A_321 : vector<16xf32>
        %jit3A_369 = arith.constant 0.000000e+00 : f32
        %broadcast_in_dim3A_370 = vector.broadcast %jit3A_369 : f32 to vector<16xf32>
        %select_n3A_371 = arith.select %gt3A_368, %get3A_367, %broadcast_in_dim3A_370 : vector<16xi1>, vector<16xf32>
        %add3A_372 = arith.addf %while3A_363, %select_n3A_371 : vector<16xf32>
        %jit3A_373 = arith.constant 1.000000e+00 : f32
        %jit3A_374 = arith.constant 0.000000e+00 : f32
        %broadcast_in_dim3A_375 = vector.broadcast %jit3A_373 : f32 to vector<16xf32>
        %broadcast_in_dim3A_376 = vector.broadcast %jit3A_374 : f32 to vector<16xf32>
        %select_n3A_377 = arith.select %gt3A_368, %broadcast_in_dim3A_375, %broadcast_in_dim3A_376 : vector<16xi1>, vector<16xf32>
        %add3A_378 = arith.addf %while3A_364, %select_n3A_377 : vector<16xf32>
        scf.yield %add3A_372, %add3A_378 : vector<16xf32>, vector<16xf32>
      }
      %while3A_333 = arith.constant 1 : i32
      %while3A_334:2 = scf.for %while3A_362 = %while3A_330 to %while3A_326 step %while3A_333 iter_args(%while3A_363 = %while3A_332#0, %while3A_364 = %while3A_332#1) -> (vector<16xf32>, vector<16xf32>)  : i32 {
        %mul3A_365 = arith.constant 16 : i32
        %mul3A_366 = arith.muli %while3A_362, %mul3A_365 : i32
        %get3A = arith.index_cast %mul3A_366 : i32 to index
        %get3A_367 = tpu.vector_load %arg7[%get3A] {strides = array<i32>} : memref<32784xf32, #tpu.memory_space<vmem>>, vector<16xf32>,
        %gt3A_368 = arith.cmpf ogt, %get3A_367, %mul3A_321 : vector<16xf32>
        %jit3A_369 = arith.constant 0.000000e+00 : f32
        %broadcast_in_dim3A_370 = vector.broadcast %jit3A_369 : f32 to vector<16xf32>
        %select_n3A_371 = arith.select %gt3A_368, %get3A_367, %broadcast_in_dim3A_370 : vector<16xi1>, vector<16xf32>
        %add3A_372 = arith.addf %while3A_363, %select_n3A_371 : vector<16xf32>
        %jit3A_373 = arith.constant 1.000000e+00 : f32
        %jit3A_374 = arith.constant 0.000000e+00 : f32
        %broadcast_in_dim3A_375 = vector.broadcast %jit3A_373 : f32 to vector<16xf32>
        %broadcast_in_dim3A_376 = vector.broadcast %jit3A_374 : f32 to vector<16xf32>
        %select_n3A_377 = arith.select %gt3A_368, %broadcast_in_dim3A_375, %broadcast_in_dim3A_376 : vector<16xi1>, vector<16xf32>
        %add3A_378 = arith.addf %while3A_364, %select_n3A_377 : vector<16xf32>
        scf.yield %add3A_372, %add3A_378 : vector<16xf32>, vector<16xf32>
      }
      %reduce_sum3A_335 = arith.constant true
      %reduce_sum3A_336 = vector.broadcast %reduce_sum3A_335 : i1 to vector<16xi1>
      %reduce_sum3A_337 = tpu.scan <sum>, %while3A_334#0 masked %reduce_sum3A_336 : vector<16xf32>, vector<16xi1> -> vector<16xf32>
      %reduce_sum3A_338 = vector.extract %reduce_sum3A_337[15] : f32 from vector<16xf32>
      %broadcast_in_dim3A_339 = vector.broadcast %reduce_sum3A_338 : f32 to vector<16xf32>
      %reduce_sum3A_340 = arith.constant true
      %reduce_sum3A_341 = vector.broadcast %reduce_sum3A_340 : i1 to vector<16xi1>
      %reduce_sum3A_342 = tpu.scan <sum>, %while3A_334#1 masked %reduce_sum3A_341 : vector<16xf32>, vector<16xi1> -> vector<16xf32>
      %reduce_sum3A_343 = vector.extract %reduce_sum3A_342[15] : f32 from vector<16xf32>
      %broadcast_in_dim3A_344 = vector.broadcast %reduce_sum3A_343 : f32 to vector<16xf32>
      %mul3A_345 = arith.mulf %mul3A_321, %broadcast_in_dim3A_344 : vector<16xf32>
      %sub3A_346 = arith.subf %broadcast_in_dim3A_339, %mul3A_345 : vector<16xf32>
      %sub3A_347 = arith.constant 1.000000e+00 : f32
      %sub3A_348 = vector.broadcast %sub3A_347 : f32 to vector<16xf32>
      %sub3A_349 = arith.subf %sub3A_346, %sub3A_348 : vector<16xf32>
      %sub3A_350 = arith.constant 1.000000e+00 : f32
      %sub3A_351 = vector.broadcast %sub3A_350 : f32 to vector<16xf32>
      %sub3A_352 = arith.subf %broadcast_in_dim3A_339, %sub3A_351 : vector<16xf32>
      %max3A_353 = arith.constant 1.000000e+00 : f32
      %max3A_354 = vector.broadcast %max3A_353 : f32 to vector<16xf32>
      %max3A_355 = arith.maximumf %broadcast_in_dim3A_344, %max3A_354 : vector<16xf32>
      %div3A_356 = arith.divf %sub3A_352, %max3A_355 : vector<16xf32>
      %gt3A_357 = arith.constant 0.000000e+00 : f32
      %gt3A_358 = vector.broadcast %gt3A_357 : f32 to vector<16xf32>
      %gt3A_359 = arith.cmpf ogt, %sub3A_349, %gt3A_358 : vector<16xf32>
      %select_n3A_360 = arith.select %gt3A_359, %scan3A_317, %mul3A_321 : vector<16xi1>, vector<16xf32>
      %max3A_361 = arith.maximumf %scan3A_316, %div3A_356 : vector<16xf32>
      %min3A = arith.minimumf %max3A_361, %select_n3A_360 : vector<16xf32>
      scf.yield %min3A, %select_n3A_360 : vector<16xf32>, vector<16xf32>
    }
    %scan3A_263 = arith.constant 24 : i32
    %broadcast_in_dim3A_264 = arith.constant 0.000000e+00 : f32
    %broadcast_in_dim3A_265 = vector.broadcast %broadcast_in_dim3A_264 : f32 to vector<16xf32>
    %while3A_266 = arith.constant 0 : i32
    %while3A_267 = arith.subi %add3A_257, %while3A_266 : i32
    %while3A_268 = arith.addi %while3A_266, %while3A_267 : i32
    %while3A_269 = arith.constant 1 : i32
    %while3A_270 = arith.divsi %while3A_267, %while3A_269 : i32
    %while3A_271 = arith.muli %while3A_270, %while3A_269 : i32
    %while3A_272 = arith.addi %while3A_266, %while3A_271 : i32
    %while3A_273 = arith.constant 1 : i32
    %while3A_274:2 = scf.for %while3A_315 = %while3A_266 to %while3A_272 step %while3A_273 iter_args(%while3A_316 = %broadcast_in_dim3A_265, %while3A_317 = %broadcast_in_dim3A_265) -> (vector<16xf32>, vector<16xf32>)  : i32 {
      %mul3A_318 = arith.constant 16 : i32
      %mul3A_319 = arith.muli %while3A_315, %mul3A_318 : i32
      %get3A = arith.index_cast %mul3A_319 : i32 to index
      %get3A_320 = tpu.vector_load %arg7[%get3A] {strides = array<i32>} : memref<32784xf32, #tpu.memory_space<vmem>>, vector<16xf32>,
      %gt3A_321 = arith.cmpf ogt, %get3A_320, %scan3A_262#0 : vector<16xf32>
      %jit3A_322 = arith.constant 0.000000e+00 : f32
      %broadcast_in_dim3A_323 = vector.broadcast %jit3A_322 : f32 to vector<16xf32>
      %select_n3A_324 = arith.select %gt3A_321, %get3A_320, %broadcast_in_dim3A_323 : vector<16xi1>, vector<16xf32>
      %add3A_325 = arith.addf %while3A_316, %select_n3A_324 : vector<16xf32>
      %jit3A_326 = arith.constant 1.000000e+00 : f32
      %jit3A_327 = arith.constant 0.000000e+00 : f32
      %broadcast_in_dim3A_328 = vector.broadcast %jit3A_326 : f32 to vector<16xf32>
      %broadcast_in_dim3A_329 = vector.broadcast %jit3A_327 : f32 to vector<16xf32>
      %select_n3A_330 = arith.select %gt3A_321, %broadcast_in_dim3A_328, %broadcast_in_dim3A_329 : vector<16xi1>, vector<16xf32>
      %add3A_331 = arith.addf %while3A_317, %select_n3A_330 : vector<16xf32>
      scf.yield %add3A_325, %add3A_331 : vector<16xf32>, vector<16xf32>
    }
    %while3A_275 = arith.constant 1 : i32
    %while3A_276:2 = scf.for %while3A_315 = %while3A_272 to %while3A_268 step %while3A_275 iter_args(%while3A_316 = %while3A_274#0, %while3A_317 = %while3A_274#1) -> (vector<16xf32>, vector<16xf32>)  : i32 {
      %mul3A_318 = arith.constant 16 : i32
      %mul3A_319 = arith.muli %while3A_315, %mul3A_318 : i32
      %get3A = arith.index_cast %mul3A_319 : i32 to index
      %get3A_320 = tpu.vector_load %arg7[%get3A] {strides = array<i32>} : memref<32784xf32, #tpu.memory_space<vmem>>, vector<16xf32>,
      %gt3A_321 = arith.cmpf ogt, %get3A_320, %scan3A_262#0 : vector<16xf32>
      %jit3A_322 = arith.constant 0.000000e+00 : f32
      %broadcast_in_dim3A_323 = vector.broadcast %jit3A_322 : f32 to vector<16xf32>
      %select_n3A_324 = arith.select %gt3A_321, %get3A_320, %broadcast_in_dim3A_323 : vector<16xi1>, vector<16xf32>
      %add3A_325 = arith.addf %while3A_316, %select_n3A_324 : vector<16xf32>
      %jit3A_326 = arith.constant 1.000000e+00 : f32
      %jit3A_327 = arith.constant 0.000000e+00 : f32
      %broadcast_in_dim3A_328 = vector.broadcast %jit3A_326 : f32 to vector<16xf32>
      %broadcast_in_dim3A_329 = vector.broadcast %jit3A_327 : f32 to vector<16xf32>
      %select_n3A_330 = arith.select %gt3A_321, %broadcast_in_dim3A_328, %broadcast_in_dim3A_329 : vector<16xi1>, vector<16xf32>
      %add3A_331 = arith.addf %while3A_317, %select_n3A_330 : vector<16xf32>
      scf.yield %add3A_325, %add3A_331 : vector<16xf32>, vector<16xf32>
    }
    %reduce_sum3A_277 = arith.constant true
    %reduce_sum3A_278 = vector.broadcast %reduce_sum3A_277 : i1 to vector<16xi1>
    %reduce_sum3A_279 = tpu.scan <sum>, %while3A_276#0 masked %reduce_sum3A_278 : vector<16xf32>, vector<16xi1> -> vector<16xf32>
    %reduce_sum3A_280 = vector.extract %reduce_sum3A_279[15] : f32 from vector<16xf32>
    %broadcast_in_dim3A_281 = vector.broadcast %reduce_sum3A_280 : f32 to vector<16xf32>
    %reduce_sum3A_282 = arith.constant true
    %reduce_sum3A_283 = vector.broadcast %reduce_sum3A_282 : i1 to vector<16xi1>
    %reduce_sum3A_284 = tpu.scan <sum>, %while3A_276#1 masked %reduce_sum3A_283 : vector<16xf32>, vector<16xi1> -> vector<16xf32>
    %reduce_sum3A_285 = vector.extract %reduce_sum3A_284[15] : f32 from vector<16xf32>
    %broadcast_in_dim3A_286 = vector.broadcast %reduce_sum3A_285 : f32 to vector<16xf32>
    %gt3A_287 = arith.constant 0.000000e+00 : f32
    %gt3A_288 = vector.broadcast %gt3A_287 : f32 to vector<16xf32>
    %gt3A_289 = arith.cmpf ogt, %broadcast_in_dim3A_286, %gt3A_288 : vector<16xf32>
    %sub3A_290 = arith.constant 1.000000e+00 : f32
    %sub3A_291 = vector.broadcast %sub3A_290 : f32 to vector<16xf32>
    %sub3A_292 = arith.subf %broadcast_in_dim3A_281, %sub3A_291 : vector<16xf32>
    %max3A_293 = arith.constant 1.000000e+00 : f32
    %max3A_294 = vector.broadcast %max3A_293 : f32 to vector<16xf32>
    %max3A_295 = arith.maximumf %broadcast_in_dim3A_286, %max3A_294 : vector<16xf32>
    %div3A_296 = arith.divf %sub3A_292, %max3A_295 : vector<16xf32>
    %select_n3A_297 = arith.select %gt3A_289, %div3A_296, %scan3A_262#0 : vector<16xi1>, vector<16xf32>
    %scan3A_298 = arith.constant 0 : i32
    %scan3A_299 = arith.constant 2048 : i32
    %scan3A_300 = arith.addi %scan3A_298, %scan3A_299 : i32
    %scan3A_301 = arith.constant 16 : i32
    scf.for %scan3A_315 = %scan3A_298 to %scan3A_300 step %scan3A_301  : i32 {
      %mul3A_316 = arith.constant 16 : i32
      %mul3A_317 = arith.muli %scan3A_315, %mul3A_316 : i32
      %get3A = arith.constant 1 : i32
      %get3A_318 = arith.index_cast %get3A : i32 to index
      %get3A_319 = arith.index_cast %mul3A_317 : i32 to index
      %get3A_320 = tpu.vector_load %arg4[%get3A_318, %get3A_319] {strides = array<i32>} : memref<2x32768xf32, #tpu.memory_space<vmem>>, vector<16xf32>,
      %sub3A_321 = arith.subf %get3A_320, %select_n3A_297 : vector<16xf32>
      %max3A_322 = arith.constant 0.000000e+00 : f32
      %max3A_323 = vector.broadcast %max3A_322 : f32 to vector<16xf32>
      %max3A_324 = arith.maximumf %sub3A_321, %max3A_323 : vector<16xf32>
      %mul3A_325 = arith.constant 16 : i32
      %mul3A_326 = arith.muli %scan3A_315, %mul3A_325 : i32
      %swap3A_327 = arith.constant 1 : i32
      %swap3A_328 = arith.index_cast %swap3A_327 : i32 to index
      %swap3A_329 = arith.index_cast %mul3A_326 : i32 to index
      %swap3A_330 = tpu.vector_load %arg4[%swap3A_328, %swap3A_329] {strides = array<i32>} : memref<2x32768xf32, #tpu.memory_space<vmem>>, vector<16xf32>,
      tpu.vector_store %arg4[%swap3A_328, %swap3A_329], %max3A_324 {strides = array<i32>} : memref<2x32768xf32, #tpu.memory_space<vmem>>, vector<16xf32>,
      %scan3A_331 = arith.constant 1 : i32
      %scan3A_332 = arith.addi %scan3A_315, %scan3A_331 : i32
      %mul3A_333 = arith.constant 16 : i32
      %mul3A_334 = arith.muli %scan3A_332, %mul3A_333 : i32
      %get3A_335 = arith.constant 1 : i32
      %get3A_336 = arith.index_cast %get3A_335 : i32 to index
      %get3A_337 = arith.index_cast %mul3A_334 : i32 to index
      %get3A_338 = tpu.vector_load %arg4[%get3A_336, %get3A_337] {strides = array<i32>} : memref<2x32768xf32, #tpu.memory_space<vmem>>, vector<16xf32>,
      %sub3A_339 = arith.subf %get3A_338, %select_n3A_297 : vector<16xf32>
      %max3A_340 = arith.constant 0.000000e+00 : f32
      %max3A_341 = vector.broadcast %max3A_340 : f32 to vector<16xf32>
      %max3A_342 = arith.maximumf %sub3A_339, %max3A_341 : vector<16xf32>
      %mul3A_343 = arith.constant 16 : i32
      %mul3A_344 = arith.muli %scan3A_332, %mul3A_343 : i32
      %swap3A_345 = arith.constant 1 : i32
      %swap3A_346 = arith.index_cast %swap3A_345 : i32 to index
      %swap3A_347 = arith.index_cast %mul3A_344 : i32 to index
      %swap3A_348 = tpu.vector_load %arg4[%swap3A_346, %swap3A_347] {strides = array<i32>} : memref<2x32768xf32, #tpu.memory_space<vmem>>, vector<16xf32>,
      tpu.vector_store %arg4[%swap3A_346, %swap3A_347], %max3A_342 {strides = array<i32>} : memref<2x32768xf32, #tpu.memory_space<vmem>>, vector<16xf32>,
      %scan3A_349 = arith.constant 2 : i32
      %scan3A_350 = arith.addi %scan3A_315, %scan3A_349 : i32
      %mul3A_351 = arith.constant 16 : i32
      %mul3A_352 = arith.muli %scan3A_350, %mul3A_351 : i32
      %get3A_353 = arith.constant 1 : i32
      %get3A_354 = arith.index_cast %get3A_353 : i32 to index
      %get3A_355 = arith.index_cast %mul3A_352 : i32 to index
      %get3A_356 = tpu.vector_load %arg4[%get3A_354, %get3A_355] {strides = array<i32>} : memref<2x32768xf32, #tpu.memory_space<vmem>>, vector<16xf32>,
      %sub3A_357 = arith.subf %get3A_356, %select_n3A_297 : vector<16xf32>
      %max3A_358 = arith.constant 0.000000e+00 : f32
      %max3A_359 = vector.broadcast %max3A_358 : f32 to vector<16xf32>
      %max3A_360 = arith.maximumf %sub3A_357, %max3A_359 : vector<16xf32>
      %mul3A_361 = arith.constant 16 : i32
      %mul3A_362 = arith.muli %scan3A_350, %mul3A_361 : i32
      %swap3A_363 = arith.constant 1 : i32
      %swap3A_364 = arith.index_cast %swap3A_363 : i32 to index
      %swap3A_365 = arith.index_cast %mul3A_362 : i32 to index
      %swap3A_366 = tpu.vector_load %arg4[%swap3A_364, %swap3A_365] {strides = array<i32>} : memref<2x32768xf32, #tpu.memory_space<vmem>>, vector<16xf32>,
      tpu.vector_store %arg4[%swap3A_364, %swap3A_365], %max3A_360 {strides = array<i32>} : memref<2x32768xf32, #tpu.memory_space<vmem>>, vector<16xf32>,
      %scan3A_367 = arith.constant 3 : i32
      %scan3A_368 = arith.addi %scan3A_315, %scan3A_367 : i32
      %mul3A_369 = arith.constant 16 : i32
      %mul3A_370 = arith.muli %scan3A_368, %mul3A_369 : i32
      %get3A_371 = arith.constant 1 : i32
      %get3A_372 = arith.index_cast %get3A_371 : i32 to index
      %get3A_373 = arith.index_cast %mul3A_370 : i32 to index
      %get3A_374 = tpu.vector_load %arg4[%get3A_372, %get3A_373] {strides = array<i32>} : memref<2x32768xf32, #tpu.memory_space<vmem>>, vector<16xf32>,
      %sub3A_375 = arith.subf %get3A_374, %select_n3A_297 : vector<16xf32>
      %max3A_376 = arith.constant 0.000000e+00 : f32
      %max3A_377 = vector.broadcast %max3A_376 : f32 to vector<16xf32>
      %max3A_378 = arith.maximumf %sub3A_375, %max3A_377 : vector<16xf32>
      %mul3A_379 = arith.constant 16 : i32
      %mul3A_380 = arith.muli %scan3A_368, %mul3A_379 : i32
      %swap3A_381 = arith.constant 1 : i32
      %swap3A_382 = arith.index_cast %swap3A_381 : i32 to index
      %swap3A_383 = arith.index_cast %mul3A_380 : i32 to index
      %swap3A_384 = tpu.vector_load %arg4[%swap3A_382, %swap3A_383] {strides = array<i32>} : memref<2x32768xf32, #tpu.memory_space<vmem>>, vector<16xf32>,
      tpu.vector_store %arg4[%swap3A_382, %swap3A_383], %max3A_378 {strides = array<i32>} : memref<2x32768xf32, #tpu.memory_space<vmem>>, vector<16xf32>,
      %scan3A_385 = arith.constant 4 : i32
      %scan3A_386 = arith.addi %scan3A_315, %scan3A_385 : i32
      %mul3A_387 = arith.constant 16 : i32
      %mul3A_388 = arith.muli %scan3A_386, %mul3A_387 : i32
      %get3A_389 = arith.constant 1 : i32
      %get3A_390 = arith.index_cast %get3A_389 : i32 to index
      %get3A_391 = arith.index_cast %mul3A_388 : i32 to index
      %get3A_392 = tpu.vector_load %arg4[%get3A_390, %get3A_391] {strides = array<i32>} : memref<2x32768xf32, #tpu.memory_space<vmem>>, vector<16xf32>,
      %sub3A_393 = arith.subf %get3A_392, %select_n3A_297 : vector<16xf32>
      %max3A_394 = arith.constant 0.000000e+00 : f32
      %max3A_395 = vector.broadcast %max3A_394 : f32 to vector<16xf32>
      %max3A_396 = arith.maximumf %sub3A_393, %max3A_395 : vector<16xf32>
      %mul3A_397 = arith.constant 16 : i32
      %mul3A_398 = arith.muli %scan3A_386, %mul3A_397 : i32
      %swap3A_399 = arith.constant 1 : i32
      %swap3A_400 = arith.index_cast %swap3A_399 : i32 to index
      %swap3A_401 = arith.index_cast %mul3A_398 : i32 to index
      %swap3A_402 = tpu.vector_load %arg4[%swap3A_400, %swap3A_401] {strides = array<i32>} : memref<2x32768xf32, #tpu.memory_space<vmem>>, vector<16xf32>,
      tpu.vector_store %arg4[%swap3A_400, %swap3A_401], %max3A_396 {strides = array<i32>} : memref<2x32768xf32, #tpu.memory_space<vmem>>, vector<16xf32>,
      %scan3A_403 = arith.constant 5 : i32
      %scan3A_404 = arith.addi %scan3A_315, %scan3A_403 : i32
      %mul3A_405 = arith.constant 16 : i32
      %mul3A_406 = arith.muli %scan3A_404, %mul3A_405 : i32
      %get3A_407 = arith.constant 1 : i32
      %get3A_408 = arith.index_cast %get3A_407 : i32 to index
      %get3A_409 = arith.index_cast %mul3A_406 : i32 to index
      %get3A_410 = tpu.vector_load %arg4[%get3A_408, %get3A_409] {strides = array<i32>} : memref<2x32768xf32, #tpu.memory_space<vmem>>, vector<16xf32>,
      %sub3A_411 = arith.subf %get3A_410, %select_n3A_297 : vector<16xf32>
      %max3A_412 = arith.constant 0.000000e+00 : f32
      %max3A_413 = vector.broadcast %max3A_412 : f32 to vector<16xf32>
      %max3A_414 = arith.maximumf %sub3A_411, %max3A_413 : vector<16xf32>
      %mul3A_415 = arith.constant 16 : i32
      %mul3A_416 = arith.muli %scan3A_404, %mul3A_415 : i32
      %swap3A_417 = arith.constant 1 : i32
      %swap3A_418 = arith.index_cast %swap3A_417 : i32 to index
      %swap3A_419 = arith.index_cast %mul3A_416 : i32 to index
      %swap3A_420 = tpu.vector_load %arg4[%swap3A_418, %swap3A_419] {strides = array<i32>} : memref<2x32768xf32, #tpu.memory_space<vmem>>, vector<16xf32>,
      tpu.vector_store %arg4[%swap3A_418, %swap3A_419], %max3A_414 {strides = array<i32>} : memref<2x32768xf32, #tpu.memory_space<vmem>>, vector<16xf32>,
      %scan3A_421 = arith.constant 6 : i32
      %scan3A_422 = arith.addi %scan3A_315, %scan3A_421 : i32
      %mul3A_423 = arith.constant 16 : i32
      %mul3A_424 = arith.muli %scan3A_422, %mul3A_423 : i32
      %get3A_425 = arith.constant 1 : i32
      %get3A_426 = arith.index_cast %get3A_425 : i32 to index
      %get3A_427 = arith.index_cast %mul3A_424 : i32 to index
      %get3A_428 = tpu.vector_load %arg4[%get3A_426, %get3A_427] {strides = array<i32>} : memref<2x32768xf32, #tpu.memory_space<vmem>>, vector<16xf32>,
      %sub3A_429 = arith.subf %get3A_428, %select_n3A_297 : vector<16xf32>
      %max3A_430 = arith.constant 0.000000e+00 : f32
      %max3A_431 = vector.broadcast %max3A_430 : f32 to vector<16xf32>
      %max3A_432 = arith.maximumf %sub3A_429, %max3A_431 : vector<16xf32>
      %mul3A_433 = arith.constant 16 : i32
      %mul3A_434 = arith.muli %scan3A_422, %mul3A_433 : i32
      %swap3A_435 = arith.constant 1 : i32
      %swap3A_436 = arith.index_cast %swap3A_435 : i32 to index
      %swap3A_437 = arith.index_cast %mul3A_434 : i32 to index
      %swap3A_438 = tpu.vector_load %arg4[%swap3A_436, %swap3A_437] {strides = array<i32>} : memref<2x32768xf32, #tpu.memory_space<vmem>>, vector<16xf32>,
      tpu.vector_store %arg4[%swap3A_436, %swap3A_437], %max3A_432 {strides = array<i32>} : memref<2x32768xf32, #tpu.memory_space<vmem>>, vector<16xf32>,
      %scan3A_439 = arith.constant 7 : i32
      %scan3A_440 = arith.addi %scan3A_315, %scan3A_439 : i32
      %mul3A_441 = arith.constant 16 : i32
      %mul3A_442 = arith.muli %scan3A_440, %mul3A_441 : i32
      %get3A_443 = arith.constant 1 : i32
      %get3A_444 = arith.index_cast %get3A_443 : i32 to index
      %get3A_445 = arith.index_cast %mul3A_442 : i32 to index
      %get3A_446 = tpu.vector_load %arg4[%get3A_444, %get3A_445] {strides = array<i32>} : memref<2x32768xf32, #tpu.memory_space<vmem>>, vector<16xf32>,
      %sub3A_447 = arith.subf %get3A_446, %select_n3A_297 : vector<16xf32>
      %max3A_448 = arith.constant 0.000000e+00 : f32
      %max3A_449 = vector.broadcast %max3A_448 : f32 to vector<16xf32>
      %max3A_450 = arith.maximumf %sub3A_447, %max3A_449 : vector<16xf32>
      %mul3A_451 = arith.constant 16 : i32
      %mul3A_452 = arith.muli %scan3A_440, %mul3A_451 : i32
      %swap3A_453 = arith.constant 1 : i32
      %swap3A_454 = arith.index_cast %swap3A_453 : i32 to index
      %swap3A_455 = arith.index_cast %mul3A_452 : i32 to index
      %swap3A_456 = tpu.vector_load %arg4[%swap3A_454, %swap3A_455] {strides = array<i32>} : memref<2x32768xf32, #tpu.memory_space<vmem>>, vector<16xf32>,
      tpu.vector_store %arg4[%swap3A_454, %swap3A_455], %max3A_450 {strides = array<i32>} : memref<2x32768xf32, #tpu.memory_space<vmem>>, vector<16xf32>,
      %scan3A_457 = arith.constant 8 : i32
      %scan3A_458 = arith.addi %scan3A_315, %scan3A_457 : i32
      %mul3A_459 = arith.constant 16 : i32
      %mul3A_460 = arith.muli %scan3A_458, %mul3A_459 : i32
      %get3A_461 = arith.constant 1 : i32
      %get3A_462 = arith.index_cast %get3A_461 : i32 to index
      %get3A_463 = arith.index_cast %mul3A_460 : i32 to index
      %get3A_464 = tpu.vector_load %arg4[%get3A_462, %get3A_463] {strides = array<i32>} : memref<2x32768xf32, #tpu.memory_space<vmem>>, vector<16xf32>,
      %sub3A_465 = arith.subf %get3A_464, %select_n3A_297 : vector<16xf32>
      %max3A_466 = arith.constant 0.000000e+00 : f32
      %max3A_467 = vector.broadcast %max3A_466 : f32 to vector<16xf32>
      %max3A_468 = arith.maximumf %sub3A_465, %max3A_467 : vector<16xf32>
      %mul3A_469 = arith.constant 16 : i32
      %mul3A_470 = arith.muli %scan3A_458, %mul3A_469 : i32
      %swap3A_471 = arith.constant 1 : i32
      %swap3A_472 = arith.index_cast %swap3A_471 : i32 to index
      %swap3A_473 = arith.index_cast %mul3A_470 : i32 to index
      %swap3A_474 = tpu.vector_load %arg4[%swap3A_472, %swap3A_473] {strides = array<i32>} : memref<2x32768xf32, #tpu.memory_space<vmem>>, vector<16xf32>,
      tpu.vector_store %arg4[%swap3A_472, %swap3A_473], %max3A_468 {strides = array<i32>} : memref<2x32768xf32, #tpu.memory_space<vmem>>, vector<16xf32>,
      %scan3A_475 = arith.constant 9 : i32
      %scan3A_476 = arith.addi %scan3A_315, %scan3A_475 : i32
      %mul3A_477 = arith.constant 16 : i32
      %mul3A_478 = arith.muli %scan3A_476, %mul3A_477 : i32
      %get3A_479 = arith.constant 1 : i32
      %get3A_480 = arith.index_cast %get3A_479 : i32 to index
      %get3A_481 = arith.index_cast %mul3A_478 : i32 to index
      %get3A_482 = tpu.vector_load %arg4[%get3A_480, %get3A_481] {strides = array<i32>} : memref<2x32768xf32, #tpu.memory_space<vmem>>, vector<16xf32>,
      %sub3A_483 = arith.subf %get3A_482, %select_n3A_297 : vector<16xf32>
      %max3A_484 = arith.constant 0.000000e+00 : f32
      %max3A_485 = vector.broadcast %max3A_484 : f32 to vector<16xf32>
      %max3A_486 = arith.maximumf %sub3A_483, %max3A_485 : vector<16xf32>
      %mul3A_487 = arith.constant 16 : i32
      %mul3A_488 = arith.muli %scan3A_476, %mul3A_487 : i32
      %swap3A_489 = arith.constant 1 : i32
      %swap3A_490 = arith.index_cast %swap3A_489 : i32 to index
      %swap3A_491 = arith.index_cast %mul3A_488 : i32 to index
      %swap3A_492 = tpu.vector_load %arg4[%swap3A_490, %swap3A_491] {strides = array<i32>} : memref<2x32768xf32, #tpu.memory_space<vmem>>, vector<16xf32>,
      tpu.vector_store %arg4[%swap3A_490, %swap3A_491], %max3A_486 {strides = array<i32>} : memref<2x32768xf32, #tpu.memory_space<vmem>>, vector<16xf32>,
      %scan3A_493 = arith.constant 10 : i32
      %scan3A_494 = arith.addi %scan3A_315, %scan3A_493 : i32
      %mul3A_495 = arith.constant 16 : i32
      %mul3A_496 = arith.muli %scan3A_494, %mul3A_495 : i32
      %get3A_497 = arith.constant 1 : i32
      %get3A_498 = arith.index_cast %get3A_497 : i32 to index
      %get3A_499 = arith.index_cast %mul3A_496 : i32 to index
      %get3A_500 = tpu.vector_load %arg4[%get3A_498, %get3A_499] {strides = array<i32>} : memref<2x32768xf32, #tpu.memory_space<vmem>>, vector<16xf32>,
      %sub3A_501 = arith.subf %get3A_500, %select_n3A_297 : vector<16xf32>
      %max3A_502 = arith.constant 0.000000e+00 : f32
      %max3A_503 = vector.broadcast %max3A_502 : f32 to vector<16xf32>
      %max3A_504 = arith.maximumf %sub3A_501, %max3A_503 : vector<16xf32>
      %mul3A_505 = arith.constant 16 : i32
      %mul3A_506 = arith.muli %scan3A_494, %mul3A_505 : i32
      %swap3A_507 = arith.constant 1 : i32
      %swap3A_508 = arith.index_cast %swap3A_507 : i32 to index
      %swap3A_509 = arith.index_cast %mul3A_506 : i32 to index
      %swap3A_510 = tpu.vector_load %arg4[%swap3A_508, %swap3A_509] {strides = array<i32>} : memref<2x32768xf32, #tpu.memory_space<vmem>>, vector<16xf32>,
      tpu.vector_store %arg4[%swap3A_508, %swap3A_509], %max3A_504 {strides = array<i32>} : memref<2x32768xf32, #tpu.memory_space<vmem>>, vector<16xf32>,
      %scan3A_511 = arith.constant 11 : i32
      %scan3A_512 = arith.addi %scan3A_315, %scan3A_511 : i32
      %mul3A_513 = arith.constant 16 : i32
      %mul3A_514 = arith.muli %scan3A_512, %mul3A_513 : i32
      %get3A_515 = arith.constant 1 : i32
      %get3A_516 = arith.index_cast %get3A_515 : i32 to index
      %get3A_517 = arith.index_cast %mul3A_514 : i32 to index
      %get3A_518 = tpu.vector_load %arg4[%get3A_516, %get3A_517] {strides = array<i32>} : memref<2x32768xf32, #tpu.memory_space<vmem>>, vector<16xf32>,
      %sub3A_519 = arith.subf %get3A_518, %select_n3A_297 : vector<16xf32>
      %max3A_520 = arith.constant 0.000000e+00 : f32
      %max3A_521 = vector.broadcast %max3A_520 : f32 to vector<16xf32>
      %max3A_522 = arith.maximumf %sub3A_519, %max3A_521 : vector<16xf32>
      %mul3A_523 = arith.constant 16 : i32
      %mul3A_524 = arith.muli %scan3A_512, %mul3A_523 : i32
      %swap3A_525 = arith.constant 1 : i32
      %swap3A_526 = arith.index_cast %swap3A_525 : i32 to index
      %swap3A_527 = arith.index_cast %mul3A_524 : i32 to index
      %swap3A_528 = tpu.vector_load %arg4[%swap3A_526, %swap3A_527] {strides = array<i32>} : memref<2x32768xf32, #tpu.memory_space<vmem>>, vector<16xf32>,
      tpu.vector_store %arg4[%swap3A_526, %swap3A_527], %max3A_522 {strides = array<i32>} : memref<2x32768xf32, #tpu.memory_space<vmem>>, vector<16xf32>,
      %scan3A_529 = arith.constant 12 : i32
      %scan3A_530 = arith.addi %scan3A_315, %scan3A_529 : i32
      %mul3A_531 = arith.constant 16 : i32
      %mul3A_532 = arith.muli %scan3A_530, %mul3A_531 : i32
      %get3A_533 = arith.constant 1 : i32
      %get3A_534 = arith.index_cast %get3A_533 : i32 to index
      %get3A_535 = arith.index_cast %mul3A_532 : i32 to index
      %get3A_536 = tpu.vector_load %arg4[%get3A_534, %get3A_535] {strides = array<i32>} : memref<2x32768xf32, #tpu.memory_space<vmem>>, vector<16xf32>,
      %sub3A_537 = arith.subf %get3A_536, %select_n3A_297 : vector<16xf32>
      %max3A_538 = arith.constant 0.000000e+00 : f32
      %max3A_539 = vector.broadcast %max3A_538 : f32 to vector<16xf32>
      %max3A_540 = arith.maximumf %sub3A_537, %max3A_539 : vector<16xf32>
      %mul3A_541 = arith.constant 16 : i32
      %mul3A_542 = arith.muli %scan3A_530, %mul3A_541 : i32
      %swap3A_543 = arith.constant 1 : i32
      %swap3A_544 = arith.index_cast %swap3A_543 : i32 to index
      %swap3A_545 = arith.index_cast %mul3A_542 : i32 to index
      %swap3A_546 = tpu.vector_load %arg4[%swap3A_544, %swap3A_545] {strides = array<i32>} : memref<2x32768xf32, #tpu.memory_space<vmem>>, vector<16xf32>,
      tpu.vector_store %arg4[%swap3A_544, %swap3A_545], %max3A_540 {strides = array<i32>} : memref<2x32768xf32, #tpu.memory_space<vmem>>, vector<16xf32>,
      %scan3A_547 = arith.constant 13 : i32
      %scan3A_548 = arith.addi %scan3A_315, %scan3A_547 : i32
      %mul3A_549 = arith.constant 16 : i32
      %mul3A_550 = arith.muli %scan3A_548, %mul3A_549 : i32
      %get3A_551 = arith.constant 1 : i32
      %get3A_552 = arith.index_cast %get3A_551 : i32 to index
      %get3A_553 = arith.index_cast %mul3A_550 : i32 to index
      %get3A_554 = tpu.vector_load %arg4[%get3A_552, %get3A_553] {strides = array<i32>} : memref<2x32768xf32, #tpu.memory_space<vmem>>, vector<16xf32>,
      %sub3A_555 = arith.subf %get3A_554, %select_n3A_297 : vector<16xf32>
      %max3A_556 = arith.constant 0.000000e+00 : f32
      %max3A_557 = vector.broadcast %max3A_556 : f32 to vector<16xf32>
      %max3A_558 = arith.maximumf %sub3A_555, %max3A_557 : vector<16xf32>
      %mul3A_559 = arith.constant 16 : i32
      %mul3A_560 = arith.muli %scan3A_548, %mul3A_559 : i32
      %swap3A_561 = arith.constant 1 : i32
      %swap3A_562 = arith.index_cast %swap3A_561 : i32 to index
      %swap3A_563 = arith.index_cast %mul3A_560 : i32 to index
      %swap3A_564 = tpu.vector_load %arg4[%swap3A_562, %swap3A_563] {strides = array<i32>} : memref<2x32768xf32, #tpu.memory_space<vmem>>, vector<16xf32>,
      tpu.vector_store %arg4[%swap3A_562, %swap3A_563], %max3A_558 {strides = array<i32>} : memref<2x32768xf32, #tpu.memory_space<vmem>>, vector<16xf32>,
      %scan3A_565 = arith.constant 14 : i32
      %scan3A_566 = arith.addi %scan3A_315, %scan3A_565 : i32
      %mul3A_567 = arith.constant 16 : i32
      %mul3A_568 = arith.muli %scan3A_566, %mul3A_567 : i32
      %get3A_569 = arith.constant 1 : i32
      %get3A_570 = arith.index_cast %get3A_569 : i32 to index
      %get3A_571 = arith.index_cast %mul3A_568 : i32 to index
      %get3A_572 = tpu.vector_load %arg4[%get3A_570, %get3A_571] {strides = array<i32>} : memref<2x32768xf32, #tpu.memory_space<vmem>>, vector<16xf32>,
      %sub3A_573 = arith.subf %get3A_572, %select_n3A_297 : vector<16xf32>
      %max3A_574 = arith.constant 0.000000e+00 : f32
      %max3A_575 = vector.broadcast %max3A_574 : f32 to vector<16xf32>
      %max3A_576 = arith.maximumf %sub3A_573, %max3A_575 : vector<16xf32>
      %mul3A_577 = arith.constant 16 : i32
      %mul3A_578 = arith.muli %scan3A_566, %mul3A_577 : i32
      %swap3A_579 = arith.constant 1 : i32
      %swap3A_580 = arith.index_cast %swap3A_579 : i32 to index
      %swap3A_581 = arith.index_cast %mul3A_578 : i32 to index
      %swap3A_582 = tpu.vector_load %arg4[%swap3A_580, %swap3A_581] {strides = array<i32>} : memref<2x32768xf32, #tpu.memory_space<vmem>>, vector<16xf32>,
      tpu.vector_store %arg4[%swap3A_580, %swap3A_581], %max3A_576 {strides = array<i32>} : memref<2x32768xf32, #tpu.memory_space<vmem>>, vector<16xf32>,
      %scan3A_583 = arith.constant 15 : i32
      %scan3A_584 = arith.addi %scan3A_315, %scan3A_583 : i32
      %mul3A_585 = arith.constant 16 : i32
      %mul3A_586 = arith.muli %scan3A_584, %mul3A_585 : i32
      %get3A_587 = arith.constant 1 : i32
      %get3A_588 = arith.index_cast %get3A_587 : i32 to index
      %get3A_589 = arith.index_cast %mul3A_586 : i32 to index
      %get3A_590 = tpu.vector_load %arg4[%get3A_588, %get3A_589] {strides = array<i32>} : memref<2x32768xf32, #tpu.memory_space<vmem>>, vector<16xf32>,
      %sub3A_591 = arith.subf %get3A_590, %select_n3A_297 : vector<16xf32>
      %max3A_592 = arith.constant 0.000000e+00 : f32
      %max3A_593 = vector.broadcast %max3A_592 : f32 to vector<16xf32>
      %max3A_594 = arith.maximumf %sub3A_591, %max3A_593 : vector<16xf32>
      %mul3A_595 = arith.constant 16 : i32
      %mul3A_596 = arith.muli %scan3A_584, %mul3A_595 : i32
      %swap3A_597 = arith.constant 1 : i32
      %swap3A_598 = arith.index_cast %swap3A_597 : i32 to index
      %swap3A_599 = arith.index_cast %mul3A_596 : i32 to index
      %swap3A_600 = tpu.vector_load %arg4[%swap3A_598, %swap3A_599] {strides = array<i32>} : memref<2x32768xf32, #tpu.memory_space<vmem>>, vector<16xf32>,
      tpu.vector_store %arg4[%swap3A_598, %swap3A_599], %max3A_594 {strides = array<i32>} : memref<2x32768xf32, #tpu.memory_space<vmem>>, vector<16xf32>,
    }
    %scan3A_302 = arith.constant 2048 : i32
    %add3A_303 = arith.constant 1 : i32
    %add3A_304 = arith.addi %mul3A_2, %add3A_303 : i32
    "tpu.region"() ({
      %run_scoped3A = tpu.sem_alloc : memref<!tpu.dma_semaphore, #tpu.memory_space<semaphore_mem>>
      %dma_start3A_315 = arith.constant 1 : i32
      %dma_start3A_316 = arith.constant 0 : i32
      %dma_start3A_317 = tpu.memref_slice %arg4[%dma_start3A_315, %dma_start3A_316] : memref<2x32768xf32, #tpu.memory_space<vmem>> -> memref<1x32768xf32, #tpu.memory_space<vmem>>
      %dma_start3A_318 = arith.constant 0 : i32
      %dma_start3A_319 = tpu.memref_slice %arg3[%add3A_304, %dma_start3A_318] : memref<64x32768xf32, #tpu.memory_space<hbm>> -> memref<1x32768xf32, #tpu.memory_space<hbm>>
      %dma_start3A_320 = arith.constant 0 : i32
      %dma_start3A_321 = tpu.memref_slice %arg3[%add3A_304, %dma_start3A_320] : memref<64x32768xf32, #tpu.memory_space<hbm>> -> memref<1x32768xf32, #tpu.memory_space<hbm>>
      %dma_start3A_322 = arith.constant 1 : i32
      %dma_start3A_323 = arith.constant 0 : i32
      %dma_start3A_324 = tpu.memref_slice %arg4[%dma_start3A_322, %dma_start3A_323] : memref<2x32768xf32, #tpu.memory_space<vmem>> -> memref<1x32768xf32, #tpu.memory_space<vmem>>
      tpu.enqueue_dma source(%dma_start3A_324 : memref<1x32768xf32, #tpu.memory_space<vmem>>) target(%dma_start3A_321 : memref<1x32768xf32, #tpu.memory_space<hbm>>) target_semaphore(%run_scoped3A : memref<!tpu.dma_semaphore, #tpu.memory_space<semaphore_mem>>)
      %dma_wait3A_325 = arith.constant 1 : i32
      %dma_wait3A_326 = arith.constant 0 : i32
      %dma_wait3A_327 = tpu.memref_slice %arg4[%dma_wait3A_325, %dma_wait3A_326] : memref<2x32768xf32, #tpu.memory_space<vmem>> -> memref<1x32768xf32, #tpu.memory_space<vmem>>
      %dma_wait3A_328 = arith.constant 0 : i32
      %dma_wait3A_329 = tpu.memref_slice %arg3[%add3A_304, %dma_wait3A_328] : memref<64x32768xf32, #tpu.memory_space<hbm>> -> memref<1x32768xf32, #tpu.memory_space<hbm>>
      %dma_wait3A_330 = arith.constant 0 : i32
      %dma_wait3A_331 = tpu.memref_slice %arg3[%add3A_304, %dma_wait3A_330] : memref<64x32768xf32, #tpu.memory_space<hbm>> -> memref<1x32768xf32, #tpu.memory_space<hbm>>
      %dma_wait3A_332 = arith.constant 1 : i32
      %dma_wait3A_333 = arith.constant 0 : i32
      %dma_wait3A_334 = tpu.memref_slice %arg4[%dma_wait3A_332, %dma_wait3A_333] : memref<2x32768xf32, #tpu.memory_space<vmem>> -> memref<1x32768xf32, #tpu.memory_space<vmem>>
      tpu.wait_dma2 semaphore(%run_scoped3A : memref<!tpu.dma_semaphore, #tpu.memory_space<semaphore_mem>>) src(%dma_wait3A_334 : memref<1x32768xf32, #tpu.memory_space<vmem>>) dst(%dma_wait3A_331 : memref<1x32768xf32, #tpu.memory_space<hbm>>)
      tpu.yield
    }) : () -> ()
    %dma_wait3A_305 = arith.constant 0 : i32
    %dma_wait3A_306 = arith.constant 0 : i32
    %dma_wait3A_307 = tpu.memref_slice %arg4[%dma_wait3A_305, %dma_wait3A_306] : memref<2x32768xf32, #tpu.memory_space<vmem>> -> memref<1x32768xf32, #tpu.memory_space<vmem>>
    %dma_wait3A_308 = arith.constant 0 : i32
    %dma_wait3A_309 = tpu.memref_slice %arg3[%mul3A_2, %dma_wait3A_308] : memref<64x32768xf32, #tpu.memory_space<hbm>> -> memref<1x32768xf32, #tpu.memory_space<hbm>>
    %dma_wait3A_310 = arith.constant 0 : i32
    %dma_wait3A_311 = tpu.memref_slice %arg3[%mul3A_2, %dma_wait3A_310] : memref<64x32768xf32, #tpu.memory_space<hbm>> -> memref<1x32768xf32, #tpu.memory_space<hbm>>
    %dma_wait3A_312 = arith.constant 0 : i32
    %dma_wait3A_313 = arith.constant 0 : i32
    %dma_wait3A_314 = tpu.memref_slice %arg4[%dma_wait3A_312, %dma_wait3A_313] : memref<2x32768xf32, #tpu.memory_space<vmem>> -> memref<1x32768xf32, #tpu.memory_space<vmem>>
    tpu.wait_dma2 semaphore(%arg10 : memref<!tpu.dma_semaphore, #tpu.memory_space<semaphore_mem>>) src(%dma_wait3A_314 : memref<1x32768xf32, #tpu.memory_space<vmem>>) dst(%dma_wait3A_311 : memref<1x32768xf32, #tpu.memory_space<hbm>>)
    return
  }
}

</mosaic_0001>

<sc_bundles>
// kernel: kernel.3.cloned.1.call-start
scs
__scs_entry_jumppad:
0x0: {  	(pc) =	sbr.rel $0x88, $3  }
0x1: {  	(tag) =	ssettag $0x0;
	lr =	simm.s32 $0x1  }
0x2: {  	[smem:$0x3FA0] =	sst lr;
	_ =	strace $0xD0000000  }
0x3: {  	_ = 	snop  }
0x4: {  	_ = 	snop  }
0x5: {  	_ = 	snop  }
0x6: {  	_ = 	snop  }
0x7: {  	_ = 	snop  }
__scs_overlays_trampoline_lowered:
0x8: {  	[smem:$0x3FAF] =	sst s0  }
0x9: {  	[smem:$0x3FB0] =	sst s1  }
0xa: {  	[smem:$0x3FB1] =	sst s2  }
0xb: {  	[smem:$0x3FB2] =	sst s3  }
0xc: {  	[smem:$0x3FB3] =	sst s4  }
0xd: {  	[smem:$0x3FB4] =	sst s5  }
0xe: {  	[smem:$0x3FB5] =	sst s6  }
0xf: {  	[smem:$0x3FB6] =	sst s7  }
0x10: {  	[smem:$0x3FB7] =	sst s8  }
0x11: {  	[smem:$0x3FB8] =	sst s9;
	s0 =	simm.s32 @!p0 $0x0  }
0x12: {  	s1 =	sld [smem:$0x3F9E];
	s0 =	simm.s32 @p0 $0x1  }
0x13: {  	[smem:$0x3FB9] =	sst s0;
	s0 =	simm.s32 @!p1 $0x0  }
0x14: {  	s2 =	sld [smem:$0x3F9D];
	s0 =	simm.s32 @p1 $0x1  }
0x15: {  	[smem:$0x3FBA] =	sst s0;
	s0 =	simm.s32 @!p2 $0x0  }
0x16: {  	s3 =	sld [smem:$0x3FDB];
	s0 =	simm.s32 @p2 $0x1  }
0x17: {  	s4 =	simm.s32 $0x1BF5;
	[smem:$0x3FBC] =	sst s0  }
0x18: {  	s0 =	sld [smem:$0x3F9F];
	_ =	swait.ge [sflag:s4], $0x0  }
0x19: {  	s7 =	sld [smem:$0x3FA0]  }
0x1a: {  	s8 =	sadd.s32 $0xFFFFE003, lr  }
0x1b: {  	s9 =	sadd.s32 $0xFFFFFEF7, lr;
	s5 =	simm.s32 $0xFFFFFFFF;
	p2 =	slt.u32 s8, $0xFFFFF086  }
0x1c: {  	p1 =	slt.u32 s9, $0xF7A;
	s5 =	simm.s32 @!p2 $0x0  }
0x1d: {  	s5 =	simm.s32 @p1 $0x1;
	p0 =	seq.s32 s7, s2  }
0x1e: {  	s7 =	smul.u32 @!p0 $0xF7A, s2;
	p2 =	seq.s32 @!p0 s5, $0x0  }
0x1f: {  	s9 =	smul.u32 $0xF7A, s1;
	s8 =	simm.s32 @!p0 $0x1BF5;
	p2 =	por !p2, p0  }
0x20: {  	[sflag:s8] =	ssyncset.s32 @!p0 $0xFFFFF086;
	s6 =	sadd.s32 @!p0 s3, s7;
	s7 =	simm.s32 @!p0 $0x108  }
0x21: {  	s3 =	sadd.s32 s3, s9;
	s6 =	sadd.s32 @!p0 $0x88, s6;
	s7 =	simm.s32 @p2 $0x1082  }
0x22: {  	[simem:s7], [sflag:s8] =	dma.local @!p0 [hbm:s6], $0xF7A  }
0x23: {  	s9 =	sor.u32 $0xD0000000, s2;
	s6 =	simm.s32 $0x108;
	_ =	swait.ge @!p0 [sflag:s8], $0x0  }
0x24: {  	s3 =	sadd.s32 $0x88, s3;
	s6 =	simm.s32 @!p1 $0x1082;
	[sflag:s4] =	ssyncset.s32 $0xFFFFF086  }
0x25: {  	[simem:s6], [sflag:s4] =	dma.local [hbm:s3], $0xF7A  }
0x26: {  	[smem:$0x3FA0] =	sst s1;
	(tag) =	ssettag s2;
	_ =	strace s9  }
0x27: {  	s1 =	sld [smem:$0x3FB0]  }
0x28: {  	s2 =	sld [smem:$0x3FB1]  }
0x29: {  	s4 =	sld [smem:$0x3FB3]  }
0x2a: {  	p0 =	seq.s32 s5, $0x0;
	s5 =	sld [smem:$0x3FB4]  }
0x2b: {  	s6 =	sld [smem:$0x3FB5]  }
0x2c: {  	s7 =	sld [smem:$0x3FB6]  }
0x2d: {  	s3 =	simm.s32 $0x108;
	s8 =	sld [smem:$0x3FB7]  }
0x2e: {  	s3 =	simm.s32 @!p0 $0x1082;
	s9 =	sld [smem:$0x3FB8]  }
0x2f: {  	lr =	sadd.s32 s0, s3;
	s0 =	sld [smem:$0x3FAF]  }
0x30: {  	s3 =	sld [smem:$0x3FB2]  }
0x31: {  	[smem:$0x3FBB] =	sst s10  }
0x32: {  	s10 =	sld [smem:$0x3FB9];
	_ =	sdelay $0x3  }
0x33: {  	p0 =	seq.s32 s10, $0x1;
	s10 =	sld [smem:$0x3FBB];
	_ =	sdelay $0x3  }
0x34: {  	[smem:$0x3FBB] =	sst s10  }
0x35: {  	s10 =	sld [smem:$0x3FBA];
	_ =	sdelay $0x3  }
0x36: {  	p1 =	seq.s32 s10, $0x1;
	s10 =	sld [smem:$0x3FBB];
	_ =	sdelay $0x3  }
0x37: {  	[smem:$0x3FBB] =	sst s10  }
0x38: {  	s10 =	sld [smem:$0x3FBC]  }
0x39: {  	_ = 	snop;
	(pc) =	sbr.ind lr, $3  }
0x3a: {  	_ = 	snop  }
0x3b: {  	_ = 	snop  }
0x3c: {  	p2 =	seq.s32 s10, $0x1;
	s10 =	sld [smem:$0x3FBB]  }
0x3d: {  	_ =	shalt  }
0x3e: {  	_ =	shalt  }
0x3f: {  	_ =	shalt  }
0x40: {  	_ =	shalt  }
0x41: {  	_ =	shalt  }
0x42: {  	_ =	shalt  }
0x43: {  	_ =	shalt  }
0x44: {  	_ =	shalt  }
0x45: {  	_ =	shalt  }
0x46: {  	_ =	shalt  }
0x47: {  	_ =	shalt  }
0x48: {  	_ =	shalt  }
0x49: {  	_ =	shalt  }
0x4a: {  	_ =	shalt  }
0x4b: {  	_ =	shalt  }
0x4c: {  	_ =	shalt  }
0x4d: {  	_ =	shalt  }
0x4e: {  	_ =	shalt  }
0x4f: {  	_ =	shalt  }
0x50: {  	_ =	shalt  }
0x51: {  	_ =	shalt  }
0x52: {  	_ =	shalt  }
0x53: {  	_ =	shalt  }
0x54: {  	_ =	shalt  }
0x55: {  	_ =	shalt  }
0x56: {  	_ =	shalt  }
0x57: {  	_ =	shalt  }
0x58: {  	_ =	shalt  }
0x59: {  	_ =	shalt  }
0x5a: {  	_ =	shalt  }
0x5b: {  	_ =	shalt  }
0x5c: {  	_ =	shalt  }
0x5d: {  	_ =	shalt  }
0x5e: {  	_ =	shalt  }
0x5f: {  	_ =	shalt  }
0x60: {  	_ =	shalt  }
0x61: {  	_ =	shalt  }
0x62: {  	_ =	shalt  }
0x63: {  	_ =	shalt  }
0x64: {  	_ =	shalt  }
0x65: {  	_ =	shalt  }
0x66: {  	_ =	shalt  }
0x67: {  	_ =	shalt  }
0x68: {  	_ =	shalt  }
0x69: {  	_ =	shalt  }
0x6a: {  	_ =	shalt  }
0x6b: {  	_ =	shalt  }
0x6c: {  	_ =	shalt  }
0x6d: {  	_ =	shalt  }
0x6e: {  	_ =	shalt  }
0x6f: {  	_ =	shalt  }
0x70: {  	_ =	shalt  }
0x71: {  	_ =	shalt  }
0x72: {  	_ =	shalt  }
0x73: {  	_ =	shalt  }
0x74: {  	_ =	shalt  }
0x75: {  	_ =	shalt  }
0x76: {  	_ =	shalt  }
0x77: {  	_ =	shalt  }
0x78: {  	_ =	shalt  }
0x79: {  	_ =	shalt  }
0x7a: {  	_ =	shalt  }
0x7b: {  	_ =	shalt  }
0x7c: {  	_ =	shalt  }
0x7d: {  	_ =	shalt  }
0x7e: {  	_ =	shalt  }
0x7f: {  	_ =	shalt  }
0x80: {  	_ =	shalt  }
0x81: {  	_ =	shalt  }
0x82: {  	_ =	shalt  }
0x83: {  	_ =	shalt  }
0x84: {  	_ =	shalt  }
0x85: {  	_ =	shalt  }
0x86: {  	_ =	shalt  }
0x87: {  	_ =	shalt  }
.Lfunc_end0:
.L_simem_size_0:
called_computation_lowered:
.L_overlay_start_0:
0x88: {  	s2 =	sld [smem:$0x3FD9]  }
0x89: {  	s3 =	sld [smem:$0x3FFE];
	_ =	sdelay $0x1  }
0x8a: {  	s1 =	srdreg.scid  }
0x8b: {  	s0 =	sand.u32 $0x1, s1  }
0x8c: {  	s18 =	sshll.u32 s0, $0xA;
	s2 =	sadd.s32 s3, s2  }
0x8d: {  	s2 =	sadd.s32 s2, s18  }
0x8e: {  	[smem:$0x3FC7] =	sst s2  }
0x8f: {  	_ = 	snop  }
0x90: {  	s2 =	sld [smem:$0x3FC9]  }
0x91: {  	s19 =	sld [smem:$0x3FD0];
	(tm) =	ssettm $0x1  }
0x92: {  	s4 =	sld [smem:$0x3FFB];
	_ =	sdelay $0x3  }
0x93: {  	_ =	strace s4  }
0x94: {  	s4 =	sld [smem:$0x3FFC];
	_ =	sdelay $0x3  }
0x95: {  	_ =	strace s4  }
0x96: {  	s4 =	sld [smem:$0x3FFD];
	_ =	sdelay $0x3  }
0x97: {  	_ =	strace s4  }
0x98: {  	_ =	strace $0x8FFFFFFF  }
0x99: {  	s20 =	sld [smem:$0x3FDB];
	_ =	sdelay $0x1  }
0x9a: {  	s5 =	simm.s32 $_scs_section_size  }
0x9b: {  	s6 =	simm.s32 $_size__tile_overlayer_lowered;
	s7 =	simm.s32 $_tile_overlayer_lowered  }
0x9c: {  	s23 =	simm.s32 $0x1BFF;
	s22 =	sshll.u32 s7, $0x1;
	s4 =	sadd.s32 s5, s20  }
0x9d: {  	s8 =	simm.s32 $0x0;
	s21 =	sshll.u32 s6, $0x1;
	s6 =	sadd.s32 s22, s4  }
0x9e: {  	[timem:s8], [sflag:s23] =	dma.local [hbm:s6], s21  }
0x9f: {  	_ =	swait.ge [sflag:s23], s21  }
0xa0: {  	s5 =	ssub.s32 $0x0, s21;
	[sflag:s23] =	ssyncset.done $0x0  }
0xa1: {  	[sflag:s23] =	ssyncadd.s32 s5;
	_ =	sdelay $0x1  }
0xa2: {  	s24 =	simm.s32 $0x1B8B  }
0xa3: {  	_ =	swait.ge [sflag:s24], $0x1  }
0xa4: {  	[sflag:s24] =	ssyncset.done $0x0  }
0xa5: {  	s25 =	simm.s32 $0x1B8E;
	[sflag:s24] =	ssyncadd.s32 $0xFFFFFFFF  }
0xa6: {  	s26 =	simm.s32 $execute0_lowered;
	[smem:$0x3FD2] =	sst s25  }
0xa7: {  	s5 =	sshll.u32 s26, $0x1;
	_ =	strace $0x80000046;
	[dreg:$0x1] =	wrdreg $0xFFFFFFFF  }
0xa8: {  	s28 =	simm.s32 $_size_execute0_lowered;
	s4 =	sadd.s32 s4, s5;
	[dreg:$0x0] =	wrdreg $0x0  }
0xa9: {  	s5 =	sshll.u32 s28, $0x1;
	[dreg:$0x2] =	wrdreg s4  }
0xaa: {  	[dreg:$0x3] =	wrdreg s5  }
0xab: {  	[dreg:$0x4] =	wrdreg $0xC0  }
0xac: {  	_ =	task [dreg:s8], $0x5FFFF  }
0xad: {  	[dreg:$0x1] =	wrdreg $0xFFFFFFFF  }
0xae: {  	[dreg:$0x0] =	wrdreg $0x60  }
0xaf: {  	[dreg:$0x2] =	wrdreg s2  }
0xb0: {  	[dreg:$0x3] =	wrdreg s19  }
0xb1: {  	[dreg:$0x4] =	wrdreg $0x9  }
0xb2: {  	_ =	task.clear_ibuf [dreg:s8], $0x5FFFF;
	_ =	strace $0x90000046  }
0xb3: {  	s29 =	simm.s32 $0x9;
	_ =	strace $0x80000048  }
0xb4: {  	_ =	swait.ge [sflag:s29], $0x1  }
0xb5: {  	[sflag:s29] =	ssyncadd.s32 $0xFFFFFFFF  }
0xb6: {  	_ =	strace $0x90000048  }
0xb7: {  	_ =	sfence  }
0xb8: {  	s30 =	sld [smem:$0x0];
	_ =	sdelay $0x2  }
0xb9: {  	s31 =	sshll.u32 s1, $0xD;
	s1 =	sshrl.u32 s1, $0x2  }
0xba: {  	s3 =	sand.u32 $0x4000, s31;
	s1 =	sadd.s32 s1, s30  }
0xbb: {  	s0 =	sor.u32 s3, s0;
	s1 =	sshll.u32 s1, $0x11  }
0xbc: {  	s0 =	sor.u32 s1, s0  }
0xbd: {  	s0 =	sadd.s32 $0x8F2B, s0  }
0xbe: {  	[sflag:s0] =	ssyncadd.remote.s32 $0x1  }
0xbf: {  	_ =	sfence.sel $0xFFFF  }
0xc0: {  	[dreg:$0x0] =	wrdreg $0xFFFFFFFF;
	(pc) =	sbr.abs _section_cstart, $3  }
0xc1: {  	[dreg:$0x1] =	wrdreg $0xFFFFFFFF  }
0xc2: {  	_ =	task.clear_ibuf [dreg:s8], $0x2FFFF;
	_ =	strace $0x9FFFFFFF  }
0xc3: {  	(tm) =	ssettm $0x7FFFFFFF  }
tec
execute0_lowered:
.L_overlay_start_1:
0x0: {  	(tag) =	ssettag $0x1  }
0x1: {  	s4 =	rddreg [dreg:$0x0]  }
0x2: {  	s6 =	rddreg [dreg:$0x1]  }
0x3: {  	s0 =	rddreg [dreg:$0x2]  }
0x4: {  	s2 =	simm.s32 $0x0;
	s3 =	srdreg.scid;
	s1 =	stileid.u32  }
0x5: {  	s9 =	simm.s32 $0x2;
	s10 =	simm.s32 $0x4;
	s11 =	simm.s32 $0x3  }
0x6: {  	s12 =	simm.s32 $0x0;
	[smem:$0x7FF] =	sst s2;
	s3 =	sand.u32 $0x1, s3  }
0x7: {  	s5 =	sshll.u32 s1, $0xD;
	s8 =	sshll.u32 s1, $0x5;
	s7 =	sshll.u32 s3, $0x11  }
0x8: {  	s5 =	sand.u32 $0x18000, s5;
	s3 =	ssub.s32 $0x2, s3;
	s28 =	sand.u32 $0x60, s8  }
0x9: {  	_ =	strace $0x80000047;
	s5 =	sor.u32 s7, s5;
	s29 =	sshrl.u32 s3, $0x1  }
0xa: {  	s8 =	simm.s32 $0x1;
	s5 =	sor.u32 s28, s5;
	s30 =	ssub.s32 s3, s29  }
0xb: {  	s3 =	sadd.s32 s4, s5;
	s31 =	sor.u32 $0x10, s5;
	s5 =	sadd.s32 s6, s5  }
0xc: {  	v0 =	vimm.f32 $0.0e+00;
	vm0 =	vmmov $0x1;
	s7 =	smax.u32 s30, $0x1;
	s4 =	sadd.s32 s4, s31;
	s6 =	sadd.s32 s6, s31  }
.LBB2_1:
0xd: {  	s13 =	simm.s32 $0x80  }
0xe: {  	s16 =	sadd.s32 $0x0, s3;
	s14 =	simm.s32 $0x100;
	s15 =	simm.s32 $0x0  }
.LBB2_2:
0xf: {  	[tilespmem:s15], [sflag:$0x1] =	stream.linear.gather [hbm4b:s16+s2], $0x80, $0x38;
	[tilespmem:$0x19280] =	vst v63  }
0x10: {  	s16 =	smov.u32 s13;
	s15 =	smov.u32 s14;
	p0 =	sne.s32 s13, $0x7F80  }
.Ltmp0:
0x11: {  	s13 =	sadd.s32 $0x80, s13;
	(pc) =	sbr.rel @p0 .LBB2_2-.Ltmp0, $2  }
0x12: {  	_ =	sdelay $0x2  }
0x13: {  	s14 =	sadd.s32 $0x100, s14;
	s16 =	sadd.s32 s16, s3  }
0x14: {  	[tilespmem:s15], [sflag:$0x1] =	stream.linear.gather [hbm4b:s16+s2], $0x80, $0x38;
	[tilespmem:$0x19280] =	vst v63  }
0x15: {  	s13 =	simm.s32 $0x80  }
0x16: {  	s14 =	simm.s32 $0x80;
	s16 =	sadd.s32 $0x0, s4;
	s15 =	simm.s32 $0x180  }
.LBB2_4:
0x17: {  	[tilespmem:s13], [sflag:$0x2] =	stream.linear.gather [hbm4b:s16+s2], $0x80, $0x38;
	[tilespmem:$0x19280] =	vst v63  }
0x18: {  	s16 =	smov.u32 s14;
	s13 =	smov.u32 s15;
	p0 =	sne.s32 s14, $0x7F80  }
.Ltmp1:
0x19: {  	s14 =	sadd.s32 $0x80, s14;
	(pc) =	sbr.rel @p0 .LBB2_4-.Ltmp1, $2  }
0x1a: {  	_ =	sdelay $0x2  }
0x1b: {  	s15 =	sadd.s32 $0x100, s15;
	s16 =	sadd.s32 s16, s4  }
0x1c: {  	[tilespmem:s13], [sflag:$0x2] =	stream.linear.gather [hbm4b:s16+s2], $0x80, $0x38;
	[tilespmem:$0x19280] =	vst v63  }
0x1d: {  	_ =	swait.ge [sflag:s8], $0x8000  }
0x1e: {  	[sflag:s8] =	ssyncset.done $0x0  }
0x1f: {  	[sflag:s8] =	ssyncadd.s32 $0xFFFF8000  }
0x20: {  	_ =	swait.ge [sflag:s9], $0x8000  }
0x21: {  	[sflag:s9] =	ssyncset.done $0x0  }
0x22: {  	s15 =	simm.s32 $0x0;
	[sflag:s9] =	ssyncadd.s32 $0xFFFF8000  }
0x23: {  	v1 =	vld [tilespmem:s15+$0xF0]  }
0x24: {  	v2 =	vld [tilespmem:s15+$0x0]  }
0x25: {  	v3 =	vld [tilespmem:s15+$0x10]  }
0x26: {  	v4 =	vld [tilespmem:s15+$0x20]  }
0x27: {  	v5 =	vld [tilespmem:s15+$0x30]  }
0x28: {  	v6 =	vld [tilespmem:s15+$0x40]  }
0x29: {  	v7 =	vld [tilespmem:s15+$0x50]  }
0x2a: {  	v8 =	vld [tilespmem:s15+$0x60]  }
0x2b: {  	v9 =	vld [tilespmem:s15+$0x70]  }
0x2c: {  	v10 =	vld [tilespmem:s15+$0x80]  }
0x2d: {  	v12 =	vimm.f32 $-3.000000010e+38;
	v11 =	vld [tilespmem:s15+$0x90]  }
0x2e: {  	v13 =	vimm.f32 $-3.000000010e+38;
	v15 =	vimm.f32 $-3.000000010e+38;
	v16 =	vimm.f32 $-3.000000010e+38;
	v17 =	vld [tilespmem:s15+$0xA0]  }
0x2f: {  	v14 =	vimm.f32 $-3.000000010e+38;
	v18 =	vld [tilespmem:s15+$0xB0];
	v1 =	vmax.f32 v12, v1;
	v2 =	vmax.f32 v12, v2  }
0x30: {  	v19 =	vld [tilespmem:s15+$0xC0];
	v3 =	vmax.f32 v12, v3;
	v4 =	vmax.f32 v12, v4;
	v5 =	vmax.f32 v12, v5  }
0x31: {  	v20 =	vld [tilespmem:s15+$0xD0];
	v6 =	vmax.f32 v12, v6;
	v7 =	vmax.f32 v12, v7;
	v8 =	vmax.f32 v12, v8  }
0x32: {  	s13 =	simm.s32 $0x100;
	s14 =	simm.s32 $0x800;
	v21 =	vld [tilespmem:s15+$0xE0];
	v9 =	vmax.f32 v12, v9;
	v10 =	vmax.f32 v12, v10;
	v11 =	vmax.f32 v12, v11  }
.LBB2_6:
0x33: {  	p0 =	sne.s32 s14, $0x3FC00;
	v22 =	vld [tilespmem:s13+$0xF0];
	v12 =	vmax.f32 v12, v17  }
0x34: {  	v17 =	vld [tilespmem:s13+$0x0];
	v13 =	vmax.f32 v13, v18  }
0x35: {  	v18 =	vld [tilespmem:s13+$0x10];
	v15 =	vmax.f32 v15, v19  }
0x36: {  	v19 =	vld [tilespmem:s13+$0x20];
	v16 =	vmax.f32 v16, v20  }
0x37: {  	v20 =	vld [tilespmem:s13+$0x30];
	v14 =	vmax.f32 v14, v21  }
0x38: {  	v21 =	vld [tilespmem:s13+$0x40];
	v1 =	vmax.f32 v1, v22  }
0x39: {  	v2 =	vmax.f32 v2, v17;
	v17 =	vld [tilespmem:s13+$0x50]  }
0x3a: {  	v3 =	vmax.f32 v3, v18;
	v18 =	vld [tilespmem:s13+$0x60]  }
0x3b: {  	v4 =	vmax.f32 v4, v19;
	v19 =	vld [tilespmem:s13+$0x70]  }
0x3c: {  	v5 =	vmax.f32 v5, v20;
	v20 =	vld [tilespmem:s13+$0x80]  }
0x3d: {  	v6 =	vmax.f32 v6, v21;
	v21 =	vld [tilespmem:s13+$0x90]  }
.Ltmp2:
0x3e: {  	v7 =	vmax.f32 v7, v17;
	v17 =	vld [tilespmem:s13+$0xA0];
	(pc) =	sbr.rel @p0 .LBB2_6-.Ltmp2, $4  }
0x3f: {  	v8 =	vmax.f32 v8, v18;
	v18 =	vld [tilespmem:s13+$0xB0]  }
0x40: {  	v9 =	vmax.f32 v9, v19;
	v19 =	vld [tilespmem:s13+$0xC0]  }
0x41: {  	v10 =	vmax.f32 v10, v20;
	v20 =	vld [tilespmem:s13+$0xD0]  }
0x42: {  	v11 =	vmax.f32 v11, v21;
	v21 =	vld [tilespmem:s13+$0xE0];
	s13 =	sshra.s32 s14, $0x2;
	s14 =	sadd.s32 $0x400, s14  }
0x43: {  	v22 =	vld [tilespmem:s13+$0x0]  }
0x44: {  	v23 =	vld [tilespmem:s13+$0x10]  }
0x45: {  	v24 =	vld [tilespmem:s13+$0x20]  }
0x46: {  	v25 =	vld [tilespmem:s13+$0x30]  }
0x47: {  	v26 =	vld [tilespmem:s13+$0x40]  }
0x48: {  	v27 =	vld [tilespmem:s13+$0x50]  }
0x49: {  	v28 =	vld [tilespmem:s13+$0x60]  }
0x4a: {  	v29 =	vld [tilespmem:s13+$0x70]  }
0x4b: {  	v30 =	vld [tilespmem:s13+$0x80]  }
0x4c: {  	v12 =	vmax.f32 v12, v17;
	v57 =	vld [tilespmem:s13+$0x90]  }
0x4d: {  	v58 =	vld [tilespmem:s13+$0xA0];
	v13 =	vmax.f32 v13, v18;
	v15 =	vmax.f32 v15, v19;
	v16 =	vmax.f32 v16, v20  }
0x4e: {  	v59 =	vld [tilespmem:s13+$0xB0];
	v14 =	vmax.f32 v14, v21;
	v2 =	vmax.f32 v2, v22;
	v3 =	vmax.f32 v3, v23  }
0x4f: {  	v60 =	vld [tilespmem:s13+$0xC0];
	v4 =	vmax.f32 v4, v24;
	v5 =	vmax.f32 v5, v25;
	v6 =	vmax.f32 v6, v26  }
0x50: {  	v61 =	vld [tilespmem:s13+$0xD0];
	v7 =	vmax.f32 v7, v27;
	v8 =	vmax.f32 v8, v28;
	v9 =	vmax.f32 v9, v29  }
0x51: {  	v62 =	vld [tilespmem:s13+$0xE0];
	v10 =	vmax.f32 v10, v30;
	v11 =	vmax.f32 v11, v57;
	v2 =	vmax.f32 v2, v3  }
0x52: {  	v12 =	vmax.f32 v12, v58;
	v3 =	vld [tilespmem:s13+$0xF0];
	v2 =	vmax.f32 v2, v4;
	v4 =	vmax.f32 v10, v11  }
0x53: {  	v63 =	vmax.f32 v13, v59;
	v2 =	vmax.f32 v2, v5;
	v4 =	vmax.f32 v4, v12  }
0x54: {  	v5 =	vmax.f32 v15, v60;
	v2 =	vmax.f32 v2, v6;
	v4 =	vmax.f32 v4, v63  }
0x55: {  	v6 =	vmax.f32 v16, v61;
	v2 =	vmax.f32 v2, v7;
	v4 =	vmax.f32 v4, v5  }
0x56: {  	v5 =	vmax.f32 v14, v62;
	v2 =	vmax.f32 v2, v8;
	v4 =	vmax.f32 v4, v6  }
0x57: {  	v1 =	vmax.f32 v1, v3;
	v2 =	vmax.f32 v2, v9;
	v3 =	vmax.f32 v4, v5  }
0x58: {  	(xrf0) =	vmax.scan.msk.f32 $0xffff, v2;
	v1 =	vmax.f32 v3, v1  }
0x59: {  	(xrf0) =	vmax.scan.msk.f32 $0xffff, v1;
	_ =	sdelay $0x4  }
0x5a: {  	v1, _, _ =	vpop (xrf0)  }
0x5b: {  	v2, _, _ =	vpop (xrf0)  }
0x5c: {  	v4 =	vbroadcast v1, $0xF;
	v2 =	vbroadcast v2, $0xF  }
0x5d: {  	s16 =	simm.s32 $0x0  }
0x5e: {  	s14 =	simm.s32 $0x0;
	s15 =	simm.s32 $0x0;
	s13 =	simm.s32 $0x100;
	v3 =	vadd.f32 $-1.000000000e+00, v4;
	v1 =	vadd.f32 $-1.000000000e+00, v2  }
.LBB2_8:
0x5f: {  	v5 =	vld [tilespmem:s13+$0xFFFFFF00]  }
0x60: {  	v6 =	vld [tilespmem:s13+$0xFFFFFF20]  }
0x61: {  	v7 =	vld [tilespmem:s13+$0xFFFFFF40]  }
0x62: {  	v8 =	vld [tilespmem:s13+$0xFFFFFF60]  }
0x63: {  	v9 =	vld [tilespmem:s13+$0x0]  }
0x64: {  	v10 =	vld [tilespmem:s13+$0x20]  }
0x65: {  	v11 =	vld [tilespmem:s13+$0x40]  }
0x66: {  	v12 =	vld [tilespmem:s13+$0x50]  }
0x67: {  	v13 =	vld [tilespmem:s13+$0x60]  }
0x68: {  	v14 =	vld [tilespmem:s13+$0x70]  }
0x69: {  	v15 =	vld [tilespmem:s13+$0x30]  }
0x6a: {  	vm1 =	vgt.f32 v5, v3;
	v5 =	vld [tilespmem:s13+$0x10]  }
0x6b: {  	vm2 =	vgt.f32 v6, v3;
	vm3 =	vgt.f32 v7, v3;
	v6 =	vld [tilespmem:s13+$0xFFFFFF70];
	vm4 =	vgt.f32 v8, v3  }
0x6c: {  	v7 =	vld [tilespmem:s13+$0xFFFFFF50];
	vm5 =	vgt.f32 v9, v3;
	vm6 =	vgt.f32 v10, v3;
	vm7 =	vgt.f32 v11, v3  }
0x6d: {  	v52 =	vld [tilespmem:s13+$0xFFFFFF30];
	vm8 =	vgt.f32 v12, v3;
	vm9 =	vgt.f32 v13, v3;
	vm10 =	vgt.f32 v14, v3  }
0x6e: {  	v53 =	vld [tilespmem:s13+$0xFFFFFF10];
	vm11 =	vgt.f32 v15, v3;
	vm7 =	vmor vm9, vm7;
	vm8 =	vmor vm10, vm8  }
0x6f: {  	vm6 =	vmor vm7, vm6;
	vm12 =	vmor vm8, vm11;
	vm15 =	vgt.f32 v5, v3  }
0x70: {  	vm5 =	vmor vm6, vm5;
	vm13 =	vgt.f32 v6, v3;
	vm14 =	vmor vm12, vm15  }
0x71: {  	vm4 =	vmor vm5, vm4;
	vm15 =	vgt.f32 v7, v3;
	vm9 =	vmor vm14, vm13  }
0x72: {  	vm10 =	vgt.f32 v52, v3;
	vm3 =	vmor vm4, vm3;
	vm11 =	vmor vm9, vm15  }
0x73: {  	vm12 =	vgt.f32 v53, v3;
	vm2 =	vmor vm3, vm2;
	vm3 =	vmor vm11, vm10  }
0x74: {  	vm1 =	vmor vm2, vm1;
	vm2 =	vmor vm3, vm12  }
0x75: {  	v5 =	vsel vm1, $0x3F800000, v0;
	v6 =	vsel vm2, $0x3F800000, v0  }
0x76: {  	s17 =	sand.u32 $0x70, s15;
	s18 =	sand.u32 $0xF00, s14;
	v5 =	vadd.f32 v6, v5  }
0x77: {  	s17 =	sor.u32 s17, s18  }
0x78: {  	[tilespmem:s17+$0x10000] =	vst v5  }
0x79: {  	v5 =	vld [tilespmem:s13+$0xFFFFFF80]  }
0x7a: {  	v6 =	vld [tilespmem:s13+$0xFFFFFFA0]  }
0x7b: {  	v7 =	vld [tilespmem:s13+$0xFFFFFFC0]  }
0x7c: {  	v54 =	vld [tilespmem:s13+$0xFFFFFFE0]  }
0x7d: {  	v55 =	vld [tilespmem:s13+$0x80]  }
0x7e: {  	v56 =	vld [tilespmem:s13+$0xA0]  }
0x7f: {  	v57 =	vld [tilespmem:s13+$0xC0]  }
0x80: {  	v58 =	vld [tilespmem:s13+$0xD0]  }
0x81: {  	v59 =	vld [tilespmem:s13+$0xE0]  }
0x82: {  	v60 =	vld [tilespmem:s13+$0xF0]  }
0x83: {  	v61 =	vld [tilespmem:s13+$0xB0]  }
0x84: {  	vm1 =	vgt.f32 v5, v1;
	v5 =	vld [tilespmem:s13+$0x90]  }
0x85: {  	vm2 =	vgt.f32 v6, v1;
	vm3 =	vgt.f32 v7, v1;
	vm4 =	vgt.f32 v54, v1;
	v6 =	vld [tilespmem:s13+$0xFFFFFFF0]  }
0x86: {  	vm5 =	vgt.f32 v55, v1;
	vm6 =	vgt.f32 v56, v1;
	vm7 =	vgt.f32 v57, v1;
	v7 =	vld [tilespmem:s13+$0xFFFFFFD0]  }
0x87: {  	v62 =	vld [tilespmem:s13+$0xFFFFFFB0];
	vm13 =	vgt.f32 v58, v1;
	vm14 =	vgt.f32 v59, v1;
	vm15 =	vgt.f32 v60, v1  }
0x88: {  	v63 =	vld [tilespmem:s13+$0xFFFFFF90];
	vm12 =	vgt.f32 v61, v1;
	vm7 =	vmor vm14, vm7;
	vm8 =	vmor vm15, vm13  }
0x89: {  	vm6 =	vmor vm7, vm6;
	vm14 =	vmor vm8, vm12;
	vm13 =	vgt.f32 v5, v1  }
0x8a: {  	vm5 =	vmor vm6, vm5;
	vm15 =	vgt.f32 v6, v1;
	vm10 =	vmor vm14, vm13  }
0x8b: {  	vm4 =	vmor vm5, vm4;
	vm11 =	vgt.f32 v7, v1;
	vm12 =	vmor vm10, vm15  }
0x8c: {  	vm3 =	vmor vm4, vm3;
	vm13 =	vgt.f32 v62, v1;
	vm14 =	vmor vm12, vm11  }
0x8d: {  	p0 =	seq.s32 s15, $0x7F0;
	vm2 =	vmor vm3, vm2;
	vm15 =	vgt.f32 v63, v1;
	vm3 =	vmor vm14, vm13  }
.Ltmp3:
0x8e: {  	vm1 =	vmor vm2, vm1;
	vm2 =	vmor vm3, vm15;
	(pc) =	sbr.rel @!p0 .LBB2_8-.Ltmp3, $3  }
0x8f: {  	v5 =	vsel vm1, $0x3F800000, v0;
	v6 =	vsel vm2, $0x3F800000, v0  }
0x90: {  	v5 =	vadd.f32 v6, v5;
	_ =	sdelay $0x1  }
0x91: {  	s14 =	sadd.s32 $0x20, s14;
	s15 =	sadd.s32 $0x10, s15;
	s13 =	sadd.s32 $0x200, s13;
	[tilespmem:s17+$0x10080] =	vst v5  }
0x92: {  	s14 =	simm.s32 $0x10040  }
0x93: {  	v5 =	vld [tilespmem:s14+$0xFFFFFFC0]  }
0x94: {  	v6 =	vld [tilespmem:s14+$0xFFFFFFE0];
	_ =	sdelay $0x3  }
0x95: {  	vm1 =	vgt.f32 v5, $0.0e+00  }
0x96: {  	v7 =	vld [tilespmem:s14+$0xFFFFFFD0];
	vm2 =	vgt.f32 v6, $0.0e+00;
	v6 =	vmpcnt.ones.xlane vm1  }
0x97: {  	v8 =	vld [tilespmem:s14+$0x0]  }
0x98: {  	v9 =	vld [tilespmem:s14+$0xFFFFFFF0];
	(v2sf) =	vpush v6, $0x0  }
0x99: {  	v10 =	vld [tilespmem:s14+$0x10]  }
0x9a: {  	v5 =	vld [tilespmem:s14+$0x20];
	_ =	sdelay $0x1  }
0x9b: {  	vm1 =	vgt.f32 v7, $0.0e+00;
	v7 =	vmpcnt.ones.xlane vm2  }
0x9c: {  	vm2 =	vgt.f32 v8, $0.0e+00;
	v8 =	vmpcnt.ones.xlane vm1;
	vm1 =	vgt.f32 v9, $0.0e+00  }
0x9d: {  	v62 =	vmpcnt.ones.xlane vm2;
	vm2 =	vgt.f32 v10, $0.0e+00;
	(v2sf) =	vpush v7, $0x0  }
0x9e: {  	v63 =	vmpcnt.ones.xlane vm1;
	(v2sf) =	vpush v8, $0x0;
	vm1 =	vgt.f32 v5, $0.0e+00;
	v5 =	vld [tilespmem:s14+$0x30]  }
0x9f: {  	v11 =	vmpcnt.ones.xlane vm2;
	(v2sf) =	vpush v62, $0x0  }
0xa0: {  	v12 =	vmpcnt.ones.xlane vm1;
	(v2sf) =	vpush v63, $0x0  }
0xa1: {  	(v2sf) =	vpush v11, $0x0  }
0xa2: {  	(v2sf) =	vpush v12, $0x0  }
0xa3: {  	vm3 =	vgt.f32 v5, $0.0e+00  }
0xa4: {  	v5 =	vmpcnt.ones.xlane vm3;
	_ =	sdelay $0x1  }
0xa5: {  	s23 =	spop (v2sf);
	(v2sf) =	vpush v5, $0x0;
	_ =	sdelay $0x2  }
0xa6: {  	s13 =	simm.s32 $0x7;
	s18 =	simm.s32 $0x0;
	s15 =	simm.s32 $0x10140  }
0xa7: {  	s20 =	simm.s32 $0x4;
	s21 =	simm.s32 $0x5;
	s17 =	simm.s32 $0x6  }
0xa8: {  	s19 =	simm.s32 $0x2;
	s22 =	simm.s32 $0x3;
	s24 =	simm.s32 $0x1  }
0xa9: {  	s14 =	simm.s32 $0xF;
	p0 =	slt.s32 s23, $0x1;
	s25 =	spop (v2sf)  }
0xaa: {  	v13 =	vmov s18;
	s23 =	simm.s32 @!p0 $0x1;
	p0 =	slt.s32 s25, $0x1;
	s26 =	spop (v2sf)  }
0xab: {  	vm2 =	vgt.s32 v8, $0x0;
	vm5 =	vgt.s32 v62, $0x0;
	vm1 =	vgt.s32 v6, $0x0;
	p1 =	slt.s32 s26, $0x1;
	s25 =	simm.s32 @!p0 $0x1;
	s18 =	spop (v2sf)  }
0xac: {  	vm4 =	vgt.s32 v63, $0x0;
	vm6 =	vgt.s32 v11, $0x0;
	vm1 =	vmand vm1, vm0;
	s23 =	sadd.s32 $0x0, s23;
	s26 =	simm.s32 @!p1 $0x1;
	s28 =	spop (v2sf)  }
0xad: {  	vm2 =	vmand vm2, vm0;
	v6 =	vmov s24;
	[tilespmem:s16+$0x11100] =	vst.msk vm1, v13;
	vm3 =	vgt.s32 v7, $0x0;
	p2 =	slt.s32 s18, $0x1;
	s30 =	sadd.s32 s26, s23;
	s16 =	spop (v2sf)  }
0xae: {  	vm1 =	vgt.s32 v12, $0x0;
	vm3 =	vmand vm3, vm0;
	[tilespmem:s23+$0x11100] =	vst.msk vm2, v6;
	v6 =	vmov s19;
	p0 =	slt.s32 s28, $0x1;
	s18 =	simm.s32 @!p2 $0x1;
	s19 =	spop (v2sf)  }
0xaf: {  	v7 =	vmov s22;
	vm2 =	vmand vm6, vm0;
	s31 =	sadd.s32 s25, s30;
	[tilespmem:s30+$0x11100] =	vst.msk vm3, v6;
	vm3 =	vmand vm4, vm0;
	s28 =	simm.s32 @!p0 $0x1;
	p0 =	slt.s32 s19, $0x1  }
0xb0: {  	p1 =	slt.s32 s16, $0x1;
	v6 =	vmov s21;
	[tilespmem:s31+$0x11100] =	vst.msk vm3, v7;
	v7 =	vmov s20;
	vm3 =	vmand vm5, vm0;
	s20 =	sadd.s32 s28, s31;
	s19 =	simm.s32 @!p0 $0x1  }
.LBB2_10:
0xb1: {  	s18 =	sadd.s32 s18, s20  }
0xb2: {  	[tilespmem:s20+$0x11100] =	vst.msk vm3, v7;
	s16 =	simm.s32 @!p1 $0x1;
	s20 =	spop (v2sf);
	s21 =	smov.u32 s14  }
0xb3: {  	p0 =	seq.s32 s14, $0x7F;
	vm1 =	vmand vm1, vm0;
	[tilespmem:s18+$0x11100] =	vst.msk vm2, v6;
	s16 =	sadd.s32 s16, s18;
	v6 =	vmov s17;
	vm2 =	vgt.s32 v5, $0x0;
	p1 =	slt.s32 s20, $0x1  }
0xb4: {  	s14 =	sadd.s32 $0x8, s14;
	v5 =	vmov s13;
	[tilespmem:s16+$0x11100] =	vst.msk vm1, v6;
	s16 =	sadd.s32 s19, s16;
	vm1 =	vmand vm2, vm0;
	s20 =	simm.s32 @!p1 $0x1  }
0xb5: {  	s13 =	smov.u32 s21;
	[tilespmem:s16+$0x11100] =	vst.msk vm1, v5;
	s16 =	sadd.s32 s20, s16  }
0xb6: {  	v5 =	vld [tilespmem:s15+$0xFFFFFFC0]  }
0xb7: {  	v6 =	vld [tilespmem:s15+$0xFFFFFFE0]  }
0xb8: {  	v7 =	vld [tilespmem:s15+$0xFFFFFFD0]  }
0xb9: {  	v8 =	vld [tilespmem:s15+$0x0]  }
0xba: {  	v9 =	vld [tilespmem:s15+$0xFFFFFFF0]  }
0xbb: {  	v10 =	vld [tilespmem:s15+$0x10];
	vm1 =	vgt.f32 v5, $0.0e+00  }
0xbc: {  	s17 =	sadd.s32 $0xFFFFFFF9, s13;
	v5 =	vld [tilespmem:s15+$0x20];
	vm2 =	vgt.f32 v6, $0.0e+00;
	v6 =	vmpcnt.ones.xlane vm1  }
0xbd: {  	v11 =	vmov s17;
	vm1 =	vgt.f32 v7, $0.0e+00;
	v7 =	vmpcnt.ones.xlane vm2  }
0xbe: {  	vm2 =	vgt.f32 v8, $0.0e+00;
	v8 =	vmpcnt.ones.xlane vm1;
	(v2sf) =	vpush v6, $0x0  }
0xbf: {  	v12 =	vld [tilespmem:s15+$0x30];
	vm1 =	vgt.f32 v9, $0.0e+00;
	v9 =	vmpcnt.ones.xlane vm2;
	(v2sf) =	vpush v7, $0x0  }
0xc0: {  	vm2 =	vgt.f32 v10, $0.0e+00;
	v10 =	vmpcnt.ones.xlane vm1;
	(v2sf) =	vpush v8, $0x0  }
0xc1: {  	vm1 =	vgt.f32 v5, $0.0e+00;
	v13 =	vmpcnt.ones.xlane vm2;
	(v2sf) =	vpush v9, $0x0  }
0xc2: {  	vm5 =	vgt.s32 v8, $0x0;
	v14 =	vmpcnt.ones.xlane vm1;
	(v2sf) =	vpush v10, $0x0  }
0xc3: {  	vm1 =	vgt.s32 v6, $0x0;
	vm3 =	vgt.s32 v10, $0x0;
	(v2sf) =	vpush v13, $0x0  }
0xc4: {  	vm1 =	vmand vm1, vm0;
	vm2 =	vgt.f32 v12, $0.0e+00;
	(v2sf) =	vpush v14, $0x0  }
0xc5: {  	vm6 =	vgt.s32 v7, $0x0;
	vm4 =	vgt.s32 v9, $0x0;
	v5 =	vmpcnt.ones.xlane vm2;
	[tilespmem:s16+$0x11100] =	vst.msk vm1, v11  }
0xc6: {  	vm2 =	vgt.s32 v13, $0x0;
	vm1 =	vgt.s32 v14, $0x0  }
0xc7: {  	vm2 =	vmand vm2, vm0;
	(v2sf) =	vpush v5, $0x0;
	_ =	sdelay $0x3  }
0xc8: {  	s15 =	sadd.s32 $0x100, s15  }
0xc9: {  	s18 =	sadd.s32 $0xFFFFFFFE, s13;
	s20 =	sadd.s32 $0xFFFFFFFD, s13;
	s17 =	sadd.s32 $0xFFFFFFFF, s13  }
0xca: {  	s19 =	sadd.s32 $0xFFFFFFFB, s13;
	s21 =	sadd.s32 $0xFFFFFFFC, s13;
	v6 =	vmov s18;
	s22 =	spop (v2sf)  }
0xcb: {  	s23 =	sadd.s32 $0xFFFFFFFA, s13;
	p1 =	slt.s32 s22, $0x1;
	s24 =	spop (v2sf)  }
0xcc: {  	s25 =	spop (v2sf)  }
0xcd: {  	s22 =	simm.s32 @!p1 $0x1;
	p1 =	slt.s32 s24, $0x1;
	p2 =	slt.s32 s25, $0x1  }
0xce: {  	s24 =	simm.s32 @!p1 $0x1;
	s18 =	spop (v2sf);
	s16 =	sadd.s32 s16, s22  }
.Ltmp4:
0xcf: {  	v7 =	vmov s23;
	vm5 =	vmand vm5, vm0;
	s25 =	simm.s32 @!p2 $0x1;
	s22 =	spop (v2sf);
	(pc) =	sbr.rel @!p0 .LBB2_10-.Ltmp4, $4  }
0xd0: {  	[tilespmem:s16+$0x11100] =	vst.msk vm5, v7;
	s23 =	sadd.s32 s25, s16;
	v7 =	vmov s19;
	vm5 =	vmand vm6, vm0;
	p1 =	slt.s32 s22, $0x1;
	s16 =	spop (v2sf)  }
0xd1: {  	vm3 =	vmand vm3, vm0;
	p2 =	slt.s32 s18, $0x1;
	[tilespmem:s23+$0x11100] =	vst.msk vm5, v7;
	s23 =	sadd.s32 s24, s23;
	v7 =	vmov s21;
	s19 =	spop (v2sf)  }
0xd2: {  	s22 =	simm.s32 @!p1 $0x1;
	p1 =	slt.s32 s16, $0x1;
	[tilespmem:s23+$0x11100] =	vst.msk vm3, v7;
	v7 =	vmov s20;
	vm3 =	vmand vm4, vm0;
	p3 =	slt.s32 s19, $0x1  }
0xd3: {  	s18 =	simm.s32 @!p2 $0x1;
	s20 =	sadd.s32 s22, s23;
	s19 =	simm.s32 @!p3 $0x1  }
0xd4: {  	[tilespmem:s20+$0x11100] =	vst.msk vm3, v7;
	s14 =	sadd.s32 s18, s20;
	s16 =	simm.s32 @!p1 $0x1;
	s15 =	spop (v2sf)  }
0xd5: {  	vm1 =	vmand vm1, vm0;
	[tilespmem:s14+$0x11100] =	vst.msk vm2, v6;
	s14 =	sadd.s32 s16, s14;
	v6 =	vmov s17;
	vm2 =	vgt.s32 v5, $0x0;
	p0 =	slt.s32 s15, $0x1  }
0xd6: {  	v5 =	vmov s13;
	[tilespmem:s14+$0x11100] =	vst.msk vm1, v6;
	s14 =	sadd.s32 s19, s14;
	vm1 =	vmand vm2, vm0;
	s15 =	simm.s32 @!p0 $0x1  }
0xd7: {  	[tilespmem:s14+$0x11100] =	vst.msk vm1, v5;
	s14 =	sadd.s32 s15, s14  }
0xd8: {  	p0 =	sgt.s32 s14, $0x0  }
.Ltmp5:
0xd9: {  	_ = 	snop;
	(pc) =	sbr.rel @!p0 .LBB2_15-.Ltmp5, $2  }
0xda: {  	_ =	sdelay $0x2  }
0xdb: {  	s13 =	simm.s32 $0x0;
	s16 =	simm.s32 $0x0;
	s15 =	simm.s32 $0x11100  }
0xdc: {  	v5 =	vld [tilespmem:s15+$0x0];
	_ =	sdelay $0x4  }
0xdd: {  	(v2sf) =	vpush v5, $0x0;
	_ =	sdelay $0xe  }
0xde: {  	s16 =	spop (v2sf)  }
0xdf: {  	s16 =	sshll.u32 s16, $0xB  }
0xe0: {  	s16 =	sshra.s32 s16, $0x2  }
0xe1: {  	v5 =	vld [tilespmem:s16+$0x0]  }
0xe2: {  	v6 =	vld [tilespmem:s16+$0x10]  }
0xe3: {  	v7 =	vld [tilespmem:s16+$0x20]  }
0xe4: {  	v8 =	vld [tilespmem:s16+$0x30]  }
0xe5: {  	v9 =	vld [tilespmem:s16+$0x40]  }
0xe6: {  	v10 =	vld [tilespmem:s16+$0x50];
	vm1 =	vgt.f32 v5, v3  }
0xe7: {  	v11 =	vld [tilespmem:s16+$0x60];
	vm2 =	vgt.f32 v6, v3;
	v12 =	vmpcnt.ones.xlane vm1  }
0xe8: {  	vm3 =	vgt.f32 v7, v3;
	v13 =	vmpcnt.ones.xlane vm2  }
0xe9: {  	vm4 =	vgt.f32 v8, v3;
	v14 =	vmpcnt.ones.xlane vm3;
	(v2sf) =	vpush v12, $0x0  }
0xea: {  	vm5 =	vgt.f32 v9, v3;
	v52 =	vmpcnt.ones.xlane vm4;
	(v2sf) =	vpush v13, $0x0  }
0xeb: {  	vm6 =	vgt.f32 v10, v3;
	v53 =	vmpcnt.ones.xlane vm5;
	(v2sf) =	vpush v14, $0x0  }
0xec: {  	vm7 =	vgt.f32 v11, v3;
	v54 =	vmpcnt.ones.xlane vm6;
	(v2sf) =	vpush v52, $0x0  }
0xed: {  	v55 =	vmpcnt.ones.xlane vm7;
	(v2sf) =	vpush v53, $0x0  }
0xee: {  	(v2sf) =	vpush v54, $0x0  }
0xef: {  	(v2sf) =	vpush v55, $0x0;
	_ =	sdelay $0x8  }
0xf0: {  	s17 =	spop (v2sf)  }
0xf1: {  	v56 =	vld [tilespmem:s16+$0x70];
	[tilespmem:s13+$0x11200] =	vst.msk vm1, v5;
	s17 =	sadd.s32 s13, s17;
	s18 =	spop (v2sf)  }
0xf2: {  	[tilespmem:s17+$0x11200] =	vst.msk vm2, v6;
	s17 =	sadd.s32 s18, s17;
	s31 =	spop (v2sf)  }
0xf3: {  	[tilespmem:s17+$0x11200] =	vst.msk vm3, v7;
	s17 =	sadd.s32 s31, s17;
	s19 =	spop (v2sf)  }
0xf4: {  	[tilespmem:s17+$0x11200] =	vst.msk vm4, v8;
	s17 =	sadd.s32 s19, s17;
	s20 =	spop (v2sf)  }
0xf5: {  	[tilespmem:s17+$0x11200] =	vst.msk vm5, v9;
	s17 =	sadd.s32 s20, s17;
	s21 =	spop (v2sf)  }
0xf6: {  	[tilespmem:s17+$0x11200] =	vst.msk vm6, v10;
	s17 =	sadd.s32 s21, s17;
	s22 =	spop (v2sf)  }
0xf7: {  	vm1 =	vgt.f32 v56, v3;
	[tilespmem:s17+$0x11200] =	vst.msk vm7, v11;
	s17 =	sadd.s32 s22, s17  }
0xf8: {  	[tilespmem:s17+$0x11200] =	vst.msk vm1, v56  }
0xf9: {  	v6 =	vld [tilespmem:s16+$0x100]  }
0xfa: {  	v7 =	vld [tilespmem:s16+$0x110]  }
0xfb: {  	v8 =	vld [tilespmem:s16+$0x120]  }
0xfc: {  	v9 =	vld [tilespmem:s16+$0x130];
	_ =	sdelay $0x1  }
0xfd: {  	v5 =	vmpcnt.ones.xlane vm1;
	vm12 =	vgt.f32 v6, v3  }
0xfe: {  	vm13 =	vgt.f32 v7, v3;
	v57 =	vmpcnt.ones.xlane vm12  }
0xff: {  	(v2sf) =	vpush v5, $0x0;
	v10 =	vld [tilespmem:s16+$0x140];
	vm14 =	vgt.f32 v8, v3;
	v58 =	vmpcnt.ones.xlane vm13  }
0x100: {  	v11 =	vld [tilespmem:s16+$0x150];
	vm15 =	vgt.f32 v9, v3;
	v15 =	vmpcnt.ones.xlane vm14;
	(v2sf) =	vpush v57, $0x0  }
0x101: {  	v12 =	vld [tilespmem:s16+$0x160];
	v59 =	vmpcnt.ones.xlane vm15;
	(v2sf) =	vpush v58, $0x0  }
0x102: {  	v5 =	vld [tilespmem:s16+$0x170];
	(v2sf) =	vpush v15, $0x0  }
0x103: {  	(v2sf) =	vpush v59, $0x0  }
0x104: {  	vm8 =	vgt.f32 v10, v3  }
0x105: {  	vm2 =	vgt.f32 v11, v3;
	v60 =	vmpcnt.ones.xlane vm8  }
0x106: {  	vm3 =	vgt.f32 v12, v3;
	v61 =	vmpcnt.ones.xlane vm2  }
0x107: {  	vm1 =	vgt.f32 v5, v3;
	v62 =	vmpcnt.ones.xlane vm3;
	(v2sf) =	vpush v60, $0x0  }
0x108: {  	v63 =	vmpcnt.ones.xlane vm1;
	(v2sf) =	vpush v61, $0x0  }
0x109: {  	(v2sf) =	vpush v62, $0x0  }
0x10a: {  	(v2sf) =	vpush v63, $0x0;
	_ =	sdelay $0x3  }
0x10b: {  	s23 =	spop (v2sf)  }
0x10c: {  	s16 =	sadd.s32 s23, s17;
	s24 =	spop (v2sf)  }
0x10d: {  	[tilespmem:s16+$0x11200] =	vst.msk vm12, v6;
	s16 =	sadd.s32 s16, s24;
	s25 =	spop (v2sf)  }
0x10e: {  	[tilespmem:s16+$0x11200] =	vst.msk vm13, v7;
	s16 =	sadd.s32 s25, s16;
	s26 =	spop (v2sf)  }
0x10f: {  	[tilespmem:s16+$0x11200] =	vst.msk vm14, v8;
	s16 =	sadd.s32 s26, s16;
	s28 =	spop (v2sf)  }
0x110: {  	[tilespmem:s16+$0x11200] =	vst.msk vm15, v9;
	s17 =	sadd.s32 s28, s16;
	s16 =	sadd.s32 $0x1, s13  }
0x111: {  	p0 =	slt.s32 s16, s14  }
.Ltmp6:
0x112: {  	_ = 	snop;
	(pc) =	sbr.rel @!p0 .LBB2_14-.Ltmp6, $4  }
0x113: {  	s29 =	spop (v2sf)  }
0x114: {  	[tilespmem:s17+$0x11200] =	vst.msk vm8, v10;
	s17 =	sadd.s32 s29, s17;
	s30 =	spop (v2sf)  }
0x115: {  	[tilespmem:s17+$0x11200] =	vst.msk vm2, v11;
	s17 =	sadd.s32 s30, s17;
	s31 =	spop (v2sf)  }
0x116: {  	[tilespmem:s17+$0x11200] =	vst.msk vm3, v12;
	s17 =	sadd.s32 s31, s17;
	s18 =	spop (v2sf)  }
.LBB2_13:
0x117: {  	s16 =	sadd.s32 $0x1, s16;
	[tilespmem:s17+$0x11200] =	vst.msk vm1, v5;
	s18 =	sadd.s32 s18, s17;
	s15 =	sadd.s32 $0x1, s15  }
0x118: {  	v5 =	vld [tilespmem:s15+$0x0];
	p0 =	slt.s32 s16, s14;
	_ =	sdelay $0x4  }
0x119: {  	(v2sf) =	vpush v5, $0x0;
	_ =	sdelay $0xe  }
0x11a: {  	s17 =	spop (v2sf)  }
0x11b: {  	s17 =	sshll.u32 s17, $0xB  }
0x11c: {  	s17 =	sshra.s32 s17, $0x2  }
0x11d: {  	v5 =	vld [tilespmem:s17+$0x0]  }
0x11e: {  	v6 =	vld [tilespmem:s17+$0x10]  }
0x11f: {  	v7 =	vld [tilespmem:s17+$0x20]  }
0x120: {  	v8 =	vld [tilespmem:s17+$0x30]  }
0x121: {  	v9 =	vld [tilespmem:s17+$0x40]  }
0x122: {  	v10 =	vld [tilespmem:s17+$0x50];
	vm7 =	vgt.f32 v5, v3  }
0x123: {  	v11 =	vld [tilespmem:s17+$0x60];
	vm6 =	vgt.f32 v6, v3;
	v12 =	vmpcnt.ones.xlane vm7  }
0x124: {  	vm5 =	vgt.f32 v7, v3;
	v13 =	vmpcnt.ones.xlane vm6  }
0x125: {  	vm1 =	vgt.f32 v8, v3;
	v14 =	vmpcnt.ones.xlane vm5;
	(v2sf) =	vpush v12, $0x0  }
0x126: {  	vm2 =	vgt.f32 v9, v3;
	v12 =	vmpcnt.ones.xlane vm1;
	(v2sf) =	vpush v13, $0x0  }
0x127: {  	vm3 =	vgt.f32 v10, v3;
	v13 =	vmpcnt.ones.xlane vm2;
	(v2sf) =	vpush v14, $0x0  }
0x128: {  	vm4 =	vgt.f32 v11, v3;
	v14 =	vmpcnt.ones.xlane vm3;
	(v2sf) =	vpush v12, $0x0  }
0x129: {  	v12 =	vmpcnt.ones.xlane vm4;
	(v2sf) =	vpush v13, $0x0  }
0x12a: {  	(v2sf) =	vpush v14, $0x0  }
0x12b: {  	(v2sf) =	vpush v12, $0x0  }
0x12c: {  	v12 =	vld [tilespmem:s17+$0x70];
	_ =	sdelay $0x4  }
0x12d: {  	vm8 =	vgt.f32 v12, v3  }
0x12e: {  	v13 =	vmpcnt.ones.xlane vm8;
	_ =	sdelay $0x1  }
0x12f: {  	s19 =	spop (v2sf);
	(v2sf) =	vpush v13, $0x0  }
0x130: {  	[tilespmem:s18+$0x11200] =	vst.msk vm7, v5;
	s18 =	sadd.s32 s18, s19;
	s19 =	spop (v2sf)  }
0x131: {  	[tilespmem:s18+$0x11200] =	vst.msk vm6, v6;
	s18 =	sadd.s32 s19, s18;
	s19 =	spop (v2sf)  }
0x132: {  	[tilespmem:s18+$0x11200] =	vst.msk vm5, v7;
	s18 =	sadd.s32 s19, s18;
	s19 =	spop (v2sf)  }
0x133: {  	[tilespmem:s18+$0x11200] =	vst.msk vm1, v8;
	s18 =	sadd.s32 s19, s18;
	s19 =	spop (v2sf)  }
0x134: {  	[tilespmem:s18+$0x11200] =	vst.msk vm2, v9;
	s18 =	sadd.s32 s19, s18;
	s19 =	spop (v2sf)  }
0x135: {  	[tilespmem:s18+$0x11200] =	vst.msk vm3, v10;
	s18 =	sadd.s32 s19, s18;
	s19 =	spop (v2sf)  }
0x136: {  	[tilespmem:s18+$0x11200] =	vst.msk vm4, v11;
	s18 =	sadd.s32 s19, s18  }
0x137: {  	[tilespmem:s18+$0x11200] =	vst.msk vm8, v12  }
0x138: {  	v6 =	vld [tilespmem:s17+$0x100]  }
0x139: {  	v7 =	vld [tilespmem:s17+$0x110]  }
0x13a: {  	v8 =	vld [tilespmem:s17+$0x120]  }
0x13b: {  	v9 =	vld [tilespmem:s17+$0x130]  }
0x13c: {  	v10 =	vld [tilespmem:s17+$0x140]  }
0x13d: {  	v11 =	vld [tilespmem:s17+$0x150];
	vm1 =	vgt.f32 v6, v3  }
0x13e: {  	v12 =	vld [tilespmem:s17+$0x160];
	vm2 =	vgt.f32 v7, v3;
	v13 =	vmpcnt.ones.xlane vm1;
	s19 =	spop (v2sf)  }
0x13f: {  	s18 =	sadd.s32 s19, s18;
	v5 =	vld [tilespmem:s17+$0x170];
	vm4 =	vgt.f32 v8, v3;
	v14 =	vmpcnt.ones.xlane vm2  }
0x140: {  	vm3 =	vgt.f32 v9, v3;
	v15 =	vmpcnt.ones.xlane vm4;
	[tilespmem:s18+$0x11200] =	vst.msk vm1, v6;
	(v2sf) =	vpush v13, $0x0  }
0x141: {  	vm5 =	vgt.f32 v10, v3;
	v6 =	vmpcnt.ones.xlane vm3;
	(v2sf) =	vpush v14, $0x0  }
0x142: {  	vm6 =	vgt.f32 v11, v3;
	v13 =	vmpcnt.ones.xlane vm5;
	(v2sf) =	vpush v15, $0x0  }
0x143: {  	vm7 =	vgt.f32 v12, v3;
	v14 =	vmpcnt.ones.xlane vm6;
	(v2sf) =	vpush v6, $0x0  }
0x144: {  	vm1 =	vgt.f32 v5, v3;
	v6 =	vmpcnt.ones.xlane vm7;
	(v2sf) =	vpush v13, $0x0  }
0x145: {  	v13 =	vmpcnt.ones.xlane vm1;
	(v2sf) =	vpush v14, $0x0  }
0x146: {  	(v2sf) =	vpush v6, $0x0  }
0x147: {  	(v2sf) =	vpush v13, $0x0;
	_ =	sdelay $0x7  }
0x148: {  	s17 =	spop (v2sf)  }
0x149: {  	s17 =	sadd.s32 s18, s17;
	s18 =	spop (v2sf)  }
0x14a: {  	[tilespmem:s17+$0x11200] =	vst.msk vm2, v7;
	s17 =	sadd.s32 s18, s17;
	s18 =	spop (v2sf)  }
.Ltmp7:
0x14b: {  	[tilespmem:s17+$0x11200] =	vst.msk vm4, v8;
	s17 =	sadd.s32 s18, s17;
	s18 =	spop (v2sf);
	(pc) =	sbr.rel @p0 .LBB2_13-.Ltmp7, $4  }
0x14c: {  	[tilespmem:s17+$0x11200] =	vst.msk vm3, v9;
	s17 =	sadd.s32 s18, s17;
	s18 =	spop (v2sf)  }
0x14d: {  	[tilespmem:s17+$0x11200] =	vst.msk vm5, v10;
	s17 =	sadd.s32 s18, s17;
	s18 =	spop (v2sf)  }
0x14e: {  	[tilespmem:s17+$0x11200] =	vst.msk vm6, v11;
	s17 =	sadd.s32 s18, s17;
	s18 =	spop (v2sf)  }
0x14f: {  	[tilespmem:s17+$0x11200] =	vst.msk vm7, v12;
	s17 =	sadd.s32 s18, s17;
	s18 =	spop (v2sf)  }
.LBB2_14:
0x150: {  	[tilespmem:s17+$0x11200] =	vst.msk vm1, v5;
	s16 =	sadd.s32 s18, s17  }
.LBB2_15:
0x151: {  	s14 =	sand.u32 $0xF, s16  }
0x152: {  	s15 =	sshra.s32 s16, $0x1F;
	p0 =	slt.s32 s16, $0x1;
	p1 =	sne.s32 s14, $0x0  }
.Ltmp8:
0x153: {  	s31 =	sshrl.u32 s15, $0x1C;
	p0 =	por !p0, !p1;
	(pc) =	sbr.rel .LBB2_16-.Ltmp8, $4  }
0x154: {  	s15 =	simm.s32 $0x1;
	s14 =	sadd.s32 s31, s16;
	p0 =	por !p0, !p0  }
0x155: {  	s14 =	sshra.s32 s14, $0x4;
	s15 =	simm.s32 @!p0 $0x0  }
0x156: {  	s15 =	ssub.s32 s14, s15  }
0x157: {  	[tilespmem:s16+$0x11200] =	vst v3;
	s14 =	sadd.s32 $0x1, s15;
	p0 =	slt.s32 s15, $0x0  }
.LBB2_17:
0x158: {  	v7 =	vimm.f32 $0.0e+00  }
.LBB2_23:
0x159: {  	(xrf2) =	vadd.scan.msk.f32 $0xffff, v6  }
0x15a: {  	(xrf2) =	vadd.scan.msk.f32 $0xffff, v7;
	_ =	sdelay $0x8  }
0x15b: {  	v6, _, _ =	vpop (xrf2)  }
0x15c: {  	v7, _, _ =	vpop (xrf2)  }
0x15d: {  	v7 =	vbroadcast v7, $0xF;
	_ =	sdelay $0x1  }
0x15e: {  	v8 =	vmax.f32 v7, $1.000000000e+00  }
0x15f: {  	(erf) = vrcp.f32 v8;
	_ =	sdelay $0x4  }
0x160: {  	v6 =	vbroadcast v6, $0xF;
	v7 =	vmul.f32 v7, v5;
	_ =	sdelay $0x1  }
0x161: {  	s13 =	sadd.s32 $0x1, s13;
	v7 =	vsub.f32 v6, v7  }
0x162: {  	p1 =	seq.s32 s13, $0x18;
	v6 =	vadd.f32 $-1.000000000e+00, v6  }
.Ltmp9:
0x163: {  	v7 =	vadd.f32 $-1.000000000e+00, v7;
	v8 =	vpop (erf);
	(pc) =	sbr.rel @p1 .LBB2_18-.Ltmp9, $4  }
0x164: {  	v6 =	vmul.f32 v8, v6  }
0x165: {  	vm1 =	vgt.f32 v7, $0.0e+00  }
0x166: {  	v4 =	vsel vm1, v4, v5;
	v3 =	vmax.f32 v3, v6  }
0x167: {  	v3 =	vmin.f32 v3, v4  }
.LBB2_16:
.Ltmp10:
0x168: {  	(pc) =	sbr.rel @p0 .LBB2_17-.Ltmp10, $3  }
0x169: {  	_ = 	snop  }
0x16a: {  	v5 =	vadd.f32 v4, v3;
	_ =	sdelay $0x1  }
0x16b: {  	s16 =	simm.s32 $0x11200;
	v6 =	vimm.f32 $0.0e+00;
	v5 =	vmul.f32 $5.000000000e-01, v5  }
0x16c: {  	v7 =	vld [tilespmem:s16+$0x0];
	p1 =	sne.s32 s14, $0x1  }
.Ltmp11:
0x16d: {  	_ = 	snop;
	(pc) =	sbr.rel @!p1 .LBB2_22-.Ltmp11, $2  }
0x16e: {  	_ =	sdelay $0x2  }
0x16f: {  	s15 =	sadd.s32 $0xFFFFFFFF, s14;
	s16 =	sadd.s32 $0x10, s16;
	v8 =	vimm.f32 $0.0e+00;
	vm1 =	vgt.f32 v7, v5  }
.LBB2_21:
0x170: {  	p1 =	sne.s32 s15, $0x1;
	s15 =	sadd.s32 $0xFFFFFFFF, s15;
	v9 =	vnsel vm1, $0x0, v7;
	v7 =	vld [tilespmem:s16+$0x0];
	v10 =	vsel vm1, $0x3F800000, v0  }
.Ltmp12:
0x171: {  	v6 =	vadd.f32 v9, v6;
	v8 =	vadd.f32 v10, v8;
	(pc) =	sbr.rel @p1 .LBB2_21-.Ltmp12, $2  }
0x172: {  	_ =	sdelay $0x2  }
0x173: {  	s16 =	sadd.s32 $0x10, s16;
	vm1 =	vgt.f32 v7, v5  }
.LBB2_22:
.Ltmp13:
0x174: {  	(pc) =	sbr.rel .LBB2_23-.Ltmp13, $4  }
0x175: {  	_ = 	snop  }
0x176: {  	v7 =	vnsel vm1, $0x0, v7  }
0x177: {  	v9 =	vsel vm1, $0x3F800000, v0;
	v6 =	vadd.f32 v7, v6  }
0x178: {  	v7 =	vadd.f32 v9, v8  }
.LBB2_18:
.Ltmp14:
0x179: {  	(pc) =	sbr.rel @p0 .LBB2_19-.Ltmp14, $2  }
0x17a: {  	_ =	sdelay $0x2  }
0x17b: {  	s15 =	simm.s32 $0x11200;
	v4 =	vimm.f32 $0.0e+00  }
0x17c: {  	v5 =	vld [tilespmem:s15+$0x0];
	p0 =	sne.s32 s14, $0x1  }
.Ltmp15:
0x17d: {  	_ = 	snop;
	(pc) =	sbr.rel @!p0 .LBB2_26-.Ltmp15, $2  }
0x17e: {  	_ =	sdelay $0x2  }
0x17f: {  	s13 =	sadd.s32 $0xFFFFFFFF, s14;
	s14 =	sadd.s32 $0x10, s15;
	v6 =	vimm.f32 $0.0e+00;
	vm1 =	vgt.f32 v5, v3  }
.LBB2_25:
0x180: {  	p0 =	sne.s32 s13, $0x1;
	s13 =	sadd.s32 $0xFFFFFFFF, s13;
	v7 =	vnsel vm1, $0x0, v5;
	v5 =	vld [tilespmem:s14+$0x0];
	v8 =	vsel vm1, $0x3F800000, v0  }
.Ltmp16:
0x181: {  	v4 =	vadd.f32 v7, v4;
	v6 =	vadd.f32 v8, v6;
	(pc) =	sbr.rel @p0 .LBB2_25-.Ltmp16, $2  }
0x182: {  	_ =	sdelay $0x2  }
0x183: {  	s14 =	sadd.s32 $0x10, s14;
	vm1 =	vgt.f32 v5, v3  }
.LBB2_26:
.Ltmp17:
0x184: {  	(pc) =	sbr.rel .LBB2_27-.Ltmp17, $3  }
0x185: {  	_ =	sdelay $0x1  }
0x186: {  	v5 =	vnsel vm1, $0x0, v5;
	v7 =	vsel vm1, $0x3F800000, v0  }
0x187: {  	v4 =	vadd.f32 v5, v4;
	v5 =	vadd.f32 v7, v6  }
.LBB2_19:
0x188: {  	v5 =	vimm.f32 $0.0e+00  }
.LBB2_27:
0x189: {  	_ = 	snop  }
0x18a: {  	(xrf2) =	vadd.scan.msk.f32 $0xffff, v4  }
0x18b: {  	(xrf2) =	vadd.scan.msk.f32 $0xffff, v5;
	_ =	sdelay $0x8  }
0x18c: {  	v4, _, _ =	vpop (xrf2)  }
0x18d: {  	v5, _, _ =	vpop (xrf2)  }
0x18e: {  	v5 =	vbroadcast v5, $0xF;
	_ =	sdelay $0x1  }
0x18f: {  	v6 =	vmax.f32 v5, $1.000000000e+00  }
0x190: {  	(erf) = vrcp.f32 v6;
	_ =	sdelay $0x5  }
0x191: {  	s13 =	simm.s32 $0x100;
	v4 =	vadd.f32 $-1.000000000e+00, v4  }
0x192: {  	v7 =	vld [tilespmem:s13+$0xFFFFFF00]  }
0x193: {  	v4 =	vbroadcast v4, $0xF;
	v6 =	vld [tilespmem:s13+$0x10]  }
0x194: {  	v9 =	vld [tilespmem:s13+$0x60];
	v8 =	vpop (erf)  }
0x195: {  	vm1 =	vgt.f32 v5, $0.0e+00;
	v5 =	vld [tilespmem:s13+$0x40];
	v4 =	vmul.f32 v8, v4  }
0x196: {  	v10 =	vld [tilespmem:s13+$0x70]  }
0x197: {  	v8 =	vld [tilespmem:s13+$0x50];
	v3 =	vsel vm1, v4, v3  }
0x198: {  	v4 =	vsub.f32 v6, v3;
	v6 =	vld [tilespmem:s13+$0xFFFFFF30]  }
0x199: {  	v11 =	vld [tilespmem:s13+$0x20];
	v7 =	vsub.f32 v7, v3  }
0x19a: {  	v12 =	vld [tilespmem:s13+$0x0];
	v5 =	vsub.f32 v5, v3  }
0x19b: {  	v13 =	vld [tilespmem:s13+$0x30];
	v7 =	vmax.f32 v7, $0.0e+00  }
0x19c: {  	v9 =	vsub.f32 v9, v3;
	v14 =	vsub.f32 v8, v3;
	v8 =	vld [tilespmem:s13+$0xFFFFFF50];
	[tilespmem:s13+$0xFFFFFF00] =	vst v7;
	v7 =	vmax.f32 v5, $0.0e+00  }
0x19d: {  	v4 =	vmax.f32 v4, $0.0e+00;
	[tilespmem:s13+$0x40] =	vst v7;
	v7 =	vld [tilespmem:s13+$0xFFFFFF70];
	v6 =	vsub.f32 v6, v3  }
0x19e: {  	v10 =	vsub.f32 v10, v3;
	v9 =	vmax.f32 v9, $0.0e+00;
	[tilespmem:s13+$0x10] =	vst v4;
	v5 =	vld [tilespmem:s13+$0xFFFFFF40]  }
0x19f: {  	v15 =	vsub.f32 v11, v3;
	v4 =	vld [tilespmem:s13+$0xFFFFFF10];
	[tilespmem:s13+$0x60] =	vst v9;
	v6 =	vmax.f32 v6, $0.0e+00  }
0x1a0: {  	v12 =	vsub.f32 v12, v3;
	v9 =	vld [tilespmem:s13+$0xFFFFFF60];
	[tilespmem:s13+$0xFFFFFF30] =	vst v6;
	v6 =	vmax.f32 v14, $0.0e+00;
	v14 =	vmax.f32 v10, $0.0e+00  }
0x1a1: {  	s14 =	simm.s32 $0x0;
	s15 =	simm.s32 $0x300;
	v11 =	vsub.f32 v13, v3;
	v13 =	vmax.f32 v15, $0.0e+00;
	v10 =	vld [tilespmem:s13+$0xFFFFFF20];
	[tilespmem:s13+$0x70] =	vst v14  }
.LBB2_28:
0x1a2: {  	v14 =	vld [tilespmem:s15+$0x10];
	s14 =	sadd.s32 $0x10, s14;
	v7 =	vsub.f32 v7, v3;
	v12 =	vmax.f32 v12, $0.0e+00;
	[tilespmem:s13+$0x20] =	vst v13  }
0x1a3: {  	v13 =	vld [tilespmem:s15+$0xFFFFFF00];
	p0 =	slt.u32 s14, $0x7F0;
	v5 =	vsub.f32 v5, v3;
	[tilespmem:s13+$0x0] =	vst v12  }
0x1a4: {  	v4 =	vsub.f32 v4, v3;
	v11 =	vmax.f32 v11, $0.0e+00;
	v12 =	vld [tilespmem:s15+$0x60];
	v8 =	vsub.f32 v8, v3;
	[tilespmem:s13+$0x50] =	vst v6  }
0x1a5: {  	v7 =	vmax.f32 v7, $0.0e+00;
	v6 =	vld [tilespmem:s15+$0x50];
	v5 =	vmax.f32 v5, $0.0e+00;
	v9 =	vsub.f32 v9, v3;
	[tilespmem:s13+$0x30] =	vst v11  }
0x1a6: {  	v4 =	vmax.f32 v4, $0.0e+00;
	v11 =	vld [tilespmem:s15+$0x40];
	v10 =	vsub.f32 v10, v3;
	v8 =	vmax.f32 v8, $0.0e+00;
	[tilespmem:s13+$0xFFFFFF70] =	vst v7  }
0x1a7: {  	v7 =	vsub.f32 v14, v3;
	v14 =	vld [tilespmem:s15+$0x70];
	[tilespmem:s13+$0xFFFFFF50] =	vst v8;
	v8 =	vmax.f32 v9, $0.0e+00  }
0x1a8: {  	v9 =	vsub.f32 v13, v3;
	v13 =	vld [tilespmem:s15+$0xFFFFFF30];
	v10 =	vmax.f32 v10, $0.0e+00;
	[tilespmem:s13+$0xFFFFFF60] =	vst v8  }
0x1a9: {  	v7 =	vmax.f32 v7, $0.0e+00;
	v15 =	vld [tilespmem:s15+$0x20];
	v8 =	vsub.f32 v12, v3;
	[tilespmem:s13+$0xFFFFFF20] =	vst v10  }
0x1aa: {  	v9 =	vmax.f32 v9, $0.0e+00;
	v10 =	vld [tilespmem:s15+$0x0];
	[tilespmem:s15+$0x10] =	vst v7;
	v6 =	vsub.f32 v6, v3  }
0x1ab: {  	v16 =	vld [tilespmem:s15+$0x30];
	v11 =	vsub.f32 v11, v3;
	[tilespmem:s13+$0xFFFFFF10] =	vst v4  }
0x1ac: {  	[tilespmem:s15+$0xFFFFFF00] =	vst v9;
	v7 =	vld [tilespmem:s15+$0xFFFFFF70];
	v6 =	vmax.f32 v6, $0.0e+00;
	v14 =	vsub.f32 v14, v3  }
.Ltmp18:
0x1ad: {  	v4 =	vld [tilespmem:s15+$0xFFFFFF10];
	v9 =	vsub.f32 v13, v3;
	v11 =	vmax.f32 v11, $0.0e+00;
	[tilespmem:s13+$0xFFFFFF40] =	vst v5;
	s13 =	smov.u32 s15;
	(pc) =	sbr.rel @p0 .LBB2_28-.Ltmp18, $4  }
0x1ae: {  	v5 =	vld [tilespmem:s15+$0xFFFFFF40];
	[tilespmem:s15+$0x40] =	vst v11;
	v11 =	vmax.f32 v8, $0.0e+00  }
0x1af: {  	v13 =	vsub.f32 v15, v3;
	v9 =	vmax.f32 v9, $0.0e+00;
	v8 =	vld [tilespmem:s15+$0xFFFFFF50];
	[tilespmem:s15+$0x60] =	vst v11  }
0x1b0: {  	v14 =	vmax.f32 v14, $0.0e+00;
	v12 =	vsub.f32 v10, v3;
	[tilespmem:s15+$0xFFFFFF30] =	vst v9;
	v9 =	vld [tilespmem:s15+$0xFFFFFF60];
	v11 =	vsub.f32 v16, v3  }
0x1b1: {  	v13 =	vmax.f32 v13, $0.0e+00;
	s15 =	sadd.s32 $0x200, s15;
	v10 =	vld [tilespmem:s13+$0xFFFFFF20];
	[tilespmem:s13+$0x70] =	vst v14  }
0x1b2: {  	[tilespmem:s13+$0x20] =	vst v13  }
0x1b3: {  	v12 =	vmax.f32 v12, $0.0e+00;
	v7 =	vsub.f32 v7, v3;
	[tilespmem:s13+$0x50] =	vst v6  }
0x1b4: {  	v11 =	vmax.f32 v11, $0.0e+00;
	v4 =	vsub.f32 v4, v3;
	[tilespmem:s13+$0x0] =	vst v12  }
0x1b5: {  	[tilespmem:s13+$0x30] =	vst v11;
	v8 =	vsub.f32 v8, v3;
	v7 =	vmax.f32 v7, $0.0e+00  }
0x1b6: {  	v4 =	vmax.f32 v4, $0.0e+00;
	v61 =	vsub.f32 v9, v3;
	[tilespmem:s13+$0xFFFFFF70] =	vst v7  }
0x1b7: {  	[tilespmem:s13+$0xFFFFFF10] =	vst v4;
	v62 =	vsub.f32 v10, v3;
	v8 =	vmax.f32 v8, $0.0e+00  }
0x1b8: {  	v3 =	vsub.f32 v5, v3;
	[tilespmem:s13+$0xFFFFFF50] =	vst v8;
	v6 =	vmax.f32 v61, $0.0e+00  }
0x1b9: {  	v63 =	vmax.f32 v62, $0.0e+00;
	[tilespmem:s13+$0xFFFFFF60] =	vst v6  }
0x1ba: {  	v3 =	vmax.f32 v3, $0.0e+00;
	[tilespmem:s13+$0xFFFFFF20] =	vst v63  }
0x1bb: {  	s17 =	simm.s32 $0x0;
	s14 =	simm.s32 $0x0;
	[tilespmem:s13+$0xFFFFFF40] =	vst v3;
	s13 =	simm.s32 $0x0  }
.LBB2_30:
0x1bc: {  	p0 =	seq.s32 s14, $0x7F80  }
.Ltmp19:
0x1bd: {  	_ = 	snop;
	(pc) =	sbr.rel @!p0 .LBB2_30-.Ltmp19, $4  }
0x1be: {  	_ = 	snop  }
0x1bf: {  	s15 =	sadd.s32 s14, s5  }
0x1c0: {  	[hbm4b:s15+s17] =	stream.linear.scatter [tilespmem:s13], [sflag:$0x3], $0x80, $0x38;
	[tilespmem:$0x19280] =	vst v63  }
0x1c1: {  	s14 =	sadd.s32 $0x80, s14;
	s13 =	sadd.s32 $0x100, s13  }
0x1c2: {  	s14 =	simm.s32 $0x100F0  }
0x1c3: {  	v3 =	vld [tilespmem:s14+$0xFFFFFF90]  }
0x1c4: {  	v4 =	vld [tilespmem:s14+$0xFFFFFFB0];
	_ =	sdelay $0x3  }
0x1c5: {  	vm1 =	vgt.f32 v3, $0.0e+00  }
0x1c6: {  	v5 =	vld [tilespmem:s14+$0xFFFFFFA0];
	vm2 =	vgt.f32 v4, $0.0e+00;
	v4 =	vmpcnt.ones.xlane vm1  }
0x1c7: {  	v6 =	vld [tilespmem:s14+$0xFFFFFFD0]  }
0x1c8: {  	v7 =	vld [tilespmem:s14+$0xFFFFFFC0];
	(v2sf) =	vpush v4, $0x0  }
0x1c9: {  	v8 =	vld [tilespmem:s14+$0xFFFFFFE0]  }
0x1ca: {  	v3 =	vld [tilespmem:s14+$0xFFFFFFF0];
	_ =	sdelay $0x1  }
0x1cb: {  	vm1 =	vgt.f32 v5, $0.0e+00;
	v5 =	vmpcnt.ones.xlane vm2  }
0x1cc: {  	vm2 =	vgt.f32 v6, $0.0e+00;
	v6 =	vmpcnt.ones.xlane vm1;
	vm1 =	vgt.f32 v7, $0.0e+00  }
0x1cd: {  	v7 =	vmpcnt.ones.xlane vm2;
	vm2 =	vgt.f32 v8, $0.0e+00;
	(v2sf) =	vpush v5, $0x0  }
0x1ce: {  	v63 =	vmpcnt.ones.xlane vm1;
	(v2sf) =	vpush v6, $0x0;
	vm1 =	vgt.f32 v3, $0.0e+00;
	v3 =	vld [tilespmem:s14+$0x0]  }
0x1cf: {  	v9 =	vmpcnt.ones.xlane vm2;
	(v2sf) =	vpush v7, $0x0  }
0x1d0: {  	v10 =	vmpcnt.ones.xlane vm1;
	(v2sf) =	vpush v63, $0x0  }
0x1d1: {  	(v2sf) =	vpush v9, $0x0  }
0x1d2: {  	(v2sf) =	vpush v10, $0x0  }
0x1d3: {  	vm3 =	vgt.f32 v3, $0.0e+00  }
0x1d4: {  	v3 =	vmpcnt.ones.xlane vm3;
	_ =	sdelay $0x1  }
0x1d5: {  	s23 =	spop (v2sf);
	(v2sf) =	vpush v3, $0x0;
	_ =	sdelay $0x2  }
0x1d6: {  	s13 =	simm.s32 $0x7;
	s18 =	simm.s32 $0x0;
	s15 =	simm.s32 $0x101F0  }
0x1d7: {  	s20 =	simm.s32 $0x4;
	s21 =	simm.s32 $0x5;
	s16 =	simm.s32 $0x6  }
0x1d8: {  	s19 =	simm.s32 $0x2;
	s22 =	simm.s32 $0x3;
	s24 =	simm.s32 $0x1  }
0x1d9: {  	s14 =	simm.s32 $0xF;
	p0 =	slt.s32 s23, $0x1;
	s25 =	spop (v2sf)  }
0x1da: {  	v11 =	vmov s18;
	s23 =	simm.s32 @!p0 $0x1;
	p0 =	slt.s32 s25, $0x1;
	s26 =	spop (v2sf)  }
0x1db: {  	vm2 =	vgt.s32 v6, $0x0;
	vm5 =	vgt.s32 v7, $0x0;
	vm1 =	vgt.s32 v4, $0x0;
	p1 =	slt.s32 s26, $0x1;
	s25 =	simm.s32 @!p0 $0x1;
	s18 =	spop (v2sf)  }
0x1dc: {  	vm4 =	vgt.s32 v63, $0x0;
	vm6 =	vgt.s32 v9, $0x0;
	vm1 =	vmand vm1, vm0;
	s23 =	sadd.s32 $0x0, s23;
	s26 =	simm.s32 @!p1 $0x1;
	s28 =	spop (v2sf)  }
0x1dd: {  	vm2 =	vmand vm2, vm0;
	v4 =	vmov s24;
	[tilespmem:s17+$0x11100] =	vst.msk vm1, v11;
	vm3 =	vgt.s32 v5, $0x0;
	p2 =	slt.s32 s18, $0x1;
	s30 =	sadd.s32 s26, s23;
	s17 =	spop (v2sf)  }
0x1de: {  	vm1 =	vgt.s32 v10, $0x0;
	vm3 =	vmand vm3, vm0;
	[tilespmem:s23+$0x11100] =	vst.msk vm2, v4;
	v4 =	vmov s19;
	p0 =	slt.s32 s28, $0x1;
	s18 =	simm.s32 @!p2 $0x1;
	s19 =	spop (v2sf)  }
0x1df: {  	v5 =	vmov s22;
	vm2 =	vmand vm6, vm0;
	s31 =	sadd.s32 s25, s30;
	[tilespmem:s30+$0x11100] =	vst.msk vm3, v4;
	vm3 =	vmand vm4, vm0;
	s28 =	simm.s32 @!p0 $0x1;
	p0 =	slt.s32 s19, $0x1  }
0x1e0: {  	p1 =	slt.s32 s17, $0x1;
	v4 =	vmov s21;
	[tilespmem:s31+$0x11100] =	vst.msk vm3, v5;
	v5 =	vmov s20;
	vm3 =	vmand vm5, vm0;
	s20 =	sadd.s32 s28, s31;
	s19 =	simm.s32 @!p0 $0x1  }
.LBB2_32:
0x1e1: {  	s18 =	sadd.s32 s18, s20  }
0x1e2: {  	[tilespmem:s20+$0x11100] =	vst.msk vm3, v5;
	s17 =	simm.s32 @!p1 $0x1;
	s20 =	spop (v2sf);
	s21 =	smov.u32 s14  }
0x1e3: {  	p0 =	seq.s32 s14, $0x7F;
	vm1 =	vmand vm1, vm0;
	[tilespmem:s18+$0x11100] =	vst.msk vm2, v4;
	s17 =	sadd.s32 s17, s18;
	v4 =	vmov s16;
	vm2 =	vgt.s32 v3, $0x0;
	p1 =	slt.s32 s20, $0x1  }
0x1e4: {  	s14 =	sadd.s32 $0x8, s14;
	v3 =	vmov s13;
	[tilespmem:s17+$0x11100] =	vst.msk vm1, v4;
	s16 =	sadd.s32 s19, s17;
	vm1 =	vmand vm2, vm0;
	s20 =	simm.s32 @!p1 $0x1  }
0x1e5: {  	s13 =	smov.u32 s21;
	[tilespmem:s16+$0x11100] =	vst.msk vm1, v3;
	s17 =	sadd.s32 s20, s16  }
0x1e6: {  	v3 =	vld [tilespmem:s15+$0xFFFFFF90]  }
0x1e7: {  	v4 =	vld [tilespmem:s15+$0xFFFFFFB0]  }
0x1e8: {  	v5 =	vld [tilespmem:s15+$0xFFFFFFA0]  }
0x1e9: {  	v6 =	vld [tilespmem:s15+$0xFFFFFFD0]  }
0x1ea: {  	v7 =	vld [tilespmem:s15+$0xFFFFFFC0]  }
0x1eb: {  	v8 =	vld [tilespmem:s15+$0xFFFFFFE0];
	vm1 =	vgt.f32 v3, $0.0e+00  }
0x1ec: {  	s16 =	sadd.s32 $0xFFFFFFF9, s13;
	v3 =	vld [tilespmem:s15+$0xFFFFFFF0];
	vm2 =	vgt.f32 v4, $0.0e+00;
	v4 =	vmpcnt.ones.xlane vm1  }
0x1ed: {  	v9 =	vmov s16;
	vm1 =	vgt.f32 v5, $0.0e+00;
	v5 =	vmpcnt.ones.xlane vm2  }
0x1ee: {  	vm2 =	vgt.f32 v6, $0.0e+00;
	v6 =	vmpcnt.ones.xlane vm1;
	(v2sf) =	vpush v4, $0x0  }
0x1ef: {  	v10 =	vld [tilespmem:s15+$0x0];
	vm1 =	vgt.f32 v7, $0.0e+00;
	v7 =	vmpcnt.ones.xlane vm2;
	(v2sf) =	vpush v5, $0x0  }
0x1f0: {  	vm2 =	vgt.f32 v8, $0.0e+00;
	v8 =	vmpcnt.ones.xlane vm1;
	(v2sf) =	vpush v6, $0x0  }
0x1f1: {  	vm1 =	vgt.f32 v3, $0.0e+00;
	v11 =	vmpcnt.ones.xlane vm2;
	(v2sf) =	vpush v7, $0x0  }
0x1f2: {  	vm5 =	vgt.s32 v6, $0x0;
	v12 =	vmpcnt.ones.xlane vm1;
	(v2sf) =	vpush v8, $0x0  }
0x1f3: {  	vm1 =	vgt.s32 v4, $0x0;
	vm3 =	vgt.s32 v8, $0x0;
	(v2sf) =	vpush v11, $0x0  }
0x1f4: {  	vm1 =	vmand vm1, vm0;
	vm2 =	vgt.f32 v10, $0.0e+00;
	(v2sf) =	vpush v12, $0x0  }
0x1f5: {  	vm6 =	vgt.s32 v5, $0x0;
	vm4 =	vgt.s32 v7, $0x0;
	v3 =	vmpcnt.ones.xlane vm2;
	[tilespmem:s17+$0x11100] =	vst.msk vm1, v9  }
0x1f6: {  	vm2 =	vgt.s32 v11, $0x0;
	vm1 =	vgt.s32 v12, $0x0  }
0x1f7: {  	vm2 =	vmand vm2, vm0;
	(v2sf) =	vpush v3, $0x0;
	_ =	sdelay $0x3  }
0x1f8: {  	s15 =	sadd.s32 $0x100, s15  }
0x1f9: {  	s18 =	sadd.s32 $0xFFFFFFFE, s13;
	s20 =	sadd.s32 $0xFFFFFFFD, s13;
	s16 =	sadd.s32 $0xFFFFFFFF, s13  }
0x1fa: {  	s19 =	sadd.s32 $0xFFFFFFFB, s13;
	s21 =	sadd.s32 $0xFFFFFFFC, s13;
	v4 =	vmov s18;
	s22 =	spop (v2sf)  }
0x1fb: {  	s23 =	sadd.s32 $0xFFFFFFFA, s13;
	p1 =	slt.s32 s22, $0x1;
	s24 =	spop (v2sf)  }
0x1fc: {  	s25 =	spop (v2sf)  }
0x1fd: {  	s22 =	simm.s32 @!p1 $0x1;
	p1 =	slt.s32 s24, $0x1;
	p2 =	slt.s32 s25, $0x1  }
0x1fe: {  	s24 =	simm.s32 @!p1 $0x1;
	s18 =	spop (v2sf);
	s17 =	sadd.s32 s17, s22  }
.Ltmp20:
0x1ff: {  	v5 =	vmov s23;
	vm5 =	vmand vm5, vm0;
	s25 =	simm.s32 @!p2 $0x1;
	s22 =	spop (v2sf);
	(pc) =	sbr.rel @!p0 .LBB2_32-.Ltmp20, $4  }
0x200: {  	[tilespmem:s17+$0x11100] =	vst.msk vm5, v5;
	s23 =	sadd.s32 s25, s17;
	v5 =	vmov s19;
	vm5 =	vmand vm6, vm0;
	p1 =	slt.s32 s22, $0x1;
	s17 =	spop (v2sf)  }
0x201: {  	vm3 =	vmand vm3, vm0;
	p2 =	slt.s32 s18, $0x1;
	[tilespmem:s23+$0x11100] =	vst.msk vm5, v5;
	s23 =	sadd.s32 s24, s23;
	v5 =	vmov s21;
	s19 =	spop (v2sf)  }
0x202: {  	s22 =	simm.s32 @!p1 $0x1;
	p1 =	slt.s32 s17, $0x1;
	[tilespmem:s23+$0x11100] =	vst.msk vm3, v5;
	v5 =	vmov s20;
	vm3 =	vmand vm4, vm0;
	p3 =	slt.s32 s19, $0x1  }
0x203: {  	s18 =	simm.s32 @!p2 $0x1;
	s20 =	sadd.s32 s22, s23;
	s19 =	simm.s32 @!p3 $0x1  }
0x204: {  	[tilespmem:s20+$0x11100] =	vst.msk vm3, v5;
	s14 =	sadd.s32 s18, s20;
	s17 =	simm.s32 @!p1 $0x1;
	s15 =	spop (v2sf)  }
0x205: {  	v63 =	vmov s16;
	vm1 =	vmand vm1, vm0;
	[tilespmem:s14+$0x11100] =	vst.msk vm2, v4;
	s14 =	sadd.s32 s17, s14;
	vm2 =	vgt.s32 v3, $0x0;
	p0 =	slt.s32 s15, $0x1  }
0x206: {  	v3 =	vmov s13;
	[tilespmem:s14+$0x11100] =	vst.msk vm1, v63;
	s14 =	sadd.s32 s19, s14;
	vm1 =	vmand vm2, vm0;
	s15 =	simm.s32 @!p0 $0x1  }
0x207: {  	[tilespmem:s14+$0x11100] =	vst.msk vm1, v3;
	s14 =	sadd.s32 s15, s14  }
0x208: {  	p0 =	sgt.s32 s14, $0x0  }
.Ltmp21:
0x209: {  	_ = 	snop;
	(pc) =	sbr.rel @!p0 .LBB2_37-.Ltmp21, $2  }
0x20a: {  	_ =	sdelay $0x2  }
0x20b: {  	s16 =	simm.s32 $0x0;
	s13 =	simm.s32 $0x0;
	s15 =	simm.s32 $0x11100  }
0x20c: {  	v3 =	vld [tilespmem:s15+$0x0];
	_ =	sdelay $0x4  }
0x20d: {  	(v2sf) =	vpush v3, $0x0;
	_ =	sdelay $0xe  }
0x20e: {  	s16 =	spop (v2sf)  }
0x20f: {  	s16 =	sshll.u32 s16, $0xB  }
0x210: {  	s16 =	sshra.s32 s16, $0x2  }
0x211: {  	v3 =	vld [tilespmem:s16+$0x80]  }
0x212: {  	v4 =	vld [tilespmem:s16+$0x90]  }
0x213: {  	v5 =	vld [tilespmem:s16+$0xA0]  }
0x214: {  	v6 =	vld [tilespmem:s16+$0xB0]  }
0x215: {  	v7 =	vld [tilespmem:s16+$0xC0]  }
0x216: {  	v8 =	vld [tilespmem:s16+$0xD0];
	vm1 =	vgt.f32 v3, v1  }
0x217: {  	v9 =	vld [tilespmem:s16+$0xE0];
	vm2 =	vgt.f32 v4, v1;
	v10 =	vmpcnt.ones.xlane vm1  }
0x218: {  	vm3 =	vgt.f32 v5, v1;
	v11 =	vmpcnt.ones.xlane vm2  }
0x219: {  	vm4 =	vgt.f32 v6, v1;
	v12 =	vmpcnt.ones.xlane vm3;
	(v2sf) =	vpush v10, $0x0  }
0x21a: {  	vm5 =	vgt.f32 v7, v1;
	v52 =	vmpcnt.ones.xlane vm4;
	(v2sf) =	vpush v11, $0x0  }
0x21b: {  	vm6 =	vgt.f32 v8, v1;
	v53 =	vmpcnt.ones.xlane vm5;
	(v2sf) =	vpush v12, $0x0  }
0x21c: {  	vm7 =	vgt.f32 v9, v1;
	v54 =	vmpcnt.ones.xlane vm6;
	(v2sf) =	vpush v52, $0x0  }
0x21d: {  	v55 =	vmpcnt.ones.xlane vm7;
	(v2sf) =	vpush v53, $0x0  }
0x21e: {  	(v2sf) =	vpush v54, $0x0  }
0x21f: {  	(v2sf) =	vpush v55, $0x0;
	_ =	sdelay $0x8  }
0x220: {  	s17 =	spop (v2sf)  }
0x221: {  	v56 =	vld [tilespmem:s16+$0xF0];
	[tilespmem:s13+$0x11200] =	vst.msk vm1, v3;
	s17 =	sadd.s32 s13, s17;
	s18 =	spop (v2sf)  }
0x222: {  	[tilespmem:s17+$0x11200] =	vst.msk vm2, v4;
	s17 =	sadd.s32 s18, s17;
	s31 =	spop (v2sf)  }
0x223: {  	[tilespmem:s17+$0x11200] =	vst.msk vm3, v5;
	s17 =	sadd.s32 s31, s17;
	s19 =	spop (v2sf)  }
0x224: {  	[tilespmem:s17+$0x11200] =	vst.msk vm4, v6;
	s17 =	sadd.s32 s19, s17;
	s20 =	spop (v2sf)  }
0x225: {  	[tilespmem:s17+$0x11200] =	vst.msk vm5, v7;
	s17 =	sadd.s32 s20, s17;
	s21 =	spop (v2sf)  }
0x226: {  	[tilespmem:s17+$0x11200] =	vst.msk vm6, v8;
	s17 =	sadd.s32 s21, s17;
	s22 =	spop (v2sf)  }
0x227: {  	vm1 =	vgt.f32 v56, v1;
	[tilespmem:s17+$0x11200] =	vst.msk vm7, v9;
	s17 =	sadd.s32 s22, s17  }
0x228: {  	[tilespmem:s17+$0x11200] =	vst.msk vm1, v56  }
0x229: {  	v4 =	vld [tilespmem:s16+$0x180]  }
0x22a: {  	v5 =	vld [tilespmem:s16+$0x190]  }
0x22b: {  	v6 =	vld [tilespmem:s16+$0x1A0]  }
0x22c: {  	v7 =	vld [tilespmem:s16+$0x1B0];
	_ =	sdelay $0x1  }
0x22d: {  	v3 =	vmpcnt.ones.xlane vm1;
	vm12 =	vgt.f32 v4, v1  }
0x22e: {  	vm13 =	vgt.f32 v5, v1;
	v57 =	vmpcnt.ones.xlane vm12  }
0x22f: {  	(v2sf) =	vpush v3, $0x0;
	v8 =	vld [tilespmem:s16+$0x1C0];
	vm14 =	vgt.f32 v6, v1;
	v58 =	vmpcnt.ones.xlane vm13  }
0x230: {  	v9 =	vld [tilespmem:s16+$0x1D0];
	vm15 =	vgt.f32 v7, v1;
	v13 =	vmpcnt.ones.xlane vm14;
	(v2sf) =	vpush v57, $0x0  }
0x231: {  	v10 =	vld [tilespmem:s16+$0x1E0];
	v59 =	vmpcnt.ones.xlane vm15;
	(v2sf) =	vpush v58, $0x0  }
0x232: {  	v3 =	vld [tilespmem:s16+$0x1F0];
	(v2sf) =	vpush v13, $0x0  }
0x233: {  	(v2sf) =	vpush v59, $0x0  }
0x234: {  	vm8 =	vgt.f32 v8, v1  }
0x235: {  	vm2 =	vgt.f32 v9, v1;
	v60 =	vmpcnt.ones.xlane vm8  }
0x236: {  	vm3 =	vgt.f32 v10, v1;
	v61 =	vmpcnt.ones.xlane vm2  }
0x237: {  	vm1 =	vgt.f32 v3, v1;
	v62 =	vmpcnt.ones.xlane vm3;
	(v2sf) =	vpush v60, $0x0  }
0x238: {  	v63 =	vmpcnt.ones.xlane vm1;
	(v2sf) =	vpush v61, $0x0  }
0x239: {  	(v2sf) =	vpush v62, $0x0  }
0x23a: {  	(v2sf) =	vpush v63, $0x0;
	_ =	sdelay $0x3  }
0x23b: {  	s23 =	spop (v2sf)  }
0x23c: {  	s16 =	sadd.s32 s23, s17;
	s24 =	spop (v2sf)  }
0x23d: {  	[tilespmem:s16+$0x11200] =	vst.msk vm12, v4;
	s16 =	sadd.s32 s16, s24;
	s25 =	spop (v2sf)  }
0x23e: {  	[tilespmem:s16+$0x11200] =	vst.msk vm13, v5;
	s16 =	sadd.s32 s25, s16;
	s26 =	spop (v2sf)  }
0x23f: {  	[tilespmem:s16+$0x11200] =	vst.msk vm14, v6;
	s16 =	sadd.s32 s26, s16;
	s28 =	spop (v2sf)  }
0x240: {  	[tilespmem:s16+$0x11200] =	vst.msk vm15, v7;
	s17 =	sadd.s32 s28, s16;
	s16 =	sadd.s32 $0x1, s13  }
0x241: {  	p0 =	slt.s32 s16, s14  }
.Ltmp22:
0x242: {  	_ = 	snop;
	(pc) =	sbr.rel @!p0 .LBB2_36-.Ltmp22, $4  }
0x243: {  	s29 =	spop (v2sf)  }
0x244: {  	[tilespmem:s17+$0x11200] =	vst.msk vm8, v8;
	s17 =	sadd.s32 s29, s17;
	s30 =	spop (v2sf)  }
0x245: {  	[tilespmem:s17+$0x11200] =	vst.msk vm2, v9;
	s17 =	sadd.s32 s30, s17;
	s31 =	spop (v2sf)  }
0x246: {  	[tilespmem:s17+$0x11200] =	vst.msk vm3, v10;
	s17 =	sadd.s32 s31, s17;
	s18 =	spop (v2sf)  }
.LBB2_35:
0x247: {  	s16 =	sadd.s32 $0x1, s16;
	[tilespmem:s17+$0x11200] =	vst.msk vm1, v3;
	s18 =	sadd.s32 s18, s17;
	s15 =	sadd.s32 $0x1, s15  }
0x248: {  	v3 =	vld [tilespmem:s15+$0x0];
	p0 =	slt.s32 s16, s14;
	_ =	sdelay $0x4  }
0x249: {  	(v2sf) =	vpush v3, $0x0;
	_ =	sdelay $0xe  }
0x24a: {  	s17 =	spop (v2sf)  }
0x24b: {  	s17 =	sshll.u32 s17, $0xB  }
0x24c: {  	s17 =	sshra.s32 s17, $0x2  }
0x24d: {  	v3 =	vld [tilespmem:s17+$0x80]  }
0x24e: {  	v4 =	vld [tilespmem:s17+$0x90]  }
0x24f: {  	v5 =	vld [tilespmem:s17+$0xA0]  }
0x250: {  	v6 =	vld [tilespmem:s17+$0xB0]  }
0x251: {  	v7 =	vld [tilespmem:s17+$0xC0]  }
0x252: {  	v8 =	vld [tilespmem:s17+$0xD0];
	vm7 =	vgt.f32 v3, v1  }
0x253: {  	v9 =	vld [tilespmem:s17+$0xE0];
	vm6 =	vgt.f32 v4, v1;
	v10 =	vmpcnt.ones.xlane vm7  }
0x254: {  	vm5 =	vgt.f32 v5, v1;
	v11 =	vmpcnt.ones.xlane vm6  }
0x255: {  	vm1 =	vgt.f32 v6, v1;
	v12 =	vmpcnt.ones.xlane vm5;
	(v2sf) =	vpush v10, $0x0  }
0x256: {  	vm2 =	vgt.f32 v7, v1;
	v10 =	vmpcnt.ones.xlane vm1;
	(v2sf) =	vpush v11, $0x0  }
0x257: {  	vm3 =	vgt.f32 v8, v1;
	v11 =	vmpcnt.ones.xlane vm2;
	(v2sf) =	vpush v12, $0x0  }
0x258: {  	vm4 =	vgt.f32 v9, v1;
	v12 =	vmpcnt.ones.xlane vm3;
	(v2sf) =	vpush v10, $0x0  }
0x259: {  	v10 =	vmpcnt.ones.xlane vm4;
	(v2sf) =	vpush v11, $0x0  }
0x25a: {  	(v2sf) =	vpush v12, $0x0  }
0x25b: {  	(v2sf) =	vpush v10, $0x0  }
0x25c: {  	v10 =	vld [tilespmem:s17+$0xF0];
	_ =	sdelay $0x4  }
0x25d: {  	vm8 =	vgt.f32 v10, v1  }
0x25e: {  	v11 =	vmpcnt.ones.xlane vm8;
	_ =	sdelay $0x1  }
0x25f: {  	s19 =	spop (v2sf);
	(v2sf) =	vpush v11, $0x0  }
0x260: {  	[tilespmem:s18+$0x11200] =	vst.msk vm7, v3;
	s18 =	sadd.s32 s18, s19;
	s19 =	spop (v2sf)  }
0x261: {  	[tilespmem:s18+$0x11200] =	vst.msk vm6, v4;
	s18 =	sadd.s32 s19, s18;
	s19 =	spop (v2sf)  }
0x262: {  	[tilespmem:s18+$0x11200] =	vst.msk vm5, v5;
	s18 =	sadd.s32 s19, s18;
	s19 =	spop (v2sf)  }
0x263: {  	[tilespmem:s18+$0x11200] =	vst.msk vm1, v6;
	s18 =	sadd.s32 s19, s18;
	s19 =	spop (v2sf)  }
0x264: {  	[tilespmem:s18+$0x11200] =	vst.msk vm2, v7;
	s18 =	sadd.s32 s19, s18;
	s19 =	spop (v2sf)  }
0x265: {  	[tilespmem:s18+$0x11200] =	vst.msk vm3, v8;
	s18 =	sadd.s32 s19, s18;
	s19 =	spop (v2sf)  }
0x266: {  	[tilespmem:s18+$0x11200] =	vst.msk vm4, v9;
	s18 =	sadd.s32 s19, s18  }
0x267: {  	[tilespmem:s18+$0x11200] =	vst.msk vm8, v10  }
0x268: {  	v4 =	vld [tilespmem:s17+$0x180]  }
0x269: {  	v5 =	vld [tilespmem:s17+$0x190]  }
0x26a: {  	v6 =	vld [tilespmem:s17+$0x1A0]  }
0x26b: {  	v7 =	vld [tilespmem:s17+$0x1B0]  }
0x26c: {  	v8 =	vld [tilespmem:s17+$0x1C0]  }
0x26d: {  	v9 =	vld [tilespmem:s17+$0x1D0];
	vm1 =	vgt.f32 v4, v1  }
0x26e: {  	v10 =	vld [tilespmem:s17+$0x1E0];
	vm2 =	vgt.f32 v5, v1;
	v11 =	vmpcnt.ones.xlane vm1;
	s19 =	spop (v2sf)  }
0x26f: {  	s18 =	sadd.s32 s19, s18;
	v3 =	vld [tilespmem:s17+$0x1F0];
	vm4 =	vgt.f32 v6, v1;
	v12 =	vmpcnt.ones.xlane vm2  }
0x270: {  	vm3 =	vgt.f32 v7, v1;
	v13 =	vmpcnt.ones.xlane vm4;
	[tilespmem:s18+$0x11200] =	vst.msk vm1, v4;
	(v2sf) =	vpush v11, $0x0  }
0x271: {  	vm5 =	vgt.f32 v8, v1;
	v4 =	vmpcnt.ones.xlane vm3;
	(v2sf) =	vpush v12, $0x0  }
0x272: {  	vm6 =	vgt.f32 v9, v1;
	v11 =	vmpcnt.ones.xlane vm5;
	(v2sf) =	vpush v13, $0x0  }
0x273: {  	vm7 =	vgt.f32 v10, v1;
	v12 =	vmpcnt.ones.xlane vm6;
	(v2sf) =	vpush v4, $0x0  }
0x274: {  	vm1 =	vgt.f32 v3, v1;
	v4 =	vmpcnt.ones.xlane vm7;
	(v2sf) =	vpush v11, $0x0  }
0x275: {  	v11 =	vmpcnt.ones.xlane vm1;
	(v2sf) =	vpush v12, $0x0  }
0x276: {  	(v2sf) =	vpush v4, $0x0  }
0x277: {  	(v2sf) =	vpush v11, $0x0;
	_ =	sdelay $0x7  }
0x278: {  	s17 =	spop (v2sf)  }
0x279: {  	s17 =	sadd.s32 s18, s17;
	s18 =	spop (v2sf)  }
0x27a: {  	[tilespmem:s17+$0x11200] =	vst.msk vm2, v5;
	s17 =	sadd.s32 s18, s17;
	s18 =	spop (v2sf)  }
.Ltmp23:
0x27b: {  	[tilespmem:s17+$0x11200] =	vst.msk vm4, v6;
	s17 =	sadd.s32 s18, s17;
	s18 =	spop (v2sf);
	(pc) =	sbr.rel @p0 .LBB2_35-.Ltmp23, $4  }
0x27c: {  	[tilespmem:s17+$0x11200] =	vst.msk vm3, v7;
	s17 =	sadd.s32 s18, s17;
	s18 =	spop (v2sf)  }
0x27d: {  	[tilespmem:s17+$0x11200] =	vst.msk vm5, v8;
	s17 =	sadd.s32 s18, s17;
	s18 =	spop (v2sf)  }
0x27e: {  	[tilespmem:s17+$0x11200] =	vst.msk vm6, v9;
	s17 =	sadd.s32 s18, s17;
	s18 =	spop (v2sf)  }
0x27f: {  	[tilespmem:s17+$0x11200] =	vst.msk vm7, v10;
	s17 =	sadd.s32 s18, s17;
	s18 =	spop (v2sf)  }
.LBB2_36:
0x280: {  	[tilespmem:s17+$0x11200] =	vst.msk vm1, v3;
	s16 =	sadd.s32 s18, s17  }
.LBB2_37:
0x281: {  	s14 =	sand.u32 $0xF, s16  }
0x282: {  	s15 =	sshra.s32 s16, $0x1F;
	p0 =	slt.s32 s16, $0x1;
	p1 =	sne.s32 s14, $0x0  }
.Ltmp24:
0x283: {  	s31 =	sshrl.u32 s15, $0x1C;
	p0 =	por !p0, !p1;
	(pc) =	sbr.rel .LBB2_38-.Ltmp24, $4  }
0x284: {  	s15 =	simm.s32 $0x1;
	s14 =	sadd.s32 s31, s16;
	p0 =	por !p0, !p0  }
0x285: {  	s14 =	sshra.s32 s14, $0x4;
	s15 =	simm.s32 @!p0 $0x0  }
0x286: {  	s15 =	ssub.s32 s14, s15  }
0x287: {  	[tilespmem:s16+$0x11200] =	vst v1;
	s14 =	sadd.s32 $0x1, s15;
	p0 =	slt.s32 s15, $0x0  }
.LBB2_39:
0x288: {  	v5 =	vimm.f32 $0.0e+00  }
.LBB2_45:
0x289: {  	(xrf2) =	vadd.scan.msk.f32 $0xffff, v4  }
0x28a: {  	(xrf2) =	vadd.scan.msk.f32 $0xffff, v5;
	_ =	sdelay $0x8  }
0x28b: {  	v4, _, _ =	vpop (xrf2)  }
0x28c: {  	v5, _, _ =	vpop (xrf2)  }
0x28d: {  	v5 =	vbroadcast v5, $0xF;
	_ =	sdelay $0x1  }
0x28e: {  	v6 =	vmax.f32 v5, $1.000000000e+00  }
0x28f: {  	(erf) = vrcp.f32 v6;
	_ =	sdelay $0x4  }
0x290: {  	v4 =	vbroadcast v4, $0xF;
	v5 =	vmul.f32 v5, v3;
	_ =	sdelay $0x1  }
0x291: {  	s13 =	sadd.s32 $0x1, s13;
	v5 =	vsub.f32 v4, v5  }
0x292: {  	p1 =	seq.s32 s13, $0x18;
	v4 =	vadd.f32 $-1.000000000e+00, v4  }
.Ltmp25:
0x293: {  	v5 =	vadd.f32 $-1.000000000e+00, v5;
	v6 =	vpop (erf);
	(pc) =	sbr.rel @p1 .LBB2_40-.Ltmp25, $4  }
0x294: {  	v4 =	vmul.f32 v6, v4  }
0x295: {  	vm1 =	vgt.f32 v5, $0.0e+00  }
0x296: {  	v2 =	vsel vm1, v2, v3;
	v1 =	vmax.f32 v1, v4  }
0x297: {  	v1 =	vmin.f32 v1, v2  }
.LBB2_38:
.Ltmp26:
0x298: {  	(pc) =	sbr.rel @p0 .LBB2_39-.Ltmp26, $3  }
0x299: {  	_ = 	snop  }
0x29a: {  	v3 =	vadd.f32 v2, v1;
	_ =	sdelay $0x1  }
0x29b: {  	s16 =	simm.s32 $0x11200;
	v4 =	vimm.f32 $0.0e+00;
	v3 =	vmul.f32 $5.000000000e-01, v3  }
0x29c: {  	v5 =	vld [tilespmem:s16+$0x0];
	p1 =	sne.s32 s14, $0x1  }
.Ltmp27:
0x29d: {  	_ = 	snop;
	(pc) =	sbr.rel @!p1 .LBB2_44-.Ltmp27, $2  }
0x29e: {  	_ =	sdelay $0x2  }
0x29f: {  	s15 =	sadd.s32 $0xFFFFFFFF, s14;
	s16 =	sadd.s32 $0x10, s16;
	v6 =	vimm.f32 $0.0e+00;
	vm1 =	vgt.f32 v5, v3  }
.LBB2_43:
0x2a0: {  	p1 =	sne.s32 s15, $0x1;
	s15 =	sadd.s32 $0xFFFFFFFF, s15;
	v7 =	vnsel vm1, $0x0, v5;
	v5 =	vld [tilespmem:s16+$0x0];
	v8 =	vsel vm1, $0x3F800000, v0  }
.Ltmp28:
0x2a1: {  	v4 =	vadd.f32 v7, v4;
	v6 =	vadd.f32 v8, v6;
	(pc) =	sbr.rel @p1 .LBB2_43-.Ltmp28, $2  }
0x2a2: {  	_ =	sdelay $0x2  }
0x2a3: {  	s16 =	sadd.s32 $0x10, s16;
	vm1 =	vgt.f32 v5, v3  }
.LBB2_44:
.Ltmp29:
0x2a4: {  	(pc) =	sbr.rel .LBB2_45-.Ltmp29, $4  }
0x2a5: {  	_ = 	snop  }
0x2a6: {  	v5 =	vnsel vm1, $0x0, v5  }
0x2a7: {  	v7 =	vsel vm1, $0x3F800000, v0;
	v4 =	vadd.f32 v5, v4  }
0x2a8: {  	v5 =	vadd.f32 v7, v6  }
.LBB2_40:
.Ltmp30:
0x2a9: {  	(pc) =	sbr.rel @p0 .LBB2_41-.Ltmp30, $2  }
0x2aa: {  	_ =	sdelay $0x2  }
0x2ab: {  	s15 =	simm.s32 $0x11200;
	v2 =	vimm.f32 $0.0e+00  }
0x2ac: {  	v3 =	vld [tilespmem:s15+$0x0];
	p0 =	sne.s32 s14, $0x1  }
.Ltmp31:
0x2ad: {  	_ = 	snop;
	(pc) =	sbr.rel @!p0 .LBB2_48-.Ltmp31, $2  }
0x2ae: {  	_ =	sdelay $0x2  }
0x2af: {  	s13 =	sadd.s32 $0xFFFFFFFF, s14;
	s14 =	sadd.s32 $0x10, s15;
	v4 =	vimm.f32 $0.0e+00;
	vm1 =	vgt.f32 v3, v1  }
.LBB2_47:
0x2b0: {  	p0 =	sne.s32 s13, $0x1;
	s13 =	sadd.s32 $0xFFFFFFFF, s13;
	v5 =	vnsel vm1, $0x0, v3;
	v3 =	vld [tilespmem:s14+$0x0];
	v6 =	vsel vm1, $0x3F800000, v0  }
.Ltmp32:
0x2b1: {  	v2 =	vadd.f32 v5, v2;
	v4 =	vadd.f32 v6, v4;
	(pc) =	sbr.rel @p0 .LBB2_47-.Ltmp32, $2  }
0x2b2: {  	_ =	sdelay $0x2  }
0x2b3: {  	s14 =	sadd.s32 $0x10, s14;
	vm1 =	vgt.f32 v3, v1  }
.LBB2_48:
.Ltmp33:
0x2b4: {  	(pc) =	sbr.rel .LBB2_49-.Ltmp33, $3  }
0x2b5: {  	_ =	sdelay $0x1  }
0x2b6: {  	v3 =	vnsel vm1, $0x0, v3;
	v5 =	vsel vm1, $0x3F800000, v0  }
0x2b7: {  	v2 =	vadd.f32 v3, v2;
	v3 =	vadd.f32 v5, v4  }
.LBB2_41:
0x2b8: {  	v3 =	vimm.f32 $0.0e+00  }
.LBB2_49:
0x2b9: {  	_ = 	snop  }
0x2ba: {  	(xrf2) =	vadd.scan.msk.f32 $0xffff, v2  }
0x2bb: {  	(xrf2) =	vadd.scan.msk.f32 $0xffff, v3;
	_ =	sdelay $0x8  }
0x2bc: {  	v2, _, _ =	vpop (xrf2)  }
0x2bd: {  	v3, _, _ =	vpop (xrf2)  }
0x2be: {  	v3 =	vbroadcast v3, $0xF;
	_ =	sdelay $0x1  }
0x2bf: {  	v4 =	vmax.f32 v3, $1.000000000e+00  }
0x2c0: {  	(erf) = vrcp.f32 v4;
	_ =	sdelay $0x4  }
0x2c1: {  	s13 =	simm.s32 $0x180  }
0x2c2: {  	v5 =	vld [tilespmem:s13+$0xFFFFFF00];
	v2 =	vadd.f32 $-1.000000000e+00, v2  }
0x2c3: {  	v7 =	vld [tilespmem:s13+$0x60]  }
0x2c4: {  	v2 =	vbroadcast v2, $0xF;
	v4 =	vld [tilespmem:s13+$0x10]  }
0x2c5: {  	vm1 =	vgt.f32 v3, $0.0e+00;
	v3 =	vld [tilespmem:s13+$0x40];
	v6 =	vpop (erf)  }
0x2c6: {  	v8 =	vld [tilespmem:s13+$0x70];
	v2 =	vmul.f32 v6, v2  }
0x2c7: {  	v6 =	vld [tilespmem:s13+$0x50]  }
0x2c8: {  	v9 =	vld [tilespmem:s13+$0x20];
	v1 =	vsel vm1, v2, v1  }
0x2c9: {  	v2 =	vsub.f32 v4, v1;
	v4 =	vld [tilespmem:s13+$0xFFFFFF30];
	v5 =	vsub.f32 v5, v1  }
0x2ca: {  	v10 =	vld [tilespmem:s13+$0x0];
	v3 =	vsub.f32 v3, v1  }
0x2cb: {  	v11 =	vld [tilespmem:s13+$0x30];
	v5 =	vmax.f32 v5, $0.0e+00  }
0x2cc: {  	v7 =	vsub.f32 v7, v1;
	v12 =	vsub.f32 v6, v1;
	v6 =	vld [tilespmem:s13+$0xFFFFFF50];
	[tilespmem:s13+$0xFFFFFF00] =	vst v5;
	v5 =	vmax.f32 v3, $0.0e+00  }
0x2cd: {  	v8 =	vsub.f32 v8, v1;
	v2 =	vmax.f32 v2, $0.0e+00;
	[tilespmem:s13+$0x40] =	vst v5;
	v5 =	vld [tilespmem:s13+$0xFFFFFF70]  }
0x2ce: {  	v7 =	vmax.f32 v7, $0.0e+00;
	[tilespmem:s13+$0x10] =	vst v2;
	v3 =	vld [tilespmem:s13+$0xFFFFFF40];
	v4 =	vsub.f32 v4, v1  }
0x2cf: {  	v13 =	vsub.f32 v9, v1;
	v63 =	vmax.f32 v8, $0.0e+00;
	v2 =	vld [tilespmem:s13+$0xFFFFFF10];
	[tilespmem:s13+$0x60] =	vst v7  }
0x2d0: {  	v10 =	vsub.f32 v10, v1;
	v7 =	vld [tilespmem:s13+$0xFFFFFF60];
	[tilespmem:s13+$0x70] =	vst v63;
	v4 =	vmax.f32 v4, $0.0e+00  }
0x2d1: {  	s14 =	simm.s32 $0x0;
	s15 =	simm.s32 $0x380;
	v9 =	vsub.f32 v11, v1;
	v8 =	vld [tilespmem:s13+$0xFFFFFF20];
	v11 =	vmax.f32 v13, $0.0e+00;
	[tilespmem:s13+$0xFFFFFF30] =	vst v4;
	v4 =	vmax.f32 v12, $0.0e+00  }
.LBB2_50:
0x2d2: {  	v12 =	vld [tilespmem:s15+$0x10];
	s14 =	sadd.s32 $0x10, s14;
	v5 =	vsub.f32 v5, v1;
	v10 =	vmax.f32 v10, $0.0e+00;
	[tilespmem:s13+$0x20] =	vst v11  }
0x2d3: {  	v11 =	vld [tilespmem:s15+$0xFFFFFF00];
	p0 =	slt.u32 s14, $0x7F0;
	v3 =	vsub.f32 v3, v1;
	[tilespmem:s13+$0x0] =	vst v10  }
0x2d4: {  	v2 =	vsub.f32 v2, v1;
	v9 =	vmax.f32 v9, $0.0e+00;
	v10 =	vld [tilespmem:s15+$0x60];
	v6 =	vsub.f32 v6, v1;
	[tilespmem:s13+$0x50] =	vst v4  }
0x2d5: {  	v5 =	vmax.f32 v5, $0.0e+00;
	v4 =	vld [tilespmem:s15+$0x50];
	v3 =	vmax.f32 v3, $0.0e+00;
	v7 =	vsub.f32 v7, v1;
	[tilespmem:s13+$0x30] =	vst v9  }
0x2d6: {  	v2 =	vmax.f32 v2, $0.0e+00;
	v9 =	vld [tilespmem:s15+$0x40];
	v8 =	vsub.f32 v8, v1;
	v6 =	vmax.f32 v6, $0.0e+00;
	[tilespmem:s13+$0xFFFFFF70] =	vst v5  }
0x2d7: {  	v5 =	vsub.f32 v12, v1;
	v12 =	vld [tilespmem:s15+$0x70];
	[tilespmem:s13+$0xFFFFFF50] =	vst v6;
	v6 =	vmax.f32 v7, $0.0e+00  }
0x2d8: {  	v7 =	vsub.f32 v11, v1;
	v11 =	vld [tilespmem:s15+$0xFFFFFF30];
	v8 =	vmax.f32 v8, $0.0e+00;
	[tilespmem:s13+$0xFFFFFF60] =	vst v6  }
0x2d9: {  	v5 =	vmax.f32 v5, $0.0e+00;
	v13 =	vld [tilespmem:s15+$0x20];
	v6 =	vsub.f32 v10, v1;
	[tilespmem:s13+$0xFFFFFF20] =	vst v8  }
0x2da: {  	v7 =	vmax.f32 v7, $0.0e+00;
	v8 =	vld [tilespmem:s15+$0x0];
	[tilespmem:s15+$0x10] =	vst v5;
	v4 =	vsub.f32 v4, v1  }
0x2db: {  	v14 =	vld [tilespmem:s15+$0x30];
	v9 =	vsub.f32 v9, v1;
	[tilespmem:s13+$0xFFFFFF10] =	vst v2  }
0x2dc: {  	[tilespmem:s15+$0xFFFFFF00] =	vst v7;
	v5 =	vld [tilespmem:s15+$0xFFFFFF70];
	v4 =	vmax.f32 v4, $0.0e+00;
	v12 =	vsub.f32 v12, v1  }
.Ltmp34:
0x2dd: {  	v2 =	vld [tilespmem:s15+$0xFFFFFF10];
	v7 =	vsub.f32 v11, v1;
	v9 =	vmax.f32 v9, $0.0e+00;
	[tilespmem:s13+$0xFFFFFF40] =	vst v3;
	s13 =	smov.u32 s15;
	(pc) =	sbr.rel @p0 .LBB2_50-.Ltmp34, $4  }
0x2de: {  	v3 =	vld [tilespmem:s15+$0xFFFFFF40];
	[tilespmem:s15+$0x40] =	vst v9;
	v9 =	vmax.f32 v6, $0.0e+00  }
0x2df: {  	v11 =	vsub.f32 v13, v1;
	v7 =	vmax.f32 v7, $0.0e+00;
	v6 =	vld [tilespmem:s15+$0xFFFFFF50];
	[tilespmem:s15+$0x60] =	vst v9  }
0x2e0: {  	v12 =	vmax.f32 v12, $0.0e+00;
	v10 =	vsub.f32 v8, v1;
	[tilespmem:s15+$0xFFFFFF30] =	vst v7;
	v7 =	vld [tilespmem:s15+$0xFFFFFF60];
	v9 =	vsub.f32 v14, v1  }
0x2e1: {  	v11 =	vmax.f32 v11, $0.0e+00;
	s15 =	sadd.s32 $0x200, s15;
	v8 =	vld [tilespmem:s13+$0xFFFFFF20];
	[tilespmem:s13+$0x70] =	vst v12  }
0x2e2: {  	[tilespmem:s13+$0x20] =	vst v11  }
0x2e3: {  	v10 =	vmax.f32 v10, $0.0e+00;
	v5 =	vsub.f32 v5, v1;
	[tilespmem:s13+$0x50] =	vst v4  }
0x2e4: {  	v9 =	vmax.f32 v9, $0.0e+00;
	v2 =	vsub.f32 v2, v1;
	[tilespmem:s13+$0x0] =	vst v10  }
0x2e5: {  	[tilespmem:s13+$0x30] =	vst v9;
	v6 =	vsub.f32 v6, v1;
	v5 =	vmax.f32 v5, $0.0e+00  }
0x2e6: {  	v2 =	vmax.f32 v2, $0.0e+00;
	v62 =	vsub.f32 v7, v1;
	[tilespmem:s13+$0xFFFFFF70] =	vst v5  }
0x2e7: {  	[tilespmem:s13+$0xFFFFFF10] =	vst v2;
	v63 =	vsub.f32 v8, v1;
	v6 =	vmax.f32 v6, $0.0e+00  }
0x2e8: {  	v1 =	vsub.f32 v3, v1;
	[tilespmem:s13+$0xFFFFFF50] =	vst v6;
	v4 =	vmax.f32 v62, $0.0e+00  }
0x2e9: {  	v3 =	vmax.f32 v63, $0.0e+00;
	[tilespmem:s13+$0xFFFFFF60] =	vst v4  }
0x2ea: {  	s14 =	simm.s32 $0x80;
	v1 =	vmax.f32 v1, $0.0e+00;
	[tilespmem:s13+$0xFFFFFF20] =	vst v3  }
0x2eb: {  	s16 =	sadd.s32 $0x0, s6;
	s15 =	simm.s32 $0x180;
	[tilespmem:s13+$0xFFFFFF40] =	vst v1;
	s13 =	simm.s32 $0x80  }
.LBB2_52:
0x2ec: {  	[hbm4b:s16+s2] =	stream.linear.scatter [tilespmem:s14], [sflag:$0x4], $0x80, $0x38;
	[tilespmem:$0x19280] =	vst v63  }
0x2ed: {  	s16 =	smov.u32 s13;
	s14 =	smov.u32 s15;
	p0 =	sne.s32 s13, $0x7F80  }
.Ltmp35:
0x2ee: {  	s13 =	sadd.s32 $0x80, s13;
	(pc) =	sbr.rel @p0 .LBB2_52-.Ltmp35, $2  }
0x2ef: {  	_ =	sdelay $0x2  }
0x2f0: {  	s15 =	sadd.s32 $0x100, s15;
	s16 =	sadd.s32 s16, s6  }
0x2f1: {  	[hbm4b:s16+s2] =	stream.linear.scatter [tilespmem:s14], [sflag:$0x4], $0x80, $0x38;
	[tilespmem:$0x19280] =	vst v63  }
0x2f2: {  	s12 =	sadd.s32 $0x1, s12  }
0x2f3: {  	_ =	swait.ge [sflag:s10], $0x8000;
	p0 =	sne.s32 s12, s7  }
.Ltmp36:
0x2f4: {  	[sflag:s10] =	ssyncset.done $0x0;
	(pc) =	sbr.rel @p0 .LBB2_1-.Ltmp36, $4  }
0x2f5: {  	[sflag:s10] =	ssyncadd.s32 $0xFFFF8000  }
0x2f6: {  	_ =	swait.ge [sflag:s11], $0x8000  }
0x2f7: {  	[sflag:s11] =	ssyncset.done $0x0  }
0x2f8: {  	[sflag:s11] =	ssyncadd.s32 $0xFFFF8000  }
0x2f9: {  	_ =	sfence.sel $0x180000  }
0x2fa: {  	[bflag:$0x0] =	sbarrier.arrive $0xFFFF  }
0x2fb: {  	p0 =	sne.s32 s1, $0x0;
	_ =	strace $0x90000047  }
0x2fc: {  	s0 =	sadd.s32 @!p0 $0x100000, s0;
	[bflag:$0x2] =	sbarrier.arrive $0xFFFF  }
0x2fd: {  	[sflag:s0] =	ssyncadd.tile.s32 @!p0 $0x1;
	_ =	shalt  }
.Lfunc_end2:
_tile_overlayer_lowered:
.L_overlay_start_2:
0x2fe: {  	(tag) =	ssettag $0x2  }
0x2ff: {  	s0 =	rddreg [dreg:$0x0];
	s2 =	stileid.u32  }
0x300: {  	s1 =	rddreg [dreg:$0x1];
	p0 =	sne.s32 s2, $0x0  }
0x301: {  	s3 =	rddreg [dreg:$0x2];
	[bflag:$0x3] =	sbarrier.arrive $0xFFFF;
	s2 =	simm.s32 @!p0 $0x1C04  }
0x302: {  	[timem:s3], [sflag:s2] =	dma.local @!p0 [hbm:s0], s1  }
0x303: {  	s0 =	simm.s32 @!p0 $0x4  }
0x304: {  	_ =	swait.ge @!p0 [sflag:s0], s1  }
0x305: {  	s1 =	ssub.s32 @!p0 $0x0, s1;
	[sflag:s0] =	ssyncset.done @!p0 $0x0  }
0x306: {  	[sflag:s0] =	ssyncadd.s32 @!p0 s1  }
0x307: {  	[bflag:$0x3] =	sbarrier.arrive $0xFFFF  }
0x308: {  	_ =	shalt  }

</sc_bundles>
